<compile_context>
chip_gen: v7x
topology: tpu7x:2x2x1
jax: 0.10.2.dev20260603
libtpu: 0.0.44.dev20260713+nightly
codegen_flags: <defaults>
</compile_context>

<pallas_src>
import jax
import jax.numpy as jnp
from jax.experimental import pallas as pl
from jax.experimental.pallas import tpu as pltpu

_KMAX = 50
_KMIN = 50
_SIGN_MASK = 0x7FFFFFFF
_INT_MIN = -2147483648
_INT_MAX = 2147483647


def _select_body(x_ref, o_ref, keys_ref):
    rows, n = x_ref.shape
    bits = jax.lax.bitcast_convert_type(x_ref[...], jnp.int32)
    keys_ref[...] = jnp.where(bits >= 0, bits, bits ^ _SIGN_MASK)

    nsplit = 8
    cseg = n // nsplit

    def counts(t, u):
        cts, cus = [], []
        for s in range(nsplit):
            k = keys_ref[:, s * cseg:(s + 1) * cseg]
            cts.append(jnp.sum((k >= t).astype(jnp.int32), axis=1,
                               keepdims=True))
            cus.append(jnp.sum((k <= u).astype(jnp.int32), axis=1,
                               keepdims=True))
        return sum(cts), sum(cus)

    def search_body(nbits):
        top = 1 << (nbits - 1)

        def body(i, carry):
            t, u = carry
            p = (top >> i).astype(jnp.int32)
            tt = t + p
            uu = u - p
            ct, cu = counts(tt, uu)
            return (jnp.where(ct >= _KMAX, tt, t),
                    jnp.where(cu >= _KMIN, uu, u))

        return body

    maxs, mins = [], []
    for s in range(nsplit):
        k = keys_ref[:, s * cseg:(s + 1) * cseg]
        maxs.append(jnp.max(k, axis=1, keepdims=True))
        mins.append(jnp.min(k, axis=1, keepdims=True))
    while len(maxs) > 1:
        maxs = [jnp.maximum(a, b) for a, b in zip(maxs[::2], maxs[1::2])]
        mins = [jnp.minimum(a, b) for a, b in zip(mins[::2], mins[1::2])]
    maxk = maxs[0]
    mink = mins[0]
    win = (1 << 23) - 1
    t0h = maxk - win
    u0h = mink + win
    ct0, cu0 = counts(t0h, u0h)
    hint_ok = jnp.logical_and(jnp.all(ct0 >= _KMAX), jnp.all(cu0 >= _KMIN))

    def short_search(_):
        return jax.lax.fori_loop(0, 23, search_body(23), (t0h, u0h))

    def full_search(_):
        zero = jnp.zeros((rows, 1), jnp.int32)
        ct, cu = counts(zero, zero - 1)
        t0 = jnp.where(ct >= _KMAX, zero, zero + _INT_MIN)
        u0 = jnp.where(cu >= _KMIN, zero - 1, zero + _INT_MAX)
        return jax.lax.fori_loop(0, 31, search_body(31), (t0, u0))

    t, u = jax.lax.cond(hint_ok, short_search, full_search, None)

    cnt_gt, cnt_lt = counts(t + 1, u - 1)
    seg = n // 8
    gs, ls = [], []
    for sidx in range(8):
        ks = keys_ref[:, sidx * seg:(sidx + 1) * seg]
        xs = x_ref[:, sidx * seg:(sidx + 1) * seg]
        gs.append(jnp.sum(jnp.where(ks > t, xs, 0.0), axis=1, keepdims=True))
        ls.append(jnp.sum(jnp.where(ks < u, xs, 0.0), axis=1, keepdims=True))
    s_gt = sum(gs)
    s_lt = sum(ls)
    tval = jax.lax.bitcast_convert_type(
        jnp.where(t >= 0, t, t ^ _SIGN_MASK), jnp.float32)
    uval = jax.lax.bitcast_convert_type(
        jnp.where(u >= 0, u, u ^ _SIGN_MASK), jnp.float32)
    top = s_gt + (_KMAX - cnt_gt).astype(jnp.float32) * tval
    bot = s_lt + (_KMIN - cnt_lt).astype(jnp.float32) * uval
    res = top / _KMAX + bot / _KMIN
    o_ref[0] = jnp.broadcast_to(res, (rows, 128))


from jax import lax
from jax.experimental.pallas import tpu_sc as plsc
import functools

_K = 50
_WIN = (1 << 23) - 1
_CAP = 16384
_CBUF = _CAP + 80
_NW = 32


def _splat_last(v):
    idx = jnp.full((16, 1), 15, jnp.int32)
    dn = lax.GatherDimensionNumbers(offset_dims=(), collapsed_slice_dims=(0,),
                                    start_index_map=(0,))
    return lax.gather(v, idx, dn, (1,),
                      mode=lax.GatherScatterMode.PROMISE_IN_BOUNDS)


def _splat_max(v):
    return _splat_last(plsc.cummax(v))


def _splat_min(v):
    return -_splat_last(plsc.cummax(-v))


def _splat_sum(v):
    return _splat_last(plsc.cumsum(v))


def _scal(v):
    return v[0]


def _f_to_key(v):
    b = plsc.bitcast(v, jnp.int32)
    return jnp.where(b >= 0, b, b ^ 0x7FFFFFFF)


def _key_to_f(t):
    return plsc.bitcast(jnp.where(t >= 0, t, t ^ 0x7FFFFFFF), jnp.float32)


def _count_ge(vl, nout, unroll, thf):
    zero = jnp.zeros((16,), jnp.int32)

    def body(j, acc):
        for k in range(unroll):
            acc = acc + plsc.all_reduce_population_count(
                vl(j * unroll + k) >= thf)
        return acc

    return lax.fori_loop(0, nout, body, zero)


def _select_top(vl, nout, unroll, t0, nbits):
    def sb(i, t):
        p = jnp.left_shift(jnp.int32(1), (nbits - 1) - i)
        tt = t + p
        c = _count_ge(vl, nout, unroll, _key_to_f(tt))
        ok = jnp.logical_and(tt > t, c >= _K)
        return jnp.where(ok, tt, t)

    return lax.fori_loop(0, nbits, sb, t0)


def _top_sum(vl, nout, unroll, tkey):
    thf = _key_to_f(tkey)
    zf = jnp.zeros((16,), jnp.float32)
    zi = jnp.zeros((16,), jnp.int32)

    def body(j, carry):
        s, c = carry
        for k in range(unroll):
            v = vl(j * unroll + k)
            m = v > thf
            s = s + jnp.where(m, v, 0.0)
            c = c + plsc.all_reduce_population_count(m)
        return s, c

    s, c = lax.fori_loop(0, nout, body, (zf, zi))
    return _splat_sum(s) + (_K - c).astype(jnp.float32) * thf


def _make_sc_kernel(rows, n):
    rpw = rows // _NW
    nvec = n // 16
    nout8 = nvec // 8
    mesh = plsc.VectorSubcoreMesh(core_axis_name="c", subcore_axis_name="s")

    @functools.partial(
        pl.kernel, mesh=mesh,
        compiler_params=pltpu.CompilerParams(needs_layout_passes=False),
        out_type=jax.ShapeDtypeStruct((rows * 16,), jnp.float32),
        scratch_types=[
            pltpu.VMEM((n,), jnp.float32),
            pltpu.VMEM((_CBUF,), jnp.float32),
            pltpu.VMEM((_CBUF,), jnp.float32),
            pltpu.VMEM((rpw * 16,), jnp.float32),
        ],
    )
    def sc_kernel(x_hbm, out_hbm, row_v, cand_t, cand_b, out_loc):
        wid = lax.axis_index("s") * 2 + lax.axis_index("c")
        base = wid * rpw
        iota16 = lax.iota(jnp.int32, 16)
        ninf = jnp.full((16,), -jnp.inf, jnp.float32)

        def vl_row(j):
            return row_v[pl.ds(j * 16, 16)]

        def vl_rown(j):
            return -row_v[pl.ds(j * 16, 16)]

        def vl_ct(j):
            return cand_t[pl.ds(j * 16, 16)]

        def vl_cb(j):
            return cand_b[pl.ds(j * 16, 16)]

        def row_loop(r, carry):
            pltpu.sync_copy(x_hbm.at[base + r], row_v)

            def mm(j, mc):
                mx, mn = mc
                for k in range(8):
                    v = vl_row(j * 8 + k)
                    mx = jnp.maximum(mx, v)
                    mn = jnp.minimum(mn, v)
                return mx, mn

            mx, mn = lax.fori_loop(0, nout8, mm, (ninf, -ninf))
            mxv = _splat_max(mx)
            mnv = _splat_min(mn)
            t0t = _f_to_key(mxv) - _WIN
            t0b = _f_to_key(-mnv) - _WIN
            tht = _key_to_f(t0t)
            thb = _key_to_f(t0b)

            def ap(j, bc):
                bt, bb = bc
                for k in range(8):
                    v = vl_row(j * 8 + k)
                    nv = -v
                    mt = v >= tht
                    mb = nv >= thb
                    plsc.store_compressed(
                        cand_t.at[pl.ds(jnp.minimum(bt, _CAP), 16)], v, mask=mt)
                    bt = bt + _scal(plsc.all_reduce_population_count(mt))
                    plsc.store_compressed(
                        cand_b.at[pl.ds(jnp.minimum(bb, _CAP), 16)], nv, mask=mb)
                    bb = bb + _scal(plsc.all_reduce_population_count(mb))
                return bt, bb

            zs = jnp.zeros((), jnp.int32)
            bt, bb = lax.fori_loop(0, nout8, ap, (zs, zs))
            for k in range(4):
                cand_t[pl.ds(jnp.minimum(bt + 16 * k, _CBUF - 16), 16)] = ninf
                cand_b[pl.ds(jnp.minimum(bb + 16 * k, _CBUF - 16), 16)] = ninf
            nct = bt
            ncb = bb

            def cand_sum(vl, nc, t0):
                nout4 = (nc + 63) >> 6
                tk = _select_top(vl, nout4, 4, t0, 23)
                return _top_sum(vl, nout4, 4, tk)

            def fb_sum(vl, minv):
                t0 = _f_to_key(minv)
                tk = _select_top(vl, nout8, 8, t0, 32)
                return _top_sum(vl, nout8, 8, tk)

            ts = lax.cond(
                jnp.logical_and(nct >= _K, nct <= _CAP),
                lambda _: cand_sum(vl_ct, nct, t0t),
                lambda _: fb_sum(vl_row, mnv), None)
            bs = lax.cond(
                jnp.logical_and(ncb >= _K, ncb <= _CAP),
                lambda _: cand_sum(vl_cb, ncb, t0b),
                lambda _: fb_sum(vl_rown, -mxv), None)

            res = ts / _K - bs / _K
            out_loc[pl.ds(r * 16, 16)] = res
            return carry

        lax.fori_loop(0, rpw, row_loop, 0)
        pltpu.sync_copy(out_loc, out_hbm.at[pl.ds(base * 16, rpw * 16)])

    return sc_kernel




def _tc_call(x, rows, n):
    rg = 16
    g = rows // rg
    out = pl.pallas_call(
        _select_body,
        grid=(g,),
        in_specs=[pl.BlockSpec((rg, n), lambda i: (i, 0))],
        out_specs=pl.BlockSpec((1, rg, 128), lambda i: (i, 0, 0)),
        out_shape=jax.ShapeDtypeStruct((g, rg, 128), jnp.float32),
        scratch_shapes=[pltpu.VMEM((rg, n), jnp.int32)],
    )(x)
    return out[:, :, 0].reshape(rows)


def kernel(inputs):
    b, h, w, c = inputs.shape
    n = h * w
    ct = 52
    rt = b * ct
    rs = b * (c - ct)
    x_sc = jnp.transpose(inputs[:, :, :, ct:], (0, 3, 1, 2)).reshape(rs, n)
    x_tc = jnp.transpose(inputs[:, :, :, :ct], (0, 3, 1, 2)).reshape(rt, n)
    out_sc = _make_sc_kernel(rs, n)(x_sc)
    out_tc = _tc_call(x_tc, rt, n)
    out = jnp.concatenate([out_tc.reshape(b, ct),
                           out_sc.reshape(rs, 16)[:, 0].reshape(b, c - ct)],
                          axis=1)
    return out

# --- scband reference (transcript-rebuilt; emitter-appended) ---
"""Pipeline reference for scband-weldon-pooling2d-layer-18580028522952 (READ-ONLY COPY).

The authoritative reference and input builder live on the scoring server;
editing this copy changes nothing except your own understanding.
"""

import jax, jax.numpy as jnp
import numpy as np

KMAX = 50
KMIN = 50


def setup_inputs(seed: int = 0) -> dict:
    key = jax.random.key(seed)
    inputs = jax.random.normal(key, (8, 224, 224, 96), dtype=jnp.float32)
    return {"inputs": inputs}


def reference(inputs):
    # inputs: [B, H, W, C] -> transpose to [B, C, H, W] like the TF op
    x = jnp.transpose(inputs, (0, 3, 1, 2))
    b, c, h, w = x.shape
    n = h * w
    x = jnp.reshape(x, (b, c, n))
    # tf.nn.top_k(x, k=n, sorted=True) == full descending sort along last axis
    sorted_desc, _ = jax.lax.top_k(x, n)
    out = jnp.mean(sorted_desc[:, :, :KMAX], axis=2)
    if KMIN > 0:
        out = out + jnp.mean(sorted_desc[:, :, -KMIN:], axis=2)
    out = jnp.reshape(out, (b, c))
    return out

if __name__ == "__main__":
    import jax
    _d = setup_inputs()
    print(jax.jit(kernel)(*tuple(_d.values())))

</pallas_src>

<mosaic_0001>
#map = affine_map<(d0, d1) -> (0, 0)>
#map1 = affine_map<(d0, d1) -> (0)>
module attributes {stable_mosaic.version = 14 : i64} {
  func.func @sc_kernel(%arg0: i32, %arg1: i32, %arg2: memref<352x50176xf32, #tpu.memory_space<hbm>>, %arg3: memref<5632xf32, #tpu.memory_space<hbm>>, %arg4: memref<50176xf32, #tpu.memory_space<vmem>>, %arg5: memref<16464xf32, #tpu.memory_space<vmem>>, %arg6: memref<16464xf32, #tpu.memory_space<vmem>>, %arg7: memref<176xf32, #tpu.memory_space<vmem>>) attributes {dimension_semantics = [#tpu.dimension_semantics<core_parallel>, #tpu.dimension_semantics<subcore_parallel>], iteration_bounds = array<i64: 2, 16>, scalar_prefetch = 0 : i64, scratch_operands = 4 : i64, tpu.core_type = #tpu.core_type<sc_vector_subcore>, window_params = [{transform_indices = #map}, {transform_indices = #map1}]} {
    %mul3A = arith.constant 2 : i32
    %mul3A_0 = arith.muli %arg1, %mul3A : i32
    %add3A = arith.addi %mul3A_0, %arg0 : i32
    %mul3A_1 = arith.constant 11 : i32
    %mul3A_2 = arith.muli %add3A, %mul3A_1 : i32
    %iota3A = tpu.iota {dimensions = array<i32: 0>} : vector<16xi32>
    %broadcast_in_dim3A = arith.constant 0xFF800000 : f32
    %broadcast_in_dim3A_3 = vector.broadcast %broadcast_in_dim3A : f32 to vector<16xf32>
    %scan3A = arith.constant 0 : i32
    %scan3A_4 = arith.constant 0 : i32
    %scan3A_5 = arith.constant 11 : i32
    %scan3A_6 = arith.addi %scan3A_4, %scan3A_5 : i32
    %scan3A_7 = arith.constant 1 : i32
    scf.for %scan3A_11 = %scan3A_4 to %scan3A_6 step %scan3A_7  : i32 {
      %add3A_12 = arith.addi %mul3A_2, %scan3A_11 : i32
      "tpu.region"() ({
        %run_scoped3A = tpu.sem_alloc : memref<!tpu.dma_semaphore, #tpu.memory_space<semaphore_mem>>
        %dma_start3A = arith.constant 0 : i32
        %dma_start3A_153 = tpu.memref_slice %arg2[%add3A_12, %dma_start3A] : memref<352x50176xf32, #tpu.memory_space<hbm>> -> memref<1x50176xf32, #tpu.memory_space<hbm>>
        %dma_start3A_154 = tpu.memref_squeeze %dma_start3A_153 : memref<1x50176xf32, #tpu.memory_space<hbm>> -> memref<50176xf32, #tpu.memory_space<hbm>>
        %dma_start3A_155 = arith.constant 0 : i32
        %dma_start3A_156 = tpu.memref_slice %arg2[%add3A_12, %dma_start3A_155] : memref<352x50176xf32, #tpu.memory_space<hbm>> -> memref<1x50176xf32, #tpu.memory_space<hbm>>
        %dma_start3A_157 = tpu.memref_squeeze %dma_start3A_156 : memref<1x50176xf32, #tpu.memory_space<hbm>> -> memref<50176xf32, #tpu.memory_space<hbm>>
        tpu.enqueue_dma source(%dma_start3A_157 : memref<50176xf32, #tpu.memory_space<hbm>>) target(%arg4 : memref<50176xf32, #tpu.memory_space<vmem>>) target_semaphore(%run_scoped3A : memref<!tpu.dma_semaphore, #tpu.memory_space<semaphore_mem>>)
        %dma_wait3A = arith.constant 0 : i32
        %dma_wait3A_158 = tpu.memref_slice %arg2[%add3A_12, %dma_wait3A] : memref<352x50176xf32, #tpu.memory_space<hbm>> -> memref<1x50176xf32, #tpu.memory_space<hbm>>
        %dma_wait3A_159 = tpu.memref_squeeze %dma_wait3A_158 : memref<1x50176xf32, #tpu.memory_space<hbm>> -> memref<50176xf32, #tpu.memory_space<hbm>>
        %dma_wait3A_160 = arith.constant 0 : i32
        %dma_wait3A_161 = tpu.memref_slice %arg2[%add3A_12, %dma_wait3A_160] : memref<352x50176xf32, #tpu.memory_space<hbm>> -> memref<1x50176xf32, #tpu.memory_space<hbm>>
        %dma_wait3A_162 = tpu.memref_squeeze %dma_wait3A_161 : memref<1x50176xf32, #tpu.memory_space<hbm>> -> memref<50176xf32, #tpu.memory_space<hbm>>
        tpu.wait_dma2 semaphore(%run_scoped3A : memref<!tpu.dma_semaphore, #tpu.memory_space<semaphore_mem>>) src(%dma_wait3A_162 : memref<50176xf32, #tpu.memory_space<hbm>>) dst(%arg4 : memref<50176xf32, #tpu.memory_space<vmem>>)
        tpu.yield
      }) : () -> ()
      %neg3A = arith.constant 0.000000e+00 : f32
      %neg3A_13 = vector.broadcast %neg3A : f32 to vector<16xf32>
      %neg3A_14 = arith.subf %neg3A_13, %broadcast_in_dim3A_3 : vector<16xf32>
      %scan3A_15 = arith.constant 0 : i32
      %scan3A_16 = arith.constant 392 : i32
      %scan3A_17 = arith.addi %scan3A_15, %scan3A_16 : i32
      %scan3A_18 = arith.constant 1 : i32
      %scan3A_19:2 = scf.for %scan3A_153 = %scan3A_15 to %scan3A_17 step %scan3A_18 iter_args(%scan3A_154 = %broadcast_in_dim3A_3, %scan3A_155 = %neg3A_14) -> (vector<16xf32>, vector<16xf32>)  : i32 {
        %mul3A_156 = arith.constant 8 : i32
        %mul3A_157 = arith.muli %scan3A_153, %mul3A_156 : i32
        %add3A_158 = arith.constant 0 : i32
        %add3A_159 = arith.addi %mul3A_157, %add3A_158 : i32
        %mul3A_160 = arith.constant 16 : i32
        %mul3A_161 = arith.muli %add3A_159, %mul3A_160 : i32
        %get3A = arith.index_cast %mul3A_161 : i32 to index
        %get3A_162 = tpu.vector_load %arg4[%get3A] {strides = array<i32>} : memref<50176xf32, #tpu.memory_space<vmem>>, vector<16xf32>,
        %max3A = arith.maximumf %scan3A_154, %get3A_162 : vector<16xf32>
        %min3A_163 = arith.minimumf %scan3A_155, %get3A_162 : vector<16xf32>
        %mul3A_164 = arith.constant 8 : i32
        %mul3A_165 = arith.muli %scan3A_153, %mul3A_164 : i32
        %add3A_166 = arith.constant 1 : i32
        %add3A_167 = arith.addi %mul3A_165, %add3A_166 : i32
        %mul3A_168 = arith.constant 16 : i32
        %mul3A_169 = arith.muli %add3A_167, %mul3A_168 : i32
        %get3A_170 = arith.index_cast %mul3A_169 : i32 to index
        %get3A_171 = tpu.vector_load %arg4[%get3A_170] {strides = array<i32>} : memref<50176xf32, #tpu.memory_space<vmem>>, vector<16xf32>,
        %max3A_172 = arith.maximumf %max3A, %get3A_171 : vector<16xf32>
        %min3A_173 = arith.minimumf %min3A_163, %get3A_171 : vector<16xf32>
        %mul3A_174 = arith.constant 8 : i32
        %mul3A_175 = arith.muli %scan3A_153, %mul3A_174 : i32
        %add3A_176 = arith.constant 2 : i32
        %add3A_177 = arith.addi %mul3A_175, %add3A_176 : i32
        %mul3A_178 = arith.constant 16 : i32
        %mul3A_179 = arith.muli %add3A_177, %mul3A_178 : i32
        %get3A_180 = arith.index_cast %mul3A_179 : i32 to index
        %get3A_181 = tpu.vector_load %arg4[%get3A_180] {strides = array<i32>} : memref<50176xf32, #tpu.memory_space<vmem>>, vector<16xf32>,
        %max3A_182 = arith.maximumf %max3A_172, %get3A_181 : vector<16xf32>
        %min3A_183 = arith.minimumf %min3A_173, %get3A_181 : vector<16xf32>
        %mul3A_184 = arith.constant 8 : i32
        %mul3A_185 = arith.muli %scan3A_153, %mul3A_184 : i32
        %add3A_186 = arith.constant 3 : i32
        %add3A_187 = arith.addi %mul3A_185, %add3A_186 : i32
        %mul3A_188 = arith.constant 16 : i32
        %mul3A_189 = arith.muli %add3A_187, %mul3A_188 : i32
        %get3A_190 = arith.index_cast %mul3A_189 : i32 to index
        %get3A_191 = tpu.vector_load %arg4[%get3A_190] {strides = array<i32>} : memref<50176xf32, #tpu.memory_space<vmem>>, vector<16xf32>,
        %max3A_192 = arith.maximumf %max3A_182, %get3A_191 : vector<16xf32>
        %min3A_193 = arith.minimumf %min3A_183, %get3A_191 : vector<16xf32>
        %mul3A_194 = arith.constant 8 : i32
        %mul3A_195 = arith.muli %scan3A_153, %mul3A_194 : i32
        %add3A_196 = arith.constant 4 : i32
        %add3A_197 = arith.addi %mul3A_195, %add3A_196 : i32
        %mul3A_198 = arith.constant 16 : i32
        %mul3A_199 = arith.muli %add3A_197, %mul3A_198 : i32
        %get3A_200 = arith.index_cast %mul3A_199 : i32 to index
        %get3A_201 = tpu.vector_load %arg4[%get3A_200] {strides = array<i32>} : memref<50176xf32, #tpu.memory_space<vmem>>, vector<16xf32>,
        %max3A_202 = arith.maximumf %max3A_192, %get3A_201 : vector<16xf32>
        %min3A_203 = arith.minimumf %min3A_193, %get3A_201 : vector<16xf32>
        %mul3A_204 = arith.constant 8 : i32
        %mul3A_205 = arith.muli %scan3A_153, %mul3A_204 : i32
        %add3A_206 = arith.constant 5 : i32
        %add3A_207 = arith.addi %mul3A_205, %add3A_206 : i32
        %mul3A_208 = arith.constant 16 : i32
        %mul3A_209 = arith.muli %add3A_207, %mul3A_208 : i32
        %get3A_210 = arith.index_cast %mul3A_209 : i32 to index
        %get3A_211 = tpu.vector_load %arg4[%get3A_210] {strides = array<i32>} : memref<50176xf32, #tpu.memory_space<vmem>>, vector<16xf32>,
        %max3A_212 = arith.maximumf %max3A_202, %get3A_211 : vector<16xf32>
        %min3A_213 = arith.minimumf %min3A_203, %get3A_211 : vector<16xf32>
        %mul3A_214 = arith.constant 8 : i32
        %mul3A_215 = arith.muli %scan3A_153, %mul3A_214 : i32
        %add3A_216 = arith.constant 6 : i32
        %add3A_217 = arith.addi %mul3A_215, %add3A_216 : i32
        %mul3A_218 = arith.constant 16 : i32
        %mul3A_219 = arith.muli %add3A_217, %mul3A_218 : i32
        %get3A_220 = arith.index_cast %mul3A_219 : i32 to index
        %get3A_221 = tpu.vector_load %arg4[%get3A_220] {strides = array<i32>} : memref<50176xf32, #tpu.memory_space<vmem>>, vector<16xf32>,
        %max3A_222 = arith.maximumf %max3A_212, %get3A_221 : vector<16xf32>
        %min3A_223 = arith.minimumf %min3A_213, %get3A_221 : vector<16xf32>
        %mul3A_224 = arith.constant 8 : i32
        %mul3A_225 = arith.muli %scan3A_153, %mul3A_224 : i32
        %add3A_226 = arith.constant 7 : i32
        %add3A_227 = arith.addi %mul3A_225, %add3A_226 : i32
        %mul3A_228 = arith.constant 16 : i32
        %mul3A_229 = arith.muli %add3A_227, %mul3A_228 : i32
        %get3A_230 = arith.index_cast %mul3A_229 : i32 to index
        %get3A_231 = tpu.vector_load %arg4[%get3A_230] {strides = array<i32>} : memref<50176xf32, #tpu.memory_space<vmem>>, vector<16xf32>,
        %max3A_232 = arith.maximumf %max3A_222, %get3A_231 : vector<16xf32>
        %min3A_233 = arith.minimumf %min3A_223, %get3A_231 : vector<16xf32>
        scf.yield %max3A_232, %min3A_233 : vector<16xf32>, vector<16xf32>
      }
      %scan3A_20 = arith.constant 392 : i32
      %broadcast_in_dim3A_21 = arith.constant true
      %broadcast_in_dim3A_22 = vector.broadcast %broadcast_in_dim3A_21 : i1 to vector<16xi1>
      %masked_cummax3A = tpu.scan <max>, %scan3A_19#0 masked %broadcast_in_dim3A_22 : vector<16xf32>, vector<16xi1> -> vector<16xf32>
      %broadcast_in_dim3A_23 = arith.constant 15 : i32
      %broadcast_in_dim3A_24 = vector.broadcast %broadcast_in_dim3A_23 : i32 to vector<16x1xi32>
      %gather3A = vector.shape_cast %broadcast_in_dim3A_24 : vector<16x1xi32> to vector<16xi32>
      %gather3A_25 = tpu.dynamic_gather %masked_cummax3A[%gather3A] in [0] : vector<16xf32>, vector<16xi32> -> vector<16xf32>
      %neg3A_26 = arith.constant 0.000000e+00 : f32
      %neg3A_27 = vector.broadcast %neg3A_26 : f32 to vector<16xf32>
      %neg3A_28 = arith.subf %neg3A_27, %scan3A_19#1 : vector<16xf32>
      %broadcast_in_dim3A_29 = arith.constant true
      %broadcast_in_dim3A_30 = vector.broadcast %broadcast_in_dim3A_29 : i1 to vector<16xi1>
      %masked_cummax3A_31 = tpu.scan <max>, %neg3A_28 masked %broadcast_in_dim3A_30 : vector<16xf32>, vector<16xi1> -> vector<16xf32>
      %broadcast_in_dim3A_32 = arith.constant 15 : i32
      %broadcast_in_dim3A_33 = vector.broadcast %broadcast_in_dim3A_32 : i32 to vector<16x1xi32>
      %gather3A_34 = vector.shape_cast %broadcast_in_dim3A_33 : vector<16x1xi32> to vector<16xi32>
      %gather3A_35 = tpu.dynamic_gather %masked_cummax3A_31[%gather3A_34] in [0] : vector<16xf32>, vector<16xi32> -> vector<16xf32>
      %neg3A_36 = arith.constant 0.000000e+00 : f32
      %neg3A_37 = vector.broadcast %neg3A_36 : f32 to vector<16xf32>
      %neg3A_38 = arith.subf %neg3A_37, %gather3A_35 : vector<16xf32>
      %bitcast3A = vector.bitcast %gather3A_25 : vector<16xf32> to vector<16xi32>
      %ge3A = arith.constant 0 : i32
      %ge3A_39 = vector.broadcast %ge3A : i32 to vector<16xi32>
      %ge3A_40 = arith.cmpi sge, %bitcast3A, %ge3A_39 : vector<16xi32>
      %xor3A = arith.constant 2147483647 : i32
      %xor3A_41 = vector.broadcast %xor3A : i32 to vector<16xi32>
      %xor3A_42 = arith.xori %bitcast3A, %xor3A_41 : vector<16xi32>
      %select_n3A = arith.select %ge3A_40, %bitcast3A, %xor3A_42 : vector<16xi1>, vector<16xi32>
      %sub3A = arith.constant 8388607 : i32
      %sub3A_43 = vector.broadcast %sub3A : i32 to vector<16xi32>
      %sub3A_44 = arith.subi %select_n3A, %sub3A_43 : vector<16xi32>
      %neg3A_45 = arith.constant 0.000000e+00 : f32
      %neg3A_46 = vector.broadcast %neg3A_45 : f32 to vector<16xf32>
      %neg3A_47 = arith.subf %neg3A_46, %neg3A_38 : vector<16xf32>
      %bitcast3A_48 = vector.bitcast %neg3A_47 : vector<16xf32> to vector<16xi32>
      %ge3A_49 = arith.constant 0 : i32
      %ge3A_50 = vector.broadcast %ge3A_49 : i32 to vector<16xi32>
      %ge3A_51 = arith.cmpi sge, %bitcast3A_48, %ge3A_50 : vector<16xi32>
      %xor3A_52 = arith.constant 2147483647 : i32
      %xor3A_53 = vector.broadcast %xor3A_52 : i32 to vector<16xi32>
      %xor3A_54 = arith.xori %bitcast3A_48, %xor3A_53 : vector<16xi32>
      %select_n3A_55 = arith.select %ge3A_51, %bitcast3A_48, %xor3A_54 : vector<16xi1>, vector<16xi32>
      %sub3A_56 = arith.constant 8388607 : i32
      %sub3A_57 = vector.broadcast %sub3A_56 : i32 to vector<16xi32>
      %sub3A_58 = arith.subi %select_n3A_55, %sub3A_57 : vector<16xi32>
      %ge3A_59 = arith.constant 0 : i32
      %ge3A_60 = vector.broadcast %ge3A_59 : i32 to vector<16xi32>
      %ge3A_61 = arith.cmpi sge, %sub3A_44, %ge3A_60 : vector<16xi32>
      %xor3A_62 = arith.constant 2147483647 : i32
      %xor3A_63 = vector.broadcast %xor3A_62 : i32 to vector<16xi32>
      %xor3A_64 = arith.xori %sub3A_44, %xor3A_63 : vector<16xi32>
      %select_n3A_65 = arith.select %ge3A_61, %sub3A_44, %xor3A_64 : vector<16xi1>, vector<16xi32>
      %bitcast3A_66 = vector.bitcast %select_n3A_65 : vector<16xi32> to vector<16xf32>
      %ge3A_67 = arith.constant 0 : i32
      %ge3A_68 = vector.broadcast %ge3A_67 : i32 to vector<16xi32>
      %ge3A_69 = arith.cmpi sge, %sub3A_58, %ge3A_68 : vector<16xi32>
      %xor3A_70 = arith.constant 2147483647 : i32
      %xor3A_71 = vector.broadcast %xor3A_70 : i32 to vector<16xi32>
      %xor3A_72 = arith.xori %sub3A_58, %xor3A_71 : vector<16xi32>
      %select_n3A_73 = arith.select %ge3A_69, %sub3A_58, %xor3A_72 : vector<16xi1>, vector<16xi32>
      %bitcast3A_74 = vector.bitcast %select_n3A_73 : vector<16xi32> to vector<16xf32>
      %scan3A_75 = arith.constant 0 : i32
      %scan3A_76 = arith.constant 0 : i32
      %scan3A_77 = arith.constant 0 : i32
      %scan3A_78 = arith.constant 392 : i32
      %scan3A_79 = arith.addi %scan3A_77, %scan3A_78 : i32
      %scan3A_80 = arith.constant 1 : i32
      %scan3A_81:2 = scf.for %scan3A_153 = %scan3A_77 to %scan3A_79 step %scan3A_80 iter_args(%scan3A_154 = %scan3A_75, %scan3A_155 = %scan3A_76) -> (i32, i32)  : i32 {
        %mul3A_156 = arith.constant 8 : i32
        %mul3A_157 = arith.muli %scan3A_153, %mul3A_156 : i32
        %add3A_158 = arith.constant 0 : i32
        %add3A_159 = arith.addi %mul3A_157, %add3A_158 : i32
        %mul3A_160 = arith.constant 16 : i32
        %mul3A_161 = arith.muli %add3A_159, %mul3A_160 : i32
        %get3A = arith.index_cast %mul3A_161 : i32 to index
        %get3A_162 = tpu.vector_load %arg4[%get3A] {strides = array<i32>} : memref<50176xf32, #tpu.memory_space<vmem>>, vector<16xf32>,
        %neg3A_163 = arith.constant 0.000000e+00 : f32
        %neg3A_164 = vector.broadcast %neg3A_163 : f32 to vector<16xf32>
        %neg3A_165 = arith.subf %neg3A_164, %get3A_162 : vector<16xf32>
        %ge3A_166 = arith.cmpf oge, %get3A_162, %bitcast3A_66 : vector<16xf32>
        %ge3A_167 = arith.cmpf oge, %neg3A_165, %bitcast3A_74 : vector<16xf32>
        %min3A_168 = arith.constant 16384 : i32
        %min3A_169 = arith.minsi %scan3A_154, %min3A_168 : i32
        %swap3A_170 = arith.index_cast %min3A_169 : i32 to index
        %swap3A_171 = tpu.vector_load %arg5[%swap3A_170] masked %ge3A_166 {strides = array<i32>} : memref<16464xf32, #tpu.memory_space<vmem>>, vector<16xf32>, vector<16xi1>
        tpu.vector_store %arg5[%swap3A_170], %get3A_162 masked %ge3A_166 {strides = array<i32>} : memref<16464xf32, #tpu.memory_space<vmem>>, vector<16xf32>, vector<16xi1>
        %all_reduce_population_count3A = tpu.all_reduce %ge3A_166 {dim = 0 : i64, kind = #tpu.reduction_kind<sum>} : vector<16xi1> -> vector<16xi32>
        %slice3A = vector.extract_strided_slice %all_reduce_population_count3A {offsets = [0], sizes = [1], strides = [1]} : vector<16xi32> to vector<1xi32>
        %squeeze3A = vector.extract %slice3A[0] : i32 from vector<1xi32>
        %add3A_172 = arith.addi %scan3A_154, %squeeze3A : i32
        %min3A_173 = arith.constant 16384 : i32
        %min3A_174 = arith.minsi %scan3A_155, %min3A_173 : i32
        %swap3A_175 = arith.index_cast %min3A_174 : i32 to index
        %swap3A_176 = tpu.vector_load %arg6[%swap3A_175] masked %ge3A_167 {strides = array<i32>} : memref<16464xf32, #tpu.memory_space<vmem>>, vector<16xf32>, vector<16xi1>
        tpu.vector_store %arg6[%swap3A_175], %neg3A_165 masked %ge3A_167 {strides = array<i32>} : memref<16464xf32, #tpu.memory_space<vmem>>, vector<16xf32>, vector<16xi1>
        %all_reduce_population_count3A_177 = tpu.all_reduce %ge3A_167 {dim = 0 : i64, kind = #tpu.reduction_kind<sum>} : vector<16xi1> -> vector<16xi32>
        %slice3A_178 = vector.extract_strided_slice %all_reduce_population_count3A_177 {offsets = [0], sizes = [1], strides = [1]} : vector<16xi32> to vector<1xi32>
        %squeeze3A_179 = vector.extract %slice3A_178[0] : i32 from vector<1xi32>
        %add3A_180 = arith.addi %scan3A_155, %squeeze3A_179 : i32
        %mul3A_181 = arith.constant 8 : i32
        %mul3A_182 = arith.muli %scan3A_153, %mul3A_181 : i32
        %add3A_183 = arith.constant 1 : i32
        %add3A_184 = arith.addi %mul3A_182, %add3A_183 : i32
        %mul3A_185 = arith.constant 16 : i32
        %mul3A_186 = arith.muli %add3A_184, %mul3A_185 : i32
        %get3A_187 = arith.index_cast %mul3A_186 : i32 to index
        %get3A_188 = tpu.vector_load %arg4[%get3A_187] {strides = array<i32>} : memref<50176xf32, #tpu.memory_space<vmem>>, vector<16xf32>,
        %neg3A_189 = arith.constant 0.000000e+00 : f32
        %neg3A_190 = vector.broadcast %neg3A_189 : f32 to vector<16xf32>
        %neg3A_191 = arith.subf %neg3A_190, %get3A_188 : vector<16xf32>
        %ge3A_192 = arith.cmpf oge, %get3A_188, %bitcast3A_66 : vector<16xf32>
        %ge3A_193 = arith.cmpf oge, %neg3A_191, %bitcast3A_74 : vector<16xf32>
        %min3A_194 = arith.constant 16384 : i32
        %min3A_195 = arith.minsi %add3A_172, %min3A_194 : i32
        %swap3A_196 = arith.index_cast %min3A_195 : i32 to index
        %swap3A_197 = tpu.vector_load %arg5[%swap3A_196] masked %ge3A_192 {strides = array<i32>} : memref<16464xf32, #tpu.memory_space<vmem>>, vector<16xf32>, vector<16xi1>
        tpu.vector_store %arg5[%swap3A_196], %get3A_188 masked %ge3A_192 {strides = array<i32>} : memref<16464xf32, #tpu.memory_space<vmem>>, vector<16xf32>, vector<16xi1>
        %all_reduce_population_count3A_198 = tpu.all_reduce %ge3A_192 {dim = 0 : i64, kind = #tpu.reduction_kind<sum>} : vector<16xi1> -> vector<16xi32>
        %slice3A_199 = vector.extract_strided_slice %all_reduce_population_count3A_198 {offsets = [0], sizes = [1], strides = [1]} : vector<16xi32> to vector<1xi32>
        %squeeze3A_200 = vector.extract %slice3A_199[0] : i32 from vector<1xi32>
        %add3A_201 = arith.addi %add3A_172, %squeeze3A_200 : i32
        %min3A_202 = arith.constant 16384 : i32
        %min3A_203 = arith.minsi %add3A_180, %min3A_202 : i32
        %swap3A_204 = arith.index_cast %min3A_203 : i32 to index
        %swap3A_205 = tpu.vector_load %arg6[%swap3A_204] masked %ge3A_193 {strides = array<i32>} : memref<16464xf32, #tpu.memory_space<vmem>>, vector<16xf32>, vector<16xi1>
        tpu.vector_store %arg6[%swap3A_204], %neg3A_191 masked %ge3A_193 {strides = array<i32>} : memref<16464xf32, #tpu.memory_space<vmem>>, vector<16xf32>, vector<16xi1>
        %all_reduce_population_count3A_206 = tpu.all_reduce %ge3A_193 {dim = 0 : i64, kind = #tpu.reduction_kind<sum>} : vector<16xi1> -> vector<16xi32>
        %slice3A_207 = vector.extract_strided_slice %all_reduce_population_count3A_206 {offsets = [0], sizes = [1], strides = [1]} : vector<16xi32> to vector<1xi32>
        %squeeze3A_208 = vector.extract %slice3A_207[0] : i32 from vector<1xi32>
        %add3A_209 = arith.addi %add3A_180, %squeeze3A_208 : i32
        %mul3A_210 = arith.constant 8 : i32
        %mul3A_211 = arith.muli %scan3A_153, %mul3A_210 : i32
        %add3A_212 = arith.constant 2 : i32
        %add3A_213 = arith.addi %mul3A_211, %add3A_212 : i32
        %mul3A_214 = arith.constant 16 : i32
        %mul3A_215 = arith.muli %add3A_213, %mul3A_214 : i32
        %get3A_216 = arith.index_cast %mul3A_215 : i32 to index
        %get3A_217 = tpu.vector_load %arg4[%get3A_216] {strides = array<i32>} : memref<50176xf32, #tpu.memory_space<vmem>>, vector<16xf32>,
        %neg3A_218 = arith.constant 0.000000e+00 : f32
        %neg3A_219 = vector.broadcast %neg3A_218 : f32 to vector<16xf32>
        %neg3A_220 = arith.subf %neg3A_219, %get3A_217 : vector<16xf32>
        %ge3A_221 = arith.cmpf oge, %get3A_217, %bitcast3A_66 : vector<16xf32>
        %ge3A_222 = arith.cmpf oge, %neg3A_220, %bitcast3A_74 : vector<16xf32>
        %min3A_223 = arith.constant 16384 : i32
        %min3A_224 = arith.minsi %add3A_201, %min3A_223 : i32
        %swap3A_225 = arith.index_cast %min3A_224 : i32 to index
        %swap3A_226 = tpu.vector_load %arg5[%swap3A_225] masked %ge3A_221 {strides = array<i32>} : memref<16464xf32, #tpu.memory_space<vmem>>, vector<16xf32>, vector<16xi1>
        tpu.vector_store %arg5[%swap3A_225], %get3A_217 masked %ge3A_221 {strides = array<i32>} : memref<16464xf32, #tpu.memory_space<vmem>>, vector<16xf32>, vector<16xi1>
        %all_reduce_population_count3A_227 = tpu.all_reduce %ge3A_221 {dim = 0 : i64, kind = #tpu.reduction_kind<sum>} : vector<16xi1> -> vector<16xi32>
        %slice3A_228 = vector.extract_strided_slice %all_reduce_population_count3A_227 {offsets = [0], sizes = [1], strides = [1]} : vector<16xi32> to vector<1xi32>
        %squeeze3A_229 = vector.extract %slice3A_228[0] : i32 from vector<1xi32>
        %add3A_230 = arith.addi %add3A_201, %squeeze3A_229 : i32
        %min3A_231 = arith.constant 16384 : i32
        %min3A_232 = arith.minsi %add3A_209, %min3A_231 : i32
        %swap3A_233 = arith.index_cast %min3A_232 : i32 to index
        %swap3A_234 = tpu.vector_load %arg6[%swap3A_233] masked %ge3A_222 {strides = array<i32>} : memref<16464xf32, #tpu.memory_space<vmem>>, vector<16xf32>, vector<16xi1>
        tpu.vector_store %arg6[%swap3A_233], %neg3A_220 masked %ge3A_222 {strides = array<i32>} : memref<16464xf32, #tpu.memory_space<vmem>>, vector<16xf32>, vector<16xi1>
        %all_reduce_population_count3A_235 = tpu.all_reduce %ge3A_222 {dim = 0 : i64, kind = #tpu.reduction_kind<sum>} : vector<16xi1> -> vector<16xi32>
        %slice3A_236 = vector.extract_strided_slice %all_reduce_population_count3A_235 {offsets = [0], sizes = [1], strides = [1]} : vector<16xi32> to vector<1xi32>
        %squeeze3A_237 = vector.extract %slice3A_236[0] : i32 from vector<1xi32>
        %add3A_238 = arith.addi %add3A_209, %squeeze3A_237 : i32
        %mul3A_239 = arith.constant 8 : i32
        %mul3A_240 = arith.muli %scan3A_153, %mul3A_239 : i32
        %add3A_241 = arith.constant 3 : i32
        %add3A_242 = arith.addi %mul3A_240, %add3A_241 : i32
        %mul3A_243 = arith.constant 16 : i32
        %mul3A_244 = arith.muli %add3A_242, %mul3A_243 : i32
        %get3A_245 = arith.index_cast %mul3A_244 : i32 to index
        %get3A_246 = tpu.vector_load %arg4[%get3A_245] {strides = array<i32>} : memref<50176xf32, #tpu.memory_space<vmem>>, vector<16xf32>,
        %neg3A_247 = arith.constant 0.000000e+00 : f32
        %neg3A_248 = vector.broadcast %neg3A_247 : f32 to vector<16xf32>
        %neg3A_249 = arith.subf %neg3A_248, %get3A_246 : vector<16xf32>
        %ge3A_250 = arith.cmpf oge, %get3A_246, %bitcast3A_66 : vector<16xf32>
        %ge3A_251 = arith.cmpf oge, %neg3A_249, %bitcast3A_74 : vector<16xf32>
        %min3A_252 = arith.constant 16384 : i32
        %min3A_253 = arith.minsi %add3A_230, %min3A_252 : i32
        %swap3A_254 = arith.index_cast %min3A_253 : i32 to index
        %swap3A_255 = tpu.vector_load %arg5[%swap3A_254] masked %ge3A_250 {strides = array<i32>} : memref<16464xf32, #tpu.memory_space<vmem>>, vector<16xf32>, vector<16xi1>
        tpu.vector_store %arg5[%swap3A_254], %get3A_246 masked %ge3A_250 {strides = array<i32>} : memref<16464xf32, #tpu.memory_space<vmem>>, vector<16xf32>, vector<16xi1>
        %all_reduce_population_count3A_256 = tpu.all_reduce %ge3A_250 {dim = 0 : i64, kind = #tpu.reduction_kind<sum>} : vector<16xi1> -> vector<16xi32>
        %slice3A_257 = vector.extract_strided_slice %all_reduce_population_count3A_256 {offsets = [0], sizes = [1], strides = [1]} : vector<16xi32> to vector<1xi32>
        %squeeze3A_258 = vector.extract %slice3A_257[0] : i32 from vector<1xi32>
        %add3A_259 = arith.addi %add3A_230, %squeeze3A_258 : i32
        %min3A_260 = arith.constant 16384 : i32
        %min3A_261 = arith.minsi %add3A_238, %min3A_260 : i32
        %swap3A_262 = arith.index_cast %min3A_261 : i32 to index
        %swap3A_263 = tpu.vector_load %arg6[%swap3A_262] masked %ge3A_251 {strides = array<i32>} : memref<16464xf32, #tpu.memory_space<vmem>>, vector<16xf32>, vector<16xi1>
        tpu.vector_store %arg6[%swap3A_262], %neg3A_249 masked %ge3A_251 {strides = array<i32>} : memref<16464xf32, #tpu.memory_space<vmem>>, vector<16xf32>, vector<16xi1>
        %all_reduce_population_count3A_264 = tpu.all_reduce %ge3A_251 {dim = 0 : i64, kind = #tpu.reduction_kind<sum>} : vector<16xi1> -> vector<16xi32>
        %slice3A_265 = vector.extract_strided_slice %all_reduce_population_count3A_264 {offsets = [0], sizes = [1], strides = [1]} : vector<16xi32> to vector<1xi32>
        %squeeze3A_266 = vector.extract %slice3A_265[0] : i32 from vector<1xi32>
        %add3A_267 = arith.addi %add3A_238, %squeeze3A_266 : i32
        %mul3A_268 = arith.constant 8 : i32
        %mul3A_269 = arith.muli %scan3A_153, %mul3A_268 : i32
        %add3A_270 = arith.constant 4 : i32
        %add3A_271 = arith.addi %mul3A_269, %add3A_270 : i32
        %mul3A_272 = arith.constant 16 : i32
        %mul3A_273 = arith.muli %add3A_271, %mul3A_272 : i32
        %get3A_274 = arith.index_cast %mul3A_273 : i32 to index
        %get3A_275 = tpu.vector_load %arg4[%get3A_274] {strides = array<i32>} : memref<50176xf32, #tpu.memory_space<vmem>>, vector<16xf32>,
        %neg3A_276 = arith.constant 0.000000e+00 : f32
        %neg3A_277 = vector.broadcast %neg3A_276 : f32 to vector<16xf32>
        %neg3A_278 = arith.subf %neg3A_277, %get3A_275 : vector<16xf32>
        %ge3A_279 = arith.cmpf oge, %get3A_275, %bitcast3A_66 : vector<16xf32>
        %ge3A_280 = arith.cmpf oge, %neg3A_278, %bitcast3A_74 : vector<16xf32>
        %min3A_281 = arith.constant 16384 : i32
        %min3A_282 = arith.minsi %add3A_259, %min3A_281 : i32
        %swap3A_283 = arith.index_cast %min3A_282 : i32 to index
        %swap3A_284 = tpu.vector_load %arg5[%swap3A_283] masked %ge3A_279 {strides = array<i32>} : memref<16464xf32, #tpu.memory_space<vmem>>, vector<16xf32>, vector<16xi1>
        tpu.vector_store %arg5[%swap3A_283], %get3A_275 masked %ge3A_279 {strides = array<i32>} : memref<16464xf32, #tpu.memory_space<vmem>>, vector<16xf32>, vector<16xi1>
        %all_reduce_population_count3A_285 = tpu.all_reduce %ge3A_279 {dim = 0 : i64, kind = #tpu.reduction_kind<sum>} : vector<16xi1> -> vector<16xi32>
        %slice3A_286 = vector.extract_strided_slice %all_reduce_population_count3A_285 {offsets = [0], sizes = [1], strides = [1]} : vector<16xi32> to vector<1xi32>
        %squeeze3A_287 = vector.extract %slice3A_286[0] : i32 from vector<1xi32>
        %add3A_288 = arith.addi %add3A_259, %squeeze3A_287 : i32
        %min3A_289 = arith.constant 16384 : i32
        %min3A_290 = arith.minsi %add3A_267, %min3A_289 : i32
        %swap3A_291 = arith.index_cast %min3A_290 : i32 to index
        %swap3A_292 = tpu.vector_load %arg6[%swap3A_291] masked %ge3A_280 {strides = array<i32>} : memref<16464xf32, #tpu.memory_space<vmem>>, vector<16xf32>, vector<16xi1>
        tpu.vector_store %arg6[%swap3A_291], %neg3A_278 masked %ge3A_280 {strides = array<i32>} : memref<16464xf32, #tpu.memory_space<vmem>>, vector<16xf32>, vector<16xi1>
        %all_reduce_population_count3A_293 = tpu.all_reduce %ge3A_280 {dim = 0 : i64, kind = #tpu.reduction_kind<sum>} : vector<16xi1> -> vector<16xi32>
        %slice3A_294 = vector.extract_strided_slice %all_reduce_population_count3A_293 {offsets = [0], sizes = [1], strides = [1]} : vector<16xi32> to vector<1xi32>
        %squeeze3A_295 = vector.extract %slice3A_294[0] : i32 from vector<1xi32>
        %add3A_296 = arith.addi %add3A_267, %squeeze3A_295 : i32
        %mul3A_297 = arith.constant 8 : i32
        %mul3A_298 = arith.muli %scan3A_153, %mul3A_297 : i32
        %add3A_299 = arith.constant 5 : i32
        %add3A_300 = arith.addi %mul3A_298, %add3A_299 : i32
        %mul3A_301 = arith.constant 16 : i32
        %mul3A_302 = arith.muli %add3A_300, %mul3A_301 : i32
        %get3A_303 = arith.index_cast %mul3A_302 : i32 to index
        %get3A_304 = tpu.vector_load %arg4[%get3A_303] {strides = array<i32>} : memref<50176xf32, #tpu.memory_space<vmem>>, vector<16xf32>,
        %neg3A_305 = arith.constant 0.000000e+00 : f32
        %neg3A_306 = vector.broadcast %neg3A_305 : f32 to vector<16xf32>
        %neg3A_307 = arith.subf %neg3A_306, %get3A_304 : vector<16xf32>
        %ge3A_308 = arith.cmpf oge, %get3A_304, %bitcast3A_66 : vector<16xf32>
        %ge3A_309 = arith.cmpf oge, %neg3A_307, %bitcast3A_74 : vector<16xf32>
        %min3A_310 = arith.constant 16384 : i32
        %min3A_311 = arith.minsi %add3A_288, %min3A_310 : i32
        %swap3A_312 = arith.index_cast %min3A_311 : i32 to index
        %swap3A_313 = tpu.vector_load %arg5[%swap3A_312] masked %ge3A_308 {strides = array<i32>} : memref<16464xf32, #tpu.memory_space<vmem>>, vector<16xf32>, vector<16xi1>
        tpu.vector_store %arg5[%swap3A_312], %get3A_304 masked %ge3A_308 {strides = array<i32>} : memref<16464xf32, #tpu.memory_space<vmem>>, vector<16xf32>, vector<16xi1>
        %all_reduce_population_count3A_314 = tpu.all_reduce %ge3A_308 {dim = 0 : i64, kind = #tpu.reduction_kind<sum>} : vector<16xi1> -> vector<16xi32>
        %slice3A_315 = vector.extract_strided_slice %all_reduce_population_count3A_314 {offsets = [0], sizes = [1], strides = [1]} : vector<16xi32> to vector<1xi32>
        %squeeze3A_316 = vector.extract %slice3A_315[0] : i32 from vector<1xi32>
        %add3A_317 = arith.addi %add3A_288, %squeeze3A_316 : i32
        %min3A_318 = arith.constant 16384 : i32
        %min3A_319 = arith.minsi %add3A_296, %min3A_318 : i32
        %swap3A_320 = arith.index_cast %min3A_319 : i32 to index
        %swap3A_321 = tpu.vector_load %arg6[%swap3A_320] masked %ge3A_309 {strides = array<i32>} : memref<16464xf32, #tpu.memory_space<vmem>>, vector<16xf32>, vector<16xi1>
        tpu.vector_store %arg6[%swap3A_320], %neg3A_307 masked %ge3A_309 {strides = array<i32>} : memref<16464xf32, #tpu.memory_space<vmem>>, vector<16xf32>, vector<16xi1>
        %all_reduce_population_count3A_322 = tpu.all_reduce %ge3A_309 {dim = 0 : i64, kind = #tpu.reduction_kind<sum>} : vector<16xi1> -> vector<16xi32>
        %slice3A_323 = vector.extract_strided_slice %all_reduce_population_count3A_322 {offsets = [0], sizes = [1], strides = [1]} : vector<16xi32> to vector<1xi32>
        %squeeze3A_324 = vector.extract %slice3A_323[0] : i32 from vector<1xi32>
        %add3A_325 = arith.addi %add3A_296, %squeeze3A_324 : i32
        %mul3A_326 = arith.constant 8 : i32
        %mul3A_327 = arith.muli %scan3A_153, %mul3A_326 : i32
        %add3A_328 = arith.constant 6 : i32
        %add3A_329 = arith.addi %mul3A_327, %add3A_328 : i32
        %mul3A_330 = arith.constant 16 : i32
        %mul3A_331 = arith.muli %add3A_329, %mul3A_330 : i32
        %get3A_332 = arith.index_cast %mul3A_331 : i32 to index
        %get3A_333 = tpu.vector_load %arg4[%get3A_332] {strides = array<i32>} : memref<50176xf32, #tpu.memory_space<vmem>>, vector<16xf32>,
        %neg3A_334 = arith.constant 0.000000e+00 : f32
        %neg3A_335 = vector.broadcast %neg3A_334 : f32 to vector<16xf32>
        %neg3A_336 = arith.subf %neg3A_335, %get3A_333 : vector<16xf32>
        %ge3A_337 = arith.cmpf oge, %get3A_333, %bitcast3A_66 : vector<16xf32>
        %ge3A_338 = arith.cmpf oge, %neg3A_336, %bitcast3A_74 : vector<16xf32>
        %min3A_339 = arith.constant 16384 : i32
        %min3A_340 = arith.minsi %add3A_317, %min3A_339 : i32
        %swap3A_341 = arith.index_cast %min3A_340 : i32 to index
        %swap3A_342 = tpu.vector_load %arg5[%swap3A_341] masked %ge3A_337 {strides = array<i32>} : memref<16464xf32, #tpu.memory_space<vmem>>, vector<16xf32>, vector<16xi1>
        tpu.vector_store %arg5[%swap3A_341], %get3A_333 masked %ge3A_337 {strides = array<i32>} : memref<16464xf32, #tpu.memory_space<vmem>>, vector<16xf32>, vector<16xi1>
        %all_reduce_population_count3A_343 = tpu.all_reduce %ge3A_337 {dim = 0 : i64, kind = #tpu.reduction_kind<sum>} : vector<16xi1> -> vector<16xi32>
        %slice3A_344 = vector.extract_strided_slice %all_reduce_population_count3A_343 {offsets = [0], sizes = [1], strides = [1]} : vector<16xi32> to vector<1xi32>
        %squeeze3A_345 = vector.extract %slice3A_344[0] : i32 from vector<1xi32>
        %add3A_346 = arith.addi %add3A_317, %squeeze3A_345 : i32
        %min3A_347 = arith.constant 16384 : i32
        %min3A_348 = arith.minsi %add3A_325, %min3A_347 : i32
        %swap3A_349 = arith.index_cast %min3A_348 : i32 to index
        %swap3A_350 = tpu.vector_load %arg6[%swap3A_349] masked %ge3A_338 {strides = array<i32>} : memref<16464xf32, #tpu.memory_space<vmem>>, vector<16xf32>, vector<16xi1>
        tpu.vector_store %arg6[%swap3A_349], %neg3A_336 masked %ge3A_338 {strides = array<i32>} : memref<16464xf32, #tpu.memory_space<vmem>>, vector<16xf32>, vector<16xi1>
        %all_reduce_population_count3A_351 = tpu.all_reduce %ge3A_338 {dim = 0 : i64, kind = #tpu.reduction_kind<sum>} : vector<16xi1> -> vector<16xi32>
        %slice3A_352 = vector.extract_strided_slice %all_reduce_population_count3A_351 {offsets = [0], sizes = [1], strides = [1]} : vector<16xi32> to vector<1xi32>
        %squeeze3A_353 = vector.extract %slice3A_352[0] : i32 from vector<1xi32>
        %add3A_354 = arith.addi %add3A_325, %squeeze3A_353 : i32
        %mul3A_355 = arith.constant 8 : i32
        %mul3A_356 = arith.muli %scan3A_153, %mul3A_355 : i32
        %add3A_357 = arith.constant 7 : i32
        %add3A_358 = arith.addi %mul3A_356, %add3A_357 : i32
        %mul3A_359 = arith.constant 16 : i32
        %mul3A_360 = arith.muli %add3A_358, %mul3A_359 : i32
        %get3A_361 = arith.index_cast %mul3A_360 : i32 to index
        %get3A_362 = tpu.vector_load %arg4[%get3A_361] {strides = array<i32>} : memref<50176xf32, #tpu.memory_space<vmem>>, vector<16xf32>,
        %neg3A_363 = arith.constant 0.000000e+00 : f32
        %neg3A_364 = vector.broadcast %neg3A_363 : f32 to vector<16xf32>
        %neg3A_365 = arith.subf %neg3A_364, %get3A_362 : vector<16xf32>
        %ge3A_366 = arith.cmpf oge, %get3A_362, %bitcast3A_66 : vector<16xf32>
        %ge3A_367 = arith.cmpf oge, %neg3A_365, %bitcast3A_74 : vector<16xf32>
        %min3A_368 = arith.constant 16384 : i32
        %min3A_369 = arith.minsi %add3A_346, %min3A_368 : i32
        %swap3A_370 = arith.index_cast %min3A_369 : i32 to index
        %swap3A_371 = tpu.vector_load %arg5[%swap3A_370] masked %ge3A_366 {strides = array<i32>} : memref<16464xf32, #tpu.memory_space<vmem>>, vector<16xf32>, vector<16xi1>
        tpu.vector_store %arg5[%swap3A_370], %get3A_362 masked %ge3A_366 {strides = array<i32>} : memref<16464xf32, #tpu.memory_space<vmem>>, vector<16xf32>, vector<16xi1>
        %all_reduce_population_count3A_372 = tpu.all_reduce %ge3A_366 {dim = 0 : i64, kind = #tpu.reduction_kind<sum>} : vector<16xi1> -> vector<16xi32>
        %slice3A_373 = vector.extract_strided_slice %all_reduce_population_count3A_372 {offsets = [0], sizes = [1], strides = [1]} : vector<16xi32> to vector<1xi32>
        %squeeze3A_374 = vector.extract %slice3A_373[0] : i32 from vector<1xi32>
        %add3A_375 = arith.addi %add3A_346, %squeeze3A_374 : i32
        %min3A_376 = arith.constant 16384 : i32
        %min3A_377 = arith.minsi %add3A_354, %min3A_376 : i32
        %swap3A_378 = arith.index_cast %min3A_377 : i32 to index
        %swap3A_379 = tpu.vector_load %arg6[%swap3A_378] masked %ge3A_367 {strides = array<i32>} : memref<16464xf32, #tpu.memory_space<vmem>>, vector<16xf32>, vector<16xi1>
        tpu.vector_store %arg6[%swap3A_378], %neg3A_365 masked %ge3A_367 {strides = array<i32>} : memref<16464xf32, #tpu.memory_space<vmem>>, vector<16xf32>, vector<16xi1>
        %all_reduce_population_count3A_380 = tpu.all_reduce %ge3A_367 {dim = 0 : i64, kind = #tpu.reduction_kind<sum>} : vector<16xi1> -> vector<16xi32>
        %slice3A_381 = vector.extract_strided_slice %all_reduce_population_count3A_380 {offsets = [0], sizes = [1], strides = [1]} : vector<16xi32> to vector<1xi32>
        %squeeze3A_382 = vector.extract %slice3A_381[0] : i32 from vector<1xi32>
        %add3A_383 = arith.addi %add3A_354, %squeeze3A_382 : i32
        scf.yield %add3A_375, %add3A_383 : i32, i32
      }
      %scan3A_82 = arith.constant 392 : i32
      %add3A_83 = arith.constant 0 : i32
      %add3A_84 = arith.addi %scan3A_81#0, %add3A_83 : i32
      %min3A = arith.constant 16448 : i32
      %min3A_85 = arith.minsi %add3A_84, %min3A : i32
      %swap3A = arith.index_cast %min3A_85 : i32 to index
      %swap3A_86 = tpu.vector_load %arg5[%swap3A] {strides = array<i32>} : memref<16464xf32, #tpu.memory_space<vmem>>, vector<16xf32>,
      tpu.vector_store %arg5[%swap3A], %broadcast_in_dim3A_3 {strides = array<i32>} : memref<16464xf32, #tpu.memory_space<vmem>>, vector<16xf32>,
      %add3A_87 = arith.constant 0 : i32
      %add3A_88 = arith.addi %scan3A_81#1, %add3A_87 : i32
      %min3A_89 = arith.constant 16448 : i32
      %min3A_90 = arith.minsi %add3A_88, %min3A_89 : i32
      %swap3A_91 = arith.index_cast %min3A_90 : i32 to index
      %swap3A_92 = tpu.vector_load %arg6[%swap3A_91] {strides = array<i32>} : memref<16464xf32, #tpu.memory_space<vmem>>, vector<16xf32>,
      tpu.vector_store %arg6[%swap3A_91], %broadcast_in_dim3A_3 {strides = array<i32>} : memref<16464xf32, #tpu.memory_space<vmem>>, vector<16xf32>,
      %add3A_93 = arith.constant 16 : i32
      %add3A_94 = arith.addi %scan3A_81#0, %add3A_93 : i32
      %min3A_95 = arith.constant 16448 : i32
      %min3A_96 = arith.minsi %add3A_94, %min3A_95 : i32
      %swap3A_97 = arith.index_cast %min3A_96 : i32 to index
      %swap3A_98 = tpu.vector_load %arg5[%swap3A_97] {strides = array<i32>} : memref<16464xf32, #tpu.memory_space<vmem>>, vector<16xf32>,
      tpu.vector_store %arg5[%swap3A_97], %broadcast_in_dim3A_3 {strides = array<i32>} : memref<16464xf32, #tpu.memory_space<vmem>>, vector<16xf32>,
      %add3A_99 = arith.constant 16 : i32
      %add3A_100 = arith.addi %scan3A_81#1, %add3A_99 : i32
      %min3A_101 = arith.constant 16448 : i32
      %min3A_102 = arith.minsi %add3A_100, %min3A_101 : i32
      %swap3A_103 = arith.index_cast %min3A_102 : i32 to index
      %swap3A_104 = tpu.vector_load %arg6[%swap3A_103] {strides = array<i32>} : memref<16464xf32, #tpu.memory_space<vmem>>, vector<16xf32>,
      tpu.vector_store %arg6[%swap3A_103], %broadcast_in_dim3A_3 {strides = array<i32>} : memref<16464xf32, #tpu.memory_space<vmem>>, vector<16xf32>,
      %add3A_105 = arith.constant 32 : i32
      %add3A_106 = arith.addi %scan3A_81#0, %add3A_105 : i32
      %min3A_107 = arith.constant 16448 : i32
      %min3A_108 = arith.minsi %add3A_106, %min3A_107 : i32
      %swap3A_109 = arith.index_cast %min3A_108 : i32 to index
      %swap3A_110 = tpu.vector_load %arg5[%swap3A_109] {strides = array<i32>} : memref<16464xf32, #tpu.memory_space<vmem>>, vector<16xf32>,
      tpu.vector_store %arg5[%swap3A_109], %broadcast_in_dim3A_3 {strides = array<i32>} : memref<16464xf32, #tpu.memory_space<vmem>>, vector<16xf32>,
      %add3A_111 = arith.constant 32 : i32
      %add3A_112 = arith.addi %scan3A_81#1, %add3A_111 : i32
      %min3A_113 = arith.constant 16448 : i32
      %min3A_114 = arith.minsi %add3A_112, %min3A_113 : i32
      %swap3A_115 = arith.index_cast %min3A_114 : i32 to index
      %swap3A_116 = tpu.vector_load %arg6[%swap3A_115] {strides = array<i32>} : memref<16464xf32, #tpu.memory_space<vmem>>, vector<16xf32>,
      tpu.vector_store %arg6[%swap3A_115], %broadcast_in_dim3A_3 {strides = array<i32>} : memref<16464xf32, #tpu.memory_space<vmem>>, vector<16xf32>,
      %add3A_117 = arith.constant 48 : i32
      %add3A_118 = arith.addi %scan3A_81#0, %add3A_117 : i32
      %min3A_119 = arith.constant 16448 : i32
      %min3A_120 = arith.minsi %add3A_118, %min3A_119 : i32
      %swap3A_121 = arith.index_cast %min3A_120 : i32 to index
      %swap3A_122 = tpu.vector_load %arg5[%swap3A_121] {strides = array<i32>} : memref<16464xf32, #tpu.memory_space<vmem>>, vector<16xf32>,
      tpu.vector_store %arg5[%swap3A_121], %broadcast_in_dim3A_3 {strides = array<i32>} : memref<16464xf32, #tpu.memory_space<vmem>>, vector<16xf32>,
      %add3A_123 = arith.constant 48 : i32
      %add3A_124 = arith.addi %scan3A_81#1, %add3A_123 : i32
      %min3A_125 = arith.constant 16448 : i32
      %min3A_126 = arith.minsi %add3A_124, %min3A_125 : i32
      %swap3A_127 = arith.index_cast %min3A_126 : i32 to index
      %swap3A_128 = tpu.vector_load %arg6[%swap3A_127] {strides = array<i32>} : memref<16464xf32, #tpu.memory_space<vmem>>, vector<16xf32>,
      tpu.vector_store %arg6[%swap3A_127], %broadcast_in_dim3A_3 {strides = array<i32>} : memref<16464xf32, #tpu.memory_space<vmem>>, vector<16xf32>,
      %ge3A_129 = arith.constant 50 : i32
      %ge3A_130 = arith.cmpi sge, %scan3A_81#0, %ge3A_129 : i32
      %le3A = arith.constant 16384 : i32
      %le3A_131 = arith.cmpi sle, %scan3A_81#0, %le3A : i32
      %and3A = arith.andi %ge3A_130, %le3A_131 : i1
      %convert_element_type3A = arith.extui %and3A : i1 to i32
      %cond3A = arith.constant 0 : i32
      %cond3A_132 = arith.cmpi ne, %convert_element_type3A, %cond3A : i32
      %cond3A_133 = scf.if %cond3A_132 -> (vector<16xf32>) {
        %add3A_153 = arith.constant 63 : i32
        %add3A_154 = arith.addi %scan3A_81#0, %add3A_153 : i32
        %shift_right_arithmetic3A = arith.constant 6 : i32
        %shift_right_arithmetic3A_155 = arith.shrsi %add3A_154, %shift_right_arithmetic3A : i32
        %scan3A_156 = arith.constant 0 : i32
        %scan3A_157 = arith.constant 23 : i32
        %scan3A_158 = arith.addi %scan3A_156, %scan3A_157 : i32
        %scan3A_159 = arith.constant 1 : i32
        %scan3A_160 = scf.for %scan3A_196 = %scan3A_156 to %scan3A_158 step %scan3A_159 iter_args(%scan3A_197 = %sub3A_44) -> (vector<16xi32>)  : i32 {
          %sub3A_198 = arith.constant 22 : i32
          %sub3A_199 = arith.subi %sub3A_198, %scan3A_196 : i32
          %shift_left3A = arith.constant 1 : i32
          %shift_left3A_200 = arith.shli %shift_left3A, %sub3A_199 : i32
          %add3A_201 = vector.broadcast %shift_left3A_200 : i32 to vector<16xi32>
          %add3A_202 = arith.addi %scan3A_197, %add3A_201 : vector<16xi32>
          %ge3A_203 = arith.constant 0 : i32
          %ge3A_204 = vector.broadcast %ge3A_203 : i32 to vector<16xi32>
          %ge3A_205 = arith.cmpi sge, %add3A_202, %ge3A_204 : vector<16xi32>
          %xor3A_206 = arith.constant 2147483647 : i32
          %xor3A_207 = vector.broadcast %xor3A_206 : i32 to vector<16xi32>
          %xor3A_208 = arith.xori %add3A_202, %xor3A_207 : vector<16xi32>
          %select_n3A_209 = arith.select %ge3A_205, %add3A_202, %xor3A_208 : vector<16xi1>, vector<16xi32>
          %bitcast3A_210 = vector.bitcast %select_n3A_209 : vector<16xi32> to vector<16xf32>
          %broadcast_in_dim3A_211 = arith.constant 0 : i32
          %broadcast_in_dim3A_212 = vector.broadcast %broadcast_in_dim3A_211 : i32 to vector<16xi32>
          %while3A_213 = arith.constant 0 : i32
          %while3A_214 = arith.subi %shift_right_arithmetic3A_155, %while3A_213 : i32
          %while3A_215 = arith.addi %while3A_213, %while3A_214 : i32
          %while3A_216 = arith.constant 1 : i32
          %while3A_217 = arith.divsi %while3A_214, %while3A_216 : i32
          %while3A_218 = arith.muli %while3A_217, %while3A_216 : i32
          %while3A_219 = arith.addi %while3A_213, %while3A_218 : i32
          %while3A_220 = arith.constant 1 : i32
          %while3A_221 = scf.for %while3A_229 = %while3A_213 to %while3A_219 step %while3A_220 iter_args(%while3A_230 = %broadcast_in_dim3A_212) -> (vector<16xi32>)  : i32 {
            %mul3A_231 = arith.constant 4 : i32
            %mul3A_232 = arith.muli %while3A_229, %mul3A_231 : i32
            %add3A_233 = arith.constant 0 : i32
            %add3A_234 = arith.addi %mul3A_232, %add3A_233 : i32
            %mul3A_235 = arith.constant 16 : i32
            %mul3A_236 = arith.muli %add3A_234, %mul3A_235 : i32
            %get3A = arith.index_cast %mul3A_236 : i32 to index
            %get3A_237 = tpu.vector_load %arg5[%get3A] {strides = array<i32>} : memref<16464xf32, #tpu.memory_space<vmem>>, vector<16xf32>,
            %ge3A_238 = arith.cmpf oge, %get3A_237, %bitcast3A_210 : vector<16xf32>
            %all_reduce_population_count3A = tpu.all_reduce %ge3A_238 {dim = 0 : i64, kind = #tpu.reduction_kind<sum>} : vector<16xi1> -> vector<16xi32>
            %add3A_239 = arith.addi %while3A_230, %all_reduce_population_count3A : vector<16xi32>
            %mul3A_240 = arith.constant 4 : i32
            %mul3A_241 = arith.muli %while3A_229, %mul3A_240 : i32
            %add3A_242 = arith.constant 1 : i32
            %add3A_243 = arith.addi %mul3A_241, %add3A_242 : i32
            %mul3A_244 = arith.constant 16 : i32
            %mul3A_245 = arith.muli %add3A_243, %mul3A_244 : i32
            %get3A_246 = arith.index_cast %mul3A_245 : i32 to index
            %get3A_247 = tpu.vector_load %arg5[%get3A_246] {strides = array<i32>} : memref<16464xf32, #tpu.memory_space<vmem>>, vector<16xf32>,
            %ge3A_248 = arith.cmpf oge, %get3A_247, %bitcast3A_210 : vector<16xf32>
            %all_reduce_population_count3A_249 = tpu.all_reduce %ge3A_248 {dim = 0 : i64, kind = #tpu.reduction_kind<sum>} : vector<16xi1> -> vector<16xi32>
            %add3A_250 = arith.addi %add3A_239, %all_reduce_population_count3A_249 : vector<16xi32>
            %mul3A_251 = arith.constant 4 : i32
            %mul3A_252 = arith.muli %while3A_229, %mul3A_251 : i32
            %add3A_253 = arith.constant 2 : i32
            %add3A_254 = arith.addi %mul3A_252, %add3A_253 : i32
            %mul3A_255 = arith.constant 16 : i32
            %mul3A_256 = arith.muli %add3A_254, %mul3A_255 : i32
            %get3A_257 = arith.index_cast %mul3A_256 : i32 to index
            %get3A_258 = tpu.vector_load %arg5[%get3A_257] {strides = array<i32>} : memref<16464xf32, #tpu.memory_space<vmem>>, vector<16xf32>,
            %ge3A_259 = arith.cmpf oge, %get3A_258, %bitcast3A_210 : vector<16xf32>
            %all_reduce_population_count3A_260 = tpu.all_reduce %ge3A_259 {dim = 0 : i64, kind = #tpu.reduction_kind<sum>} : vector<16xi1> -> vector<16xi32>
            %add3A_261 = arith.addi %add3A_250, %all_reduce_population_count3A_260 : vector<16xi32>
            %mul3A_262 = arith.constant 4 : i32
            %mul3A_263 = arith.muli %while3A_229, %mul3A_262 : i32
            %add3A_264 = arith.constant 3 : i32
            %add3A_265 = arith.addi %mul3A_263, %add3A_264 : i32
            %mul3A_266 = arith.constant 16 : i32
            %mul3A_267 = arith.muli %add3A_265, %mul3A_266 : i32
            %get3A_268 = arith.index_cast %mul3A_267 : i32 to index
            %get3A_269 = tpu.vector_load %arg5[%get3A_268] {strides = array<i32>} : memref<16464xf32, #tpu.memory_space<vmem>>, vector<16xf32>,
            %ge3A_270 = arith.cmpf oge, %get3A_269, %bitcast3A_210 : vector<16xf32>
            %all_reduce_population_count3A_271 = tpu.all_reduce %ge3A_270 {dim = 0 : i64, kind = #tpu.reduction_kind<sum>} : vector<16xi1> -> vector<16xi32>
            %add3A_272 = arith.addi %add3A_261, %all_reduce_population_count3A_271 : vector<16xi32>
            scf.yield %add3A_272 : vector<16xi32>
          }
          %while3A_222 = arith.constant 1 : i32
          %while3A_223 = scf.for %while3A_229 = %while3A_219 to %while3A_215 step %while3A_222 iter_args(%while3A_230 = %while3A_221) -> (vector<16xi32>)  : i32 {
            %mul3A_231 = arith.constant 4 : i32
            %mul3A_232 = arith.muli %while3A_229, %mul3A_231 : i32
            %add3A_233 = arith.constant 0 : i32
            %add3A_234 = arith.addi %mul3A_232, %add3A_233 : i32
            %mul3A_235 = arith.constant 16 : i32
            %mul3A_236 = arith.muli %add3A_234, %mul3A_235 : i32
            %get3A = arith.index_cast %mul3A_236 : i32 to index
            %get3A_237 = tpu.vector_load %arg5[%get3A] {strides = array<i32>} : memref<16464xf32, #tpu.memory_space<vmem>>, vector<16xf32>,
            %ge3A_238 = arith.cmpf oge, %get3A_237, %bitcast3A_210 : vector<16xf32>
            %all_reduce_population_count3A = tpu.all_reduce %ge3A_238 {dim = 0 : i64, kind = #tpu.reduction_kind<sum>} : vector<16xi1> -> vector<16xi32>
            %add3A_239 = arith.addi %while3A_230, %all_reduce_population_count3A : vector<16xi32>
            %mul3A_240 = arith.constant 4 : i32
            %mul3A_241 = arith.muli %while3A_229, %mul3A_240 : i32
            %add3A_242 = arith.constant 1 : i32
            %add3A_243 = arith.addi %mul3A_241, %add3A_242 : i32
            %mul3A_244 = arith.constant 16 : i32
            %mul3A_245 = arith.muli %add3A_243, %mul3A_244 : i32
            %get3A_246 = arith.index_cast %mul3A_245 : i32 to index
            %get3A_247 = tpu.vector_load %arg5[%get3A_246] {strides = array<i32>} : memref<16464xf32, #tpu.memory_space<vmem>>, vector<16xf32>,
            %ge3A_248 = arith.cmpf oge, %get3A_247, %bitcast3A_210 : vector<16xf32>
            %all_reduce_population_count3A_249 = tpu.all_reduce %ge3A_248 {dim = 0 : i64, kind = #tpu.reduction_kind<sum>} : vector<16xi1> -> vector<16xi32>
            %add3A_250 = arith.addi %add3A_239, %all_reduce_population_count3A_249 : vector<16xi32>
            %mul3A_251 = arith.constant 4 : i32
            %mul3A_252 = arith.muli %while3A_229, %mul3A_251 : i32
            %add3A_253 = arith.constant 2 : i32
            %add3A_254 = arith.addi %mul3A_252, %add3A_253 : i32
            %mul3A_255 = arith.constant 16 : i32
            %mul3A_256 = arith.muli %add3A_254, %mul3A_255 : i32
            %get3A_257 = arith.index_cast %mul3A_256 : i32 to index
            %get3A_258 = tpu.vector_load %arg5[%get3A_257] {strides = array<i32>} : memref<16464xf32, #tpu.memory_space<vmem>>, vector<16xf32>,
            %ge3A_259 = arith.cmpf oge, %get3A_258, %bitcast3A_210 : vector<16xf32>
            %all_reduce_population_count3A_260 = tpu.all_reduce %ge3A_259 {dim = 0 : i64, kind = #tpu.reduction_kind<sum>} : vector<16xi1> -> vector<16xi32>
            %add3A_261 = arith.addi %add3A_250, %all_reduce_population_count3A_260 : vector<16xi32>
            %mul3A_262 = arith.constant 4 : i32
            %mul3A_263 = arith.muli %while3A_229, %mul3A_262 : i32
            %add3A_264 = arith.constant 3 : i32
            %add3A_265 = arith.addi %mul3A_263, %add3A_264 : i32
            %mul3A_266 = arith.constant 16 : i32
            %mul3A_267 = arith.muli %add3A_265, %mul3A_266 : i32
            %get3A_268 = arith.index_cast %mul3A_267 : i32 to index
            %get3A_269 = tpu.vector_load %arg5[%get3A_268] {strides = array<i32>} : memref<16464xf32, #tpu.memory_space<vmem>>, vector<16xf32>,
            %ge3A_270 = arith.cmpf oge, %get3A_269, %bitcast3A_210 : vector<16xf32>
            %all_reduce_population_count3A_271 = tpu.all_reduce %ge3A_270 {dim = 0 : i64, kind = #tpu.reduction_kind<sum>} : vector<16xi1> -> vector<16xi32>
            %add3A_272 = arith.addi %add3A_261, %all_reduce_population_count3A_271 : vector<16xi32>
            scf.yield %add3A_272 : vector<16xi32>
          }
          %gt3A = arith.cmpi sgt, %add3A_202, %scan3A_197 : vector<16xi32>
          %ge3A_224 = arith.constant 50 : i32
          %ge3A_225 = vector.broadcast %ge3A_224 : i32 to vector<16xi32>
          %ge3A_226 = arith.cmpi sge, %while3A_223, %ge3A_225 : vector<16xi32>
          %and3A_227 = arith.andi %gt3A, %ge3A_226 : vector<16xi1>
          %select_n3A_228 = arith.select %and3A_227, %add3A_202, %scan3A_197 : vector<16xi1>, vector<16xi32>
          scf.yield %select_n3A_228 : vector<16xi32>
        }
        %scan3A_161 = arith.constant 23 : i32
        %ge3A_162 = arith.constant 0 : i32
        %ge3A_163 = vector.broadcast %ge3A_162 : i32 to vector<16xi32>
        %ge3A_164 = arith.cmpi sge, %scan3A_160, %ge3A_163 : vector<16xi32>
        %xor3A_165 = arith.constant 2147483647 : i32
        %xor3A_166 = vector.broadcast %xor3A_165 : i32 to vector<16xi32>
        %xor3A_167 = arith.xori %scan3A_160, %xor3A_166 : vector<16xi32>
        %select_n3A_168 = arith.select %ge3A_164, %scan3A_160, %xor3A_167 : vector<16xi1>, vector<16xi32>
        %bitcast3A_169 = vector.bitcast %select_n3A_168 : vector<16xi32> to vector<16xf32>
        %broadcast_in_dim3A_170 = arith.constant 0.000000e+00 : f32
        %broadcast_in_dim3A_171 = vector.broadcast %broadcast_in_dim3A_170 : f32 to vector<16xf32>
        %broadcast_in_dim3A_172 = arith.constant 0 : i32
        %broadcast_in_dim3A_173 = vector.broadcast %broadcast_in_dim3A_172 : i32 to vector<16xi32>
        %while3A = arith.constant 0 : i32
        %while3A_174 = arith.subi %shift_right_arithmetic3A_155, %while3A : i32
        %while3A_175 = arith.addi %while3A, %while3A_174 : i32
        %while3A_176 = arith.constant 1 : i32
        %while3A_177 = arith.divsi %while3A_174, %while3A_176 : i32
        %while3A_178 = arith.muli %while3A_177, %while3A_176 : i32
        %while3A_179 = arith.addi %while3A, %while3A_178 : i32
        %while3A_180 = arith.constant 1 : i32
        %while3A_181:2 = scf.for %while3A_196 = %while3A to %while3A_179 step %while3A_180 iter_args(%while3A_197 = %broadcast_in_dim3A_171, %while3A_198 = %broadcast_in_dim3A_173) -> (vector<16xf32>, vector<16xi32>)  : i32 {
          %mul3A_199 = arith.constant 4 : i32
          %mul3A_200 = arith.muli %while3A_196, %mul3A_199 : i32
          %add3A_201 = arith.constant 0 : i32
          %add3A_202 = arith.addi %mul3A_200, %add3A_201 : i32
          %mul3A_203 = arith.constant 16 : i32
          %mul3A_204 = arith.muli %add3A_202, %mul3A_203 : i32
          %get3A = arith.index_cast %mul3A_204 : i32 to index
          %get3A_205 = tpu.vector_load %arg5[%get3A] {strides = array<i32>} : memref<16464xf32, #tpu.memory_space<vmem>>, vector<16xf32>,
          %gt3A = arith.cmpf ogt, %get3A_205, %bitcast3A_169 : vector<16xf32>
          %jit3A = arith.constant 0.000000e+00 : f32
          %broadcast_in_dim3A_206 = vector.broadcast %jit3A : f32 to vector<16xf32>
          %select_n3A_207 = arith.select %gt3A, %get3A_205, %broadcast_in_dim3A_206 : vector<16xi1>, vector<16xf32>
          %add3A_208 = arith.addf %while3A_197, %select_n3A_207 : vector<16xf32>
          %all_reduce_population_count3A = tpu.all_reduce %gt3A {dim = 0 : i64, kind = #tpu.reduction_kind<sum>} : vector<16xi1> -> vector<16xi32>
          %add3A_209 = arith.addi %while3A_198, %all_reduce_population_count3A : vector<16xi32>
          %mul3A_210 = arith.constant 4 : i32
          %mul3A_211 = arith.muli %while3A_196, %mul3A_210 : i32
          %add3A_212 = arith.constant 1 : i32
          %add3A_213 = arith.addi %mul3A_211, %add3A_212 : i32
          %mul3A_214 = arith.constant 16 : i32
          %mul3A_215 = arith.muli %add3A_213, %mul3A_214 : i32
          %get3A_216 = arith.index_cast %mul3A_215 : i32 to index
          %get3A_217 = tpu.vector_load %arg5[%get3A_216] {strides = array<i32>} : memref<16464xf32, #tpu.memory_space<vmem>>, vector<16xf32>,
          %gt3A_218 = arith.cmpf ogt, %get3A_217, %bitcast3A_169 : vector<16xf32>
          %jit3A_219 = arith.constant 0.000000e+00 : f32
          %broadcast_in_dim3A_220 = vector.broadcast %jit3A_219 : f32 to vector<16xf32>
          %select_n3A_221 = arith.select %gt3A_218, %get3A_217, %broadcast_in_dim3A_220 : vector<16xi1>, vector<16xf32>
          %add3A_222 = arith.addf %add3A_208, %select_n3A_221 : vector<16xf32>
          %all_reduce_population_count3A_223 = tpu.all_reduce %gt3A_218 {dim = 0 : i64, kind = #tpu.reduction_kind<sum>} : vector<16xi1> -> vector<16xi32>
          %add3A_224 = arith.addi %add3A_209, %all_reduce_population_count3A_223 : vector<16xi32>
          %mul3A_225 = arith.constant 4 : i32
          %mul3A_226 = arith.muli %while3A_196, %mul3A_225 : i32
          %add3A_227 = arith.constant 2 : i32
          %add3A_228 = arith.addi %mul3A_226, %add3A_227 : i32
          %mul3A_229 = arith.constant 16 : i32
          %mul3A_230 = arith.muli %add3A_228, %mul3A_229 : i32
          %get3A_231 = arith.index_cast %mul3A_230 : i32 to index
          %get3A_232 = tpu.vector_load %arg5[%get3A_231] {strides = array<i32>} : memref<16464xf32, #tpu.memory_space<vmem>>, vector<16xf32>,
          %gt3A_233 = arith.cmpf ogt, %get3A_232, %bitcast3A_169 : vector<16xf32>
          %jit3A_234 = arith.constant 0.000000e+00 : f32
          %broadcast_in_dim3A_235 = vector.broadcast %jit3A_234 : f32 to vector<16xf32>
          %select_n3A_236 = arith.select %gt3A_233, %get3A_232, %broadcast_in_dim3A_235 : vector<16xi1>, vector<16xf32>
          %add3A_237 = arith.addf %add3A_222, %select_n3A_236 : vector<16xf32>
          %all_reduce_population_count3A_238 = tpu.all_reduce %gt3A_233 {dim = 0 : i64, kind = #tpu.reduction_kind<sum>} : vector<16xi1> -> vector<16xi32>
          %add3A_239 = arith.addi %add3A_224, %all_reduce_population_count3A_238 : vector<16xi32>
          %mul3A_240 = arith.constant 4 : i32
          %mul3A_241 = arith.muli %while3A_196, %mul3A_240 : i32
          %add3A_242 = arith.constant 3 : i32
          %add3A_243 = arith.addi %mul3A_241, %add3A_242 : i32
          %mul3A_244 = arith.constant 16 : i32
          %mul3A_245 = arith.muli %add3A_243, %mul3A_244 : i32
          %get3A_246 = arith.index_cast %mul3A_245 : i32 to index
          %get3A_247 = tpu.vector_load %arg5[%get3A_246] {strides = array<i32>} : memref<16464xf32, #tpu.memory_space<vmem>>, vector<16xf32>,
          %gt3A_248 = arith.cmpf ogt, %get3A_247, %bitcast3A_169 : vector<16xf32>
          %jit3A_249 = arith.constant 0.000000e+00 : f32
          %broadcast_in_dim3A_250 = vector.broadcast %jit3A_249 : f32 to vector<16xf32>
          %select_n3A_251 = arith.select %gt3A_248, %get3A_247, %broadcast_in_dim3A_250 : vector<16xi1>, vector<16xf32>
          %add3A_252 = arith.addf %add3A_237, %select_n3A_251 : vector<16xf32>
          %all_reduce_population_count3A_253 = tpu.all_reduce %gt3A_248 {dim = 0 : i64, kind = #tpu.reduction_kind<sum>} : vector<16xi1> -> vector<16xi32>
          %add3A_254 = arith.addi %add3A_239, %all_reduce_population_count3A_253 : vector<16xi32>
          scf.yield %add3A_252, %add3A_254 : vector<16xf32>, vector<16xi32>
        }
        %while3A_182 = arith.constant 1 : i32
        %while3A_183:2 = scf.for %while3A_196 = %while3A_179 to %while3A_175 step %while3A_182 iter_args(%while3A_197 = %while3A_181#0, %while3A_198 = %while3A_181#1) -> (vector<16xf32>, vector<16xi32>)  : i32 {
          %mul3A_199 = arith.constant 4 : i32
          %mul3A_200 = arith.muli %while3A_196, %mul3A_199 : i32
          %add3A_201 = arith.constant 0 : i32
          %add3A_202 = arith.addi %mul3A_200, %add3A_201 : i32
          %mul3A_203 = arith.constant 16 : i32
          %mul3A_204 = arith.muli %add3A_202, %mul3A_203 : i32
          %get3A = arith.index_cast %mul3A_204 : i32 to index
          %get3A_205 = tpu.vector_load %arg5[%get3A] {strides = array<i32>} : memref<16464xf32, #tpu.memory_space<vmem>>, vector<16xf32>,
          %gt3A = arith.cmpf ogt, %get3A_205, %bitcast3A_169 : vector<16xf32>
          %jit3A = arith.constant 0.000000e+00 : f32
          %broadcast_in_dim3A_206 = vector.broadcast %jit3A : f32 to vector<16xf32>
          %select_n3A_207 = arith.select %gt3A, %get3A_205, %broadcast_in_dim3A_206 : vector<16xi1>, vector<16xf32>
          %add3A_208 = arith.addf %while3A_197, %select_n3A_207 : vector<16xf32>
          %all_reduce_population_count3A = tpu.all_reduce %gt3A {dim = 0 : i64, kind = #tpu.reduction_kind<sum>} : vector<16xi1> -> vector<16xi32>
          %add3A_209 = arith.addi %while3A_198, %all_reduce_population_count3A : vector<16xi32>
          %mul3A_210 = arith.constant 4 : i32
          %mul3A_211 = arith.muli %while3A_196, %mul3A_210 : i32
          %add3A_212 = arith.constant 1 : i32
          %add3A_213 = arith.addi %mul3A_211, %add3A_212 : i32
          %mul3A_214 = arith.constant 16 : i32
          %mul3A_215 = arith.muli %add3A_213, %mul3A_214 : i32
          %get3A_216 = arith.index_cast %mul3A_215 : i32 to index
          %get3A_217 = tpu.vector_load %arg5[%get3A_216] {strides = array<i32>} : memref<16464xf32, #tpu.memory_space<vmem>>, vector<16xf32>,
          %gt3A_218 = arith.cmpf ogt, %get3A_217, %bitcast3A_169 : vector<16xf32>
          %jit3A_219 = arith.constant 0.000000e+00 : f32
          %broadcast_in_dim3A_220 = vector.broadcast %jit3A_219 : f32 to vector<16xf32>
          %select_n3A_221 = arith.select %gt3A_218, %get3A_217, %broadcast_in_dim3A_220 : vector<16xi1>, vector<16xf32>
          %add3A_222 = arith.addf %add3A_208, %select_n3A_221 : vector<16xf32>
          %all_reduce_population_count3A_223 = tpu.all_reduce %gt3A_218 {dim = 0 : i64, kind = #tpu.reduction_kind<sum>} : vector<16xi1> -> vector<16xi32>
          %add3A_224 = arith.addi %add3A_209, %all_reduce_population_count3A_223 : vector<16xi32>
          %mul3A_225 = arith.constant 4 : i32
          %mul3A_226 = arith.muli %while3A_196, %mul3A_225 : i32
          %add3A_227 = arith.constant 2 : i32
          %add3A_228 = arith.addi %mul3A_226, %add3A_227 : i32
          %mul3A_229 = arith.constant 16 : i32
          %mul3A_230 = arith.muli %add3A_228, %mul3A_229 : i32
          %get3A_231 = arith.index_cast %mul3A_230 : i32 to index
          %get3A_232 = tpu.vector_load %arg5[%get3A_231] {strides = array<i32>} : memref<16464xf32, #tpu.memory_space<vmem>>, vector<16xf32>,
          %gt3A_233 = arith.cmpf ogt, %get3A_232, %bitcast3A_169 : vector<16xf32>
          %jit3A_234 = arith.constant 0.000000e+00 : f32
          %broadcast_in_dim3A_235 = vector.broadcast %jit3A_234 : f32 to vector<16xf32>
          %select_n3A_236 = arith.select %gt3A_233, %get3A_232, %broadcast_in_dim3A_235 : vector<16xi1>, vector<16xf32>
          %add3A_237 = arith.addf %add3A_222, %select_n3A_236 : vector<16xf32>
          %all_reduce_population_count3A_238 = tpu.all_reduce %gt3A_233 {dim = 0 : i64, kind = #tpu.reduction_kind<sum>} : vector<16xi1> -> vector<16xi32>
          %add3A_239 = arith.addi %add3A_224, %all_reduce_population_count3A_238 : vector<16xi32>
          %mul3A_240 = arith.constant 4 : i32
          %mul3A_241 = arith.muli %while3A_196, %mul3A_240 : i32
          %add3A_242 = arith.constant 3 : i32
          %add3A_243 = arith.addi %mul3A_241, %add3A_242 : i32
          %mul3A_244 = arith.constant 16 : i32
          %mul3A_245 = arith.muli %add3A_243, %mul3A_244 : i32
          %get3A_246 = arith.index_cast %mul3A_245 : i32 to index
          %get3A_247 = tpu.vector_load %arg5[%get3A_246] {strides = array<i32>} : memref<16464xf32, #tpu.memory_space<vmem>>, vector<16xf32>,
          %gt3A_248 = arith.cmpf ogt, %get3A_247, %bitcast3A_169 : vector<16xf32>
          %jit3A_249 = arith.constant 0.000000e+00 : f32
          %broadcast_in_dim3A_250 = vector.broadcast %jit3A_249 : f32 to vector<16xf32>
          %select_n3A_251 = arith.select %gt3A_248, %get3A_247, %broadcast_in_dim3A_250 : vector<16xi1>, vector<16xf32>
          %add3A_252 = arith.addf %add3A_237, %select_n3A_251 : vector<16xf32>
          %all_reduce_population_count3A_253 = tpu.all_reduce %gt3A_248 {dim = 0 : i64, kind = #tpu.reduction_kind<sum>} : vector<16xi1> -> vector<16xi32>
          %add3A_254 = arith.addi %add3A_239, %all_reduce_population_count3A_253 : vector<16xi32>
          scf.yield %add3A_252, %add3A_254 : vector<16xf32>, vector<16xi32>
        }
        %broadcast_in_dim3A_184 = arith.constant true
        %broadcast_in_dim3A_185 = vector.broadcast %broadcast_in_dim3A_184 : i1 to vector<16xi1>
        %masked_cumsum3A = tpu.scan <sum>, %while3A_183#0 masked %broadcast_in_dim3A_185 : vector<16xf32>, vector<16xi1> -> vector<16xf32>
        %broadcast_in_dim3A_186 = arith.constant 15 : i32
        %broadcast_in_dim3A_187 = vector.broadcast %broadcast_in_dim3A_186 : i32 to vector<16x1xi32>
        %gather3A_188 = vector.shape_cast %broadcast_in_dim3A_187 : vector<16x1xi32> to vector<16xi32>
        %gather3A_189 = tpu.dynamic_gather %masked_cumsum3A[%gather3A_188] in [0] : vector<16xf32>, vector<16xi32> -> vector<16xf32>
        %sub3A_190 = arith.constant 50 : i32
        %sub3A_191 = vector.broadcast %sub3A_190 : i32 to vector<16xi32>
        %sub3A_192 = arith.subi %sub3A_191, %while3A_183#1 : vector<16xi32>
        %convert_element_type3A_193 = arith.sitofp %sub3A_192 : vector<16xi32> to vector<16xf32>
        %mul3A_194 = arith.mulf %convert_element_type3A_193, %bitcast3A_169 : vector<16xf32>
        %add3A_195 = arith.addf %gather3A_189, %mul3A_194 : vector<16xf32>
        scf.yield %add3A_195 : vector<16xf32>
      } else {
        %bitcast3A_153 = vector.bitcast %neg3A_38 : vector<16xf32> to vector<16xi32>
        %ge3A_154 = arith.constant 0 : i32
        %ge3A_155 = vector.broadcast %ge3A_154 : i32 to vector<16xi32>
        %ge3A_156 = arith.cmpi sge, %bitcast3A_153, %ge3A_155 : vector<16xi32>
        %xor3A_157 = arith.constant 2147483647 : i32
        %xor3A_158 = vector.broadcast %xor3A_157 : i32 to vector<16xi32>
        %xor3A_159 = arith.xori %bitcast3A_153, %xor3A_158 : vector<16xi32>
        %select_n3A_160 = arith.select %ge3A_156, %bitcast3A_153, %xor3A_159 : vector<16xi1>, vector<16xi32>
        %scan3A_161 = arith.constant 0 : i32
        %scan3A_162 = arith.constant 32 : i32
        %scan3A_163 = arith.addi %scan3A_161, %scan3A_162 : i32
        %scan3A_164 = arith.constant 1 : i32
        %scan3A_165 = scf.for %scan3A_197 = %scan3A_161 to %scan3A_163 step %scan3A_164 iter_args(%scan3A_198 = %select_n3A_160) -> (vector<16xi32>)  : i32 {
          %sub3A_199 = arith.constant 31 : i32
          %sub3A_200 = arith.subi %sub3A_199, %scan3A_197 : i32
          %shift_left3A = arith.constant 1 : i32
          %shift_left3A_201 = arith.shli %shift_left3A, %sub3A_200 : i32
          %add3A_202 = vector.broadcast %shift_left3A_201 : i32 to vector<16xi32>
          %add3A_203 = arith.addi %scan3A_198, %add3A_202 : vector<16xi32>
          %ge3A_204 = arith.constant 0 : i32
          %ge3A_205 = vector.broadcast %ge3A_204 : i32 to vector<16xi32>
          %ge3A_206 = arith.cmpi sge, %add3A_203, %ge3A_205 : vector<16xi32>
          %xor3A_207 = arith.constant 2147483647 : i32
          %xor3A_208 = vector.broadcast %xor3A_207 : i32 to vector<16xi32>
          %xor3A_209 = arith.xori %add3A_203, %xor3A_208 : vector<16xi32>
          %select_n3A_210 = arith.select %ge3A_206, %add3A_203, %xor3A_209 : vector<16xi1>, vector<16xi32>
          %bitcast3A_211 = vector.bitcast %select_n3A_210 : vector<16xi32> to vector<16xf32>
          %broadcast_in_dim3A_212 = arith.constant 0 : i32
          %broadcast_in_dim3A_213 = vector.broadcast %broadcast_in_dim3A_212 : i32 to vector<16xi32>
          %scan3A_214 = arith.constant 0 : i32
          %scan3A_215 = arith.constant 392 : i32
          %scan3A_216 = arith.addi %scan3A_214, %scan3A_215 : i32
          %scan3A_217 = arith.constant 1 : i32
          %scan3A_218 = scf.for %scan3A_225 = %scan3A_214 to %scan3A_216 step %scan3A_217 iter_args(%scan3A_226 = %broadcast_in_dim3A_213) -> (vector<16xi32>)  : i32 {
            %mul3A_227 = arith.constant 8 : i32
            %mul3A_228 = arith.muli %scan3A_225, %mul3A_227 : i32
            %add3A_229 = arith.constant 0 : i32
            %add3A_230 = arith.addi %mul3A_228, %add3A_229 : i32
            %mul3A_231 = arith.constant 16 : i32
            %mul3A_232 = arith.muli %add3A_230, %mul3A_231 : i32
            %get3A = arith.index_cast %mul3A_232 : i32 to index
            %get3A_233 = tpu.vector_load %arg4[%get3A] {strides = array<i32>} : memref<50176xf32, #tpu.memory_space<vmem>>, vector<16xf32>,
            %ge3A_234 = arith.cmpf oge, %get3A_233, %bitcast3A_211 : vector<16xf32>
            %all_reduce_population_count3A = tpu.all_reduce %ge3A_234 {dim = 0 : i64, kind = #tpu.reduction_kind<sum>} : vector<16xi1> -> vector<16xi32>
            %add3A_235 = arith.addi %scan3A_226, %all_reduce_population_count3A : vector<16xi32>
            %mul3A_236 = arith.constant 8 : i32
            %mul3A_237 = arith.muli %scan3A_225, %mul3A_236 : i32
            %add3A_238 = arith.constant 1 : i32
            %add3A_239 = arith.addi %mul3A_237, %add3A_238 : i32
            %mul3A_240 = arith.constant 16 : i32
            %mul3A_241 = arith.muli %add3A_239, %mul3A_240 : i32
            %get3A_242 = arith.index_cast %mul3A_241 : i32 to index
            %get3A_243 = tpu.vector_load %arg4[%get3A_242] {strides = array<i32>} : memref<50176xf32, #tpu.memory_space<vmem>>, vector<16xf32>,
            %ge3A_244 = arith.cmpf oge, %get3A_243, %bitcast3A_211 : vector<16xf32>
            %all_reduce_population_count3A_245 = tpu.all_reduce %ge3A_244 {dim = 0 : i64, kind = #tpu.reduction_kind<sum>} : vector<16xi1> -> vector<16xi32>
            %add3A_246 = arith.addi %add3A_235, %all_reduce_population_count3A_245 : vector<16xi32>
            %mul3A_247 = arith.constant 8 : i32
            %mul3A_248 = arith.muli %scan3A_225, %mul3A_247 : i32
            %add3A_249 = arith.constant 2 : i32
            %add3A_250 = arith.addi %mul3A_248, %add3A_249 : i32
            %mul3A_251 = arith.constant 16 : i32
            %mul3A_252 = arith.muli %add3A_250, %mul3A_251 : i32
            %get3A_253 = arith.index_cast %mul3A_252 : i32 to index
            %get3A_254 = tpu.vector_load %arg4[%get3A_253] {strides = array<i32>} : memref<50176xf32, #tpu.memory_space<vmem>>, vector<16xf32>,
            %ge3A_255 = arith.cmpf oge, %get3A_254, %bitcast3A_211 : vector<16xf32>
            %all_reduce_population_count3A_256 = tpu.all_reduce %ge3A_255 {dim = 0 : i64, kind = #tpu.reduction_kind<sum>} : vector<16xi1> -> vector<16xi32>
            %add3A_257 = arith.addi %add3A_246, %all_reduce_population_count3A_256 : vector<16xi32>
            %mul3A_258 = arith.constant 8 : i32
            %mul3A_259 = arith.muli %scan3A_225, %mul3A_258 : i32
            %add3A_260 = arith.constant 3 : i32
            %add3A_261 = arith.addi %mul3A_259, %add3A_260 : i32
            %mul3A_262 = arith.constant 16 : i32
            %mul3A_263 = arith.muli %add3A_261, %mul3A_262 : i32
            %get3A_264 = arith.index_cast %mul3A_263 : i32 to index
            %get3A_265 = tpu.vector_load %arg4[%get3A_264] {strides = array<i32>} : memref<50176xf32, #tpu.memory_space<vmem>>, vector<16xf32>,
            %ge3A_266 = arith.cmpf oge, %get3A_265, %bitcast3A_211 : vector<16xf32>
            %all_reduce_population_count3A_267 = tpu.all_reduce %ge3A_266 {dim = 0 : i64, kind = #tpu.reduction_kind<sum>} : vector<16xi1> -> vector<16xi32>
            %add3A_268 = arith.addi %add3A_257, %all_reduce_population_count3A_267 : vector<16xi32>
            %mul3A_269 = arith.constant 8 : i32
            %mul3A_270 = arith.muli %scan3A_225, %mul3A_269 : i32
            %add3A_271 = arith.constant 4 : i32
            %add3A_272 = arith.addi %mul3A_270, %add3A_271 : i32
            %mul3A_273 = arith.constant 16 : i32
            %mul3A_274 = arith.muli %add3A_272, %mul3A_273 : i32
            %get3A_275 = arith.index_cast %mul3A_274 : i32 to index
            %get3A_276 = tpu.vector_load %arg4[%get3A_275] {strides = array<i32>} : memref<50176xf32, #tpu.memory_space<vmem>>, vector<16xf32>,
            %ge3A_277 = arith.cmpf oge, %get3A_276, %bitcast3A_211 : vector<16xf32>
            %all_reduce_population_count3A_278 = tpu.all_reduce %ge3A_277 {dim = 0 : i64, kind = #tpu.reduction_kind<sum>} : vector<16xi1> -> vector<16xi32>
            %add3A_279 = arith.addi %add3A_268, %all_reduce_population_count3A_278 : vector<16xi32>
            %mul3A_280 = arith.constant 8 : i32
            %mul3A_281 = arith.muli %scan3A_225, %mul3A_280 : i32
            %add3A_282 = arith.constant 5 : i32
            %add3A_283 = arith.addi %mul3A_281, %add3A_282 : i32
            %mul3A_284 = arith.constant 16 : i32
            %mul3A_285 = arith.muli %add3A_283, %mul3A_284 : i32
            %get3A_286 = arith.index_cast %mul3A_285 : i32 to index
            %get3A_287 = tpu.vector_load %arg4[%get3A_286] {strides = array<i32>} : memref<50176xf32, #tpu.memory_space<vmem>>, vector<16xf32>,
            %ge3A_288 = arith.cmpf oge, %get3A_287, %bitcast3A_211 : vector<16xf32>
            %all_reduce_population_count3A_289 = tpu.all_reduce %ge3A_288 {dim = 0 : i64, kind = #tpu.reduction_kind<sum>} : vector<16xi1> -> vector<16xi32>
            %add3A_290 = arith.addi %add3A_279, %all_reduce_population_count3A_289 : vector<16xi32>
            %mul3A_291 = arith.constant 8 : i32
            %mul3A_292 = arith.muli %scan3A_225, %mul3A_291 : i32
            %add3A_293 = arith.constant 6 : i32
            %add3A_294 = arith.addi %mul3A_292, %add3A_293 : i32
            %mul3A_295 = arith.constant 16 : i32
            %mul3A_296 = arith.muli %add3A_294, %mul3A_295 : i32
            %get3A_297 = arith.index_cast %mul3A_296 : i32 to index
            %get3A_298 = tpu.vector_load %arg4[%get3A_297] {strides = array<i32>} : memref<50176xf32, #tpu.memory_space<vmem>>, vector<16xf32>,
            %ge3A_299 = arith.cmpf oge, %get3A_298, %bitcast3A_211 : vector<16xf32>
            %all_reduce_population_count3A_300 = tpu.all_reduce %ge3A_299 {dim = 0 : i64, kind = #tpu.reduction_kind<sum>} : vector<16xi1> -> vector<16xi32>
            %add3A_301 = arith.addi %add3A_290, %all_reduce_population_count3A_300 : vector<16xi32>
            %mul3A_302 = arith.constant 8 : i32
            %mul3A_303 = arith.muli %scan3A_225, %mul3A_302 : i32
            %add3A_304 = arith.constant 7 : i32
            %add3A_305 = arith.addi %mul3A_303, %add3A_304 : i32
            %mul3A_306 = arith.constant 16 : i32
            %mul3A_307 = arith.muli %add3A_305, %mul3A_306 : i32
            %get3A_308 = arith.index_cast %mul3A_307 : i32 to index
            %get3A_309 = tpu.vector_load %arg4[%get3A_308] {strides = array<i32>} : memref<50176xf32, #tpu.memory_space<vmem>>, vector<16xf32>,
            %ge3A_310 = arith.cmpf oge, %get3A_309, %bitcast3A_211 : vector<16xf32>
            %all_reduce_population_count3A_311 = tpu.all_reduce %ge3A_310 {dim = 0 : i64, kind = #tpu.reduction_kind<sum>} : vector<16xi1> -> vector<16xi32>
            %add3A_312 = arith.addi %add3A_301, %all_reduce_population_count3A_311 : vector<16xi32>
            scf.yield %add3A_312 : vector<16xi32>
          }
          %scan3A_219 = arith.constant 392 : i32
          %gt3A = arith.cmpi sgt, %add3A_203, %scan3A_198 : vector<16xi32>
          %ge3A_220 = arith.constant 50 : i32
          %ge3A_221 = vector.broadcast %ge3A_220 : i32 to vector<16xi32>
          %ge3A_222 = arith.cmpi sge, %scan3A_218, %ge3A_221 : vector<16xi32>
          %and3A_223 = arith.andi %gt3A, %ge3A_222 : vector<16xi1>
          %select_n3A_224 = arith.select %and3A_223, %add3A_203, %scan3A_198 : vector<16xi1>, vector<16xi32>
          scf.yield %select_n3A_224 : vector<16xi32>
        }
        %scan3A_166 = arith.constant 32 : i32
        %ge3A_167 = arith.constant 0 : i32
        %ge3A_168 = vector.broadcast %ge3A_167 : i32 to vector<16xi32>
        %ge3A_169 = arith.cmpi sge, %scan3A_165, %ge3A_168 : vector<16xi32>
        %xor3A_170 = arith.constant 2147483647 : i32
        %xor3A_171 = vector.broadcast %xor3A_170 : i32 to vector<16xi32>
        %xor3A_172 = arith.xori %scan3A_165, %xor3A_171 : vector<16xi32>
        %select_n3A_173 = arith.select %ge3A_169, %scan3A_165, %xor3A_172 : vector<16xi1>, vector<16xi32>
        %bitcast3A_174 = vector.bitcast %select_n3A_173 : vector<16xi32> to vector<16xf32>
        %broadcast_in_dim3A_175 = arith.constant 0.000000e+00 : f32
        %broadcast_in_dim3A_176 = vector.broadcast %broadcast_in_dim3A_175 : f32 to vector<16xf32>
        %broadcast_in_dim3A_177 = arith.constant 0 : i32
        %broadcast_in_dim3A_178 = vector.broadcast %broadcast_in_dim3A_177 : i32 to vector<16xi32>
        %scan3A_179 = arith.constant 0 : i32
        %scan3A_180 = arith.constant 392 : i32
        %scan3A_181 = arith.addi %scan3A_179, %scan3A_180 : i32
        %scan3A_182 = arith.constant 1 : i32
        %scan3A_183:2 = scf.for %scan3A_197 = %scan3A_179 to %scan3A_181 step %scan3A_182 iter_args(%scan3A_198 = %broadcast_in_dim3A_176, %scan3A_199 = %broadcast_in_dim3A_178) -> (vector<16xf32>, vector<16xi32>)  : i32 {
          %mul3A_200 = arith.constant 8 : i32
          %mul3A_201 = arith.muli %scan3A_197, %mul3A_200 : i32
          %add3A_202 = arith.constant 0 : i32
          %add3A_203 = arith.addi %mul3A_201, %add3A_202 : i32
          %mul3A_204 = arith.constant 16 : i32
          %mul3A_205 = arith.muli %add3A_203, %mul3A_204 : i32
          %get3A = arith.index_cast %mul3A_205 : i32 to index
          %get3A_206 = tpu.vector_load %arg4[%get3A] {strides = array<i32>} : memref<50176xf32, #tpu.memory_space<vmem>>, vector<16xf32>,
          %gt3A = arith.cmpf ogt, %get3A_206, %bitcast3A_174 : vector<16xf32>
          %jit3A = arith.constant 0.000000e+00 : f32
          %broadcast_in_dim3A_207 = vector.broadcast %jit3A : f32 to vector<16xf32>
          %select_n3A_208 = arith.select %gt3A, %get3A_206, %broadcast_in_dim3A_207 : vector<16xi1>, vector<16xf32>
          %add3A_209 = arith.addf %scan3A_198, %select_n3A_208 : vector<16xf32>
          %all_reduce_population_count3A = tpu.all_reduce %gt3A {dim = 0 : i64, kind = #tpu.reduction_kind<sum>} : vector<16xi1> -> vector<16xi32>
          %add3A_210 = arith.addi %scan3A_199, %all_reduce_population_count3A : vector<16xi32>
          %mul3A_211 = arith.constant 8 : i32
          %mul3A_212 = arith.muli %scan3A_197, %mul3A_211 : i32
          %add3A_213 = arith.constant 1 : i32
          %add3A_214 = arith.addi %mul3A_212, %add3A_213 : i32
          %mul3A_215 = arith.constant 16 : i32
          %mul3A_216 = arith.muli %add3A_214, %mul3A_215 : i32
          %get3A_217 = arith.index_cast %mul3A_216 : i32 to index
          %get3A_218 = tpu.vector_load %arg4[%get3A_217] {strides = array<i32>} : memref<50176xf32, #tpu.memory_space<vmem>>, vector<16xf32>,
          %gt3A_219 = arith.cmpf ogt, %get3A_218, %bitcast3A_174 : vector<16xf32>
          %jit3A_220 = arith.constant 0.000000e+00 : f32
          %broadcast_in_dim3A_221 = vector.broadcast %jit3A_220 : f32 to vector<16xf32>
          %select_n3A_222 = arith.select %gt3A_219, %get3A_218, %broadcast_in_dim3A_221 : vector<16xi1>, vector<16xf32>
          %add3A_223 = arith.addf %add3A_209, %select_n3A_222 : vector<16xf32>
          %all_reduce_population_count3A_224 = tpu.all_reduce %gt3A_219 {dim = 0 : i64, kind = #tpu.reduction_kind<sum>} : vector<16xi1> -> vector<16xi32>
          %add3A_225 = arith.addi %add3A_210, %all_reduce_population_count3A_224 : vector<16xi32>
          %mul3A_226 = arith.constant 8 : i32
          %mul3A_227 = arith.muli %scan3A_197, %mul3A_226 : i32
          %add3A_228 = arith.constant 2 : i32
          %add3A_229 = arith.addi %mul3A_227, %add3A_228 : i32
          %mul3A_230 = arith.constant 16 : i32
          %mul3A_231 = arith.muli %add3A_229, %mul3A_230 : i32
          %get3A_232 = arith.index_cast %mul3A_231 : i32 to index
          %get3A_233 = tpu.vector_load %arg4[%get3A_232] {strides = array<i32>} : memref<50176xf32, #tpu.memory_space<vmem>>, vector<16xf32>,
          %gt3A_234 = arith.cmpf ogt, %get3A_233, %bitcast3A_174 : vector<16xf32>
          %jit3A_235 = arith.constant 0.000000e+00 : f32
          %broadcast_in_dim3A_236 = vector.broadcast %jit3A_235 : f32 to vector<16xf32>
          %select_n3A_237 = arith.select %gt3A_234, %get3A_233, %broadcast_in_dim3A_236 : vector<16xi1>, vector<16xf32>
          %add3A_238 = arith.addf %add3A_223, %select_n3A_237 : vector<16xf32>
          %all_reduce_population_count3A_239 = tpu.all_reduce %gt3A_234 {dim = 0 : i64, kind = #tpu.reduction_kind<sum>} : vector<16xi1> -> vector<16xi32>
          %add3A_240 = arith.addi %add3A_225, %all_reduce_population_count3A_239 : vector<16xi32>
          %mul3A_241 = arith.constant 8 : i32
          %mul3A_242 = arith.muli %scan3A_197, %mul3A_241 : i32
          %add3A_243 = arith.constant 3 : i32
          %add3A_244 = arith.addi %mul3A_242, %add3A_243 : i32
          %mul3A_245 = arith.constant 16 : i32
          %mul3A_246 = arith.muli %add3A_244, %mul3A_245 : i32
          %get3A_247 = arith.index_cast %mul3A_246 : i32 to index
          %get3A_248 = tpu.vector_load %arg4[%get3A_247] {strides = array<i32>} : memref<50176xf32, #tpu.memory_space<vmem>>, vector<16xf32>,
          %gt3A_249 = arith.cmpf ogt, %get3A_248, %bitcast3A_174 : vector<16xf32>
          %jit3A_250 = arith.constant 0.000000e+00 : f32
          %broadcast_in_dim3A_251 = vector.broadcast %jit3A_250 : f32 to vector<16xf32>
          %select_n3A_252 = arith.select %gt3A_249, %get3A_248, %broadcast_in_dim3A_251 : vector<16xi1>, vector<16xf32>
          %add3A_253 = arith.addf %add3A_238, %select_n3A_252 : vector<16xf32>
          %all_reduce_population_count3A_254 = tpu.all_reduce %gt3A_249 {dim = 0 : i64, kind = #tpu.reduction_kind<sum>} : vector<16xi1> -> vector<16xi32>
          %add3A_255 = arith.addi %add3A_240, %all_reduce_population_count3A_254 : vector<16xi32>
          %mul3A_256 = arith.constant 8 : i32
          %mul3A_257 = arith.muli %scan3A_197, %mul3A_256 : i32
          %add3A_258 = arith.constant 4 : i32
          %add3A_259 = arith.addi %mul3A_257, %add3A_258 : i32
          %mul3A_260 = arith.constant 16 : i32
          %mul3A_261 = arith.muli %add3A_259, %mul3A_260 : i32
          %get3A_262 = arith.index_cast %mul3A_261 : i32 to index
          %get3A_263 = tpu.vector_load %arg4[%get3A_262] {strides = array<i32>} : memref<50176xf32, #tpu.memory_space<vmem>>, vector<16xf32>,
          %gt3A_264 = arith.cmpf ogt, %get3A_263, %bitcast3A_174 : vector<16xf32>
          %jit3A_265 = arith.constant 0.000000e+00 : f32
          %broadcast_in_dim3A_266 = vector.broadcast %jit3A_265 : f32 to vector<16xf32>
          %select_n3A_267 = arith.select %gt3A_264, %get3A_263, %broadcast_in_dim3A_266 : vector<16xi1>, vector<16xf32>
          %add3A_268 = arith.addf %add3A_253, %select_n3A_267 : vector<16xf32>
          %all_reduce_population_count3A_269 = tpu.all_reduce %gt3A_264 {dim = 0 : i64, kind = #tpu.reduction_kind<sum>} : vector<16xi1> -> vector<16xi32>
          %add3A_270 = arith.addi %add3A_255, %all_reduce_population_count3A_269 : vector<16xi32>
          %mul3A_271 = arith.constant 8 : i32
          %mul3A_272 = arith.muli %scan3A_197, %mul3A_271 : i32
          %add3A_273 = arith.constant 5 : i32
          %add3A_274 = arith.addi %mul3A_272, %add3A_273 : i32
          %mul3A_275 = arith.constant 16 : i32
          %mul3A_276 = arith.muli %add3A_274, %mul3A_275 : i32
          %get3A_277 = arith.index_cast %mul3A_276 : i32 to index
          %get3A_278 = tpu.vector_load %arg4[%get3A_277] {strides = array<i32>} : memref<50176xf32, #tpu.memory_space<vmem>>, vector<16xf32>,
          %gt3A_279 = arith.cmpf ogt, %get3A_278, %bitcast3A_174 : vector<16xf32>
          %jit3A_280 = arith.constant 0.000000e+00 : f32
          %broadcast_in_dim3A_281 = vector.broadcast %jit3A_280 : f32 to vector<16xf32>
          %select_n3A_282 = arith.select %gt3A_279, %get3A_278, %broadcast_in_dim3A_281 : vector<16xi1>, vector<16xf32>
          %add3A_283 = arith.addf %add3A_268, %select_n3A_282 : vector<16xf32>
          %all_reduce_population_count3A_284 = tpu.all_reduce %gt3A_279 {dim = 0 : i64, kind = #tpu.reduction_kind<sum>} : vector<16xi1> -> vector<16xi32>
          %add3A_285 = arith.addi %add3A_270, %all_reduce_population_count3A_284 : vector<16xi32>
          %mul3A_286 = arith.constant 8 : i32
          %mul3A_287 = arith.muli %scan3A_197, %mul3A_286 : i32
          %add3A_288 = arith.constant 6 : i32
          %add3A_289 = arith.addi %mul3A_287, %add3A_288 : i32
          %mul3A_290 = arith.constant 16 : i32
          %mul3A_291 = arith.muli %add3A_289, %mul3A_290 : i32
          %get3A_292 = arith.index_cast %mul3A_291 : i32 to index
          %get3A_293 = tpu.vector_load %arg4[%get3A_292] {strides = array<i32>} : memref<50176xf32, #tpu.memory_space<vmem>>, vector<16xf32>,
          %gt3A_294 = arith.cmpf ogt, %get3A_293, %bitcast3A_174 : vector<16xf32>
          %jit3A_295 = arith.constant 0.000000e+00 : f32
          %broadcast_in_dim3A_296 = vector.broadcast %jit3A_295 : f32 to vector<16xf32>
          %select_n3A_297 = arith.select %gt3A_294, %get3A_293, %broadcast_in_dim3A_296 : vector<16xi1>, vector<16xf32>
          %add3A_298 = arith.addf %add3A_283, %select_n3A_297 : vector<16xf32>
          %all_reduce_population_count3A_299 = tpu.all_reduce %gt3A_294 {dim = 0 : i64, kind = #tpu.reduction_kind<sum>} : vector<16xi1> -> vector<16xi32>
          %add3A_300 = arith.addi %add3A_285, %all_reduce_population_count3A_299 : vector<16xi32>
          %mul3A_301 = arith.constant 8 : i32
          %mul3A_302 = arith.muli %scan3A_197, %mul3A_301 : i32
          %add3A_303 = arith.constant 7 : i32
          %add3A_304 = arith.addi %mul3A_302, %add3A_303 : i32
          %mul3A_305 = arith.constant 16 : i32
          %mul3A_306 = arith.muli %add3A_304, %mul3A_305 : i32
          %get3A_307 = arith.index_cast %mul3A_306 : i32 to index
          %get3A_308 = tpu.vector_load %arg4[%get3A_307] {strides = array<i32>} : memref<50176xf32, #tpu.memory_space<vmem>>, vector<16xf32>,
          %gt3A_309 = arith.cmpf ogt, %get3A_308, %bitcast3A_174 : vector<16xf32>
          %jit3A_310 = arith.constant 0.000000e+00 : f32
          %broadcast_in_dim3A_311 = vector.broadcast %jit3A_310 : f32 to vector<16xf32>
          %select_n3A_312 = arith.select %gt3A_309, %get3A_308, %broadcast_in_dim3A_311 : vector<16xi1>, vector<16xf32>
          %add3A_313 = arith.addf %add3A_298, %select_n3A_312 : vector<16xf32>
          %all_reduce_population_count3A_314 = tpu.all_reduce %gt3A_309 {dim = 0 : i64, kind = #tpu.reduction_kind<sum>} : vector<16xi1> -> vector<16xi32>
          %add3A_315 = arith.addi %add3A_300, %all_reduce_population_count3A_314 : vector<16xi32>
          scf.yield %add3A_313, %add3A_315 : vector<16xf32>, vector<16xi32>
        }
        %scan3A_184 = arith.constant 392 : i32
        %broadcast_in_dim3A_185 = arith.constant true
        %broadcast_in_dim3A_186 = vector.broadcast %broadcast_in_dim3A_185 : i1 to vector<16xi1>
        %masked_cumsum3A = tpu.scan <sum>, %scan3A_183#0 masked %broadcast_in_dim3A_186 : vector<16xf32>, vector<16xi1> -> vector<16xf32>
        %broadcast_in_dim3A_187 = arith.constant 15 : i32
        %broadcast_in_dim3A_188 = vector.broadcast %broadcast_in_dim3A_187 : i32 to vector<16x1xi32>
        %gather3A_189 = vector.shape_cast %broadcast_in_dim3A_188 : vector<16x1xi32> to vector<16xi32>
        %gather3A_190 = tpu.dynamic_gather %masked_cumsum3A[%gather3A_189] in [0] : vector<16xf32>, vector<16xi32> -> vector<16xf32>
        %sub3A_191 = arith.constant 50 : i32
        %sub3A_192 = vector.broadcast %sub3A_191 : i32 to vector<16xi32>
        %sub3A_193 = arith.subi %sub3A_192, %scan3A_183#1 : vector<16xi32>
        %convert_element_type3A_194 = arith.sitofp %sub3A_193 : vector<16xi32> to vector<16xf32>
        %mul3A_195 = arith.mulf %convert_element_type3A_194, %bitcast3A_174 : vector<16xf32>
        %add3A_196 = arith.addf %gather3A_190, %mul3A_195 : vector<16xf32>
        scf.yield %add3A_196 : vector<16xf32>
      }
      %ge3A_134 = arith.constant 50 : i32
      %ge3A_135 = arith.cmpi sge, %scan3A_81#1, %ge3A_134 : i32
      %le3A_136 = arith.constant 16384 : i32
      %le3A_137 = arith.cmpi sle, %scan3A_81#1, %le3A_136 : i32
      %and3A_138 = arith.andi %ge3A_135, %le3A_137 : i1
      %convert_element_type3A_139 = arith.extui %and3A_138 : i1 to i32
      %cond3A_140 = arith.constant 0 : i32
      %cond3A_141 = arith.cmpi ne, %convert_element_type3A_139, %cond3A_140 : i32
      %cond3A_142 = scf.if %cond3A_141 -> (vector<16xf32>) {
        %add3A_153 = arith.constant 63 : i32
        %add3A_154 = arith.addi %scan3A_81#1, %add3A_153 : i32
        %shift_right_arithmetic3A = arith.constant 6 : i32
        %shift_right_arithmetic3A_155 = arith.shrsi %add3A_154, %shift_right_arithmetic3A : i32
        %scan3A_156 = arith.constant 0 : i32
        %scan3A_157 = arith.constant 23 : i32
        %scan3A_158 = arith.addi %scan3A_156, %scan3A_157 : i32
        %scan3A_159 = arith.constant 1 : i32
        %scan3A_160 = scf.for %scan3A_196 = %scan3A_156 to %scan3A_158 step %scan3A_159 iter_args(%scan3A_197 = %sub3A_58) -> (vector<16xi32>)  : i32 {
          %sub3A_198 = arith.constant 22 : i32
          %sub3A_199 = arith.subi %sub3A_198, %scan3A_196 : i32
          %shift_left3A = arith.constant 1 : i32
          %shift_left3A_200 = arith.shli %shift_left3A, %sub3A_199 : i32
          %add3A_201 = vector.broadcast %shift_left3A_200 : i32 to vector<16xi32>
          %add3A_202 = arith.addi %scan3A_197, %add3A_201 : vector<16xi32>
          %ge3A_203 = arith.constant 0 : i32
          %ge3A_204 = vector.broadcast %ge3A_203 : i32 to vector<16xi32>
          %ge3A_205 = arith.cmpi sge, %add3A_202, %ge3A_204 : vector<16xi32>
          %xor3A_206 = arith.constant 2147483647 : i32
          %xor3A_207 = vector.broadcast %xor3A_206 : i32 to vector<16xi32>
          %xor3A_208 = arith.xori %add3A_202, %xor3A_207 : vector<16xi32>
          %select_n3A_209 = arith.select %ge3A_205, %add3A_202, %xor3A_208 : vector<16xi1>, vector<16xi32>
          %bitcast3A_210 = vector.bitcast %select_n3A_209 : vector<16xi32> to vector<16xf32>
          %broadcast_in_dim3A_211 = arith.constant 0 : i32
          %broadcast_in_dim3A_212 = vector.broadcast %broadcast_in_dim3A_211 : i32 to vector<16xi32>
          %while3A_213 = arith.constant 0 : i32
          %while3A_214 = arith.subi %shift_right_arithmetic3A_155, %while3A_213 : i32
          %while3A_215 = arith.addi %while3A_213, %while3A_214 : i32
          %while3A_216 = arith.constant 1 : i32
          %while3A_217 = arith.divsi %while3A_214, %while3A_216 : i32
          %while3A_218 = arith.muli %while3A_217, %while3A_216 : i32
          %while3A_219 = arith.addi %while3A_213, %while3A_218 : i32
          %while3A_220 = arith.constant 1 : i32
          %while3A_221 = scf.for %while3A_229 = %while3A_213 to %while3A_219 step %while3A_220 iter_args(%while3A_230 = %broadcast_in_dim3A_212) -> (vector<16xi32>)  : i32 {
            %mul3A_231 = arith.constant 4 : i32
            %mul3A_232 = arith.muli %while3A_229, %mul3A_231 : i32
            %add3A_233 = arith.constant 0 : i32
            %add3A_234 = arith.addi %mul3A_232, %add3A_233 : i32
            %mul3A_235 = arith.constant 16 : i32
            %mul3A_236 = arith.muli %add3A_234, %mul3A_235 : i32
            %get3A = arith.index_cast %mul3A_236 : i32 to index
            %get3A_237 = tpu.vector_load %arg6[%get3A] {strides = array<i32>} : memref<16464xf32, #tpu.memory_space<vmem>>, vector<16xf32>,
            %ge3A_238 = arith.cmpf oge, %get3A_237, %bitcast3A_210 : vector<16xf32>
            %all_reduce_population_count3A = tpu.all_reduce %ge3A_238 {dim = 0 : i64, kind = #tpu.reduction_kind<sum>} : vector<16xi1> -> vector<16xi32>
            %add3A_239 = arith.addi %while3A_230, %all_reduce_population_count3A : vector<16xi32>
            %mul3A_240 = arith.constant 4 : i32
            %mul3A_241 = arith.muli %while3A_229, %mul3A_240 : i32
            %add3A_242 = arith.constant 1 : i32
            %add3A_243 = arith.addi %mul3A_241, %add3A_242 : i32
            %mul3A_244 = arith.constant 16 : i32
            %mul3A_245 = arith.muli %add3A_243, %mul3A_244 : i32
            %get3A_246 = arith.index_cast %mul3A_245 : i32 to index
            %get3A_247 = tpu.vector_load %arg6[%get3A_246] {strides = array<i32>} : memref<16464xf32, #tpu.memory_space<vmem>>, vector<16xf32>,
            %ge3A_248 = arith.cmpf oge, %get3A_247, %bitcast3A_210 : vector<16xf32>
            %all_reduce_population_count3A_249 = tpu.all_reduce %ge3A_248 {dim = 0 : i64, kind = #tpu.reduction_kind<sum>} : vector<16xi1> -> vector<16xi32>
            %add3A_250 = arith.addi %add3A_239, %all_reduce_population_count3A_249 : vector<16xi32>
            %mul3A_251 = arith.constant 4 : i32
            %mul3A_252 = arith.muli %while3A_229, %mul3A_251 : i32
            %add3A_253 = arith.constant 2 : i32
            %add3A_254 = arith.addi %mul3A_252, %add3A_253 : i32
            %mul3A_255 = arith.constant 16 : i32
            %mul3A_256 = arith.muli %add3A_254, %mul3A_255 : i32
            %get3A_257 = arith.index_cast %mul3A_256 : i32 to index
            %get3A_258 = tpu.vector_load %arg6[%get3A_257] {strides = array<i32>} : memref<16464xf32, #tpu.memory_space<vmem>>, vector<16xf32>,
            %ge3A_259 = arith.cmpf oge, %get3A_258, %bitcast3A_210 : vector<16xf32>
            %all_reduce_population_count3A_260 = tpu.all_reduce %ge3A_259 {dim = 0 : i64, kind = #tpu.reduction_kind<sum>} : vector<16xi1> -> vector<16xi32>
            %add3A_261 = arith.addi %add3A_250, %all_reduce_population_count3A_260 : vector<16xi32>
            %mul3A_262 = arith.constant 4 : i32
            %mul3A_263 = arith.muli %while3A_229, %mul3A_262 : i32
            %add3A_264 = arith.constant 3 : i32
            %add3A_265 = arith.addi %mul3A_263, %add3A_264 : i32
            %mul3A_266 = arith.constant 16 : i32
            %mul3A_267 = arith.muli %add3A_265, %mul3A_266 : i32
            %get3A_268 = arith.index_cast %mul3A_267 : i32 to index
            %get3A_269 = tpu.vector_load %arg6[%get3A_268] {strides = array<i32>} : memref<16464xf32, #tpu.memory_space<vmem>>, vector<16xf32>,
            %ge3A_270 = arith.cmpf oge, %get3A_269, %bitcast3A_210 : vector<16xf32>
            %all_reduce_population_count3A_271 = tpu.all_reduce %ge3A_270 {dim = 0 : i64, kind = #tpu.reduction_kind<sum>} : vector<16xi1> -> vector<16xi32>
            %add3A_272 = arith.addi %add3A_261, %all_reduce_population_count3A_271 : vector<16xi32>
            scf.yield %add3A_272 : vector<16xi32>
          }
          %while3A_222 = arith.constant 1 : i32
          %while3A_223 = scf.for %while3A_229 = %while3A_219 to %while3A_215 step %while3A_222 iter_args(%while3A_230 = %while3A_221) -> (vector<16xi32>)  : i32 {
            %mul3A_231 = arith.constant 4 : i32
            %mul3A_232 = arith.muli %while3A_229, %mul3A_231 : i32
            %add3A_233 = arith.constant 0 : i32
            %add3A_234 = arith.addi %mul3A_232, %add3A_233 : i32
            %mul3A_235 = arith.constant 16 : i32
            %mul3A_236 = arith.muli %add3A_234, %mul3A_235 : i32
            %get3A = arith.index_cast %mul3A_236 : i32 to index
            %get3A_237 = tpu.vector_load %arg6[%get3A] {strides = array<i32>} : memref<16464xf32, #tpu.memory_space<vmem>>, vector<16xf32>,
            %ge3A_238 = arith.cmpf oge, %get3A_237, %bitcast3A_210 : vector<16xf32>
            %all_reduce_population_count3A = tpu.all_reduce %ge3A_238 {dim = 0 : i64, kind = #tpu.reduction_kind<sum>} : vector<16xi1> -> vector<16xi32>
            %add3A_239 = arith.addi %while3A_230, %all_reduce_population_count3A : vector<16xi32>
            %mul3A_240 = arith.constant 4 : i32
            %mul3A_241 = arith.muli %while3A_229, %mul3A_240 : i32
            %add3A_242 = arith.constant 1 : i32
            %add3A_243 = arith.addi %mul3A_241, %add3A_242 : i32
            %mul3A_244 = arith.constant 16 : i32
            %mul3A_245 = arith.muli %add3A_243, %mul3A_244 : i32
            %get3A_246 = arith.index_cast %mul3A_245 : i32 to index
            %get3A_247 = tpu.vector_load %arg6[%get3A_246] {strides = array<i32>} : memref<16464xf32, #tpu.memory_space<vmem>>, vector<16xf32>,
            %ge3A_248 = arith.cmpf oge, %get3A_247, %bitcast3A_210 : vector<16xf32>
            %all_reduce_population_count3A_249 = tpu.all_reduce %ge3A_248 {dim = 0 : i64, kind = #tpu.reduction_kind<sum>} : vector<16xi1> -> vector<16xi32>
            %add3A_250 = arith.addi %add3A_239, %all_reduce_population_count3A_249 : vector<16xi32>
            %mul3A_251 = arith.constant 4 : i32
            %mul3A_252 = arith.muli %while3A_229, %mul3A_251 : i32
            %add3A_253 = arith.constant 2 : i32
            %add3A_254 = arith.addi %mul3A_252, %add3A_253 : i32
            %mul3A_255 = arith.constant 16 : i32
            %mul3A_256 = arith.muli %add3A_254, %mul3A_255 : i32
            %get3A_257 = arith.index_cast %mul3A_256 : i32 to index
            %get3A_258 = tpu.vector_load %arg6[%get3A_257] {strides = array<i32>} : memref<16464xf32, #tpu.memory_space<vmem>>, vector<16xf32>,
            %ge3A_259 = arith.cmpf oge, %get3A_258, %bitcast3A_210 : vector<16xf32>
            %all_reduce_population_count3A_260 = tpu.all_reduce %ge3A_259 {dim = 0 : i64, kind = #tpu.reduction_kind<sum>} : vector<16xi1> -> vector<16xi32>
            %add3A_261 = arith.addi %add3A_250, %all_reduce_population_count3A_260 : vector<16xi32>
            %mul3A_262 = arith.constant 4 : i32
            %mul3A_263 = arith.muli %while3A_229, %mul3A_262 : i32
            %add3A_264 = arith.constant 3 : i32
            %add3A_265 = arith.addi %mul3A_263, %add3A_264 : i32
            %mul3A_266 = arith.constant 16 : i32
            %mul3A_267 = arith.muli %add3A_265, %mul3A_266 : i32
            %get3A_268 = arith.index_cast %mul3A_267 : i32 to index
            %get3A_269 = tpu.vector_load %arg6[%get3A_268] {strides = array<i32>} : memref<16464xf32, #tpu.memory_space<vmem>>, vector<16xf32>,
            %ge3A_270 = arith.cmpf oge, %get3A_269, %bitcast3A_210 : vector<16xf32>
            %all_reduce_population_count3A_271 = tpu.all_reduce %ge3A_270 {dim = 0 : i64, kind = #tpu.reduction_kind<sum>} : vector<16xi1> -> vector<16xi32>
            %add3A_272 = arith.addi %add3A_261, %all_reduce_population_count3A_271 : vector<16xi32>
            scf.yield %add3A_272 : vector<16xi32>
          }
          %gt3A = arith.cmpi sgt, %add3A_202, %scan3A_197 : vector<16xi32>
          %ge3A_224 = arith.constant 50 : i32
          %ge3A_225 = vector.broadcast %ge3A_224 : i32 to vector<16xi32>
          %ge3A_226 = arith.cmpi sge, %while3A_223, %ge3A_225 : vector<16xi32>
          %and3A_227 = arith.andi %gt3A, %ge3A_226 : vector<16xi1>
          %select_n3A_228 = arith.select %and3A_227, %add3A_202, %scan3A_197 : vector<16xi1>, vector<16xi32>
          scf.yield %select_n3A_228 : vector<16xi32>
        }
        %scan3A_161 = arith.constant 23 : i32
        %ge3A_162 = arith.constant 0 : i32
        %ge3A_163 = vector.broadcast %ge3A_162 : i32 to vector<16xi32>
        %ge3A_164 = arith.cmpi sge, %scan3A_160, %ge3A_163 : vector<16xi32>
        %xor3A_165 = arith.constant 2147483647 : i32
        %xor3A_166 = vector.broadcast %xor3A_165 : i32 to vector<16xi32>
        %xor3A_167 = arith.xori %scan3A_160, %xor3A_166 : vector<16xi32>
        %select_n3A_168 = arith.select %ge3A_164, %scan3A_160, %xor3A_167 : vector<16xi1>, vector<16xi32>
        %bitcast3A_169 = vector.bitcast %select_n3A_168 : vector<16xi32> to vector<16xf32>
        %broadcast_in_dim3A_170 = arith.constant 0.000000e+00 : f32
        %broadcast_in_dim3A_171 = vector.broadcast %broadcast_in_dim3A_170 : f32 to vector<16xf32>
        %broadcast_in_dim3A_172 = arith.constant 0 : i32
        %broadcast_in_dim3A_173 = vector.broadcast %broadcast_in_dim3A_172 : i32 to vector<16xi32>
        %while3A = arith.constant 0 : i32
        %while3A_174 = arith.subi %shift_right_arithmetic3A_155, %while3A : i32
        %while3A_175 = arith.addi %while3A, %while3A_174 : i32
        %while3A_176 = arith.constant 1 : i32
        %while3A_177 = arith.divsi %while3A_174, %while3A_176 : i32
        %while3A_178 = arith.muli %while3A_177, %while3A_176 : i32
        %while3A_179 = arith.addi %while3A, %while3A_178 : i32
        %while3A_180 = arith.constant 1 : i32
        %while3A_181:2 = scf.for %while3A_196 = %while3A to %while3A_179 step %while3A_180 iter_args(%while3A_197 = %broadcast_in_dim3A_171, %while3A_198 = %broadcast_in_dim3A_173) -> (vector<16xf32>, vector<16xi32>)  : i32 {
          %mul3A_199 = arith.constant 4 : i32
          %mul3A_200 = arith.muli %while3A_196, %mul3A_199 : i32
          %add3A_201 = arith.constant 0 : i32
          %add3A_202 = arith.addi %mul3A_200, %add3A_201 : i32
          %mul3A_203 = arith.constant 16 : i32
          %mul3A_204 = arith.muli %add3A_202, %mul3A_203 : i32
          %get3A = arith.index_cast %mul3A_204 : i32 to index
          %get3A_205 = tpu.vector_load %arg6[%get3A] {strides = array<i32>} : memref<16464xf32, #tpu.memory_space<vmem>>, vector<16xf32>,
          %gt3A = arith.cmpf ogt, %get3A_205, %bitcast3A_169 : vector<16xf32>
          %jit3A = arith.constant 0.000000e+00 : f32
          %broadcast_in_dim3A_206 = vector.broadcast %jit3A : f32 to vector<16xf32>
          %select_n3A_207 = arith.select %gt3A, %get3A_205, %broadcast_in_dim3A_206 : vector<16xi1>, vector<16xf32>
          %add3A_208 = arith.addf %while3A_197, %select_n3A_207 : vector<16xf32>
          %all_reduce_population_count3A = tpu.all_reduce %gt3A {dim = 0 : i64, kind = #tpu.reduction_kind<sum>} : vector<16xi1> -> vector<16xi32>
          %add3A_209 = arith.addi %while3A_198, %all_reduce_population_count3A : vector<16xi32>
          %mul3A_210 = arith.constant 4 : i32
          %mul3A_211 = arith.muli %while3A_196, %mul3A_210 : i32
          %add3A_212 = arith.constant 1 : i32
          %add3A_213 = arith.addi %mul3A_211, %add3A_212 : i32
          %mul3A_214 = arith.constant 16 : i32
          %mul3A_215 = arith.muli %add3A_213, %mul3A_214 : i32
          %get3A_216 = arith.index_cast %mul3A_215 : i32 to index
          %get3A_217 = tpu.vector_load %arg6[%get3A_216] {strides = array<i32>} : memref<16464xf32, #tpu.memory_space<vmem>>, vector<16xf32>,
          %gt3A_218 = arith.cmpf ogt, %get3A_217, %bitcast3A_169 : vector<16xf32>
          %jit3A_219 = arith.constant 0.000000e+00 : f32
          %broadcast_in_dim3A_220 = vector.broadcast %jit3A_219 : f32 to vector<16xf32>
          %select_n3A_221 = arith.select %gt3A_218, %get3A_217, %broadcast_in_dim3A_220 : vector<16xi1>, vector<16xf32>
          %add3A_222 = arith.addf %add3A_208, %select_n3A_221 : vector<16xf32>
          %all_reduce_population_count3A_223 = tpu.all_reduce %gt3A_218 {dim = 0 : i64, kind = #tpu.reduction_kind<sum>} : vector<16xi1> -> vector<16xi32>
          %add3A_224 = arith.addi %add3A_209, %all_reduce_population_count3A_223 : vector<16xi32>
          %mul3A_225 = arith.constant 4 : i32
          %mul3A_226 = arith.muli %while3A_196, %mul3A_225 : i32
          %add3A_227 = arith.constant 2 : i32
          %add3A_228 = arith.addi %mul3A_226, %add3A_227 : i32
          %mul3A_229 = arith.constant 16 : i32
          %mul3A_230 = arith.muli %add3A_228, %mul3A_229 : i32
          %get3A_231 = arith.index_cast %mul3A_230 : i32 to index
          %get3A_232 = tpu.vector_load %arg6[%get3A_231] {strides = array<i32>} : memref<16464xf32, #tpu.memory_space<vmem>>, vector<16xf32>,
          %gt3A_233 = arith.cmpf ogt, %get3A_232, %bitcast3A_169 : vector<16xf32>
          %jit3A_234 = arith.constant 0.000000e+00 : f32
          %broadcast_in_dim3A_235 = vector.broadcast %jit3A_234 : f32 to vector<16xf32>
          %select_n3A_236 = arith.select %gt3A_233, %get3A_232, %broadcast_in_dim3A_235 : vector<16xi1>, vector<16xf32>
          %add3A_237 = arith.addf %add3A_222, %select_n3A_236 : vector<16xf32>
          %all_reduce_population_count3A_238 = tpu.all_reduce %gt3A_233 {dim = 0 : i64, kind = #tpu.reduction_kind<sum>} : vector<16xi1> -> vector<16xi32>
          %add3A_239 = arith.addi %add3A_224, %all_reduce_population_count3A_238 : vector<16xi32>
          %mul3A_240 = arith.constant 4 : i32
          %mul3A_241 = arith.muli %while3A_196, %mul3A_240 : i32
          %add3A_242 = arith.constant 3 : i32
          %add3A_243 = arith.addi %mul3A_241, %add3A_242 : i32
          %mul3A_244 = arith.constant 16 : i32
          %mul3A_245 = arith.muli %add3A_243, %mul3A_244 : i32
          %get3A_246 = arith.index_cast %mul3A_245 : i32 to index
          %get3A_247 = tpu.vector_load %arg6[%get3A_246] {strides = array<i32>} : memref<16464xf32, #tpu.memory_space<vmem>>, vector<16xf32>,
          %gt3A_248 = arith.cmpf ogt, %get3A_247, %bitcast3A_169 : vector<16xf32>
          %jit3A_249 = arith.constant 0.000000e+00 : f32
          %broadcast_in_dim3A_250 = vector.broadcast %jit3A_249 : f32 to vector<16xf32>
          %select_n3A_251 = arith.select %gt3A_248, %get3A_247, %broadcast_in_dim3A_250 : vector<16xi1>, vector<16xf32>
          %add3A_252 = arith.addf %add3A_237, %select_n3A_251 : vector<16xf32>
          %all_reduce_population_count3A_253 = tpu.all_reduce %gt3A_248 {dim = 0 : i64, kind = #tpu.reduction_kind<sum>} : vector<16xi1> -> vector<16xi32>
          %add3A_254 = arith.addi %add3A_239, %all_reduce_population_count3A_253 : vector<16xi32>
          scf.yield %add3A_252, %add3A_254 : vector<16xf32>, vector<16xi32>
        }
        %while3A_182 = arith.constant 1 : i32
        %while3A_183:2 = scf.for %while3A_196 = %while3A_179 to %while3A_175 step %while3A_182 iter_args(%while3A_197 = %while3A_181#0, %while3A_198 = %while3A_181#1) -> (vector<16xf32>, vector<16xi32>)  : i32 {
          %mul3A_199 = arith.constant 4 : i32
          %mul3A_200 = arith.muli %while3A_196, %mul3A_199 : i32
          %add3A_201 = arith.constant 0 : i32
          %add3A_202 = arith.addi %mul3A_200, %add3A_201 : i32
          %mul3A_203 = arith.constant 16 : i32
          %mul3A_204 = arith.muli %add3A_202, %mul3A_203 : i32
          %get3A = arith.index_cast %mul3A_204 : i32 to index
          %get3A_205 = tpu.vector_load %arg6[%get3A] {strides = array<i32>} : memref<16464xf32, #tpu.memory_space<vmem>>, vector<16xf32>,
          %gt3A = arith.cmpf ogt, %get3A_205, %bitcast3A_169 : vector<16xf32>
          %jit3A = arith.constant 0.000000e+00 : f32
          %broadcast_in_dim3A_206 = vector.broadcast %jit3A : f32 to vector<16xf32>
          %select_n3A_207 = arith.select %gt3A, %get3A_205, %broadcast_in_dim3A_206 : vector<16xi1>, vector<16xf32>
          %add3A_208 = arith.addf %while3A_197, %select_n3A_207 : vector<16xf32>
          %all_reduce_population_count3A = tpu.all_reduce %gt3A {dim = 0 : i64, kind = #tpu.reduction_kind<sum>} : vector<16xi1> -> vector<16xi32>
          %add3A_209 = arith.addi %while3A_198, %all_reduce_population_count3A : vector<16xi32>
          %mul3A_210 = arith.constant 4 : i32
          %mul3A_211 = arith.muli %while3A_196, %mul3A_210 : i32
          %add3A_212 = arith.constant 1 : i32
          %add3A_213 = arith.addi %mul3A_211, %add3A_212 : i32
          %mul3A_214 = arith.constant 16 : i32
          %mul3A_215 = arith.muli %add3A_213, %mul3A_214 : i32
          %get3A_216 = arith.index_cast %mul3A_215 : i32 to index
          %get3A_217 = tpu.vector_load %arg6[%get3A_216] {strides = array<i32>} : memref<16464xf32, #tpu.memory_space<vmem>>, vector<16xf32>,
          %gt3A_218 = arith.cmpf ogt, %get3A_217, %bitcast3A_169 : vector<16xf32>
          %jit3A_219 = arith.constant 0.000000e+00 : f32
          %broadcast_in_dim3A_220 = vector.broadcast %jit3A_219 : f32 to vector<16xf32>
          %select_n3A_221 = arith.select %gt3A_218, %get3A_217, %broadcast_in_dim3A_220 : vector<16xi1>, vector<16xf32>
          %add3A_222 = arith.addf %add3A_208, %select_n3A_221 : vector<16xf32>
          %all_reduce_population_count3A_223 = tpu.all_reduce %gt3A_218 {dim = 0 : i64, kind = #tpu.reduction_kind<sum>} : vector<16xi1> -> vector<16xi32>
          %add3A_224 = arith.addi %add3A_209, %all_reduce_population_count3A_223 : vector<16xi32>
          %mul3A_225 = arith.constant 4 : i32
          %mul3A_226 = arith.muli %while3A_196, %mul3A_225 : i32
          %add3A_227 = arith.constant 2 : i32
          %add3A_228 = arith.addi %mul3A_226, %add3A_227 : i32
          %mul3A_229 = arith.constant 16 : i32
          %mul3A_230 = arith.muli %add3A_228, %mul3A_229 : i32
          %get3A_231 = arith.index_cast %mul3A_230 : i32 to index
          %get3A_232 = tpu.vector_load %arg6[%get3A_231] {strides = array<i32>} : memref<16464xf32, #tpu.memory_space<vmem>>, vector<16xf32>,
          %gt3A_233 = arith.cmpf ogt, %get3A_232, %bitcast3A_169 : vector<16xf32>
          %jit3A_234 = arith.constant 0.000000e+00 : f32
          %broadcast_in_dim3A_235 = vector.broadcast %jit3A_234 : f32 to vector<16xf32>
          %select_n3A_236 = arith.select %gt3A_233, %get3A_232, %broadcast_in_dim3A_235 : vector<16xi1>, vector<16xf32>
          %add3A_237 = arith.addf %add3A_222, %select_n3A_236 : vector<16xf32>
          %all_reduce_population_count3A_238 = tpu.all_reduce %gt3A_233 {dim = 0 : i64, kind = #tpu.reduction_kind<sum>} : vector<16xi1> -> vector<16xi32>
          %add3A_239 = arith.addi %add3A_224, %all_reduce_population_count3A_238 : vector<16xi32>
          %mul3A_240 = arith.constant 4 : i32
          %mul3A_241 = arith.muli %while3A_196, %mul3A_240 : i32
          %add3A_242 = arith.constant 3 : i32
          %add3A_243 = arith.addi %mul3A_241, %add3A_242 : i32
          %mul3A_244 = arith.constant 16 : i32
          %mul3A_245 = arith.muli %add3A_243, %mul3A_244 : i32
          %get3A_246 = arith.index_cast %mul3A_245 : i32 to index
          %get3A_247 = tpu.vector_load %arg6[%get3A_246] {strides = array<i32>} : memref<16464xf32, #tpu.memory_space<vmem>>, vector<16xf32>,
          %gt3A_248 = arith.cmpf ogt, %get3A_247, %bitcast3A_169 : vector<16xf32>
          %jit3A_249 = arith.constant 0.000000e+00 : f32
          %broadcast_in_dim3A_250 = vector.broadcast %jit3A_249 : f32 to vector<16xf32>
          %select_n3A_251 = arith.select %gt3A_248, %get3A_247, %broadcast_in_dim3A_250 : vector<16xi1>, vector<16xf32>
          %add3A_252 = arith.addf %add3A_237, %select_n3A_251 : vector<16xf32>
          %all_reduce_population_count3A_253 = tpu.all_reduce %gt3A_248 {dim = 0 : i64, kind = #tpu.reduction_kind<sum>} : vector<16xi1> -> vector<16xi32>
          %add3A_254 = arith.addi %add3A_239, %all_reduce_population_count3A_253 : vector<16xi32>
          scf.yield %add3A_252, %add3A_254 : vector<16xf32>, vector<16xi32>
        }
        %broadcast_in_dim3A_184 = arith.constant true
        %broadcast_in_dim3A_185 = vector.broadcast %broadcast_in_dim3A_184 : i1 to vector<16xi1>
        %masked_cumsum3A = tpu.scan <sum>, %while3A_183#0 masked %broadcast_in_dim3A_185 : vector<16xf32>, vector<16xi1> -> vector<16xf32>
        %broadcast_in_dim3A_186 = arith.constant 15 : i32
        %broadcast_in_dim3A_187 = vector.broadcast %broadcast_in_dim3A_186 : i32 to vector<16x1xi32>
        %gather3A_188 = vector.shape_cast %broadcast_in_dim3A_187 : vector<16x1xi32> to vector<16xi32>
        %gather3A_189 = tpu.dynamic_gather %masked_cumsum3A[%gather3A_188] in [0] : vector<16xf32>, vector<16xi32> -> vector<16xf32>
        %sub3A_190 = arith.constant 50 : i32
        %sub3A_191 = vector.broadcast %sub3A_190 : i32 to vector<16xi32>
        %sub3A_192 = arith.subi %sub3A_191, %while3A_183#1 : vector<16xi32>
        %convert_element_type3A_193 = arith.sitofp %sub3A_192 : vector<16xi32> to vector<16xf32>
        %mul3A_194 = arith.mulf %convert_element_type3A_193, %bitcast3A_169 : vector<16xf32>
        %add3A_195 = arith.addf %gather3A_189, %mul3A_194 : vector<16xf32>
        scf.yield %add3A_195 : vector<16xf32>
      } else {
        %neg3A_153 = arith.constant 0.000000e+00 : f32
        %neg3A_154 = vector.broadcast %neg3A_153 : f32 to vector<16xf32>
        %neg3A_155 = arith.subf %neg3A_154, %gather3A_25 : vector<16xf32>
        %bitcast3A_156 = vector.bitcast %neg3A_155 : vector<16xf32> to vector<16xi32>
        %ge3A_157 = arith.constant 0 : i32
        %ge3A_158 = vector.broadcast %ge3A_157 : i32 to vector<16xi32>
        %ge3A_159 = arith.cmpi sge, %bitcast3A_156, %ge3A_158 : vector<16xi32>
        %xor3A_160 = arith.constant 2147483647 : i32
        %xor3A_161 = vector.broadcast %xor3A_160 : i32 to vector<16xi32>
        %xor3A_162 = arith.xori %bitcast3A_156, %xor3A_161 : vector<16xi32>
        %select_n3A_163 = arith.select %ge3A_159, %bitcast3A_156, %xor3A_162 : vector<16xi1>, vector<16xi32>
        %scan3A_164 = arith.constant 0 : i32
        %scan3A_165 = arith.constant 32 : i32
        %scan3A_166 = arith.addi %scan3A_164, %scan3A_165 : i32
        %scan3A_167 = arith.constant 1 : i32
        %scan3A_168 = scf.for %scan3A_200 = %scan3A_164 to %scan3A_166 step %scan3A_167 iter_args(%scan3A_201 = %select_n3A_163) -> (vector<16xi32>)  : i32 {
          %sub3A_202 = arith.constant 31 : i32
          %sub3A_203 = arith.subi %sub3A_202, %scan3A_200 : i32
          %shift_left3A = arith.constant 1 : i32
          %shift_left3A_204 = arith.shli %shift_left3A, %sub3A_203 : i32
          %add3A_205 = vector.broadcast %shift_left3A_204 : i32 to vector<16xi32>
          %add3A_206 = arith.addi %scan3A_201, %add3A_205 : vector<16xi32>
          %ge3A_207 = arith.constant 0 : i32
          %ge3A_208 = vector.broadcast %ge3A_207 : i32 to vector<16xi32>
          %ge3A_209 = arith.cmpi sge, %add3A_206, %ge3A_208 : vector<16xi32>
          %xor3A_210 = arith.constant 2147483647 : i32
          %xor3A_211 = vector.broadcast %xor3A_210 : i32 to vector<16xi32>
          %xor3A_212 = arith.xori %add3A_206, %xor3A_211 : vector<16xi32>
          %select_n3A_213 = arith.select %ge3A_209, %add3A_206, %xor3A_212 : vector<16xi1>, vector<16xi32>
          %bitcast3A_214 = vector.bitcast %select_n3A_213 : vector<16xi32> to vector<16xf32>
          %broadcast_in_dim3A_215 = arith.constant 0 : i32
          %broadcast_in_dim3A_216 = vector.broadcast %broadcast_in_dim3A_215 : i32 to vector<16xi32>
          %scan3A_217 = arith.constant 0 : i32
          %scan3A_218 = arith.constant 392 : i32
          %scan3A_219 = arith.addi %scan3A_217, %scan3A_218 : i32
          %scan3A_220 = arith.constant 1 : i32
          %scan3A_221 = scf.for %scan3A_228 = %scan3A_217 to %scan3A_219 step %scan3A_220 iter_args(%scan3A_229 = %broadcast_in_dim3A_216) -> (vector<16xi32>)  : i32 {
            %mul3A_230 = arith.constant 8 : i32
            %mul3A_231 = arith.muli %scan3A_228, %mul3A_230 : i32
            %add3A_232 = arith.constant 0 : i32
            %add3A_233 = arith.addi %mul3A_231, %add3A_232 : i32
            %mul3A_234 = arith.constant 16 : i32
            %mul3A_235 = arith.muli %add3A_233, %mul3A_234 : i32
            %get3A = arith.index_cast %mul3A_235 : i32 to index
            %get3A_236 = tpu.vector_load %arg4[%get3A] {strides = array<i32>} : memref<50176xf32, #tpu.memory_space<vmem>>, vector<16xf32>,
            %neg3A_237 = arith.constant 0.000000e+00 : f32
            %neg3A_238 = vector.broadcast %neg3A_237 : f32 to vector<16xf32>
            %neg3A_239 = arith.subf %neg3A_238, %get3A_236 : vector<16xf32>
            %ge3A_240 = arith.cmpf oge, %neg3A_239, %bitcast3A_214 : vector<16xf32>
            %all_reduce_population_count3A = tpu.all_reduce %ge3A_240 {dim = 0 : i64, kind = #tpu.reduction_kind<sum>} : vector<16xi1> -> vector<16xi32>
            %add3A_241 = arith.addi %scan3A_229, %all_reduce_population_count3A : vector<16xi32>
            %mul3A_242 = arith.constant 8 : i32
            %mul3A_243 = arith.muli %scan3A_228, %mul3A_242 : i32
            %add3A_244 = arith.constant 1 : i32
            %add3A_245 = arith.addi %mul3A_243, %add3A_244 : i32
            %mul3A_246 = arith.constant 16 : i32
            %mul3A_247 = arith.muli %add3A_245, %mul3A_246 : i32
            %get3A_248 = arith.index_cast %mul3A_247 : i32 to index
            %get3A_249 = tpu.vector_load %arg4[%get3A_248] {strides = array<i32>} : memref<50176xf32, #tpu.memory_space<vmem>>, vector<16xf32>,
            %neg3A_250 = arith.constant 0.000000e+00 : f32
            %neg3A_251 = vector.broadcast %neg3A_250 : f32 to vector<16xf32>
            %neg3A_252 = arith.subf %neg3A_251, %get3A_249 : vector<16xf32>
            %ge3A_253 = arith.cmpf oge, %neg3A_252, %bitcast3A_214 : vector<16xf32>
            %all_reduce_population_count3A_254 = tpu.all_reduce %ge3A_253 {dim = 0 : i64, kind = #tpu.reduction_kind<sum>} : vector<16xi1> -> vector<16xi32>
            %add3A_255 = arith.addi %add3A_241, %all_reduce_population_count3A_254 : vector<16xi32>
            %mul3A_256 = arith.constant 8 : i32
            %mul3A_257 = arith.muli %scan3A_228, %mul3A_256 : i32
            %add3A_258 = arith.constant 2 : i32
            %add3A_259 = arith.addi %mul3A_257, %add3A_258 : i32
            %mul3A_260 = arith.constant 16 : i32
            %mul3A_261 = arith.muli %add3A_259, %mul3A_260 : i32
            %get3A_262 = arith.index_cast %mul3A_261 : i32 to index
            %get3A_263 = tpu.vector_load %arg4[%get3A_262] {strides = array<i32>} : memref<50176xf32, #tpu.memory_space<vmem>>, vector<16xf32>,
            %neg3A_264 = arith.constant 0.000000e+00 : f32
            %neg3A_265 = vector.broadcast %neg3A_264 : f32 to vector<16xf32>
            %neg3A_266 = arith.subf %neg3A_265, %get3A_263 : vector<16xf32>
            %ge3A_267 = arith.cmpf oge, %neg3A_266, %bitcast3A_214 : vector<16xf32>
            %all_reduce_population_count3A_268 = tpu.all_reduce %ge3A_267 {dim = 0 : i64, kind = #tpu.reduction_kind<sum>} : vector<16xi1> -> vector<16xi32>
            %add3A_269 = arith.addi %add3A_255, %all_reduce_population_count3A_268 : vector<16xi32>
            %mul3A_270 = arith.constant 8 : i32
            %mul3A_271 = arith.muli %scan3A_228, %mul3A_270 : i32
            %add3A_272 = arith.constant 3 : i32
            %add3A_273 = arith.addi %mul3A_271, %add3A_272 : i32
            %mul3A_274 = arith.constant 16 : i32
            %mul3A_275 = arith.muli %add3A_273, %mul3A_274 : i32
            %get3A_276 = arith.index_cast %mul3A_275 : i32 to index
            %get3A_277 = tpu.vector_load %arg4[%get3A_276] {strides = array<i32>} : memref<50176xf32, #tpu.memory_space<vmem>>, vector<16xf32>,
            %neg3A_278 = arith.constant 0.000000e+00 : f32
            %neg3A_279 = vector.broadcast %neg3A_278 : f32 to vector<16xf32>
            %neg3A_280 = arith.subf %neg3A_279, %get3A_277 : vector<16xf32>
            %ge3A_281 = arith.cmpf oge, %neg3A_280, %bitcast3A_214 : vector<16xf32>
            %all_reduce_population_count3A_282 = tpu.all_reduce %ge3A_281 {dim = 0 : i64, kind = #tpu.reduction_kind<sum>} : vector<16xi1> -> vector<16xi32>
            %add3A_283 = arith.addi %add3A_269, %all_reduce_population_count3A_282 : vector<16xi32>
            %mul3A_284 = arith.constant 8 : i32
            %mul3A_285 = arith.muli %scan3A_228, %mul3A_284 : i32
            %add3A_286 = arith.constant 4 : i32
            %add3A_287 = arith.addi %mul3A_285, %add3A_286 : i32
            %mul3A_288 = arith.constant 16 : i32
            %mul3A_289 = arith.muli %add3A_287, %mul3A_288 : i32
            %get3A_290 = arith.index_cast %mul3A_289 : i32 to index
            %get3A_291 = tpu.vector_load %arg4[%get3A_290] {strides = array<i32>} : memref<50176xf32, #tpu.memory_space<vmem>>, vector<16xf32>,
            %neg3A_292 = arith.constant 0.000000e+00 : f32
            %neg3A_293 = vector.broadcast %neg3A_292 : f32 to vector<16xf32>
            %neg3A_294 = arith.subf %neg3A_293, %get3A_291 : vector<16xf32>
            %ge3A_295 = arith.cmpf oge, %neg3A_294, %bitcast3A_214 : vector<16xf32>
            %all_reduce_population_count3A_296 = tpu.all_reduce %ge3A_295 {dim = 0 : i64, kind = #tpu.reduction_kind<sum>} : vector<16xi1> -> vector<16xi32>
            %add3A_297 = arith.addi %add3A_283, %all_reduce_population_count3A_296 : vector<16xi32>
            %mul3A_298 = arith.constant 8 : i32
            %mul3A_299 = arith.muli %scan3A_228, %mul3A_298 : i32
            %add3A_300 = arith.constant 5 : i32
            %add3A_301 = arith.addi %mul3A_299, %add3A_300 : i32
            %mul3A_302 = arith.constant 16 : i32
            %mul3A_303 = arith.muli %add3A_301, %mul3A_302 : i32
            %get3A_304 = arith.index_cast %mul3A_303 : i32 to index
            %get3A_305 = tpu.vector_load %arg4[%get3A_304] {strides = array<i32>} : memref<50176xf32, #tpu.memory_space<vmem>>, vector<16xf32>,
            %neg3A_306 = arith.constant 0.000000e+00 : f32
            %neg3A_307 = vector.broadcast %neg3A_306 : f32 to vector<16xf32>
            %neg3A_308 = arith.subf %neg3A_307, %get3A_305 : vector<16xf32>
            %ge3A_309 = arith.cmpf oge, %neg3A_308, %bitcast3A_214 : vector<16xf32>
            %all_reduce_population_count3A_310 = tpu.all_reduce %ge3A_309 {dim = 0 : i64, kind = #tpu.reduction_kind<sum>} : vector<16xi1> -> vector<16xi32>
            %add3A_311 = arith.addi %add3A_297, %all_reduce_population_count3A_310 : vector<16xi32>
            %mul3A_312 = arith.constant 8 : i32
            %mul3A_313 = arith.muli %scan3A_228, %mul3A_312 : i32
            %add3A_314 = arith.constant 6 : i32
            %add3A_315 = arith.addi %mul3A_313, %add3A_314 : i32
            %mul3A_316 = arith.constant 16 : i32
            %mul3A_317 = arith.muli %add3A_315, %mul3A_316 : i32
            %get3A_318 = arith.index_cast %mul3A_317 : i32 to index
            %get3A_319 = tpu.vector_load %arg4[%get3A_318] {strides = array<i32>} : memref<50176xf32, #tpu.memory_space<vmem>>, vector<16xf32>,
            %neg3A_320 = arith.constant 0.000000e+00 : f32
            %neg3A_321 = vector.broadcast %neg3A_320 : f32 to vector<16xf32>
            %neg3A_322 = arith.subf %neg3A_321, %get3A_319 : vector<16xf32>
            %ge3A_323 = arith.cmpf oge, %neg3A_322, %bitcast3A_214 : vector<16xf32>
            %all_reduce_population_count3A_324 = tpu.all_reduce %ge3A_323 {dim = 0 : i64, kind = #tpu.reduction_kind<sum>} : vector<16xi1> -> vector<16xi32>
            %add3A_325 = arith.addi %add3A_311, %all_reduce_population_count3A_324 : vector<16xi32>
            %mul3A_326 = arith.constant 8 : i32
            %mul3A_327 = arith.muli %scan3A_228, %mul3A_326 : i32
            %add3A_328 = arith.constant 7 : i32
            %add3A_329 = arith.addi %mul3A_327, %add3A_328 : i32
            %mul3A_330 = arith.constant 16 : i32
            %mul3A_331 = arith.muli %add3A_329, %mul3A_330 : i32
            %get3A_332 = arith.index_cast %mul3A_331 : i32 to index
            %get3A_333 = tpu.vector_load %arg4[%get3A_332] {strides = array<i32>} : memref<50176xf32, #tpu.memory_space<vmem>>, vector<16xf32>,
            %neg3A_334 = arith.constant 0.000000e+00 : f32
            %neg3A_335 = vector.broadcast %neg3A_334 : f32 to vector<16xf32>
            %neg3A_336 = arith.subf %neg3A_335, %get3A_333 : vector<16xf32>
            %ge3A_337 = arith.cmpf oge, %neg3A_336, %bitcast3A_214 : vector<16xf32>
            %all_reduce_population_count3A_338 = tpu.all_reduce %ge3A_337 {dim = 0 : i64, kind = #tpu.reduction_kind<sum>} : vector<16xi1> -> vector<16xi32>
            %add3A_339 = arith.addi %add3A_325, %all_reduce_population_count3A_338 : vector<16xi32>
            scf.yield %add3A_339 : vector<16xi32>
          }
          %scan3A_222 = arith.constant 392 : i32
          %gt3A = arith.cmpi sgt, %add3A_206, %scan3A_201 : vector<16xi32>
          %ge3A_223 = arith.constant 50 : i32
          %ge3A_224 = vector.broadcast %ge3A_223 : i32 to vector<16xi32>
          %ge3A_225 = arith.cmpi sge, %scan3A_221, %ge3A_224 : vector<16xi32>
          %and3A_226 = arith.andi %gt3A, %ge3A_225 : vector<16xi1>
          %select_n3A_227 = arith.select %and3A_226, %add3A_206, %scan3A_201 : vector<16xi1>, vector<16xi32>
          scf.yield %select_n3A_227 : vector<16xi32>
        }
        %scan3A_169 = arith.constant 32 : i32
        %ge3A_170 = arith.constant 0 : i32
        %ge3A_171 = vector.broadcast %ge3A_170 : i32 to vector<16xi32>
        %ge3A_172 = arith.cmpi sge, %scan3A_168, %ge3A_171 : vector<16xi32>
        %xor3A_173 = arith.constant 2147483647 : i32
        %xor3A_174 = vector.broadcast %xor3A_173 : i32 to vector<16xi32>
        %xor3A_175 = arith.xori %scan3A_168, %xor3A_174 : vector<16xi32>
        %select_n3A_176 = arith.select %ge3A_172, %scan3A_168, %xor3A_175 : vector<16xi1>, vector<16xi32>
        %bitcast3A_177 = vector.bitcast %select_n3A_176 : vector<16xi32> to vector<16xf32>
        %broadcast_in_dim3A_178 = arith.constant 0.000000e+00 : f32
        %broadcast_in_dim3A_179 = vector.broadcast %broadcast_in_dim3A_178 : f32 to vector<16xf32>
        %broadcast_in_dim3A_180 = arith.constant 0 : i32
        %broadcast_in_dim3A_181 = vector.broadcast %broadcast_in_dim3A_180 : i32 to vector<16xi32>
        %scan3A_182 = arith.constant 0 : i32
        %scan3A_183 = arith.constant 392 : i32
        %scan3A_184 = arith.addi %scan3A_182, %scan3A_183 : i32
        %scan3A_185 = arith.constant 1 : i32
        %scan3A_186:2 = scf.for %scan3A_200 = %scan3A_182 to %scan3A_184 step %scan3A_185 iter_args(%scan3A_201 = %broadcast_in_dim3A_179, %scan3A_202 = %broadcast_in_dim3A_181) -> (vector<16xf32>, vector<16xi32>)  : i32 {
          %mul3A_203 = arith.constant 8 : i32
          %mul3A_204 = arith.muli %scan3A_200, %mul3A_203 : i32
          %add3A_205 = arith.constant 0 : i32
          %add3A_206 = arith.addi %mul3A_204, %add3A_205 : i32
          %mul3A_207 = arith.constant 16 : i32
          %mul3A_208 = arith.muli %add3A_206, %mul3A_207 : i32
          %get3A = arith.index_cast %mul3A_208 : i32 to index
          %get3A_209 = tpu.vector_load %arg4[%get3A] {strides = array<i32>} : memref<50176xf32, #tpu.memory_space<vmem>>, vector<16xf32>,
          %neg3A_210 = arith.constant 0.000000e+00 : f32
          %neg3A_211 = vector.broadcast %neg3A_210 : f32 to vector<16xf32>
          %neg3A_212 = arith.subf %neg3A_211, %get3A_209 : vector<16xf32>
          %gt3A = arith.cmpf ogt, %neg3A_212, %bitcast3A_177 : vector<16xf32>
          %jit3A = arith.constant 0.000000e+00 : f32
          %broadcast_in_dim3A_213 = vector.broadcast %jit3A : f32 to vector<16xf32>
          %select_n3A_214 = arith.select %gt3A, %neg3A_212, %broadcast_in_dim3A_213 : vector<16xi1>, vector<16xf32>
          %add3A_215 = arith.addf %scan3A_201, %select_n3A_214 : vector<16xf32>
          %all_reduce_population_count3A = tpu.all_reduce %gt3A {dim = 0 : i64, kind = #tpu.reduction_kind<sum>} : vector<16xi1> -> vector<16xi32>
          %add3A_216 = arith.addi %scan3A_202, %all_reduce_population_count3A : vector<16xi32>
          %mul3A_217 = arith.constant 8 : i32
          %mul3A_218 = arith.muli %scan3A_200, %mul3A_217 : i32
          %add3A_219 = arith.constant 1 : i32
          %add3A_220 = arith.addi %mul3A_218, %add3A_219 : i32
          %mul3A_221 = arith.constant 16 : i32
          %mul3A_222 = arith.muli %add3A_220, %mul3A_221 : i32
          %get3A_223 = arith.index_cast %mul3A_222 : i32 to index
          %get3A_224 = tpu.vector_load %arg4[%get3A_223] {strides = array<i32>} : memref<50176xf32, #tpu.memory_space<vmem>>, vector<16xf32>,
          %neg3A_225 = arith.constant 0.000000e+00 : f32
          %neg3A_226 = vector.broadcast %neg3A_225 : f32 to vector<16xf32>
          %neg3A_227 = arith.subf %neg3A_226, %get3A_224 : vector<16xf32>
          %gt3A_228 = arith.cmpf ogt, %neg3A_227, %bitcast3A_177 : vector<16xf32>
          %jit3A_229 = arith.constant 0.000000e+00 : f32
          %broadcast_in_dim3A_230 = vector.broadcast %jit3A_229 : f32 to vector<16xf32>
          %select_n3A_231 = arith.select %gt3A_228, %neg3A_227, %broadcast_in_dim3A_230 : vector<16xi1>, vector<16xf32>
          %add3A_232 = arith.addf %add3A_215, %select_n3A_231 : vector<16xf32>
          %all_reduce_population_count3A_233 = tpu.all_reduce %gt3A_228 {dim = 0 : i64, kind = #tpu.reduction_kind<sum>} : vector<16xi1> -> vector<16xi32>
          %add3A_234 = arith.addi %add3A_216, %all_reduce_population_count3A_233 : vector<16xi32>
          %mul3A_235 = arith.constant 8 : i32
          %mul3A_236 = arith.muli %scan3A_200, %mul3A_235 : i32
          %add3A_237 = arith.constant 2 : i32
          %add3A_238 = arith.addi %mul3A_236, %add3A_237 : i32
          %mul3A_239 = arith.constant 16 : i32
          %mul3A_240 = arith.muli %add3A_238, %mul3A_239 : i32
          %get3A_241 = arith.index_cast %mul3A_240 : i32 to index
          %get3A_242 = tpu.vector_load %arg4[%get3A_241] {strides = array<i32>} : memref<50176xf32, #tpu.memory_space<vmem>>, vector<16xf32>,
          %neg3A_243 = arith.constant 0.000000e+00 : f32
          %neg3A_244 = vector.broadcast %neg3A_243 : f32 to vector<16xf32>
          %neg3A_245 = arith.subf %neg3A_244, %get3A_242 : vector<16xf32>
          %gt3A_246 = arith.cmpf ogt, %neg3A_245, %bitcast3A_177 : vector<16xf32>
          %jit3A_247 = arith.constant 0.000000e+00 : f32
          %broadcast_in_dim3A_248 = vector.broadcast %jit3A_247 : f32 to vector<16xf32>
          %select_n3A_249 = arith.select %gt3A_246, %neg3A_245, %broadcast_in_dim3A_248 : vector<16xi1>, vector<16xf32>
          %add3A_250 = arith.addf %add3A_232, %select_n3A_249 : vector<16xf32>
          %all_reduce_population_count3A_251 = tpu.all_reduce %gt3A_246 {dim = 0 : i64, kind = #tpu.reduction_kind<sum>} : vector<16xi1> -> vector<16xi32>
          %add3A_252 = arith.addi %add3A_234, %all_reduce_population_count3A_251 : vector<16xi32>
          %mul3A_253 = arith.constant 8 : i32
          %mul3A_254 = arith.muli %scan3A_200, %mul3A_253 : i32
          %add3A_255 = arith.constant 3 : i32
          %add3A_256 = arith.addi %mul3A_254, %add3A_255 : i32
          %mul3A_257 = arith.constant 16 : i32
          %mul3A_258 = arith.muli %add3A_256, %mul3A_257 : i32
          %get3A_259 = arith.index_cast %mul3A_258 : i32 to index
          %get3A_260 = tpu.vector_load %arg4[%get3A_259] {strides = array<i32>} : memref<50176xf32, #tpu.memory_space<vmem>>, vector<16xf32>,
          %neg3A_261 = arith.constant 0.000000e+00 : f32
          %neg3A_262 = vector.broadcast %neg3A_261 : f32 to vector<16xf32>
          %neg3A_263 = arith.subf %neg3A_262, %get3A_260 : vector<16xf32>
          %gt3A_264 = arith.cmpf ogt, %neg3A_263, %bitcast3A_177 : vector<16xf32>
          %jit3A_265 = arith.constant 0.000000e+00 : f32
          %broadcast_in_dim3A_266 = vector.broadcast %jit3A_265 : f32 to vector<16xf32>
          %select_n3A_267 = arith.select %gt3A_264, %neg3A_263, %broadcast_in_dim3A_266 : vector<16xi1>, vector<16xf32>
          %add3A_268 = arith.addf %add3A_250, %select_n3A_267 : vector<16xf32>
          %all_reduce_population_count3A_269 = tpu.all_reduce %gt3A_264 {dim = 0 : i64, kind = #tpu.reduction_kind<sum>} : vector<16xi1> -> vector<16xi32>
          %add3A_270 = arith.addi %add3A_252, %all_reduce_population_count3A_269 : vector<16xi32>
          %mul3A_271 = arith.constant 8 : i32
          %mul3A_272 = arith.muli %scan3A_200, %mul3A_271 : i32
          %add3A_273 = arith.constant 4 : i32
          %add3A_274 = arith.addi %mul3A_272, %add3A_273 : i32
          %mul3A_275 = arith.constant 16 : i32
          %mul3A_276 = arith.muli %add3A_274, %mul3A_275 : i32
          %get3A_277 = arith.index_cast %mul3A_276 : i32 to index
          %get3A_278 = tpu.vector_load %arg4[%get3A_277] {strides = array<i32>} : memref<50176xf32, #tpu.memory_space<vmem>>, vector<16xf32>,
          %neg3A_279 = arith.constant 0.000000e+00 : f32
          %neg3A_280 = vector.broadcast %neg3A_279 : f32 to vector<16xf32>
          %neg3A_281 = arith.subf %neg3A_280, %get3A_278 : vector<16xf32>
          %gt3A_282 = arith.cmpf ogt, %neg3A_281, %bitcast3A_177 : vector<16xf32>
          %jit3A_283 = arith.constant 0.000000e+00 : f32
          %broadcast_in_dim3A_284 = vector.broadcast %jit3A_283 : f32 to vector<16xf32>
          %select_n3A_285 = arith.select %gt3A_282, %neg3A_281, %broadcast_in_dim3A_284 : vector<16xi1>, vector<16xf32>
          %add3A_286 = arith.addf %add3A_268, %select_n3A_285 : vector<16xf32>
          %all_reduce_population_count3A_287 = tpu.all_reduce %gt3A_282 {dim = 0 : i64, kind = #tpu.reduction_kind<sum>} : vector<16xi1> -> vector<16xi32>
          %add3A_288 = arith.addi %add3A_270, %all_reduce_population_count3A_287 : vector<16xi32>
          %mul3A_289 = arith.constant 8 : i32
          %mul3A_290 = arith.muli %scan3A_200, %mul3A_289 : i32
          %add3A_291 = arith.constant 5 : i32
          %add3A_292 = arith.addi %mul3A_290, %add3A_291 : i32
          %mul3A_293 = arith.constant 16 : i32
          %mul3A_294 = arith.muli %add3A_292, %mul3A_293 : i32
          %get3A_295 = arith.index_cast %mul3A_294 : i32 to index
          %get3A_296 = tpu.vector_load %arg4[%get3A_295] {strides = array<i32>} : memref<50176xf32, #tpu.memory_space<vmem>>, vector<16xf32>,
          %neg3A_297 = arith.constant 0.000000e+00 : f32
          %neg3A_298 = vector.broadcast %neg3A_297 : f32 to vector<16xf32>
          %neg3A_299 = arith.subf %neg3A_298, %get3A_296 : vector<16xf32>
          %gt3A_300 = arith.cmpf ogt, %neg3A_299, %bitcast3A_177 : vector<16xf32>
          %jit3A_301 = arith.constant 0.000000e+00 : f32
          %broadcast_in_dim3A_302 = vector.broadcast %jit3A_301 : f32 to vector<16xf32>
          %select_n3A_303 = arith.select %gt3A_300, %neg3A_299, %broadcast_in_dim3A_302 : vector<16xi1>, vector<16xf32>
          %add3A_304 = arith.addf %add3A_286, %select_n3A_303 : vector<16xf32>
          %all_reduce_population_count3A_305 = tpu.all_reduce %gt3A_300 {dim = 0 : i64, kind = #tpu.reduction_kind<sum>} : vector<16xi1> -> vector<16xi32>
          %add3A_306 = arith.addi %add3A_288, %all_reduce_population_count3A_305 : vector<16xi32>
          %mul3A_307 = arith.constant 8 : i32
          %mul3A_308 = arith.muli %scan3A_200, %mul3A_307 : i32
          %add3A_309 = arith.constant 6 : i32
          %add3A_310 = arith.addi %mul3A_308, %add3A_309 : i32
          %mul3A_311 = arith.constant 16 : i32
          %mul3A_312 = arith.muli %add3A_310, %mul3A_311 : i32
          %get3A_313 = arith.index_cast %mul3A_312 : i32 to index
          %get3A_314 = tpu.vector_load %arg4[%get3A_313] {strides = array<i32>} : memref<50176xf32, #tpu.memory_space<vmem>>, vector<16xf32>,
          %neg3A_315 = arith.constant 0.000000e+00 : f32
          %neg3A_316 = vector.broadcast %neg3A_315 : f32 to vector<16xf32>
          %neg3A_317 = arith.subf %neg3A_316, %get3A_314 : vector<16xf32>
          %gt3A_318 = arith.cmpf ogt, %neg3A_317, %bitcast3A_177 : vector<16xf32>
          %jit3A_319 = arith.constant 0.000000e+00 : f32
          %broadcast_in_dim3A_320 = vector.broadcast %jit3A_319 : f32 to vector<16xf32>
          %select_n3A_321 = arith.select %gt3A_318, %neg3A_317, %broadcast_in_dim3A_320 : vector<16xi1>, vector<16xf32>
          %add3A_322 = arith.addf %add3A_304, %select_n3A_321 : vector<16xf32>
          %all_reduce_population_count3A_323 = tpu.all_reduce %gt3A_318 {dim = 0 : i64, kind = #tpu.reduction_kind<sum>} : vector<16xi1> -> vector<16xi32>
          %add3A_324 = arith.addi %add3A_306, %all_reduce_population_count3A_323 : vector<16xi32>
          %mul3A_325 = arith.constant 8 : i32
          %mul3A_326 = arith.muli %scan3A_200, %mul3A_325 : i32
          %add3A_327 = arith.constant 7 : i32
          %add3A_328 = arith.addi %mul3A_326, %add3A_327 : i32
          %mul3A_329 = arith.constant 16 : i32
          %mul3A_330 = arith.muli %add3A_328, %mul3A_329 : i32
          %get3A_331 = arith.index_cast %mul3A_330 : i32 to index
          %get3A_332 = tpu.vector_load %arg4[%get3A_331] {strides = array<i32>} : memref<50176xf32, #tpu.memory_space<vmem>>, vector<16xf32>,
          %neg3A_333 = arith.constant 0.000000e+00 : f32
          %neg3A_334 = vector.broadcast %neg3A_333 : f32 to vector<16xf32>
          %neg3A_335 = arith.subf %neg3A_334, %get3A_332 : vector<16xf32>
          %gt3A_336 = arith.cmpf ogt, %neg3A_335, %bitcast3A_177 : vector<16xf32>
          %jit3A_337 = arith.constant 0.000000e+00 : f32
          %broadcast_in_dim3A_338 = vector.broadcast %jit3A_337 : f32 to vector<16xf32>
          %select_n3A_339 = arith.select %gt3A_336, %neg3A_335, %broadcast_in_dim3A_338 : vector<16xi1>, vector<16xf32>
          %add3A_340 = arith.addf %add3A_322, %select_n3A_339 : vector<16xf32>
          %all_reduce_population_count3A_341 = tpu.all_reduce %gt3A_336 {dim = 0 : i64, kind = #tpu.reduction_kind<sum>} : vector<16xi1> -> vector<16xi32>
          %add3A_342 = arith.addi %add3A_324, %all_reduce_population_count3A_341 : vector<16xi32>
          scf.yield %add3A_340, %add3A_342 : vector<16xf32>, vector<16xi32>
        }
        %scan3A_187 = arith.constant 392 : i32
        %broadcast_in_dim3A_188 = arith.constant true
        %broadcast_in_dim3A_189 = vector.broadcast %broadcast_in_dim3A_188 : i1 to vector<16xi1>
        %masked_cumsum3A = tpu.scan <sum>, %scan3A_186#0 masked %broadcast_in_dim3A_189 : vector<16xf32>, vector<16xi1> -> vector<16xf32>
        %broadcast_in_dim3A_190 = arith.constant 15 : i32
        %broadcast_in_dim3A_191 = vector.broadcast %broadcast_in_dim3A_190 : i32 to vector<16x1xi32>
        %gather3A_192 = vector.shape_cast %broadcast_in_dim3A_191 : vector<16x1xi32> to vector<16xi32>
        %gather3A_193 = tpu.dynamic_gather %masked_cumsum3A[%gather3A_192] in [0] : vector<16xf32>, vector<16xi32> -> vector<16xf32>
        %sub3A_194 = arith.constant 50 : i32
        %sub3A_195 = vector.broadcast %sub3A_194 : i32 to vector<16xi32>
        %sub3A_196 = arith.subi %sub3A_195, %scan3A_186#1 : vector<16xi32>
        %convert_element_type3A_197 = arith.sitofp %sub3A_196 : vector<16xi32> to vector<16xf32>
        %mul3A_198 = arith.mulf %convert_element_type3A_197, %bitcast3A_177 : vector<16xf32>
        %add3A_199 = arith.addf %gather3A_193, %mul3A_198 : vector<16xf32>
        scf.yield %add3A_199 : vector<16xf32>
      }
      %div3A = arith.constant 5.000000e+01 : f32
      %div3A_143 = vector.broadcast %div3A : f32 to vector<16xf32>
      %div3A_144 = arith.divf %cond3A_133, %div3A_143 : vector<16xf32>
      %div3A_145 = arith.constant 5.000000e+01 : f32
      %div3A_146 = vector.broadcast %div3A_145 : f32 to vector<16xf32>
      %div3A_147 = arith.divf %cond3A_142, %div3A_146 : vector<16xf32>
      %sub3A_148 = arith.subf %div3A_144, %div3A_147 : vector<16xf32>
      %mul3A_149 = arith.constant 16 : i32
      %mul3A_150 = arith.muli %scan3A_11, %mul3A_149 : i32
      %swap3A_151 = arith.index_cast %mul3A_150 : i32 to index
      %swap3A_152 = tpu.vector_load %arg7[%swap3A_151] {strides = array<i32>} : memref<176xf32, #tpu.memory_space<vmem>>, vector<16xf32>,
      tpu.vector_store %arg7[%swap3A_151], %sub3A_148 {strides = array<i32>} : memref<176xf32, #tpu.memory_space<vmem>>, vector<16xf32>,
    }
    %scan3A_8 = arith.constant 11 : i32
    %mul3A_9 = arith.constant 16 : i32
    %mul3A_10 = arith.muli %mul3A_2, %mul3A_9 : i32
    "tpu.region"() ({
      %run_scoped3A = tpu.sem_alloc : memref<!tpu.dma_semaphore, #tpu.memory_space<semaphore_mem>>
      %dma_start3A = tpu.memref_slice %arg3[%mul3A_10] : memref<5632xf32, #tpu.memory_space<hbm>> -> memref<176xf32, #tpu.memory_space<hbm>>
      %dma_start3A_11 = tpu.memref_slice %arg3[%mul3A_10] : memref<5632xf32, #tpu.memory_space<hbm>> -> memref<176xf32, #tpu.memory_space<hbm>>
      tpu.enqueue_dma source(%arg7 : memref<176xf32, #tpu.memory_space<vmem>>) target(%dma_start3A_11 : memref<176xf32, #tpu.memory_space<hbm>>) target_semaphore(%run_scoped3A : memref<!tpu.dma_semaphore, #tpu.memory_space<semaphore_mem>>)
      %dma_wait3A = tpu.memref_slice %arg3[%mul3A_10] : memref<5632xf32, #tpu.memory_space<hbm>> -> memref<176xf32, #tpu.memory_space<hbm>>
      %dma_wait3A_12 = tpu.memref_slice %arg3[%mul3A_10] : memref<5632xf32, #tpu.memory_space<hbm>> -> memref<176xf32, #tpu.memory_space<hbm>>
      tpu.wait_dma2 semaphore(%run_scoped3A : memref<!tpu.dma_semaphore, #tpu.memory_space<semaphore_mem>>) src(%arg7 : memref<176xf32, #tpu.memory_space<vmem>>) dst(%dma_wait3A_12 : memref<176xf32, #tpu.memory_space<hbm>>)
      tpu.yield
    }) : () -> ()
    return
  }
}

module attributes {stable_mosaic.version = 14 : i64} {
  func.func @_select_body(%arg0: i32, %arg1: memref<16x50176xf32, #tpu.memory_space<vmem>>, %arg2: memref<1x16x128xf32, #tpu.memory_space<vmem>>, %arg3: memref<16x50176xi32, #tpu.memory_space<vmem>>) attributes {dimension_semantics = [#tpu.dimension_semantics<arbitrary>], iteration_bounds = array<i64: 26>, scalar_prefetch = 0 : i64, scratch_operands = 1 : i64, tpu.core_type = #tpu.core_type<tc>, window_params = [{transform_indices = @transform_0, window_bounds = array<i64: 16, 50176>}, {transform_indices = @transform_1, window_bounds = array<i64: 1, 16, 128>}]} {
    %get3A = arith.constant 0 : index
    %get3A_0 = arith.constant 0 : index
    %get3A_1 = vector.load %arg1[%get3A, %get3A_0] : memref<16x50176xf32, #tpu.memory_space<vmem>>, vector<16x50176xf32>
    %bitcast_convert_type3A = tpu.bitcast %get3A_1 : vector<16x50176xf32> -> vector<16x50176xi32>
    %ge3A = arith.constant 0 : i32
    %ge3A_2 = vector.broadcast %ge3A : i32 to vector<16x50176xi32>
    %ge3A_3 = arith.cmpi sge, %bitcast_convert_type3A, %ge3A_2 : vector<16x50176xi32>
    %xor3A = arith.constant 2147483647 : i32
    %xor3A_4 = vector.broadcast %xor3A : i32 to vector<16x50176xi32>
    %xor3A_5 = arith.xori %bitcast_convert_type3A, %xor3A_4 : vector<16x50176xi32>
    %select_n3A = arith.select %ge3A_3, %bitcast_convert_type3A, %xor3A_5 : vector<16x50176xi1>, vector<16x50176xi32>
    %swap3A = arith.constant 0 : index
    %swap3A_6 = arith.constant 0 : index
    %swap3A_7 = vector.load %arg3[%swap3A, %swap3A_6] : memref<16x50176xi32, #tpu.memory_space<vmem>>, vector<16x50176xi32>
    tpu.vector_store %arg3[%swap3A, %swap3A_6], %select_n3A {strides = array<i32>} : memref<16x50176xi32, #tpu.memory_space<vmem>>, vector<16x50176xi32>,
    %get3A_8 = arith.constant 0 : index
    %get3A_9 = arith.constant 0 : index
    %get3A_10 = vector.load %arg3[%get3A_8, %get3A_9] : memref<16x50176xi32, #tpu.memory_space<vmem>>, vector<16x6272xi32>
    %reduce_max3A = arith.constant dense<-2147483648> : vector<16xi32>
    %reduce_max3A_11 = vector.multi_reduction <maxsi>, %get3A_10, %reduce_max3A [1] : vector<16x6272xi32> to vector<16xi32>
    %broadcast_in_dim3A = vector.shape_cast %reduce_max3A_11 : vector<16xi32> to vector<16x1xi32>
    %reduce_min3A = arith.constant dense<2147483647> : vector<16xi32>
    %reduce_min3A_12 = vector.multi_reduction <minsi>, %get3A_10, %reduce_min3A [1] : vector<16x6272xi32> to vector<16xi32>
    %broadcast_in_dim3A_13 = vector.shape_cast %reduce_min3A_12 : vector<16xi32> to vector<16x1xi32>
    %get3A_14 = arith.constant 0 : index
    %get3A_15 = arith.constant 6272 : index
    %get3A_16 = vector.load %arg3[%get3A_14, %get3A_15] : memref<16x50176xi32, #tpu.memory_space<vmem>>, vector<16x6272xi32>
    %reduce_max3A_17 = arith.constant dense<-2147483648> : vector<16xi32>
    %reduce_max3A_18 = vector.multi_reduction <maxsi>, %get3A_16, %reduce_max3A_17 [1] : vector<16x6272xi32> to vector<16xi32>
    %broadcast_in_dim3A_19 = vector.shape_cast %reduce_max3A_18 : vector<16xi32> to vector<16x1xi32>
    %reduce_min3A_20 = arith.constant dense<2147483647> : vector<16xi32>
    %reduce_min3A_21 = vector.multi_reduction <minsi>, %get3A_16, %reduce_min3A_20 [1] : vector<16x6272xi32> to vector<16xi32>
    %broadcast_in_dim3A_22 = vector.shape_cast %reduce_min3A_21 : vector<16xi32> to vector<16x1xi32>
    %get3A_23 = arith.constant 0 : index
    %get3A_24 = arith.constant 12544 : index
    %get3A_25 = vector.load %arg3[%get3A_23, %get3A_24] : memref<16x50176xi32, #tpu.memory_space<vmem>>, vector<16x6272xi32>
    %reduce_max3A_26 = arith.constant dense<-2147483648> : vector<16xi32>
    %reduce_max3A_27 = vector.multi_reduction <maxsi>, %get3A_25, %reduce_max3A_26 [1] : vector<16x6272xi32> to vector<16xi32>
    %broadcast_in_dim3A_28 = vector.shape_cast %reduce_max3A_27 : vector<16xi32> to vector<16x1xi32>
    %reduce_min3A_29 = arith.constant dense<2147483647> : vector<16xi32>
    %reduce_min3A_30 = vector.multi_reduction <minsi>, %get3A_25, %reduce_min3A_29 [1] : vector<16x6272xi32> to vector<16xi32>
    %broadcast_in_dim3A_31 = vector.shape_cast %reduce_min3A_30 : vector<16xi32> to vector<16x1xi32>
    %get3A_32 = arith.constant 0 : index
    %get3A_33 = arith.constant 18816 : index
    %get3A_34 = vector.load %arg3[%get3A_32, %get3A_33] : memref<16x50176xi32, #tpu.memory_space<vmem>>, vector<16x6272xi32>
    %reduce_max3A_35 = arith.constant dense<-2147483648> : vector<16xi32>
    %reduce_max3A_36 = vector.multi_reduction <maxsi>, %get3A_34, %reduce_max3A_35 [1] : vector<16x6272xi32> to vector<16xi32>
    %broadcast_in_dim3A_37 = vector.shape_cast %reduce_max3A_36 : vector<16xi32> to vector<16x1xi32>
    %reduce_min3A_38 = arith.constant dense<2147483647> : vector<16xi32>
    %reduce_min3A_39 = vector.multi_reduction <minsi>, %get3A_34, %reduce_min3A_38 [1] : vector<16x6272xi32> to vector<16xi32>
    %broadcast_in_dim3A_40 = vector.shape_cast %reduce_min3A_39 : vector<16xi32> to vector<16x1xi32>
    %get3A_41 = arith.constant 0 : index
    %get3A_42 = arith.constant 25088 : index
    %get3A_43 = vector.load %arg3[%get3A_41, %get3A_42] : memref<16x50176xi32, #tpu.memory_space<vmem>>, vector<16x6272xi32>
    %reduce_max3A_44 = arith.constant dense<-2147483648> : vector<16xi32>
    %reduce_max3A_45 = vector.multi_reduction <maxsi>, %get3A_43, %reduce_max3A_44 [1] : vector<16x6272xi32> to vector<16xi32>
    %broadcast_in_dim3A_46 = vector.shape_cast %reduce_max3A_45 : vector<16xi32> to vector<16x1xi32>
    %reduce_min3A_47 = arith.constant dense<2147483647> : vector<16xi32>
    %reduce_min3A_48 = vector.multi_reduction <minsi>, %get3A_43, %reduce_min3A_47 [1] : vector<16x6272xi32> to vector<16xi32>
    %broadcast_in_dim3A_49 = vector.shape_cast %reduce_min3A_48 : vector<16xi32> to vector<16x1xi32>
    %get3A_50 = arith.constant 0 : index
    %get3A_51 = arith.constant 31360 : index
    %get3A_52 = vector.load %arg3[%get3A_50, %get3A_51] : memref<16x50176xi32, #tpu.memory_space<vmem>>, vector<16x6272xi32>
    %reduce_max3A_53 = arith.constant dense<-2147483648> : vector<16xi32>
    %reduce_max3A_54 = vector.multi_reduction <maxsi>, %get3A_52, %reduce_max3A_53 [1] : vector<16x6272xi32> to vector<16xi32>
    %broadcast_in_dim3A_55 = vector.shape_cast %reduce_max3A_54 : vector<16xi32> to vector<16x1xi32>
    %reduce_min3A_56 = arith.constant dense<2147483647> : vector<16xi32>
    %reduce_min3A_57 = vector.multi_reduction <minsi>, %get3A_52, %reduce_min3A_56 [1] : vector<16x6272xi32> to vector<16xi32>
    %broadcast_in_dim3A_58 = vector.shape_cast %reduce_min3A_57 : vector<16xi32> to vector<16x1xi32>
    %get3A_59 = arith.constant 0 : index
    %get3A_60 = arith.constant 37632 : index
    %get3A_61 = vector.load %arg3[%get3A_59, %get3A_60] : memref<16x50176xi32, #tpu.memory_space<vmem>>, vector<16x6272xi32>
    %reduce_max3A_62 = arith.constant dense<-2147483648> : vector<16xi32>
    %reduce_max3A_63 = vector.multi_reduction <maxsi>, %get3A_61, %reduce_max3A_62 [1] : vector<16x6272xi32> to vector<16xi32>
    %broadcast_in_dim3A_64 = vector.shape_cast %reduce_max3A_63 : vector<16xi32> to vector<16x1xi32>
    %reduce_min3A_65 = arith.constant dense<2147483647> : vector<16xi32>
    %reduce_min3A_66 = vector.multi_reduction <minsi>, %get3A_61, %reduce_min3A_65 [1] : vector<16x6272xi32> to vector<16xi32>
    %broadcast_in_dim3A_67 = vector.shape_cast %reduce_min3A_66 : vector<16xi32> to vector<16x1xi32>
    %get3A_68 = arith.constant 0 : index
    %get3A_69 = arith.constant 43904 : index
    %get3A_70 = vector.load %arg3[%get3A_68, %get3A_69] : memref<16x50176xi32, #tpu.memory_space<vmem>>, vector<16x6272xi32>
    %reduce_max3A_71 = arith.constant dense<-2147483648> : vector<16xi32>
    %reduce_max3A_72 = vector.multi_reduction <maxsi>, %get3A_70, %reduce_max3A_71 [1] : vector<16x6272xi32> to vector<16xi32>
    %broadcast_in_dim3A_73 = vector.shape_cast %reduce_max3A_72 : vector<16xi32> to vector<16x1xi32>
    %reduce_min3A_74 = arith.constant dense<2147483647> : vector<16xi32>
    %reduce_min3A_75 = vector.multi_reduction <minsi>, %get3A_70, %reduce_min3A_74 [1] : vector<16x6272xi32> to vector<16xi32>
    %broadcast_in_dim3A_76 = vector.shape_cast %reduce_min3A_75 : vector<16xi32> to vector<16x1xi32>
    %max3A = arith.maxsi %broadcast_in_dim3A, %broadcast_in_dim3A_19 : vector<16x1xi32>
    %max3A_77 = arith.maxsi %broadcast_in_dim3A_28, %broadcast_in_dim3A_37 : vector<16x1xi32>
    %max3A_78 = arith.maxsi %broadcast_in_dim3A_46, %broadcast_in_dim3A_55 : vector<16x1xi32>
    %max3A_79 = arith.maxsi %broadcast_in_dim3A_64, %broadcast_in_dim3A_73 : vector<16x1xi32>
    %min3A = arith.minsi %broadcast_in_dim3A_13, %broadcast_in_dim3A_22 : vector<16x1xi32>
    %min3A_80 = arith.minsi %broadcast_in_dim3A_31, %broadcast_in_dim3A_40 : vector<16x1xi32>
    %min3A_81 = arith.minsi %broadcast_in_dim3A_49, %broadcast_in_dim3A_58 : vector<16x1xi32>
    %min3A_82 = arith.minsi %broadcast_in_dim3A_67, %broadcast_in_dim3A_76 : vector<16x1xi32>
    %max3A_83 = arith.maxsi %max3A, %max3A_77 : vector<16x1xi32>
    %max3A_84 = arith.maxsi %max3A_78, %max3A_79 : vector<16x1xi32>
    %min3A_85 = arith.minsi %min3A, %min3A_80 : vector<16x1xi32>
    %min3A_86 = arith.minsi %min3A_81, %min3A_82 : vector<16x1xi32>
    %max3A_87 = arith.maxsi %max3A_83, %max3A_84 : vector<16x1xi32>
    %min3A_88 = arith.minsi %min3A_85, %min3A_86 : vector<16x1xi32>
    %sub3A = arith.constant 8388607 : i32
    %sub3A_89 = vector.broadcast %sub3A : i32 to vector<16x1xi32>
    %sub3A_90 = arith.subi %max3A_87, %sub3A_89 : vector<16x1xi32>
    %add3A = arith.constant 8388607 : i32
    %add3A_91 = vector.broadcast %add3A : i32 to vector<16x1xi32>
    %add3A_92 = arith.addi %min3A_88, %add3A_91 : vector<16x1xi32>
    %get3A_93 = arith.constant 0 : index
    %get3A_94 = arith.constant 0 : index
    %get3A_95 = vector.load %arg3[%get3A_93, %get3A_94] : memref<16x50176xi32, #tpu.memory_space<vmem>>, vector<16x6272xi32>
    %ge3A_96 = vector.broadcast %sub3A_90 : vector<16x1xi32> to vector<16x6272xi32>
    %ge3A_97 = arith.cmpi sge, %get3A_95, %ge3A_96 : vector<16x6272xi32>
    %convert_element_type3A = arith.extui %ge3A_97 : vector<16x6272xi1> to vector<16x6272xi32>
    %reduce_sum3A = arith.constant dense<0> : vector<16xi32>
    %reduce_sum3A_98 = vector.multi_reduction <add>, %convert_element_type3A, %reduce_sum3A [1] : vector<16x6272xi32> to vector<16xi32>
    %broadcast_in_dim3A_99 = vector.shape_cast %reduce_sum3A_98 : vector<16xi32> to vector<16x1xi32>
    %le3A = vector.broadcast %add3A_92 : vector<16x1xi32> to vector<16x6272xi32>
    %le3A_100 = arith.cmpi sle, %get3A_95, %le3A : vector<16x6272xi32>
    %convert_element_type3A_101 = arith.extui %le3A_100 : vector<16x6272xi1> to vector<16x6272xi32>
    %reduce_sum3A_102 = arith.constant dense<0> : vector<16xi32>
    %reduce_sum3A_103 = vector.multi_reduction <add>, %convert_element_type3A_101, %reduce_sum3A_102 [1] : vector<16x6272xi32> to vector<16xi32>
    %broadcast_in_dim3A_104 = vector.shape_cast %reduce_sum3A_103 : vector<16xi32> to vector<16x1xi32>
    %get3A_105 = arith.constant 0 : index
    %get3A_106 = arith.constant 6272 : index
    %get3A_107 = vector.load %arg3[%get3A_105, %get3A_106] : memref<16x50176xi32, #tpu.memory_space<vmem>>, vector<16x6272xi32>
    %ge3A_108 = vector.broadcast %sub3A_90 : vector<16x1xi32> to vector<16x6272xi32>
    %ge3A_109 = arith.cmpi sge, %get3A_107, %ge3A_108 : vector<16x6272xi32>
    %convert_element_type3A_110 = arith.extui %ge3A_109 : vector<16x6272xi1> to vector<16x6272xi32>
    %reduce_sum3A_111 = arith.constant dense<0> : vector<16xi32>
    %reduce_sum3A_112 = vector.multi_reduction <add>, %convert_element_type3A_110, %reduce_sum3A_111 [1] : vector<16x6272xi32> to vector<16xi32>
    %broadcast_in_dim3A_113 = vector.shape_cast %reduce_sum3A_112 : vector<16xi32> to vector<16x1xi32>
    %le3A_114 = vector.broadcast %add3A_92 : vector<16x1xi32> to vector<16x6272xi32>
    %le3A_115 = arith.cmpi sle, %get3A_107, %le3A_114 : vector<16x6272xi32>
    %convert_element_type3A_116 = arith.extui %le3A_115 : vector<16x6272xi1> to vector<16x6272xi32>
    %reduce_sum3A_117 = arith.constant dense<0> : vector<16xi32>
    %reduce_sum3A_118 = vector.multi_reduction <add>, %convert_element_type3A_116, %reduce_sum3A_117 [1] : vector<16x6272xi32> to vector<16xi32>
    %broadcast_in_dim3A_119 = vector.shape_cast %reduce_sum3A_118 : vector<16xi32> to vector<16x1xi32>
    %get3A_120 = arith.constant 0 : index
    %get3A_121 = arith.constant 12544 : index
    %get3A_122 = vector.load %arg3[%get3A_120, %get3A_121] : memref<16x50176xi32, #tpu.memory_space<vmem>>, vector<16x6272xi32>
    %ge3A_123 = vector.broadcast %sub3A_90 : vector<16x1xi32> to vector<16x6272xi32>
    %ge3A_124 = arith.cmpi sge, %get3A_122, %ge3A_123 : vector<16x6272xi32>
    %convert_element_type3A_125 = arith.extui %ge3A_124 : vector<16x6272xi1> to vector<16x6272xi32>
    %reduce_sum3A_126 = arith.constant dense<0> : vector<16xi32>
    %reduce_sum3A_127 = vector.multi_reduction <add>, %convert_element_type3A_125, %reduce_sum3A_126 [1] : vector<16x6272xi32> to vector<16xi32>
    %broadcast_in_dim3A_128 = vector.shape_cast %reduce_sum3A_127 : vector<16xi32> to vector<16x1xi32>
    %le3A_129 = vector.broadcast %add3A_92 : vector<16x1xi32> to vector<16x6272xi32>
    %le3A_130 = arith.cmpi sle, %get3A_122, %le3A_129 : vector<16x6272xi32>
    %convert_element_type3A_131 = arith.extui %le3A_130 : vector<16x6272xi1> to vector<16x6272xi32>
    %reduce_sum3A_132 = arith.constant dense<0> : vector<16xi32>
    %reduce_sum3A_133 = vector.multi_reduction <add>, %convert_element_type3A_131, %reduce_sum3A_132 [1] : vector<16x6272xi32> to vector<16xi32>
    %broadcast_in_dim3A_134 = vector.shape_cast %reduce_sum3A_133 : vector<16xi32> to vector<16x1xi32>
    %get3A_135 = arith.constant 0 : index
    %get3A_136 = arith.constant 18816 : index
    %get3A_137 = vector.load %arg3[%get3A_135, %get3A_136] : memref<16x50176xi32, #tpu.memory_space<vmem>>, vector<16x6272xi32>
    %ge3A_138 = vector.broadcast %sub3A_90 : vector<16x1xi32> to vector<16x6272xi32>
    %ge3A_139 = arith.cmpi sge, %get3A_137, %ge3A_138 : vector<16x6272xi32>
    %convert_element_type3A_140 = arith.extui %ge3A_139 : vector<16x6272xi1> to vector<16x6272xi32>
    %reduce_sum3A_141 = arith.constant dense<0> : vector<16xi32>
    %reduce_sum3A_142 = vector.multi_reduction <add>, %convert_element_type3A_140, %reduce_sum3A_141 [1] : vector<16x6272xi32> to vector<16xi32>
    %broadcast_in_dim3A_143 = vector.shape_cast %reduce_sum3A_142 : vector<16xi32> to vector<16x1xi32>
    %le3A_144 = vector.broadcast %add3A_92 : vector<16x1xi32> to vector<16x6272xi32>
    %le3A_145 = arith.cmpi sle, %get3A_137, %le3A_144 : vector<16x6272xi32>
    %convert_element_type3A_146 = arith.extui %le3A_145 : vector<16x6272xi1> to vector<16x6272xi32>
    %reduce_sum3A_147 = arith.constant dense<0> : vector<16xi32>
    %reduce_sum3A_148 = vector.multi_reduction <add>, %convert_element_type3A_146, %reduce_sum3A_147 [1] : vector<16x6272xi32> to vector<16xi32>
    %broadcast_in_dim3A_149 = vector.shape_cast %reduce_sum3A_148 : vector<16xi32> to vector<16x1xi32>
    %get3A_150 = arith.constant 0 : index
    %get3A_151 = arith.constant 25088 : index
    %get3A_152 = vector.load %arg3[%get3A_150, %get3A_151] : memref<16x50176xi32, #tpu.memory_space<vmem>>, vector<16x6272xi32>
    %ge3A_153 = vector.broadcast %sub3A_90 : vector<16x1xi32> to vector<16x6272xi32>
    %ge3A_154 = arith.cmpi sge, %get3A_152, %ge3A_153 : vector<16x6272xi32>
    %convert_element_type3A_155 = arith.extui %ge3A_154 : vector<16x6272xi1> to vector<16x6272xi32>
    %reduce_sum3A_156 = arith.constant dense<0> : vector<16xi32>
    %reduce_sum3A_157 = vector.multi_reduction <add>, %convert_element_type3A_155, %reduce_sum3A_156 [1] : vector<16x6272xi32> to vector<16xi32>
    %broadcast_in_dim3A_158 = vector.shape_cast %reduce_sum3A_157 : vector<16xi32> to vector<16x1xi32>
    %le3A_159 = vector.broadcast %add3A_92 : vector<16x1xi32> to vector<16x6272xi32>
    %le3A_160 = arith.cmpi sle, %get3A_152, %le3A_159 : vector<16x6272xi32>
    %convert_element_type3A_161 = arith.extui %le3A_160 : vector<16x6272xi1> to vector<16x6272xi32>
    %reduce_sum3A_162 = arith.constant dense<0> : vector<16xi32>
    %reduce_sum3A_163 = vector.multi_reduction <add>, %convert_element_type3A_161, %reduce_sum3A_162 [1] : vector<16x6272xi32> to vector<16xi32>
    %broadcast_in_dim3A_164 = vector.shape_cast %reduce_sum3A_163 : vector<16xi32> to vector<16x1xi32>
    %get3A_165 = arith.constant 0 : index
    %get3A_166 = arith.constant 31360 : index
    %get3A_167 = vector.load %arg3[%get3A_165, %get3A_166] : memref<16x50176xi32, #tpu.memory_space<vmem>>, vector<16x6272xi32>
    %ge3A_168 = vector.broadcast %sub3A_90 : vector<16x1xi32> to vector<16x6272xi32>
    %ge3A_169 = arith.cmpi sge, %get3A_167, %ge3A_168 : vector<16x6272xi32>
    %convert_element_type3A_170 = arith.extui %ge3A_169 : vector<16x6272xi1> to vector<16x6272xi32>
    %reduce_sum3A_171 = arith.constant dense<0> : vector<16xi32>
    %reduce_sum3A_172 = vector.multi_reduction <add>, %convert_element_type3A_170, %reduce_sum3A_171 [1] : vector<16x6272xi32> to vector<16xi32>
    %broadcast_in_dim3A_173 = vector.shape_cast %reduce_sum3A_172 : vector<16xi32> to vector<16x1xi32>
    %le3A_174 = vector.broadcast %add3A_92 : vector<16x1xi32> to vector<16x6272xi32>
    %le3A_175 = arith.cmpi sle, %get3A_167, %le3A_174 : vector<16x6272xi32>
    %convert_element_type3A_176 = arith.extui %le3A_175 : vector<16x6272xi1> to vector<16x6272xi32>
    %reduce_sum3A_177 = arith.constant dense<0> : vector<16xi32>
    %reduce_sum3A_178 = vector.multi_reduction <add>, %convert_element_type3A_176, %reduce_sum3A_177 [1] : vector<16x6272xi32> to vector<16xi32>
    %broadcast_in_dim3A_179 = vector.shape_cast %reduce_sum3A_178 : vector<16xi32> to vector<16x1xi32>
    %get3A_180 = arith.constant 0 : index
    %get3A_181 = arith.constant 37632 : index
    %get3A_182 = vector.load %arg3[%get3A_180, %get3A_181] : memref<16x50176xi32, #tpu.memory_space<vmem>>, vector<16x6272xi32>
    %ge3A_183 = vector.broadcast %sub3A_90 : vector<16x1xi32> to vector<16x6272xi32>
    %ge3A_184 = arith.cmpi sge, %get3A_182, %ge3A_183 : vector<16x6272xi32>
    %convert_element_type3A_185 = arith.extui %ge3A_184 : vector<16x6272xi1> to vector<16x6272xi32>
    %reduce_sum3A_186 = arith.constant dense<0> : vector<16xi32>
    %reduce_sum3A_187 = vector.multi_reduction <add>, %convert_element_type3A_185, %reduce_sum3A_186 [1] : vector<16x6272xi32> to vector<16xi32>
    %broadcast_in_dim3A_188 = vector.shape_cast %reduce_sum3A_187 : vector<16xi32> to vector<16x1xi32>
    %le3A_189 = vector.broadcast %add3A_92 : vector<16x1xi32> to vector<16x6272xi32>
    %le3A_190 = arith.cmpi sle, %get3A_182, %le3A_189 : vector<16x6272xi32>
    %convert_element_type3A_191 = arith.extui %le3A_190 : vector<16x6272xi1> to vector<16x6272xi32>
    %reduce_sum3A_192 = arith.constant dense<0> : vector<16xi32>
    %reduce_sum3A_193 = vector.multi_reduction <add>, %convert_element_type3A_191, %reduce_sum3A_192 [1] : vector<16x6272xi32> to vector<16xi32>
    %broadcast_in_dim3A_194 = vector.shape_cast %reduce_sum3A_193 : vector<16xi32> to vector<16x1xi32>
    %get3A_195 = arith.constant 0 : index
    %get3A_196 = arith.constant 43904 : index
    %get3A_197 = vector.load %arg3[%get3A_195, %get3A_196] : memref<16x50176xi32, #tpu.memory_space<vmem>>, vector<16x6272xi32>
    %ge3A_198 = vector.broadcast %sub3A_90 : vector<16x1xi32> to vector<16x6272xi32>
    %ge3A_199 = arith.cmpi sge, %get3A_197, %ge3A_198 : vector<16x6272xi32>
    %convert_element_type3A_200 = arith.extui %ge3A_199 : vector<16x6272xi1> to vector<16x6272xi32>
    %reduce_sum3A_201 = arith.constant dense<0> : vector<16xi32>
    %reduce_sum3A_202 = vector.multi_reduction <add>, %convert_element_type3A_200, %reduce_sum3A_201 [1] : vector<16x6272xi32> to vector<16xi32>
    %broadcast_in_dim3A_203 = vector.shape_cast %reduce_sum3A_202 : vector<16xi32> to vector<16x1xi32>
    %le3A_204 = vector.broadcast %add3A_92 : vector<16x1xi32> to vector<16x6272xi32>
    %le3A_205 = arith.cmpi sle, %get3A_197, %le3A_204 : vector<16x6272xi32>
    %convert_element_type3A_206 = arith.extui %le3A_205 : vector<16x6272xi1> to vector<16x6272xi32>
    %reduce_sum3A_207 = arith.constant dense<0> : vector<16xi32>
    %reduce_sum3A_208 = vector.multi_reduction <add>, %convert_element_type3A_206, %reduce_sum3A_207 [1] : vector<16x6272xi32> to vector<16xi32>
    %broadcast_in_dim3A_209 = vector.shape_cast %reduce_sum3A_208 : vector<16xi32> to vector<16x1xi32>
    %add3A_210 = arith.constant 0 : i32
    %add3A_211 = vector.broadcast %add3A_210 : i32 to vector<16x1xi32>
    %add3A_212 = arith.addi %add3A_211, %broadcast_in_dim3A_99 : vector<16x1xi32>
    %add3A_213 = arith.addi %add3A_212, %broadcast_in_dim3A_113 : vector<16x1xi32>
    %add3A_214 = arith.addi %add3A_213, %broadcast_in_dim3A_128 : vector<16x1xi32>
    %add3A_215 = arith.addi %add3A_214, %broadcast_in_dim3A_143 : vector<16x1xi32>
    %add3A_216 = arith.addi %add3A_215, %broadcast_in_dim3A_158 : vector<16x1xi32>
    %add3A_217 = arith.addi %add3A_216, %broadcast_in_dim3A_173 : vector<16x1xi32>
    %add3A_218 = arith.addi %add3A_217, %broadcast_in_dim3A_188 : vector<16x1xi32>
    %add3A_219 = arith.addi %add3A_218, %broadcast_in_dim3A_203 : vector<16x1xi32>
    %add3A_220 = arith.constant 0 : i32
    %add3A_221 = vector.broadcast %add3A_220 : i32 to vector<16x1xi32>
    %add3A_222 = arith.addi %add3A_221, %broadcast_in_dim3A_104 : vector<16x1xi32>
    %add3A_223 = arith.addi %add3A_222, %broadcast_in_dim3A_119 : vector<16x1xi32>
    %add3A_224 = arith.addi %add3A_223, %broadcast_in_dim3A_134 : vector<16x1xi32>
    %add3A_225 = arith.addi %add3A_224, %broadcast_in_dim3A_149 : vector<16x1xi32>
    %add3A_226 = arith.addi %add3A_225, %broadcast_in_dim3A_164 : vector<16x1xi32>
    %add3A_227 = arith.addi %add3A_226, %broadcast_in_dim3A_179 : vector<16x1xi32>
    %add3A_228 = arith.addi %add3A_227, %broadcast_in_dim3A_194 : vector<16x1xi32>
    %add3A_229 = arith.addi %add3A_228, %broadcast_in_dim3A_209 : vector<16x1xi32>
    %ge3A_230 = arith.constant 50 : i32
    %ge3A_231 = vector.broadcast %ge3A_230 : i32 to vector<16x1xi32>
    %ge3A_232 = arith.cmpi sge, %add3A_219, %ge3A_231 : vector<16x1xi32>
    %reduce_and3A = arith.constant 1.000000e+00 : f32
    %reduce_and3A_233 = arith.constant 0.000000e+00 : f32
    %reduce_and3A_234 = vector.broadcast %reduce_and3A : f32 to vector<16x1xf32>
    %reduce_and3A_235 = vector.broadcast %reduce_and3A_233 : f32 to vector<16x1xf32>
    %reduce_and3A_236 = arith.select %ge3A_232, %reduce_and3A_234, %reduce_and3A_235 : vector<16x1xi1>, vector<16x1xf32>
    %reduce_and3A_237 = vector.shape_cast %reduce_and3A_236 : vector<16x1xf32> to vector<1x16x1xf32>
    %reduce_and3A_238 = arith.constant dense<0x7F800000> : vector<1xf32>
    %reduce_and3A_239 = vector.multi_reduction <minimumf>, %reduce_and3A_237, %reduce_and3A_238 [1, 2] : vector<1x16x1xf32> to vector<1xf32>
    %reduce_and3A_240 = vector.shape_cast %reduce_and3A_239 : vector<1xf32> to vector<1x1x1xf32>
    %reduce_and3A_241 = vector.extract %reduce_and3A_240[0, 0, 0] : f32 from vector<1x1x1xf32>
    %reduce_and3A_242 = arith.constant 0.000000e+00 : f32
    %reduce_and3A_243 = arith.cmpf ogt, %reduce_and3A_241, %reduce_and3A_242 : f32
    %ge3A_244 = arith.constant 50 : i32
    %ge3A_245 = vector.broadcast %ge3A_244 : i32 to vector<16x1xi32>
    %ge3A_246 = arith.cmpi sge, %add3A_229, %ge3A_245 : vector<16x1xi32>
    %reduce_and3A_247 = arith.constant 1.000000e+00 : f32
    %reduce_and3A_248 = arith.constant 0.000000e+00 : f32
    %reduce_and3A_249 = vector.broadcast %reduce_and3A_247 : f32 to vector<16x1xf32>
    %reduce_and3A_250 = vector.broadcast %reduce_and3A_248 : f32 to vector<16x1xf32>
    %reduce_and3A_251 = arith.select %ge3A_246, %reduce_and3A_249, %reduce_and3A_250 : vector<16x1xi1>, vector<16x1xf32>
    %reduce_and3A_252 = vector.shape_cast %reduce_and3A_251 : vector<16x1xf32> to vector<1x16x1xf32>
    %reduce_and3A_253 = arith.constant dense<0x7F800000> : vector<1xf32>
    %reduce_and3A_254 = vector.multi_reduction <minimumf>, %reduce_and3A_252, %reduce_and3A_253 [1, 2] : vector<1x16x1xf32> to vector<1xf32>
    %reduce_and3A_255 = vector.shape_cast %reduce_and3A_254 : vector<1xf32> to vector<1x1x1xf32>
    %reduce_and3A_256 = vector.extract %reduce_and3A_255[0, 0, 0] : f32 from vector<1x1x1xf32>
    %reduce_and3A_257 = arith.constant 0.000000e+00 : f32
    %reduce_and3A_258 = arith.cmpf ogt, %reduce_and3A_256, %reduce_and3A_257 : f32
    %and3A = arith.andi %reduce_and3A_243, %reduce_and3A_258 : i1
    %convert_element_type3A_259 = arith.extui %and3A : i1 to i32
    %cond3A = arith.constant 0 : i32
    %cond3A_260 = arith.cmpi ne, %convert_element_type3A_259, %cond3A : i32
    %cond3A_261:2 = scf.if %cond3A_260 -> (vector<16x1xi32>, vector<16x1xi32>) {
      %scan3A = arith.constant 0 : i32
      %scan3A_642 = arith.constant 23 : i32
      %scan3A_643 = arith.addi %scan3A, %scan3A_642 : i32
      %scan3A_644 = arith.constant 1 : i32
      %scan3A_645:2 = scf.for %scan3A_647 = %scan3A to %scan3A_643 step %scan3A_644 iter_args(%scan3A_648 = %sub3A_90, %scan3A_649 = %add3A_92) -> (vector<16x1xi32>, vector<16x1xi32>)  : i32 {
        %shift_right_arithmetic3A = arith.constant 4194304 : i32
        %shift_right_arithmetic3A_650 = arith.shrsi %shift_right_arithmetic3A, %scan3A_647 : i32
        %add3A_651 = vector.broadcast %shift_right_arithmetic3A_650 : i32 to vector<16x1xi32>
        %add3A_652 = arith.addi %scan3A_648, %add3A_651 : vector<16x1xi32>
        %sub3A_653 = vector.broadcast %shift_right_arithmetic3A_650 : i32 to vector<16x1xi32>
        %sub3A_654 = arith.subi %scan3A_649, %sub3A_653 : vector<16x1xi32>
        %get3A_655 = arith.constant 0 : index
        %get3A_656 = arith.constant 0 : index
        %get3A_657 = vector.load %arg3[%get3A_655, %get3A_656] : memref<16x50176xi32, #tpu.memory_space<vmem>>, vector<16x6272xi32>
        %ge3A_658 = vector.broadcast %add3A_652 : vector<16x1xi32> to vector<16x6272xi32>
        %ge3A_659 = arith.cmpi sge, %get3A_657, %ge3A_658 : vector<16x6272xi32>
        %convert_element_type3A_660 = arith.extui %ge3A_659 : vector<16x6272xi1> to vector<16x6272xi32>
        %reduce_sum3A_661 = arith.constant dense<0> : vector<16xi32>
        %reduce_sum3A_662 = vector.multi_reduction <add>, %convert_element_type3A_660, %reduce_sum3A_661 [1] : vector<16x6272xi32> to vector<16xi32>
        %broadcast_in_dim3A_663 = vector.shape_cast %reduce_sum3A_662 : vector<16xi32> to vector<16x1xi32>
        %le3A_664 = vector.broadcast %sub3A_654 : vector<16x1xi32> to vector<16x6272xi32>
        %le3A_665 = arith.cmpi sle, %get3A_657, %le3A_664 : vector<16x6272xi32>
        %convert_element_type3A_666 = arith.extui %le3A_665 : vector<16x6272xi1> to vector<16x6272xi32>
        %reduce_sum3A_667 = arith.constant dense<0> : vector<16xi32>
        %reduce_sum3A_668 = vector.multi_reduction <add>, %convert_element_type3A_666, %reduce_sum3A_667 [1] : vector<16x6272xi32> to vector<16xi32>
        %broadcast_in_dim3A_669 = vector.shape_cast %reduce_sum3A_668 : vector<16xi32> to vector<16x1xi32>
        %get3A_670 = arith.constant 0 : index
        %get3A_671 = arith.constant 6272 : index
        %get3A_672 = vector.load %arg3[%get3A_670, %get3A_671] : memref<16x50176xi32, #tpu.memory_space<vmem>>, vector<16x6272xi32>
        %ge3A_673 = vector.broadcast %add3A_652 : vector<16x1xi32> to vector<16x6272xi32>
        %ge3A_674 = arith.cmpi sge, %get3A_672, %ge3A_673 : vector<16x6272xi32>
        %convert_element_type3A_675 = arith.extui %ge3A_674 : vector<16x6272xi1> to vector<16x6272xi32>
        %reduce_sum3A_676 = arith.constant dense<0> : vector<16xi32>
        %reduce_sum3A_677 = vector.multi_reduction <add>, %convert_element_type3A_675, %reduce_sum3A_676 [1] : vector<16x6272xi32> to vector<16xi32>
        %broadcast_in_dim3A_678 = vector.shape_cast %reduce_sum3A_677 : vector<16xi32> to vector<16x1xi32>
        %le3A_679 = vector.broadcast %sub3A_654 : vector<16x1xi32> to vector<16x6272xi32>
        %le3A_680 = arith.cmpi sle, %get3A_672, %le3A_679 : vector<16x6272xi32>
        %convert_element_type3A_681 = arith.extui %le3A_680 : vector<16x6272xi1> to vector<16x6272xi32>
        %reduce_sum3A_682 = arith.constant dense<0> : vector<16xi32>
        %reduce_sum3A_683 = vector.multi_reduction <add>, %convert_element_type3A_681, %reduce_sum3A_682 [1] : vector<16x6272xi32> to vector<16xi32>
        %broadcast_in_dim3A_684 = vector.shape_cast %reduce_sum3A_683 : vector<16xi32> to vector<16x1xi32>
        %get3A_685 = arith.constant 0 : index
        %get3A_686 = arith.constant 12544 : index
        %get3A_687 = vector.load %arg3[%get3A_685, %get3A_686] : memref<16x50176xi32, #tpu.memory_space<vmem>>, vector<16x6272xi32>
        %ge3A_688 = vector.broadcast %add3A_652 : vector<16x1xi32> to vector<16x6272xi32>
        %ge3A_689 = arith.cmpi sge, %get3A_687, %ge3A_688 : vector<16x6272xi32>
        %convert_element_type3A_690 = arith.extui %ge3A_689 : vector<16x6272xi1> to vector<16x6272xi32>
        %reduce_sum3A_691 = arith.constant dense<0> : vector<16xi32>
        %reduce_sum3A_692 = vector.multi_reduction <add>, %convert_element_type3A_690, %reduce_sum3A_691 [1] : vector<16x6272xi32> to vector<16xi32>
        %broadcast_in_dim3A_693 = vector.shape_cast %reduce_sum3A_692 : vector<16xi32> to vector<16x1xi32>
        %le3A_694 = vector.broadcast %sub3A_654 : vector<16x1xi32> to vector<16x6272xi32>
        %le3A_695 = arith.cmpi sle, %get3A_687, %le3A_694 : vector<16x6272xi32>
        %convert_element_type3A_696 = arith.extui %le3A_695 : vector<16x6272xi1> to vector<16x6272xi32>
        %reduce_sum3A_697 = arith.constant dense<0> : vector<16xi32>
        %reduce_sum3A_698 = vector.multi_reduction <add>, %convert_element_type3A_696, %reduce_sum3A_697 [1] : vector<16x6272xi32> to vector<16xi32>
        %broadcast_in_dim3A_699 = vector.shape_cast %reduce_sum3A_698 : vector<16xi32> to vector<16x1xi32>
        %get3A_700 = arith.constant 0 : index
        %get3A_701 = arith.constant 18816 : index
        %get3A_702 = vector.load %arg3[%get3A_700, %get3A_701] : memref<16x50176xi32, #tpu.memory_space<vmem>>, vector<16x6272xi32>
        %ge3A_703 = vector.broadcast %add3A_652 : vector<16x1xi32> to vector<16x6272xi32>
        %ge3A_704 = arith.cmpi sge, %get3A_702, %ge3A_703 : vector<16x6272xi32>
        %convert_element_type3A_705 = arith.extui %ge3A_704 : vector<16x6272xi1> to vector<16x6272xi32>
        %reduce_sum3A_706 = arith.constant dense<0> : vector<16xi32>
        %reduce_sum3A_707 = vector.multi_reduction <add>, %convert_element_type3A_705, %reduce_sum3A_706 [1] : vector<16x6272xi32> to vector<16xi32>
        %broadcast_in_dim3A_708 = vector.shape_cast %reduce_sum3A_707 : vector<16xi32> to vector<16x1xi32>
        %le3A_709 = vector.broadcast %sub3A_654 : vector<16x1xi32> to vector<16x6272xi32>
        %le3A_710 = arith.cmpi sle, %get3A_702, %le3A_709 : vector<16x6272xi32>
        %convert_element_type3A_711 = arith.extui %le3A_710 : vector<16x6272xi1> to vector<16x6272xi32>
        %reduce_sum3A_712 = arith.constant dense<0> : vector<16xi32>
        %reduce_sum3A_713 = vector.multi_reduction <add>, %convert_element_type3A_711, %reduce_sum3A_712 [1] : vector<16x6272xi32> to vector<16xi32>
        %broadcast_in_dim3A_714 = vector.shape_cast %reduce_sum3A_713 : vector<16xi32> to vector<16x1xi32>
        %get3A_715 = arith.constant 0 : index
        %get3A_716 = arith.constant 25088 : index
        %get3A_717 = vector.load %arg3[%get3A_715, %get3A_716] : memref<16x50176xi32, #tpu.memory_space<vmem>>, vector<16x6272xi32>
        %ge3A_718 = vector.broadcast %add3A_652 : vector<16x1xi32> to vector<16x6272xi32>
        %ge3A_719 = arith.cmpi sge, %get3A_717, %ge3A_718 : vector<16x6272xi32>
        %convert_element_type3A_720 = arith.extui %ge3A_719 : vector<16x6272xi1> to vector<16x6272xi32>
        %reduce_sum3A_721 = arith.constant dense<0> : vector<16xi32>
        %reduce_sum3A_722 = vector.multi_reduction <add>, %convert_element_type3A_720, %reduce_sum3A_721 [1] : vector<16x6272xi32> to vector<16xi32>
        %broadcast_in_dim3A_723 = vector.shape_cast %reduce_sum3A_722 : vector<16xi32> to vector<16x1xi32>
        %le3A_724 = vector.broadcast %sub3A_654 : vector<16x1xi32> to vector<16x6272xi32>
        %le3A_725 = arith.cmpi sle, %get3A_717, %le3A_724 : vector<16x6272xi32>
        %convert_element_type3A_726 = arith.extui %le3A_725 : vector<16x6272xi1> to vector<16x6272xi32>
        %reduce_sum3A_727 = arith.constant dense<0> : vector<16xi32>
        %reduce_sum3A_728 = vector.multi_reduction <add>, %convert_element_type3A_726, %reduce_sum3A_727 [1] : vector<16x6272xi32> to vector<16xi32>
        %broadcast_in_dim3A_729 = vector.shape_cast %reduce_sum3A_728 : vector<16xi32> to vector<16x1xi32>
        %get3A_730 = arith.constant 0 : index
        %get3A_731 = arith.constant 31360 : index
        %get3A_732 = vector.load %arg3[%get3A_730, %get3A_731] : memref<16x50176xi32, #tpu.memory_space<vmem>>, vector<16x6272xi32>
        %ge3A_733 = vector.broadcast %add3A_652 : vector<16x1xi32> to vector<16x6272xi32>
        %ge3A_734 = arith.cmpi sge, %get3A_732, %ge3A_733 : vector<16x6272xi32>
        %convert_element_type3A_735 = arith.extui %ge3A_734 : vector<16x6272xi1> to vector<16x6272xi32>
        %reduce_sum3A_736 = arith.constant dense<0> : vector<16xi32>
        %reduce_sum3A_737 = vector.multi_reduction <add>, %convert_element_type3A_735, %reduce_sum3A_736 [1] : vector<16x6272xi32> to vector<16xi32>
        %broadcast_in_dim3A_738 = vector.shape_cast %reduce_sum3A_737 : vector<16xi32> to vector<16x1xi32>
        %le3A_739 = vector.broadcast %sub3A_654 : vector<16x1xi32> to vector<16x6272xi32>
        %le3A_740 = arith.cmpi sle, %get3A_732, %le3A_739 : vector<16x6272xi32>
        %convert_element_type3A_741 = arith.extui %le3A_740 : vector<16x6272xi1> to vector<16x6272xi32>
        %reduce_sum3A_742 = arith.constant dense<0> : vector<16xi32>
        %reduce_sum3A_743 = vector.multi_reduction <add>, %convert_element_type3A_741, %reduce_sum3A_742 [1] : vector<16x6272xi32> to vector<16xi32>
        %broadcast_in_dim3A_744 = vector.shape_cast %reduce_sum3A_743 : vector<16xi32> to vector<16x1xi32>
        %get3A_745 = arith.constant 0 : index
        %get3A_746 = arith.constant 37632 : index
        %get3A_747 = vector.load %arg3[%get3A_745, %get3A_746] : memref<16x50176xi32, #tpu.memory_space<vmem>>, vector<16x6272xi32>
        %ge3A_748 = vector.broadcast %add3A_652 : vector<16x1xi32> to vector<16x6272xi32>
        %ge3A_749 = arith.cmpi sge, %get3A_747, %ge3A_748 : vector<16x6272xi32>
        %convert_element_type3A_750 = arith.extui %ge3A_749 : vector<16x6272xi1> to vector<16x6272xi32>
        %reduce_sum3A_751 = arith.constant dense<0> : vector<16xi32>
        %reduce_sum3A_752 = vector.multi_reduction <add>, %convert_element_type3A_750, %reduce_sum3A_751 [1] : vector<16x6272xi32> to vector<16xi32>
        %broadcast_in_dim3A_753 = vector.shape_cast %reduce_sum3A_752 : vector<16xi32> to vector<16x1xi32>
        %le3A_754 = vector.broadcast %sub3A_654 : vector<16x1xi32> to vector<16x6272xi32>
        %le3A_755 = arith.cmpi sle, %get3A_747, %le3A_754 : vector<16x6272xi32>
        %convert_element_type3A_756 = arith.extui %le3A_755 : vector<16x6272xi1> to vector<16x6272xi32>
        %reduce_sum3A_757 = arith.constant dense<0> : vector<16xi32>
        %reduce_sum3A_758 = vector.multi_reduction <add>, %convert_element_type3A_756, %reduce_sum3A_757 [1] : vector<16x6272xi32> to vector<16xi32>
        %broadcast_in_dim3A_759 = vector.shape_cast %reduce_sum3A_758 : vector<16xi32> to vector<16x1xi32>
        %get3A_760 = arith.constant 0 : index
        %get3A_761 = arith.constant 43904 : index
        %get3A_762 = vector.load %arg3[%get3A_760, %get3A_761] : memref<16x50176xi32, #tpu.memory_space<vmem>>, vector<16x6272xi32>
        %ge3A_763 = vector.broadcast %add3A_652 : vector<16x1xi32> to vector<16x6272xi32>
        %ge3A_764 = arith.cmpi sge, %get3A_762, %ge3A_763 : vector<16x6272xi32>
        %convert_element_type3A_765 = arith.extui %ge3A_764 : vector<16x6272xi1> to vector<16x6272xi32>
        %reduce_sum3A_766 = arith.constant dense<0> : vector<16xi32>
        %reduce_sum3A_767 = vector.multi_reduction <add>, %convert_element_type3A_765, %reduce_sum3A_766 [1] : vector<16x6272xi32> to vector<16xi32>
        %broadcast_in_dim3A_768 = vector.shape_cast %reduce_sum3A_767 : vector<16xi32> to vector<16x1xi32>
        %le3A_769 = vector.broadcast %sub3A_654 : vector<16x1xi32> to vector<16x6272xi32>
        %le3A_770 = arith.cmpi sle, %get3A_762, %le3A_769 : vector<16x6272xi32>
        %convert_element_type3A_771 = arith.extui %le3A_770 : vector<16x6272xi1> to vector<16x6272xi32>
        %reduce_sum3A_772 = arith.constant dense<0> : vector<16xi32>
        %reduce_sum3A_773 = vector.multi_reduction <add>, %convert_element_type3A_771, %reduce_sum3A_772 [1] : vector<16x6272xi32> to vector<16xi32>
        %broadcast_in_dim3A_774 = vector.shape_cast %reduce_sum3A_773 : vector<16xi32> to vector<16x1xi32>
        %add3A_775 = arith.constant 0 : i32
        %add3A_776 = vector.broadcast %add3A_775 : i32 to vector<16x1xi32>
        %add3A_777 = arith.addi %add3A_776, %broadcast_in_dim3A_663 : vector<16x1xi32>
        %add3A_778 = arith.addi %add3A_777, %broadcast_in_dim3A_678 : vector<16x1xi32>
        %add3A_779 = arith.addi %add3A_778, %broadcast_in_dim3A_693 : vector<16x1xi32>
        %add3A_780 = arith.addi %add3A_779, %broadcast_in_dim3A_708 : vector<16x1xi32>
        %add3A_781 = arith.addi %add3A_780, %broadcast_in_dim3A_723 : vector<16x1xi32>
        %add3A_782 = arith.addi %add3A_781, %broadcast_in_dim3A_738 : vector<16x1xi32>
        %add3A_783 = arith.addi %add3A_782, %broadcast_in_dim3A_753 : vector<16x1xi32>
        %add3A_784 = arith.addi %add3A_783, %broadcast_in_dim3A_768 : vector<16x1xi32>
        %add3A_785 = arith.constant 0 : i32
        %add3A_786 = vector.broadcast %add3A_785 : i32 to vector<16x1xi32>
        %add3A_787 = arith.addi %add3A_786, %broadcast_in_dim3A_669 : vector<16x1xi32>
        %add3A_788 = arith.addi %add3A_787, %broadcast_in_dim3A_684 : vector<16x1xi32>
        %add3A_789 = arith.addi %add3A_788, %broadcast_in_dim3A_699 : vector<16x1xi32>
        %add3A_790 = arith.addi %add3A_789, %broadcast_in_dim3A_714 : vector<16x1xi32>
        %add3A_791 = arith.addi %add3A_790, %broadcast_in_dim3A_729 : vector<16x1xi32>
        %add3A_792 = arith.addi %add3A_791, %broadcast_in_dim3A_744 : vector<16x1xi32>
        %add3A_793 = arith.addi %add3A_792, %broadcast_in_dim3A_759 : vector<16x1xi32>
        %add3A_794 = arith.addi %add3A_793, %broadcast_in_dim3A_774 : vector<16x1xi32>
        %ge3A_795 = arith.constant 50 : i32
        %ge3A_796 = vector.broadcast %ge3A_795 : i32 to vector<16x1xi32>
        %ge3A_797 = arith.cmpi sge, %add3A_784, %ge3A_796 : vector<16x1xi32>
        %select_n3A_798 = arith.select %ge3A_797, %add3A_652, %scan3A_648 : vector<16x1xi1>, vector<16x1xi32>
        %ge3A_799 = arith.constant 50 : i32
        %ge3A_800 = vector.broadcast %ge3A_799 : i32 to vector<16x1xi32>
        %ge3A_801 = arith.cmpi sge, %add3A_794, %ge3A_800 : vector<16x1xi32>
        %select_n3A_802 = arith.select %ge3A_801, %sub3A_654, %scan3A_649 : vector<16x1xi1>, vector<16x1xi32>
        scf.yield %select_n3A_798, %select_n3A_802 : vector<16x1xi32>, vector<16x1xi32>
      }
      %scan3A_646 = arith.constant 23 : i32
      scf.yield %scan3A_645#0, %scan3A_645#1 : vector<16x1xi32>, vector<16x1xi32>
    } else {
      %broadcast_in_dim3A_642 = arith.constant 0 : i32
      %broadcast_in_dim3A_643 = vector.broadcast %broadcast_in_dim3A_642 : i32 to vector<16x1xi32>
      %sub3A_644 = arith.constant 1 : i32
      %sub3A_645 = vector.broadcast %sub3A_644 : i32 to vector<16x1xi32>
      %sub3A_646 = arith.subi %broadcast_in_dim3A_643, %sub3A_645 : vector<16x1xi32>
      %get3A_647 = arith.constant 0 : index
      %get3A_648 = arith.constant 0 : index
      %get3A_649 = vector.load %arg3[%get3A_647, %get3A_648] : memref<16x50176xi32, #tpu.memory_space<vmem>>, vector<16x6272xi32>
      %ge3A_650 = vector.broadcast %broadcast_in_dim3A_643 : vector<16x1xi32> to vector<16x6272xi32>
      %ge3A_651 = arith.cmpi sge, %get3A_649, %ge3A_650 : vector<16x6272xi32>
      %convert_element_type3A_652 = arith.extui %ge3A_651 : vector<16x6272xi1> to vector<16x6272xi32>
      %reduce_sum3A_653 = arith.constant dense<0> : vector<16xi32>
      %reduce_sum3A_654 = vector.multi_reduction <add>, %convert_element_type3A_652, %reduce_sum3A_653 [1] : vector<16x6272xi32> to vector<16xi32>
      %broadcast_in_dim3A_655 = vector.shape_cast %reduce_sum3A_654 : vector<16xi32> to vector<16x1xi32>
      %le3A_656 = vector.broadcast %sub3A_646 : vector<16x1xi32> to vector<16x6272xi32>
      %le3A_657 = arith.cmpi sle, %get3A_649, %le3A_656 : vector<16x6272xi32>
      %convert_element_type3A_658 = arith.extui %le3A_657 : vector<16x6272xi1> to vector<16x6272xi32>
      %reduce_sum3A_659 = arith.constant dense<0> : vector<16xi32>
      %reduce_sum3A_660 = vector.multi_reduction <add>, %convert_element_type3A_658, %reduce_sum3A_659 [1] : vector<16x6272xi32> to vector<16xi32>
      %broadcast_in_dim3A_661 = vector.shape_cast %reduce_sum3A_660 : vector<16xi32> to vector<16x1xi32>
      %get3A_662 = arith.constant 0 : index
      %get3A_663 = arith.constant 6272 : index
      %get3A_664 = vector.load %arg3[%get3A_662, %get3A_663] : memref<16x50176xi32, #tpu.memory_space<vmem>>, vector<16x6272xi32>
      %ge3A_665 = vector.broadcast %broadcast_in_dim3A_643 : vector<16x1xi32> to vector<16x6272xi32>
      %ge3A_666 = arith.cmpi sge, %get3A_664, %ge3A_665 : vector<16x6272xi32>
      %convert_element_type3A_667 = arith.extui %ge3A_666 : vector<16x6272xi1> to vector<16x6272xi32>
      %reduce_sum3A_668 = arith.constant dense<0> : vector<16xi32>
      %reduce_sum3A_669 = vector.multi_reduction <add>, %convert_element_type3A_667, %reduce_sum3A_668 [1] : vector<16x6272xi32> to vector<16xi32>
      %broadcast_in_dim3A_670 = vector.shape_cast %reduce_sum3A_669 : vector<16xi32> to vector<16x1xi32>
      %le3A_671 = vector.broadcast %sub3A_646 : vector<16x1xi32> to vector<16x6272xi32>
      %le3A_672 = arith.cmpi sle, %get3A_664, %le3A_671 : vector<16x6272xi32>
      %convert_element_type3A_673 = arith.extui %le3A_672 : vector<16x6272xi1> to vector<16x6272xi32>
      %reduce_sum3A_674 = arith.constant dense<0> : vector<16xi32>
      %reduce_sum3A_675 = vector.multi_reduction <add>, %convert_element_type3A_673, %reduce_sum3A_674 [1] : vector<16x6272xi32> to vector<16xi32>
      %broadcast_in_dim3A_676 = vector.shape_cast %reduce_sum3A_675 : vector<16xi32> to vector<16x1xi32>
      %get3A_677 = arith.constant 0 : index
      %get3A_678 = arith.constant 12544 : index
      %get3A_679 = vector.load %arg3[%get3A_677, %get3A_678] : memref<16x50176xi32, #tpu.memory_space<vmem>>, vector<16x6272xi32>
      %ge3A_680 = vector.broadcast %broadcast_in_dim3A_643 : vector<16x1xi32> to vector<16x6272xi32>
      %ge3A_681 = arith.cmpi sge, %get3A_679, %ge3A_680 : vector<16x6272xi32>
      %convert_element_type3A_682 = arith.extui %ge3A_681 : vector<16x6272xi1> to vector<16x6272xi32>
      %reduce_sum3A_683 = arith.constant dense<0> : vector<16xi32>
      %reduce_sum3A_684 = vector.multi_reduction <add>, %convert_element_type3A_682, %reduce_sum3A_683 [1] : vector<16x6272xi32> to vector<16xi32>
      %broadcast_in_dim3A_685 = vector.shape_cast %reduce_sum3A_684 : vector<16xi32> to vector<16x1xi32>
      %le3A_686 = vector.broadcast %sub3A_646 : vector<16x1xi32> to vector<16x6272xi32>
      %le3A_687 = arith.cmpi sle, %get3A_679, %le3A_686 : vector<16x6272xi32>
      %convert_element_type3A_688 = arith.extui %le3A_687 : vector<16x6272xi1> to vector<16x6272xi32>
      %reduce_sum3A_689 = arith.constant dense<0> : vector<16xi32>
      %reduce_sum3A_690 = vector.multi_reduction <add>, %convert_element_type3A_688, %reduce_sum3A_689 [1] : vector<16x6272xi32> to vector<16xi32>
      %broadcast_in_dim3A_691 = vector.shape_cast %reduce_sum3A_690 : vector<16xi32> to vector<16x1xi32>
      %get3A_692 = arith.constant 0 : index
      %get3A_693 = arith.constant 18816 : index
      %get3A_694 = vector.load %arg3[%get3A_692, %get3A_693] : memref<16x50176xi32, #tpu.memory_space<vmem>>, vector<16x6272xi32>
      %ge3A_695 = vector.broadcast %broadcast_in_dim3A_643 : vector<16x1xi32> to vector<16x6272xi32>
      %ge3A_696 = arith.cmpi sge, %get3A_694, %ge3A_695 : vector<16x6272xi32>
      %convert_element_type3A_697 = arith.extui %ge3A_696 : vector<16x6272xi1> to vector<16x6272xi32>
      %reduce_sum3A_698 = arith.constant dense<0> : vector<16xi32>
      %reduce_sum3A_699 = vector.multi_reduction <add>, %convert_element_type3A_697, %reduce_sum3A_698 [1] : vector<16x6272xi32> to vector<16xi32>
      %broadcast_in_dim3A_700 = vector.shape_cast %reduce_sum3A_699 : vector<16xi32> to vector<16x1xi32>
      %le3A_701 = vector.broadcast %sub3A_646 : vector<16x1xi32> to vector<16x6272xi32>
      %le3A_702 = arith.cmpi sle, %get3A_694, %le3A_701 : vector<16x6272xi32>
      %convert_element_type3A_703 = arith.extui %le3A_702 : vector<16x6272xi1> to vector<16x6272xi32>
      %reduce_sum3A_704 = arith.constant dense<0> : vector<16xi32>
      %reduce_sum3A_705 = vector.multi_reduction <add>, %convert_element_type3A_703, %reduce_sum3A_704 [1] : vector<16x6272xi32> to vector<16xi32>
      %broadcast_in_dim3A_706 = vector.shape_cast %reduce_sum3A_705 : vector<16xi32> to vector<16x1xi32>
      %get3A_707 = arith.constant 0 : index
      %get3A_708 = arith.constant 25088 : index
      %get3A_709 = vector.load %arg3[%get3A_707, %get3A_708] : memref<16x50176xi32, #tpu.memory_space<vmem>>, vector<16x6272xi32>
      %ge3A_710 = vector.broadcast %broadcast_in_dim3A_643 : vector<16x1xi32> to vector<16x6272xi32>
      %ge3A_711 = arith.cmpi sge, %get3A_709, %ge3A_710 : vector<16x6272xi32>
      %convert_element_type3A_712 = arith.extui %ge3A_711 : vector<16x6272xi1> to vector<16x6272xi32>
      %reduce_sum3A_713 = arith.constant dense<0> : vector<16xi32>
      %reduce_sum3A_714 = vector.multi_reduction <add>, %convert_element_type3A_712, %reduce_sum3A_713 [1] : vector<16x6272xi32> to vector<16xi32>
      %broadcast_in_dim3A_715 = vector.shape_cast %reduce_sum3A_714 : vector<16xi32> to vector<16x1xi32>
      %le3A_716 = vector.broadcast %sub3A_646 : vector<16x1xi32> to vector<16x6272xi32>
      %le3A_717 = arith.cmpi sle, %get3A_709, %le3A_716 : vector<16x6272xi32>
      %convert_element_type3A_718 = arith.extui %le3A_717 : vector<16x6272xi1> to vector<16x6272xi32>
      %reduce_sum3A_719 = arith.constant dense<0> : vector<16xi32>
      %reduce_sum3A_720 = vector.multi_reduction <add>, %convert_element_type3A_718, %reduce_sum3A_719 [1] : vector<16x6272xi32> to vector<16xi32>
      %broadcast_in_dim3A_721 = vector.shape_cast %reduce_sum3A_720 : vector<16xi32> to vector<16x1xi32>
      %get3A_722 = arith.constant 0 : index
      %get3A_723 = arith.constant 31360 : index
      %get3A_724 = vector.load %arg3[%get3A_722, %get3A_723] : memref<16x50176xi32, #tpu.memory_space<vmem>>, vector<16x6272xi32>
      %ge3A_725 = vector.broadcast %broadcast_in_dim3A_643 : vector<16x1xi32> to vector<16x6272xi32>
      %ge3A_726 = arith.cmpi sge, %get3A_724, %ge3A_725 : vector<16x6272xi32>
      %convert_element_type3A_727 = arith.extui %ge3A_726 : vector<16x6272xi1> to vector<16x6272xi32>
      %reduce_sum3A_728 = arith.constant dense<0> : vector<16xi32>
      %reduce_sum3A_729 = vector.multi_reduction <add>, %convert_element_type3A_727, %reduce_sum3A_728 [1] : vector<16x6272xi32> to vector<16xi32>
      %broadcast_in_dim3A_730 = vector.shape_cast %reduce_sum3A_729 : vector<16xi32> to vector<16x1xi32>
      %le3A_731 = vector.broadcast %sub3A_646 : vector<16x1xi32> to vector<16x6272xi32>
      %le3A_732 = arith.cmpi sle, %get3A_724, %le3A_731 : vector<16x6272xi32>
      %convert_element_type3A_733 = arith.extui %le3A_732 : vector<16x6272xi1> to vector<16x6272xi32>
      %reduce_sum3A_734 = arith.constant dense<0> : vector<16xi32>
      %reduce_sum3A_735 = vector.multi_reduction <add>, %convert_element_type3A_733, %reduce_sum3A_734 [1] : vector<16x6272xi32> to vector<16xi32>
      %broadcast_in_dim3A_736 = vector.shape_cast %reduce_sum3A_735 : vector<16xi32> to vector<16x1xi32>
      %get3A_737 = arith.constant 0 : index
      %get3A_738 = arith.constant 37632 : index
      %get3A_739 = vector.load %arg3[%get3A_737, %get3A_738] : memref<16x50176xi32, #tpu.memory_space<vmem>>, vector<16x6272xi32>
      %ge3A_740 = vector.broadcast %broadcast_in_dim3A_643 : vector<16x1xi32> to vector<16x6272xi32>
      %ge3A_741 = arith.cmpi sge, %get3A_739, %ge3A_740 : vector<16x6272xi32>
      %convert_element_type3A_742 = arith.extui %ge3A_741 : vector<16x6272xi1> to vector<16x6272xi32>
      %reduce_sum3A_743 = arith.constant dense<0> : vector<16xi32>
      %reduce_sum3A_744 = vector.multi_reduction <add>, %convert_element_type3A_742, %reduce_sum3A_743 [1] : vector<16x6272xi32> to vector<16xi32>
      %broadcast_in_dim3A_745 = vector.shape_cast %reduce_sum3A_744 : vector<16xi32> to vector<16x1xi32>
      %le3A_746 = vector.broadcast %sub3A_646 : vector<16x1xi32> to vector<16x6272xi32>
      %le3A_747 = arith.cmpi sle, %get3A_739, %le3A_746 : vector<16x6272xi32>
      %convert_element_type3A_748 = arith.extui %le3A_747 : vector<16x6272xi1> to vector<16x6272xi32>
      %reduce_sum3A_749 = arith.constant dense<0> : vector<16xi32>
      %reduce_sum3A_750 = vector.multi_reduction <add>, %convert_element_type3A_748, %reduce_sum3A_749 [1] : vector<16x6272xi32> to vector<16xi32>
      %broadcast_in_dim3A_751 = vector.shape_cast %reduce_sum3A_750 : vector<16xi32> to vector<16x1xi32>
      %get3A_752 = arith.constant 0 : index
      %get3A_753 = arith.constant 43904 : index
      %get3A_754 = vector.load %arg3[%get3A_752, %get3A_753] : memref<16x50176xi32, #tpu.memory_space<vmem>>, vector<16x6272xi32>
      %ge3A_755 = vector.broadcast %broadcast_in_dim3A_643 : vector<16x1xi32> to vector<16x6272xi32>
      %ge3A_756 = arith.cmpi sge, %get3A_754, %ge3A_755 : vector<16x6272xi32>
      %convert_element_type3A_757 = arith.extui %ge3A_756 : vector<16x6272xi1> to vector<16x6272xi32>
      %reduce_sum3A_758 = arith.constant dense<0> : vector<16xi32>
      %reduce_sum3A_759 = vector.multi_reduction <add>, %convert_element_type3A_757, %reduce_sum3A_758 [1] : vector<16x6272xi32> to vector<16xi32>
      %broadcast_in_dim3A_760 = vector.shape_cast %reduce_sum3A_759 : vector<16xi32> to vector<16x1xi32>
      %le3A_761 = vector.broadcast %sub3A_646 : vector<16x1xi32> to vector<16x6272xi32>
      %le3A_762 = arith.cmpi sle, %get3A_754, %le3A_761 : vector<16x6272xi32>
      %convert_element_type3A_763 = arith.extui %le3A_762 : vector<16x6272xi1> to vector<16x6272xi32>
      %reduce_sum3A_764 = arith.constant dense<0> : vector<16xi32>
      %reduce_sum3A_765 = vector.multi_reduction <add>, %convert_element_type3A_763, %reduce_sum3A_764 [1] : vector<16x6272xi32> to vector<16xi32>
      %broadcast_in_dim3A_766 = vector.shape_cast %reduce_sum3A_765 : vector<16xi32> to vector<16x1xi32>
      %add3A_767 = arith.constant 0 : i32
      %add3A_768 = vector.broadcast %add3A_767 : i32 to vector<16x1xi32>
      %add3A_769 = arith.addi %add3A_768, %broadcast_in_dim3A_655 : vector<16x1xi32>
      %add3A_770 = arith.addi %add3A_769, %broadcast_in_dim3A_670 : vector<16x1xi32>
      %add3A_771 = arith.addi %add3A_770, %broadcast_in_dim3A_685 : vector<16x1xi32>
      %add3A_772 = arith.addi %add3A_771, %broadcast_in_dim3A_700 : vector<16x1xi32>
      %add3A_773 = arith.addi %add3A_772, %broadcast_in_dim3A_715 : vector<16x1xi32>
      %add3A_774 = arith.addi %add3A_773, %broadcast_in_dim3A_730 : vector<16x1xi32>
      %add3A_775 = arith.addi %add3A_774, %broadcast_in_dim3A_745 : vector<16x1xi32>
      %add3A_776 = arith.addi %add3A_775, %broadcast_in_dim3A_760 : vector<16x1xi32>
      %add3A_777 = arith.constant 0 : i32
      %add3A_778 = vector.broadcast %add3A_777 : i32 to vector<16x1xi32>
      %add3A_779 = arith.addi %add3A_778, %broadcast_in_dim3A_661 : vector<16x1xi32>
      %add3A_780 = arith.addi %add3A_779, %broadcast_in_dim3A_676 : vector<16x1xi32>
      %add3A_781 = arith.addi %add3A_780, %broadcast_in_dim3A_691 : vector<16x1xi32>
      %add3A_782 = arith.addi %add3A_781, %broadcast_in_dim3A_706 : vector<16x1xi32>
      %add3A_783 = arith.addi %add3A_782, %broadcast_in_dim3A_721 : vector<16x1xi32>
      %add3A_784 = arith.addi %add3A_783, %broadcast_in_dim3A_736 : vector<16x1xi32>
      %add3A_785 = arith.addi %add3A_784, %broadcast_in_dim3A_751 : vector<16x1xi32>
      %add3A_786 = arith.addi %add3A_785, %broadcast_in_dim3A_766 : vector<16x1xi32>
      %ge3A_787 = arith.constant 50 : i32
      %ge3A_788 = vector.broadcast %ge3A_787 : i32 to vector<16x1xi32>
      %ge3A_789 = arith.cmpi sge, %add3A_776, %ge3A_788 : vector<16x1xi32>
      %add3A_790 = arith.constant -2147483648 : i32
      %add3A_791 = vector.broadcast %add3A_790 : i32 to vector<16x1xi32>
      %add3A_792 = arith.addi %broadcast_in_dim3A_643, %add3A_791 : vector<16x1xi32>
      %select_n3A_793 = arith.select %ge3A_789, %broadcast_in_dim3A_643, %add3A_792 : vector<16x1xi1>, vector<16x1xi32>
      %ge3A_794 = arith.constant 50 : i32
      %ge3A_795 = vector.broadcast %ge3A_794 : i32 to vector<16x1xi32>
      %ge3A_796 = arith.cmpi sge, %add3A_786, %ge3A_795 : vector<16x1xi32>
      %sub3A_797 = arith.constant 1 : i32
      %sub3A_798 = vector.broadcast %sub3A_797 : i32 to vector<16x1xi32>
      %sub3A_799 = arith.subi %broadcast_in_dim3A_643, %sub3A_798 : vector<16x1xi32>
      %add3A_800 = arith.constant 2147483647 : i32
      %add3A_801 = vector.broadcast %add3A_800 : i32 to vector<16x1xi32>
      %add3A_802 = arith.addi %broadcast_in_dim3A_643, %add3A_801 : vector<16x1xi32>
      %select_n3A_803 = arith.select %ge3A_796, %sub3A_799, %add3A_802 : vector<16x1xi1>, vector<16x1xi32>
      %scan3A = arith.constant 0 : i32
      %scan3A_804 = arith.constant 31 : i32
      %scan3A_805 = arith.addi %scan3A, %scan3A_804 : i32
      %scan3A_806 = arith.constant 1 : i32
      %scan3A_807:2 = scf.for %scan3A_809 = %scan3A to %scan3A_805 step %scan3A_806 iter_args(%scan3A_810 = %select_n3A_793, %scan3A_811 = %select_n3A_803) -> (vector<16x1xi32>, vector<16x1xi32>)  : i32 {
        %shift_right_arithmetic3A = arith.constant 1073741824 : i32
        %shift_right_arithmetic3A_812 = arith.shrsi %shift_right_arithmetic3A, %scan3A_809 : i32
        %add3A_813 = vector.broadcast %shift_right_arithmetic3A_812 : i32 to vector<16x1xi32>
        %add3A_814 = arith.addi %scan3A_810, %add3A_813 : vector<16x1xi32>
        %sub3A_815 = vector.broadcast %shift_right_arithmetic3A_812 : i32 to vector<16x1xi32>
        %sub3A_816 = arith.subi %scan3A_811, %sub3A_815 : vector<16x1xi32>
        %get3A_817 = arith.constant 0 : index
        %get3A_818 = arith.constant 0 : index
        %get3A_819 = vector.load %arg3[%get3A_817, %get3A_818] : memref<16x50176xi32, #tpu.memory_space<vmem>>, vector<16x6272xi32>
        %ge3A_820 = vector.broadcast %add3A_814 : vector<16x1xi32> to vector<16x6272xi32>
        %ge3A_821 = arith.cmpi sge, %get3A_819, %ge3A_820 : vector<16x6272xi32>
        %convert_element_type3A_822 = arith.extui %ge3A_821 : vector<16x6272xi1> to vector<16x6272xi32>
        %reduce_sum3A_823 = arith.constant dense<0> : vector<16xi32>
        %reduce_sum3A_824 = vector.multi_reduction <add>, %convert_element_type3A_822, %reduce_sum3A_823 [1] : vector<16x6272xi32> to vector<16xi32>
        %broadcast_in_dim3A_825 = vector.shape_cast %reduce_sum3A_824 : vector<16xi32> to vector<16x1xi32>
        %le3A_826 = vector.broadcast %sub3A_816 : vector<16x1xi32> to vector<16x6272xi32>
        %le3A_827 = arith.cmpi sle, %get3A_819, %le3A_826 : vector<16x6272xi32>
        %convert_element_type3A_828 = arith.extui %le3A_827 : vector<16x6272xi1> to vector<16x6272xi32>
        %reduce_sum3A_829 = arith.constant dense<0> : vector<16xi32>
        %reduce_sum3A_830 = vector.multi_reduction <add>, %convert_element_type3A_828, %reduce_sum3A_829 [1] : vector<16x6272xi32> to vector<16xi32>
        %broadcast_in_dim3A_831 = vector.shape_cast %reduce_sum3A_830 : vector<16xi32> to vector<16x1xi32>
        %get3A_832 = arith.constant 0 : index
        %get3A_833 = arith.constant 6272 : index
        %get3A_834 = vector.load %arg3[%get3A_832, %get3A_833] : memref<16x50176xi32, #tpu.memory_space<vmem>>, vector<16x6272xi32>
        %ge3A_835 = vector.broadcast %add3A_814 : vector<16x1xi32> to vector<16x6272xi32>
        %ge3A_836 = arith.cmpi sge, %get3A_834, %ge3A_835 : vector<16x6272xi32>
        %convert_element_type3A_837 = arith.extui %ge3A_836 : vector<16x6272xi1> to vector<16x6272xi32>
        %reduce_sum3A_838 = arith.constant dense<0> : vector<16xi32>
        %reduce_sum3A_839 = vector.multi_reduction <add>, %convert_element_type3A_837, %reduce_sum3A_838 [1] : vector<16x6272xi32> to vector<16xi32>
        %broadcast_in_dim3A_840 = vector.shape_cast %reduce_sum3A_839 : vector<16xi32> to vector<16x1xi32>
        %le3A_841 = vector.broadcast %sub3A_816 : vector<16x1xi32> to vector<16x6272xi32>
        %le3A_842 = arith.cmpi sle, %get3A_834, %le3A_841 : vector<16x6272xi32>
        %convert_element_type3A_843 = arith.extui %le3A_842 : vector<16x6272xi1> to vector<16x6272xi32>
        %reduce_sum3A_844 = arith.constant dense<0> : vector<16xi32>
        %reduce_sum3A_845 = vector.multi_reduction <add>, %convert_element_type3A_843, %reduce_sum3A_844 [1] : vector<16x6272xi32> to vector<16xi32>
        %broadcast_in_dim3A_846 = vector.shape_cast %reduce_sum3A_845 : vector<16xi32> to vector<16x1xi32>
        %get3A_847 = arith.constant 0 : index
        %get3A_848 = arith.constant 12544 : index
        %get3A_849 = vector.load %arg3[%get3A_847, %get3A_848] : memref<16x50176xi32, #tpu.memory_space<vmem>>, vector<16x6272xi32>
        %ge3A_850 = vector.broadcast %add3A_814 : vector<16x1xi32> to vector<16x6272xi32>
        %ge3A_851 = arith.cmpi sge, %get3A_849, %ge3A_850 : vector<16x6272xi32>
        %convert_element_type3A_852 = arith.extui %ge3A_851 : vector<16x6272xi1> to vector<16x6272xi32>
        %reduce_sum3A_853 = arith.constant dense<0> : vector<16xi32>
        %reduce_sum3A_854 = vector.multi_reduction <add>, %convert_element_type3A_852, %reduce_sum3A_853 [1] : vector<16x6272xi32> to vector<16xi32>
        %broadcast_in_dim3A_855 = vector.shape_cast %reduce_sum3A_854 : vector<16xi32> to vector<16x1xi32>
        %le3A_856 = vector.broadcast %sub3A_816 : vector<16x1xi32> to vector<16x6272xi32>
        %le3A_857 = arith.cmpi sle, %get3A_849, %le3A_856 : vector<16x6272xi32>
        %convert_element_type3A_858 = arith.extui %le3A_857 : vector<16x6272xi1> to vector<16x6272xi32>
        %reduce_sum3A_859 = arith.constant dense<0> : vector<16xi32>
        %reduce_sum3A_860 = vector.multi_reduction <add>, %convert_element_type3A_858, %reduce_sum3A_859 [1] : vector<16x6272xi32> to vector<16xi32>
        %broadcast_in_dim3A_861 = vector.shape_cast %reduce_sum3A_860 : vector<16xi32> to vector<16x1xi32>
        %get3A_862 = arith.constant 0 : index
        %get3A_863 = arith.constant 18816 : index
        %get3A_864 = vector.load %arg3[%get3A_862, %get3A_863] : memref<16x50176xi32, #tpu.memory_space<vmem>>, vector<16x6272xi32>
        %ge3A_865 = vector.broadcast %add3A_814 : vector<16x1xi32> to vector<16x6272xi32>
        %ge3A_866 = arith.cmpi sge, %get3A_864, %ge3A_865 : vector<16x6272xi32>
        %convert_element_type3A_867 = arith.extui %ge3A_866 : vector<16x6272xi1> to vector<16x6272xi32>
        %reduce_sum3A_868 = arith.constant dense<0> : vector<16xi32>
        %reduce_sum3A_869 = vector.multi_reduction <add>, %convert_element_type3A_867, %reduce_sum3A_868 [1] : vector<16x6272xi32> to vector<16xi32>
        %broadcast_in_dim3A_870 = vector.shape_cast %reduce_sum3A_869 : vector<16xi32> to vector<16x1xi32>
        %le3A_871 = vector.broadcast %sub3A_816 : vector<16x1xi32> to vector<16x6272xi32>
        %le3A_872 = arith.cmpi sle, %get3A_864, %le3A_871 : vector<16x6272xi32>
        %convert_element_type3A_873 = arith.extui %le3A_872 : vector<16x6272xi1> to vector<16x6272xi32>
        %reduce_sum3A_874 = arith.constant dense<0> : vector<16xi32>
        %reduce_sum3A_875 = vector.multi_reduction <add>, %convert_element_type3A_873, %reduce_sum3A_874 [1] : vector<16x6272xi32> to vector<16xi32>
        %broadcast_in_dim3A_876 = vector.shape_cast %reduce_sum3A_875 : vector<16xi32> to vector<16x1xi32>
        %get3A_877 = arith.constant 0 : index
        %get3A_878 = arith.constant 25088 : index
        %get3A_879 = vector.load %arg3[%get3A_877, %get3A_878] : memref<16x50176xi32, #tpu.memory_space<vmem>>, vector<16x6272xi32>
        %ge3A_880 = vector.broadcast %add3A_814 : vector<16x1xi32> to vector<16x6272xi32>
        %ge3A_881 = arith.cmpi sge, %get3A_879, %ge3A_880 : vector<16x6272xi32>
        %convert_element_type3A_882 = arith.extui %ge3A_881 : vector<16x6272xi1> to vector<16x6272xi32>
        %reduce_sum3A_883 = arith.constant dense<0> : vector<16xi32>
        %reduce_sum3A_884 = vector.multi_reduction <add>, %convert_element_type3A_882, %reduce_sum3A_883 [1] : vector<16x6272xi32> to vector<16xi32>
        %broadcast_in_dim3A_885 = vector.shape_cast %reduce_sum3A_884 : vector<16xi32> to vector<16x1xi32>
        %le3A_886 = vector.broadcast %sub3A_816 : vector<16x1xi32> to vector<16x6272xi32>
        %le3A_887 = arith.cmpi sle, %get3A_879, %le3A_886 : vector<16x6272xi32>
        %convert_element_type3A_888 = arith.extui %le3A_887 : vector<16x6272xi1> to vector<16x6272xi32>
        %reduce_sum3A_889 = arith.constant dense<0> : vector<16xi32>
        %reduce_sum3A_890 = vector.multi_reduction <add>, %convert_element_type3A_888, %reduce_sum3A_889 [1] : vector<16x6272xi32> to vector<16xi32>
        %broadcast_in_dim3A_891 = vector.shape_cast %reduce_sum3A_890 : vector<16xi32> to vector<16x1xi32>
        %get3A_892 = arith.constant 0 : index
        %get3A_893 = arith.constant 31360 : index
        %get3A_894 = vector.load %arg3[%get3A_892, %get3A_893] : memref<16x50176xi32, #tpu.memory_space<vmem>>, vector<16x6272xi32>
        %ge3A_895 = vector.broadcast %add3A_814 : vector<16x1xi32> to vector<16x6272xi32>
        %ge3A_896 = arith.cmpi sge, %get3A_894, %ge3A_895 : vector<16x6272xi32>
        %convert_element_type3A_897 = arith.extui %ge3A_896 : vector<16x6272xi1> to vector<16x6272xi32>
        %reduce_sum3A_898 = arith.constant dense<0> : vector<16xi32>
        %reduce_sum3A_899 = vector.multi_reduction <add>, %convert_element_type3A_897, %reduce_sum3A_898 [1] : vector<16x6272xi32> to vector<16xi32>
        %broadcast_in_dim3A_900 = vector.shape_cast %reduce_sum3A_899 : vector<16xi32> to vector<16x1xi32>
        %le3A_901 = vector.broadcast %sub3A_816 : vector<16x1xi32> to vector<16x6272xi32>
        %le3A_902 = arith.cmpi sle, %get3A_894, %le3A_901 : vector<16x6272xi32>
        %convert_element_type3A_903 = arith.extui %le3A_902 : vector<16x6272xi1> to vector<16x6272xi32>
        %reduce_sum3A_904 = arith.constant dense<0> : vector<16xi32>
        %reduce_sum3A_905 = vector.multi_reduction <add>, %convert_element_type3A_903, %reduce_sum3A_904 [1] : vector<16x6272xi32> to vector<16xi32>
        %broadcast_in_dim3A_906 = vector.shape_cast %reduce_sum3A_905 : vector<16xi32> to vector<16x1xi32>
        %get3A_907 = arith.constant 0 : index
        %get3A_908 = arith.constant 37632 : index
        %get3A_909 = vector.load %arg3[%get3A_907, %get3A_908] : memref<16x50176xi32, #tpu.memory_space<vmem>>, vector<16x6272xi32>
        %ge3A_910 = vector.broadcast %add3A_814 : vector<16x1xi32> to vector<16x6272xi32>
        %ge3A_911 = arith.cmpi sge, %get3A_909, %ge3A_910 : vector<16x6272xi32>
        %convert_element_type3A_912 = arith.extui %ge3A_911 : vector<16x6272xi1> to vector<16x6272xi32>
        %reduce_sum3A_913 = arith.constant dense<0> : vector<16xi32>
        %reduce_sum3A_914 = vector.multi_reduction <add>, %convert_element_type3A_912, %reduce_sum3A_913 [1] : vector<16x6272xi32> to vector<16xi32>
        %broadcast_in_dim3A_915 = vector.shape_cast %reduce_sum3A_914 : vector<16xi32> to vector<16x1xi32>
        %le3A_916 = vector.broadcast %sub3A_816 : vector<16x1xi32> to vector<16x6272xi32>
        %le3A_917 = arith.cmpi sle, %get3A_909, %le3A_916 : vector<16x6272xi32>
        %convert_element_type3A_918 = arith.extui %le3A_917 : vector<16x6272xi1> to vector<16x6272xi32>
        %reduce_sum3A_919 = arith.constant dense<0> : vector<16xi32>
        %reduce_sum3A_920 = vector.multi_reduction <add>, %convert_element_type3A_918, %reduce_sum3A_919 [1] : vector<16x6272xi32> to vector<16xi32>
        %broadcast_in_dim3A_921 = vector.shape_cast %reduce_sum3A_920 : vector<16xi32> to vector<16x1xi32>
        %get3A_922 = arith.constant 0 : index
        %get3A_923 = arith.constant 43904 : index
        %get3A_924 = vector.load %arg3[%get3A_922, %get3A_923] : memref<16x50176xi32, #tpu.memory_space<vmem>>, vector<16x6272xi32>
        %ge3A_925 = vector.broadcast %add3A_814 : vector<16x1xi32> to vector<16x6272xi32>
        %ge3A_926 = arith.cmpi sge, %get3A_924, %ge3A_925 : vector<16x6272xi32>
        %convert_element_type3A_927 = arith.extui %ge3A_926 : vector<16x6272xi1> to vector<16x6272xi32>
        %reduce_sum3A_928 = arith.constant dense<0> : vector<16xi32>
        %reduce_sum3A_929 = vector.multi_reduction <add>, %convert_element_type3A_927, %reduce_sum3A_928 [1] : vector<16x6272xi32> to vector<16xi32>
        %broadcast_in_dim3A_930 = vector.shape_cast %reduce_sum3A_929 : vector<16xi32> to vector<16x1xi32>
        %le3A_931 = vector.broadcast %sub3A_816 : vector<16x1xi32> to vector<16x6272xi32>
        %le3A_932 = arith.cmpi sle, %get3A_924, %le3A_931 : vector<16x6272xi32>
        %convert_element_type3A_933 = arith.extui %le3A_932 : vector<16x6272xi1> to vector<16x6272xi32>
        %reduce_sum3A_934 = arith.constant dense<0> : vector<16xi32>
        %reduce_sum3A_935 = vector.multi_reduction <add>, %convert_element_type3A_933, %reduce_sum3A_934 [1] : vector<16x6272xi32> to vector<16xi32>
        %broadcast_in_dim3A_936 = vector.shape_cast %reduce_sum3A_935 : vector<16xi32> to vector<16x1xi32>
        %add3A_937 = arith.constant 0 : i32
        %add3A_938 = vector.broadcast %add3A_937 : i32 to vector<16x1xi32>
        %add3A_939 = arith.addi %add3A_938, %broadcast_in_dim3A_825 : vector<16x1xi32>
        %add3A_940 = arith.addi %add3A_939, %broadcast_in_dim3A_840 : vector<16x1xi32>
        %add3A_941 = arith.addi %add3A_940, %broadcast_in_dim3A_855 : vector<16x1xi32>
        %add3A_942 = arith.addi %add3A_941, %broadcast_in_dim3A_870 : vector<16x1xi32>
        %add3A_943 = arith.addi %add3A_942, %broadcast_in_dim3A_885 : vector<16x1xi32>
        %add3A_944 = arith.addi %add3A_943, %broadcast_in_dim3A_900 : vector<16x1xi32>
        %add3A_945 = arith.addi %add3A_944, %broadcast_in_dim3A_915 : vector<16x1xi32>
        %add3A_946 = arith.addi %add3A_945, %broadcast_in_dim3A_930 : vector<16x1xi32>
        %add3A_947 = arith.constant 0 : i32
        %add3A_948 = vector.broadcast %add3A_947 : i32 to vector<16x1xi32>
        %add3A_949 = arith.addi %add3A_948, %broadcast_in_dim3A_831 : vector<16x1xi32>
        %add3A_950 = arith.addi %add3A_949, %broadcast_in_dim3A_846 : vector<16x1xi32>
        %add3A_951 = arith.addi %add3A_950, %broadcast_in_dim3A_861 : vector<16x1xi32>
        %add3A_952 = arith.addi %add3A_951, %broadcast_in_dim3A_876 : vector<16x1xi32>
        %add3A_953 = arith.addi %add3A_952, %broadcast_in_dim3A_891 : vector<16x1xi32>
        %add3A_954 = arith.addi %add3A_953, %broadcast_in_dim3A_906 : vector<16x1xi32>
        %add3A_955 = arith.addi %add3A_954, %broadcast_in_dim3A_921 : vector<16x1xi32>
        %add3A_956 = arith.addi %add3A_955, %broadcast_in_dim3A_936 : vector<16x1xi32>
        %ge3A_957 = arith.constant 50 : i32
        %ge3A_958 = vector.broadcast %ge3A_957 : i32 to vector<16x1xi32>
        %ge3A_959 = arith.cmpi sge, %add3A_946, %ge3A_958 : vector<16x1xi32>
        %select_n3A_960 = arith.select %ge3A_959, %add3A_814, %scan3A_810 : vector<16x1xi1>, vector<16x1xi32>
        %ge3A_961 = arith.constant 50 : i32
        %ge3A_962 = vector.broadcast %ge3A_961 : i32 to vector<16x1xi32>
        %ge3A_963 = arith.cmpi sge, %add3A_956, %ge3A_962 : vector<16x1xi32>
        %select_n3A_964 = arith.select %ge3A_963, %sub3A_816, %scan3A_811 : vector<16x1xi1>, vector<16x1xi32>
        scf.yield %select_n3A_960, %select_n3A_964 : vector<16x1xi32>, vector<16x1xi32>
      }
      %scan3A_808 = arith.constant 31 : i32
      scf.yield %scan3A_807#0, %scan3A_807#1 : vector<16x1xi32>, vector<16x1xi32>
    }
    %add3A_262 = arith.constant 1 : i32
    %add3A_263 = vector.broadcast %add3A_262 : i32 to vector<16x1xi32>
    %add3A_264 = arith.addi %cond3A_261#0, %add3A_263 : vector<16x1xi32>
    %sub3A_265 = arith.constant 1 : i32
    %sub3A_266 = vector.broadcast %sub3A_265 : i32 to vector<16x1xi32>
    %sub3A_267 = arith.subi %cond3A_261#1, %sub3A_266 : vector<16x1xi32>
    %get3A_268 = arith.constant 0 : index
    %get3A_269 = arith.constant 0 : index
    %get3A_270 = vector.load %arg3[%get3A_268, %get3A_269] : memref<16x50176xi32, #tpu.memory_space<vmem>>, vector<16x6272xi32>
    %ge3A_271 = vector.broadcast %add3A_264 : vector<16x1xi32> to vector<16x6272xi32>
    %ge3A_272 = arith.cmpi sge, %get3A_270, %ge3A_271 : vector<16x6272xi32>
    %convert_element_type3A_273 = arith.extui %ge3A_272 : vector<16x6272xi1> to vector<16x6272xi32>
    %reduce_sum3A_274 = arith.constant dense<0> : vector<16xi32>
    %reduce_sum3A_275 = vector.multi_reduction <add>, %convert_element_type3A_273, %reduce_sum3A_274 [1] : vector<16x6272xi32> to vector<16xi32>
    %broadcast_in_dim3A_276 = vector.shape_cast %reduce_sum3A_275 : vector<16xi32> to vector<16x1xi32>
    %le3A_277 = vector.broadcast %sub3A_267 : vector<16x1xi32> to vector<16x6272xi32>
    %le3A_278 = arith.cmpi sle, %get3A_270, %le3A_277 : vector<16x6272xi32>
    %convert_element_type3A_279 = arith.extui %le3A_278 : vector<16x6272xi1> to vector<16x6272xi32>
    %reduce_sum3A_280 = arith.constant dense<0> : vector<16xi32>
    %reduce_sum3A_281 = vector.multi_reduction <add>, %convert_element_type3A_279, %reduce_sum3A_280 [1] : vector<16x6272xi32> to vector<16xi32>
    %broadcast_in_dim3A_282 = vector.shape_cast %reduce_sum3A_281 : vector<16xi32> to vector<16x1xi32>
    %get3A_283 = arith.constant 0 : index
    %get3A_284 = arith.constant 6272 : index
    %get3A_285 = vector.load %arg3[%get3A_283, %get3A_284] : memref<16x50176xi32, #tpu.memory_space<vmem>>, vector<16x6272xi32>
    %ge3A_286 = vector.broadcast %add3A_264 : vector<16x1xi32> to vector<16x6272xi32>
    %ge3A_287 = arith.cmpi sge, %get3A_285, %ge3A_286 : vector<16x6272xi32>
    %convert_element_type3A_288 = arith.extui %ge3A_287 : vector<16x6272xi1> to vector<16x6272xi32>
    %reduce_sum3A_289 = arith.constant dense<0> : vector<16xi32>
    %reduce_sum3A_290 = vector.multi_reduction <add>, %convert_element_type3A_288, %reduce_sum3A_289 [1] : vector<16x6272xi32> to vector<16xi32>
    %broadcast_in_dim3A_291 = vector.shape_cast %reduce_sum3A_290 : vector<16xi32> to vector<16x1xi32>
    %le3A_292 = vector.broadcast %sub3A_267 : vector<16x1xi32> to vector<16x6272xi32>
    %le3A_293 = arith.cmpi sle, %get3A_285, %le3A_292 : vector<16x6272xi32>
    %convert_element_type3A_294 = arith.extui %le3A_293 : vector<16x6272xi1> to vector<16x6272xi32>
    %reduce_sum3A_295 = arith.constant dense<0> : vector<16xi32>
    %reduce_sum3A_296 = vector.multi_reduction <add>, %convert_element_type3A_294, %reduce_sum3A_295 [1] : vector<16x6272xi32> to vector<16xi32>
    %broadcast_in_dim3A_297 = vector.shape_cast %reduce_sum3A_296 : vector<16xi32> to vector<16x1xi32>
    %get3A_298 = arith.constant 0 : index
    %get3A_299 = arith.constant 12544 : index
    %get3A_300 = vector.load %arg3[%get3A_298, %get3A_299] : memref<16x50176xi32, #tpu.memory_space<vmem>>, vector<16x6272xi32>
    %ge3A_301 = vector.broadcast %add3A_264 : vector<16x1xi32> to vector<16x6272xi32>
    %ge3A_302 = arith.cmpi sge, %get3A_300, %ge3A_301 : vector<16x6272xi32>
    %convert_element_type3A_303 = arith.extui %ge3A_302 : vector<16x6272xi1> to vector<16x6272xi32>
    %reduce_sum3A_304 = arith.constant dense<0> : vector<16xi32>
    %reduce_sum3A_305 = vector.multi_reduction <add>, %convert_element_type3A_303, %reduce_sum3A_304 [1] : vector<16x6272xi32> to vector<16xi32>
    %broadcast_in_dim3A_306 = vector.shape_cast %reduce_sum3A_305 : vector<16xi32> to vector<16x1xi32>
    %le3A_307 = vector.broadcast %sub3A_267 : vector<16x1xi32> to vector<16x6272xi32>
    %le3A_308 = arith.cmpi sle, %get3A_300, %le3A_307 : vector<16x6272xi32>
    %convert_element_type3A_309 = arith.extui %le3A_308 : vector<16x6272xi1> to vector<16x6272xi32>
    %reduce_sum3A_310 = arith.constant dense<0> : vector<16xi32>
    %reduce_sum3A_311 = vector.multi_reduction <add>, %convert_element_type3A_309, %reduce_sum3A_310 [1] : vector<16x6272xi32> to vector<16xi32>
    %broadcast_in_dim3A_312 = vector.shape_cast %reduce_sum3A_311 : vector<16xi32> to vector<16x1xi32>
    %get3A_313 = arith.constant 0 : index
    %get3A_314 = arith.constant 18816 : index
    %get3A_315 = vector.load %arg3[%get3A_313, %get3A_314] : memref<16x50176xi32, #tpu.memory_space<vmem>>, vector<16x6272xi32>
    %ge3A_316 = vector.broadcast %add3A_264 : vector<16x1xi32> to vector<16x6272xi32>
    %ge3A_317 = arith.cmpi sge, %get3A_315, %ge3A_316 : vector<16x6272xi32>
    %convert_element_type3A_318 = arith.extui %ge3A_317 : vector<16x6272xi1> to vector<16x6272xi32>
    %reduce_sum3A_319 = arith.constant dense<0> : vector<16xi32>
    %reduce_sum3A_320 = vector.multi_reduction <add>, %convert_element_type3A_318, %reduce_sum3A_319 [1] : vector<16x6272xi32> to vector<16xi32>
    %broadcast_in_dim3A_321 = vector.shape_cast %reduce_sum3A_320 : vector<16xi32> to vector<16x1xi32>
    %le3A_322 = vector.broadcast %sub3A_267 : vector<16x1xi32> to vector<16x6272xi32>
    %le3A_323 = arith.cmpi sle, %get3A_315, %le3A_322 : vector<16x6272xi32>
    %convert_element_type3A_324 = arith.extui %le3A_323 : vector<16x6272xi1> to vector<16x6272xi32>
    %reduce_sum3A_325 = arith.constant dense<0> : vector<16xi32>
    %reduce_sum3A_326 = vector.multi_reduction <add>, %convert_element_type3A_324, %reduce_sum3A_325 [1] : vector<16x6272xi32> to vector<16xi32>
    %broadcast_in_dim3A_327 = vector.shape_cast %reduce_sum3A_326 : vector<16xi32> to vector<16x1xi32>
    %get3A_328 = arith.constant 0 : index
    %get3A_329 = arith.constant 25088 : index
    %get3A_330 = vector.load %arg3[%get3A_328, %get3A_329] : memref<16x50176xi32, #tpu.memory_space<vmem>>, vector<16x6272xi32>
    %ge3A_331 = vector.broadcast %add3A_264 : vector<16x1xi32> to vector<16x6272xi32>
    %ge3A_332 = arith.cmpi sge, %get3A_330, %ge3A_331 : vector<16x6272xi32>
    %convert_element_type3A_333 = arith.extui %ge3A_332 : vector<16x6272xi1> to vector<16x6272xi32>
    %reduce_sum3A_334 = arith.constant dense<0> : vector<16xi32>
    %reduce_sum3A_335 = vector.multi_reduction <add>, %convert_element_type3A_333, %reduce_sum3A_334 [1] : vector<16x6272xi32> to vector<16xi32>
    %broadcast_in_dim3A_336 = vector.shape_cast %reduce_sum3A_335 : vector<16xi32> to vector<16x1xi32>
    %le3A_337 = vector.broadcast %sub3A_267 : vector<16x1xi32> to vector<16x6272xi32>
    %le3A_338 = arith.cmpi sle, %get3A_330, %le3A_337 : vector<16x6272xi32>
    %convert_element_type3A_339 = arith.extui %le3A_338 : vector<16x6272xi1> to vector<16x6272xi32>
    %reduce_sum3A_340 = arith.constant dense<0> : vector<16xi32>
    %reduce_sum3A_341 = vector.multi_reduction <add>, %convert_element_type3A_339, %reduce_sum3A_340 [1] : vector<16x6272xi32> to vector<16xi32>
    %broadcast_in_dim3A_342 = vector.shape_cast %reduce_sum3A_341 : vector<16xi32> to vector<16x1xi32>
    %get3A_343 = arith.constant 0 : index
    %get3A_344 = arith.constant 31360 : index
    %get3A_345 = vector.load %arg3[%get3A_343, %get3A_344] : memref<16x50176xi32, #tpu.memory_space<vmem>>, vector<16x6272xi32>
    %ge3A_346 = vector.broadcast %add3A_264 : vector<16x1xi32> to vector<16x6272xi32>
    %ge3A_347 = arith.cmpi sge, %get3A_345, %ge3A_346 : vector<16x6272xi32>
    %convert_element_type3A_348 = arith.extui %ge3A_347 : vector<16x6272xi1> to vector<16x6272xi32>
    %reduce_sum3A_349 = arith.constant dense<0> : vector<16xi32>
    %reduce_sum3A_350 = vector.multi_reduction <add>, %convert_element_type3A_348, %reduce_sum3A_349 [1] : vector<16x6272xi32> to vector<16xi32>
    %broadcast_in_dim3A_351 = vector.shape_cast %reduce_sum3A_350 : vector<16xi32> to vector<16x1xi32>
    %le3A_352 = vector.broadcast %sub3A_267 : vector<16x1xi32> to vector<16x6272xi32>
    %le3A_353 = arith.cmpi sle, %get3A_345, %le3A_352 : vector<16x6272xi32>
    %convert_element_type3A_354 = arith.extui %le3A_353 : vector<16x6272xi1> to vector<16x6272xi32>
    %reduce_sum3A_355 = arith.constant dense<0> : vector<16xi32>
    %reduce_sum3A_356 = vector.multi_reduction <add>, %convert_element_type3A_354, %reduce_sum3A_355 [1] : vector<16x6272xi32> to vector<16xi32>
    %broadcast_in_dim3A_357 = vector.shape_cast %reduce_sum3A_356 : vector<16xi32> to vector<16x1xi32>
    %get3A_358 = arith.constant 0 : index
    %get3A_359 = arith.constant 37632 : index
    %get3A_360 = vector.load %arg3[%get3A_358, %get3A_359] : memref<16x50176xi32, #tpu.memory_space<vmem>>, vector<16x6272xi32>
    %ge3A_361 = vector.broadcast %add3A_264 : vector<16x1xi32> to vector<16x6272xi32>
    %ge3A_362 = arith.cmpi sge, %get3A_360, %ge3A_361 : vector<16x6272xi32>
    %convert_element_type3A_363 = arith.extui %ge3A_362 : vector<16x6272xi1> to vector<16x6272xi32>
    %reduce_sum3A_364 = arith.constant dense<0> : vector<16xi32>
    %reduce_sum3A_365 = vector.multi_reduction <add>, %convert_element_type3A_363, %reduce_sum3A_364 [1] : vector<16x6272xi32> to vector<16xi32>
    %broadcast_in_dim3A_366 = vector.shape_cast %reduce_sum3A_365 : vector<16xi32> to vector<16x1xi32>
    %le3A_367 = vector.broadcast %sub3A_267 : vector<16x1xi32> to vector<16x6272xi32>
    %le3A_368 = arith.cmpi sle, %get3A_360, %le3A_367 : vector<16x6272xi32>
    %convert_element_type3A_369 = arith.extui %le3A_368 : vector<16x6272xi1> to vector<16x6272xi32>
    %reduce_sum3A_370 = arith.constant dense<0> : vector<16xi32>
    %reduce_sum3A_371 = vector.multi_reduction <add>, %convert_element_type3A_369, %reduce_sum3A_370 [1] : vector<16x6272xi32> to vector<16xi32>
    %broadcast_in_dim3A_372 = vector.shape_cast %reduce_sum3A_371 : vector<16xi32> to vector<16x1xi32>
    %get3A_373 = arith.constant 0 : index
    %get3A_374 = arith.constant 43904 : index
    %get3A_375 = vector.load %arg3[%get3A_373, %get3A_374] : memref<16x50176xi32, #tpu.memory_space<vmem>>, vector<16x6272xi32>
    %ge3A_376 = vector.broadcast %add3A_264 : vector<16x1xi32> to vector<16x6272xi32>
    %ge3A_377 = arith.cmpi sge, %get3A_375, %ge3A_376 : vector<16x6272xi32>
    %convert_element_type3A_378 = arith.extui %ge3A_377 : vector<16x6272xi1> to vector<16x6272xi32>
    %reduce_sum3A_379 = arith.constant dense<0> : vector<16xi32>
    %reduce_sum3A_380 = vector.multi_reduction <add>, %convert_element_type3A_378, %reduce_sum3A_379 [1] : vector<16x6272xi32> to vector<16xi32>
    %broadcast_in_dim3A_381 = vector.shape_cast %reduce_sum3A_380 : vector<16xi32> to vector<16x1xi32>
    %le3A_382 = vector.broadcast %sub3A_267 : vector<16x1xi32> to vector<16x6272xi32>
    %le3A_383 = arith.cmpi sle, %get3A_375, %le3A_382 : vector<16x6272xi32>
    %convert_element_type3A_384 = arith.extui %le3A_383 : vector<16x6272xi1> to vector<16x6272xi32>
    %reduce_sum3A_385 = arith.constant dense<0> : vector<16xi32>
    %reduce_sum3A_386 = vector.multi_reduction <add>, %convert_element_type3A_384, %reduce_sum3A_385 [1] : vector<16x6272xi32> to vector<16xi32>
    %broadcast_in_dim3A_387 = vector.shape_cast %reduce_sum3A_386 : vector<16xi32> to vector<16x1xi32>
    %add3A_388 = arith.constant 0 : i32
    %add3A_389 = vector.broadcast %add3A_388 : i32 to vector<16x1xi32>
    %add3A_390 = arith.addi %add3A_389, %broadcast_in_dim3A_276 : vector<16x1xi32>
    %add3A_391 = arith.addi %add3A_390, %broadcast_in_dim3A_291 : vector<16x1xi32>
    %add3A_392 = arith.addi %add3A_391, %broadcast_in_dim3A_306 : vector<16x1xi32>
    %add3A_393 = arith.addi %add3A_392, %broadcast_in_dim3A_321 : vector<16x1xi32>
    %add3A_394 = arith.addi %add3A_393, %broadcast_in_dim3A_336 : vector<16x1xi32>
    %add3A_395 = arith.addi %add3A_394, %broadcast_in_dim3A_351 : vector<16x1xi32>
    %add3A_396 = arith.addi %add3A_395, %broadcast_in_dim3A_366 : vector<16x1xi32>
    %add3A_397 = arith.addi %add3A_396, %broadcast_in_dim3A_381 : vector<16x1xi32>
    %add3A_398 = arith.constant 0 : i32
    %add3A_399 = vector.broadcast %add3A_398 : i32 to vector<16x1xi32>
    %add3A_400 = arith.addi %add3A_399, %broadcast_in_dim3A_282 : vector<16x1xi32>
    %add3A_401 = arith.addi %add3A_400, %broadcast_in_dim3A_297 : vector<16x1xi32>
    %add3A_402 = arith.addi %add3A_401, %broadcast_in_dim3A_312 : vector<16x1xi32>
    %add3A_403 = arith.addi %add3A_402, %broadcast_in_dim3A_327 : vector<16x1xi32>
    %add3A_404 = arith.addi %add3A_403, %broadcast_in_dim3A_342 : vector<16x1xi32>
    %add3A_405 = arith.addi %add3A_404, %broadcast_in_dim3A_357 : vector<16x1xi32>
    %add3A_406 = arith.addi %add3A_405, %broadcast_in_dim3A_372 : vector<16x1xi32>
    %add3A_407 = arith.addi %add3A_406, %broadcast_in_dim3A_387 : vector<16x1xi32>
    %get3A_408 = arith.constant 0 : index
    %get3A_409 = arith.constant 0 : index
    %get3A_410 = vector.load %arg3[%get3A_408, %get3A_409] : memref<16x50176xi32, #tpu.memory_space<vmem>>, vector<16x6272xi32>
    %get3A_411 = arith.constant 0 : index
    %get3A_412 = arith.constant 0 : index
    %get3A_413 = vector.load %arg1[%get3A_411, %get3A_412] : memref<16x50176xf32, #tpu.memory_space<vmem>>, vector<16x6272xf32>
    %gt3A = vector.broadcast %cond3A_261#0 : vector<16x1xi32> to vector<16x6272xi32>
    %gt3A_414 = arith.cmpi sgt, %get3A_410, %gt3A : vector<16x6272xi32>
    %jit3A = arith.constant 0.000000e+00 : f32
    %broadcast_in_dim3A_415 = vector.broadcast %jit3A : f32 to vector<16x6272xf32>
    %select_n3A_416 = arith.select %gt3A_414, %get3A_413, %broadcast_in_dim3A_415 : vector<16x6272xi1>, vector<16x6272xf32>
    %reduce_sum3A_417 = arith.constant dense<0.000000e+00> : vector<16xf32>
    %reduce_sum3A_418 = vector.multi_reduction <add>, %select_n3A_416, %reduce_sum3A_417 [1] : vector<16x6272xf32> to vector<16xf32>
    %broadcast_in_dim3A_419 = vector.shape_cast %reduce_sum3A_418 : vector<16xf32> to vector<16x1xf32>
    %lt3A = vector.broadcast %cond3A_261#1 : vector<16x1xi32> to vector<16x6272xi32>
    %lt3A_420 = arith.cmpi slt, %get3A_410, %lt3A : vector<16x6272xi32>
    %jit3A_421 = arith.constant 0.000000e+00 : f32
    %broadcast_in_dim3A_422 = vector.broadcast %jit3A_421 : f32 to vector<16x6272xf32>
    %select_n3A_423 = arith.select %lt3A_420, %get3A_413, %broadcast_in_dim3A_422 : vector<16x6272xi1>, vector<16x6272xf32>
    %reduce_sum3A_424 = arith.constant dense<0.000000e+00> : vector<16xf32>
    %reduce_sum3A_425 = vector.multi_reduction <add>, %select_n3A_423, %reduce_sum3A_424 [1] : vector<16x6272xf32> to vector<16xf32>
    %broadcast_in_dim3A_426 = vector.shape_cast %reduce_sum3A_425 : vector<16xf32> to vector<16x1xf32>
    %get3A_427 = arith.constant 0 : index
    %get3A_428 = arith.constant 6272 : index
    %get3A_429 = vector.load %arg3[%get3A_427, %get3A_428] : memref<16x50176xi32, #tpu.memory_space<vmem>>, vector<16x6272xi32>
    %get3A_430 = arith.constant 0 : index
    %get3A_431 = arith.constant 6272 : index
    %get3A_432 = vector.load %arg1[%get3A_430, %get3A_431] : memref<16x50176xf32, #tpu.memory_space<vmem>>, vector<16x6272xf32>
    %gt3A_433 = vector.broadcast %cond3A_261#0 : vector<16x1xi32> to vector<16x6272xi32>
    %gt3A_434 = arith.cmpi sgt, %get3A_429, %gt3A_433 : vector<16x6272xi32>
    %jit3A_435 = arith.constant 0.000000e+00 : f32
    %broadcast_in_dim3A_436 = vector.broadcast %jit3A_435 : f32 to vector<16x6272xf32>
    %select_n3A_437 = arith.select %gt3A_434, %get3A_432, %broadcast_in_dim3A_436 : vector<16x6272xi1>, vector<16x6272xf32>
    %reduce_sum3A_438 = arith.constant dense<0.000000e+00> : vector<16xf32>
    %reduce_sum3A_439 = vector.multi_reduction <add>, %select_n3A_437, %reduce_sum3A_438 [1] : vector<16x6272xf32> to vector<16xf32>
    %broadcast_in_dim3A_440 = vector.shape_cast %reduce_sum3A_439 : vector<16xf32> to vector<16x1xf32>
    %lt3A_441 = vector.broadcast %cond3A_261#1 : vector<16x1xi32> to vector<16x6272xi32>
    %lt3A_442 = arith.cmpi slt, %get3A_429, %lt3A_441 : vector<16x6272xi32>
    %jit3A_443 = arith.constant 0.000000e+00 : f32
    %broadcast_in_dim3A_444 = vector.broadcast %jit3A_443 : f32 to vector<16x6272xf32>
    %select_n3A_445 = arith.select %lt3A_442, %get3A_432, %broadcast_in_dim3A_444 : vector<16x6272xi1>, vector<16x6272xf32>
    %reduce_sum3A_446 = arith.constant dense<0.000000e+00> : vector<16xf32>
    %reduce_sum3A_447 = vector.multi_reduction <add>, %select_n3A_445, %reduce_sum3A_446 [1] : vector<16x6272xf32> to vector<16xf32>
    %broadcast_in_dim3A_448 = vector.shape_cast %reduce_sum3A_447 : vector<16xf32> to vector<16x1xf32>
    %get3A_449 = arith.constant 0 : index
    %get3A_450 = arith.constant 12544 : index
    %get3A_451 = vector.load %arg3[%get3A_449, %get3A_450] : memref<16x50176xi32, #tpu.memory_space<vmem>>, vector<16x6272xi32>
    %get3A_452 = arith.constant 0 : index
    %get3A_453 = arith.constant 12544 : index
    %get3A_454 = vector.load %arg1[%get3A_452, %get3A_453] : memref<16x50176xf32, #tpu.memory_space<vmem>>, vector<16x6272xf32>
    %gt3A_455 = vector.broadcast %cond3A_261#0 : vector<16x1xi32> to vector<16x6272xi32>
    %gt3A_456 = arith.cmpi sgt, %get3A_451, %gt3A_455 : vector<16x6272xi32>
    %jit3A_457 = arith.constant 0.000000e+00 : f32
    %broadcast_in_dim3A_458 = vector.broadcast %jit3A_457 : f32 to vector<16x6272xf32>
    %select_n3A_459 = arith.select %gt3A_456, %get3A_454, %broadcast_in_dim3A_458 : vector<16x6272xi1>, vector<16x6272xf32>
    %reduce_sum3A_460 = arith.constant dense<0.000000e+00> : vector<16xf32>
    %reduce_sum3A_461 = vector.multi_reduction <add>, %select_n3A_459, %reduce_sum3A_460 [1] : vector<16x6272xf32> to vector<16xf32>
    %broadcast_in_dim3A_462 = vector.shape_cast %reduce_sum3A_461 : vector<16xf32> to vector<16x1xf32>
    %lt3A_463 = vector.broadcast %cond3A_261#1 : vector<16x1xi32> to vector<16x6272xi32>
    %lt3A_464 = arith.cmpi slt, %get3A_451, %lt3A_463 : vector<16x6272xi32>
    %jit3A_465 = arith.constant 0.000000e+00 : f32
    %broadcast_in_dim3A_466 = vector.broadcast %jit3A_465 : f32 to vector<16x6272xf32>
    %select_n3A_467 = arith.select %lt3A_464, %get3A_454, %broadcast_in_dim3A_466 : vector<16x6272xi1>, vector<16x6272xf32>
    %reduce_sum3A_468 = arith.constant dense<0.000000e+00> : vector<16xf32>
    %reduce_sum3A_469 = vector.multi_reduction <add>, %select_n3A_467, %reduce_sum3A_468 [1] : vector<16x6272xf32> to vector<16xf32>
    %broadcast_in_dim3A_470 = vector.shape_cast %reduce_sum3A_469 : vector<16xf32> to vector<16x1xf32>
    %get3A_471 = arith.constant 0 : index
    %get3A_472 = arith.constant 18816 : index
    %get3A_473 = vector.load %arg3[%get3A_471, %get3A_472] : memref<16x50176xi32, #tpu.memory_space<vmem>>, vector<16x6272xi32>
    %get3A_474 = arith.constant 0 : index
    %get3A_475 = arith.constant 18816 : index
    %get3A_476 = vector.load %arg1[%get3A_474, %get3A_475] : memref<16x50176xf32, #tpu.memory_space<vmem>>, vector<16x6272xf32>
    %gt3A_477 = vector.broadcast %cond3A_261#0 : vector<16x1xi32> to vector<16x6272xi32>
    %gt3A_478 = arith.cmpi sgt, %get3A_473, %gt3A_477 : vector<16x6272xi32>
    %jit3A_479 = arith.constant 0.000000e+00 : f32
    %broadcast_in_dim3A_480 = vector.broadcast %jit3A_479 : f32 to vector<16x6272xf32>
    %select_n3A_481 = arith.select %gt3A_478, %get3A_476, %broadcast_in_dim3A_480 : vector<16x6272xi1>, vector<16x6272xf32>
    %reduce_sum3A_482 = arith.constant dense<0.000000e+00> : vector<16xf32>
    %reduce_sum3A_483 = vector.multi_reduction <add>, %select_n3A_481, %reduce_sum3A_482 [1] : vector<16x6272xf32> to vector<16xf32>
    %broadcast_in_dim3A_484 = vector.shape_cast %reduce_sum3A_483 : vector<16xf32> to vector<16x1xf32>
    %lt3A_485 = vector.broadcast %cond3A_261#1 : vector<16x1xi32> to vector<16x6272xi32>
    %lt3A_486 = arith.cmpi slt, %get3A_473, %lt3A_485 : vector<16x6272xi32>
    %jit3A_487 = arith.constant 0.000000e+00 : f32
    %broadcast_in_dim3A_488 = vector.broadcast %jit3A_487 : f32 to vector<16x6272xf32>
    %select_n3A_489 = arith.select %lt3A_486, %get3A_476, %broadcast_in_dim3A_488 : vector<16x6272xi1>, vector<16x6272xf32>
    %reduce_sum3A_490 = arith.constant dense<0.000000e+00> : vector<16xf32>
    %reduce_sum3A_491 = vector.multi_reduction <add>, %select_n3A_489, %reduce_sum3A_490 [1] : vector<16x6272xf32> to vector<16xf32>
    %broadcast_in_dim3A_492 = vector.shape_cast %reduce_sum3A_491 : vector<16xf32> to vector<16x1xf32>
    %get3A_493 = arith.constant 0 : index
    %get3A_494 = arith.constant 25088 : index
    %get3A_495 = vector.load %arg3[%get3A_493, %get3A_494] : memref<16x50176xi32, #tpu.memory_space<vmem>>, vector<16x6272xi32>
    %get3A_496 = arith.constant 0 : index
    %get3A_497 = arith.constant 25088 : index
    %get3A_498 = vector.load %arg1[%get3A_496, %get3A_497] : memref<16x50176xf32, #tpu.memory_space<vmem>>, vector<16x6272xf32>
    %gt3A_499 = vector.broadcast %cond3A_261#0 : vector<16x1xi32> to vector<16x6272xi32>
    %gt3A_500 = arith.cmpi sgt, %get3A_495, %gt3A_499 : vector<16x6272xi32>
    %jit3A_501 = arith.constant 0.000000e+00 : f32
    %broadcast_in_dim3A_502 = vector.broadcast %jit3A_501 : f32 to vector<16x6272xf32>
    %select_n3A_503 = arith.select %gt3A_500, %get3A_498, %broadcast_in_dim3A_502 : vector<16x6272xi1>, vector<16x6272xf32>
    %reduce_sum3A_504 = arith.constant dense<0.000000e+00> : vector<16xf32>
    %reduce_sum3A_505 = vector.multi_reduction <add>, %select_n3A_503, %reduce_sum3A_504 [1] : vector<16x6272xf32> to vector<16xf32>
    %broadcast_in_dim3A_506 = vector.shape_cast %reduce_sum3A_505 : vector<16xf32> to vector<16x1xf32>
    %lt3A_507 = vector.broadcast %cond3A_261#1 : vector<16x1xi32> to vector<16x6272xi32>
    %lt3A_508 = arith.cmpi slt, %get3A_495, %lt3A_507 : vector<16x6272xi32>
    %jit3A_509 = arith.constant 0.000000e+00 : f32
    %broadcast_in_dim3A_510 = vector.broadcast %jit3A_509 : f32 to vector<16x6272xf32>
    %select_n3A_511 = arith.select %lt3A_508, %get3A_498, %broadcast_in_dim3A_510 : vector<16x6272xi1>, vector<16x6272xf32>
    %reduce_sum3A_512 = arith.constant dense<0.000000e+00> : vector<16xf32>
    %reduce_sum3A_513 = vector.multi_reduction <add>, %select_n3A_511, %reduce_sum3A_512 [1] : vector<16x6272xf32> to vector<16xf32>
    %broadcast_in_dim3A_514 = vector.shape_cast %reduce_sum3A_513 : vector<16xf32> to vector<16x1xf32>
    %get3A_515 = arith.constant 0 : index
    %get3A_516 = arith.constant 31360 : index
    %get3A_517 = vector.load %arg3[%get3A_515, %get3A_516] : memref<16x50176xi32, #tpu.memory_space<vmem>>, vector<16x6272xi32>
    %get3A_518 = arith.constant 0 : index
    %get3A_519 = arith.constant 31360 : index
    %get3A_520 = vector.load %arg1[%get3A_518, %get3A_519] : memref<16x50176xf32, #tpu.memory_space<vmem>>, vector<16x6272xf32>
    %gt3A_521 = vector.broadcast %cond3A_261#0 : vector<16x1xi32> to vector<16x6272xi32>
    %gt3A_522 = arith.cmpi sgt, %get3A_517, %gt3A_521 : vector<16x6272xi32>
    %jit3A_523 = arith.constant 0.000000e+00 : f32
    %broadcast_in_dim3A_524 = vector.broadcast %jit3A_523 : f32 to vector<16x6272xf32>
    %select_n3A_525 = arith.select %gt3A_522, %get3A_520, %broadcast_in_dim3A_524 : vector<16x6272xi1>, vector<16x6272xf32>
    %reduce_sum3A_526 = arith.constant dense<0.000000e+00> : vector<16xf32>
    %reduce_sum3A_527 = vector.multi_reduction <add>, %select_n3A_525, %reduce_sum3A_526 [1] : vector<16x6272xf32> to vector<16xf32>
    %broadcast_in_dim3A_528 = vector.shape_cast %reduce_sum3A_527 : vector<16xf32> to vector<16x1xf32>
    %lt3A_529 = vector.broadcast %cond3A_261#1 : vector<16x1xi32> to vector<16x6272xi32>
    %lt3A_530 = arith.cmpi slt, %get3A_517, %lt3A_529 : vector<16x6272xi32>
    %jit3A_531 = arith.constant 0.000000e+00 : f32
    %broadcast_in_dim3A_532 = vector.broadcast %jit3A_531 : f32 to vector<16x6272xf32>
    %select_n3A_533 = arith.select %lt3A_530, %get3A_520, %broadcast_in_dim3A_532 : vector<16x6272xi1>, vector<16x6272xf32>
    %reduce_sum3A_534 = arith.constant dense<0.000000e+00> : vector<16xf32>
    %reduce_sum3A_535 = vector.multi_reduction <add>, %select_n3A_533, %reduce_sum3A_534 [1] : vector<16x6272xf32> to vector<16xf32>
    %broadcast_in_dim3A_536 = vector.shape_cast %reduce_sum3A_535 : vector<16xf32> to vector<16x1xf32>
    %get3A_537 = arith.constant 0 : index
    %get3A_538 = arith.constant 37632 : index
    %get3A_539 = vector.load %arg3[%get3A_537, %get3A_538] : memref<16x50176xi32, #tpu.memory_space<vmem>>, vector<16x6272xi32>
    %get3A_540 = arith.constant 0 : index
    %get3A_541 = arith.constant 37632 : index
    %get3A_542 = vector.load %arg1[%get3A_540, %get3A_541] : memref<16x50176xf32, #tpu.memory_space<vmem>>, vector<16x6272xf32>
    %gt3A_543 = vector.broadcast %cond3A_261#0 : vector<16x1xi32> to vector<16x6272xi32>
    %gt3A_544 = arith.cmpi sgt, %get3A_539, %gt3A_543 : vector<16x6272xi32>
    %jit3A_545 = arith.constant 0.000000e+00 : f32
    %broadcast_in_dim3A_546 = vector.broadcast %jit3A_545 : f32 to vector<16x6272xf32>
    %select_n3A_547 = arith.select %gt3A_544, %get3A_542, %broadcast_in_dim3A_546 : vector<16x6272xi1>, vector<16x6272xf32>
    %reduce_sum3A_548 = arith.constant dense<0.000000e+00> : vector<16xf32>
    %reduce_sum3A_549 = vector.multi_reduction <add>, %select_n3A_547, %reduce_sum3A_548 [1] : vector<16x6272xf32> to vector<16xf32>
    %broadcast_in_dim3A_550 = vector.shape_cast %reduce_sum3A_549 : vector<16xf32> to vector<16x1xf32>
    %lt3A_551 = vector.broadcast %cond3A_261#1 : vector<16x1xi32> to vector<16x6272xi32>
    %lt3A_552 = arith.cmpi slt, %get3A_539, %lt3A_551 : vector<16x6272xi32>
    %jit3A_553 = arith.constant 0.000000e+00 : f32
    %broadcast_in_dim3A_554 = vector.broadcast %jit3A_553 : f32 to vector<16x6272xf32>
    %select_n3A_555 = arith.select %lt3A_552, %get3A_542, %broadcast_in_dim3A_554 : vector<16x6272xi1>, vector<16x6272xf32>
    %reduce_sum3A_556 = arith.constant dense<0.000000e+00> : vector<16xf32>
    %reduce_sum3A_557 = vector.multi_reduction <add>, %select_n3A_555, %reduce_sum3A_556 [1] : vector<16x6272xf32> to vector<16xf32>
    %broadcast_in_dim3A_558 = vector.shape_cast %reduce_sum3A_557 : vector<16xf32> to vector<16x1xf32>
    %get3A_559 = arith.constant 0 : index
    %get3A_560 = arith.constant 43904 : index
    %get3A_561 = vector.load %arg3[%get3A_559, %get3A_560] : memref<16x50176xi32, #tpu.memory_space<vmem>>, vector<16x6272xi32>
    %get3A_562 = arith.constant 0 : index
    %get3A_563 = arith.constant 43904 : index
    %get3A_564 = vector.load %arg1[%get3A_562, %get3A_563] : memref<16x50176xf32, #tpu.memory_space<vmem>>, vector<16x6272xf32>
    %gt3A_565 = vector.broadcast %cond3A_261#0 : vector<16x1xi32> to vector<16x6272xi32>
    %gt3A_566 = arith.cmpi sgt, %get3A_561, %gt3A_565 : vector<16x6272xi32>
    %jit3A_567 = arith.constant 0.000000e+00 : f32
    %broadcast_in_dim3A_568 = vector.broadcast %jit3A_567 : f32 to vector<16x6272xf32>
    %select_n3A_569 = arith.select %gt3A_566, %get3A_564, %broadcast_in_dim3A_568 : vector<16x6272xi1>, vector<16x6272xf32>
    %reduce_sum3A_570 = arith.constant dense<0.000000e+00> : vector<16xf32>
    %reduce_sum3A_571 = vector.multi_reduction <add>, %select_n3A_569, %reduce_sum3A_570 [1] : vector<16x6272xf32> to vector<16xf32>
    %broadcast_in_dim3A_572 = vector.shape_cast %reduce_sum3A_571 : vector<16xf32> to vector<16x1xf32>
    %lt3A_573 = vector.broadcast %cond3A_261#1 : vector<16x1xi32> to vector<16x6272xi32>
    %lt3A_574 = arith.cmpi slt, %get3A_561, %lt3A_573 : vector<16x6272xi32>
    %jit3A_575 = arith.constant 0.000000e+00 : f32
    %broadcast_in_dim3A_576 = vector.broadcast %jit3A_575 : f32 to vector<16x6272xf32>
    %select_n3A_577 = arith.select %lt3A_574, %get3A_564, %broadcast_in_dim3A_576 : vector<16x6272xi1>, vector<16x6272xf32>
    %reduce_sum3A_578 = arith.constant dense<0.000000e+00> : vector<16xf32>
    %reduce_sum3A_579 = vector.multi_reduction <add>, %select_n3A_577, %reduce_sum3A_578 [1] : vector<16x6272xf32> to vector<16xf32>
    %broadcast_in_dim3A_580 = vector.shape_cast %reduce_sum3A_579 : vector<16xf32> to vector<16x1xf32>
    %add3A_581 = arith.constant 0.000000e+00 : f32
    %add3A_582 = vector.broadcast %add3A_581 : f32 to vector<16x1xf32>
    %add3A_583 = arith.addf %add3A_582, %broadcast_in_dim3A_419 : vector<16x1xf32>
    %add3A_584 = arith.addf %add3A_583, %broadcast_in_dim3A_440 : vector<16x1xf32>
    %add3A_585 = arith.addf %add3A_584, %broadcast_in_dim3A_462 : vector<16x1xf32>
    %add3A_586 = arith.addf %add3A_585, %broadcast_in_dim3A_484 : vector<16x1xf32>
    %add3A_587 = arith.addf %add3A_586, %broadcast_in_dim3A_506 : vector<16x1xf32>
    %add3A_588 = arith.addf %add3A_587, %broadcast_in_dim3A_528 : vector<16x1xf32>
    %add3A_589 = arith.addf %add3A_588, %broadcast_in_dim3A_550 : vector<16x1xf32>
    %add3A_590 = arith.addf %add3A_589, %broadcast_in_dim3A_572 : vector<16x1xf32>
    %add3A_591 = arith.constant 0.000000e+00 : f32
    %add3A_592 = vector.broadcast %add3A_591 : f32 to vector<16x1xf32>
    %add3A_593 = arith.addf %add3A_592, %broadcast_in_dim3A_426 : vector<16x1xf32>
    %add3A_594 = arith.addf %add3A_593, %broadcast_in_dim3A_448 : vector<16x1xf32>
    %add3A_595 = arith.addf %add3A_594, %broadcast_in_dim3A_470 : vector<16x1xf32>
    %add3A_596 = arith.addf %add3A_595, %broadcast_in_dim3A_492 : vector<16x1xf32>
    %add3A_597 = arith.addf %add3A_596, %broadcast_in_dim3A_514 : vector<16x1xf32>
    %add3A_598 = arith.addf %add3A_597, %broadcast_in_dim3A_536 : vector<16x1xf32>
    %add3A_599 = arith.addf %add3A_598, %broadcast_in_dim3A_558 : vector<16x1xf32>
    %add3A_600 = arith.addf %add3A_599, %broadcast_in_dim3A_580 : vector<16x1xf32>
    %ge3A_601 = arith.constant 0 : i32
    %ge3A_602 = vector.broadcast %ge3A_601 : i32 to vector<16x1xi32>
    %ge3A_603 = arith.cmpi sge, %cond3A_261#0, %ge3A_602 : vector<16x1xi32>
    %xor3A_604 = arith.constant 2147483647 : i32
    %xor3A_605 = vector.broadcast %xor3A_604 : i32 to vector<16x1xi32>
    %xor3A_606 = arith.xori %cond3A_261#0, %xor3A_605 : vector<16x1xi32>
    %select_n3A_607 = arith.select %ge3A_603, %cond3A_261#0, %xor3A_606 : vector<16x1xi1>, vector<16x1xi32>
    %bitcast_convert_type3A_608 = tpu.bitcast %select_n3A_607 : vector<16x1xi32> -> vector<16x1xf32>
    %ge3A_609 = arith.constant 0 : i32
    %ge3A_610 = vector.broadcast %ge3A_609 : i32 to vector<16x1xi32>
    %ge3A_611 = arith.cmpi sge, %cond3A_261#1, %ge3A_610 : vector<16x1xi32>
    %xor3A_612 = arith.constant 2147483647 : i32
    %xor3A_613 = vector.broadcast %xor3A_612 : i32 to vector<16x1xi32>
    %xor3A_614 = arith.xori %cond3A_261#1, %xor3A_613 : vector<16x1xi32>
    %select_n3A_615 = arith.select %ge3A_611, %cond3A_261#1, %xor3A_614 : vector<16x1xi1>, vector<16x1xi32>
    %bitcast_convert_type3A_616 = tpu.bitcast %select_n3A_615 : vector<16x1xi32> -> vector<16x1xf32>
    %sub3A_617 = arith.constant 50 : i32
    %sub3A_618 = vector.broadcast %sub3A_617 : i32 to vector<16x1xi32>
    %sub3A_619 = arith.subi %sub3A_618, %add3A_397 : vector<16x1xi32>
    %convert_element_type3A_620 = arith.sitofp %sub3A_619 : vector<16x1xi32> to vector<16x1xf32>
    %mul3A = arith.mulf %convert_element_type3A_620, %bitcast_convert_type3A_608 : vector<16x1xf32>
    %add3A_621 = arith.addf %add3A_590, %mul3A : vector<16x1xf32>
    %sub3A_622 = arith.constant 50 : i32
    %sub3A_623 = vector.broadcast %sub3A_622 : i32 to vector<16x1xi32>
    %sub3A_624 = arith.subi %sub3A_623, %add3A_407 : vector<16x1xi32>
    %convert_element_type3A_625 = arith.sitofp %sub3A_624 : vector<16x1xi32> to vector<16x1xf32>
    %mul3A_626 = arith.mulf %convert_element_type3A_625, %bitcast_convert_type3A_616 : vector<16x1xf32>
    %add3A_627 = arith.addf %add3A_600, %mul3A_626 : vector<16x1xf32>
    %div3A = arith.constant 5.000000e+01 : f32
    %div3A_628 = vector.broadcast %div3A : f32 to vector<16x1xf32>
    %div3A_629 = arith.divf %add3A_621, %div3A_628 : vector<16x1xf32>
    %div3A_630 = arith.constant 5.000000e+01 : f32
    %div3A_631 = vector.broadcast %div3A_630 : f32 to vector<16x1xf32>
    %div3A_632 = arith.divf %add3A_627, %div3A_631 : vector<16x1xf32>
    %add3A_633 = arith.addf %div3A_629, %div3A_632 : vector<16x1xf32>
    %broadcast_in_dim3A_634 = vector.shape_cast %add3A_633 : vector<16x1xf32> to vector<16x1xf32>
    %broadcast_in_dim3A_635 = vector.broadcast %broadcast_in_dim3A_634 : vector<16x1xf32> to vector<16x128xf32>
    %swap3A_636 = arith.constant 0 : index
    %swap3A_637 = arith.constant 0 : index
    %swap3A_638 = arith.constant 0 : index
    %swap3A_639 = vector.load %arg2[%swap3A_636, %swap3A_637, %swap3A_638] : memref<1x16x128xf32, #tpu.memory_space<vmem>>, vector<1x16x128xf32>
    %swap3A_640 = vector.shape_cast %swap3A_639 : vector<1x16x128xf32> to vector<16x128xf32>
    %swap3A_641 = vector.shape_cast %broadcast_in_dim3A_635 : vector<16x128xf32> to vector<1x16x128xf32>
    tpu.vector_store %arg2[%swap3A_636, %swap3A_637, %swap3A_638], %swap3A_641 {strides = array<i32>} : memref<1x16x128xf32, #tpu.memory_space<vmem>>, vector<1x16x128xf32>,
    return
  }
  func.func @transform_0(%arg0: i32) -> (i32, i32) {
    %c0_i32 = arith.constant 0 : i32
    %c0_i32_0 = arith.constant 0 : i32
    return %arg0, %c0_i32 : i32, i32
  }
  func.func @transform_1(%arg0: i32) -> (i32, i32, i32) {
    %c0_i32 = arith.constant 0 : i32
    %c0_i32_0 = arith.constant 0 : i32
    %c0_i32_1 = arith.constant 0 : i32
    return %arg0, %c0_i32, %c0_i32_0 : i32, i32, i32
  }
}

</mosaic_0001>

<sc_bundles>
// kernel: kernel.4.cloned.1.call-start
scs
__scs_entry_jumppad:
0x0: {  	(pc) =	sbr.rel $0x88, $3  }
0x1: {  	(tag) =	ssettag $0x0;
	lr =	simm.s32 $0x1  }
0x2: {  	[smem:$0x3FA0] =	sst lr;
	_ =	strace $0xD0000000  }
0x3: {  	_ = 	snop  }
0x4: {  	_ = 	snop  }
0x5: {  	_ = 	snop  }
0x6: {  	_ = 	snop  }
0x7: {  	_ = 	snop  }
__scs_overlays_trampoline_lowered:
0x8: {  	[smem:$0x3FAF] =	sst s0  }
0x9: {  	[smem:$0x3FB0] =	sst s1  }
0xa: {  	[smem:$0x3FB1] =	sst s2  }
0xb: {  	[smem:$0x3FB2] =	sst s3  }
0xc: {  	[smem:$0x3FB3] =	sst s4  }
0xd: {  	[smem:$0x3FB4] =	sst s5  }
0xe: {  	[smem:$0x3FB5] =	sst s6  }
0xf: {  	[smem:$0x3FB6] =	sst s7  }
0x10: {  	[smem:$0x3FB7] =	sst s8  }
0x11: {  	[smem:$0x3FB8] =	sst s9;
	s0 =	simm.s32 @!p0 $0x0  }
0x12: {  	s1 =	sld [smem:$0x3F9E];
	s0 =	simm.s32 @p0 $0x1  }
0x13: {  	[smem:$0x3FB9] =	sst s0;
	s0 =	simm.s32 @!p1 $0x0  }
0x14: {  	s2 =	sld [smem:$0x3F9D];
	s0 =	simm.s32 @p1 $0x1  }
0x15: {  	[smem:$0x3FBA] =	sst s0;
	s0 =	simm.s32 @!p2 $0x0  }
0x16: {  	s3 =	sld [smem:$0x3FDB];
	s0 =	simm.s32 @p2 $0x1  }
0x17: {  	s4 =	simm.s32 $0x1BF5;
	[smem:$0x3FBC] =	sst s0  }
0x18: {  	s0 =	sld [smem:$0x3F9F];
	_ =	swait.ge [sflag:s4], $0x0  }
0x19: {  	s7 =	sld [smem:$0x3FA0]  }
0x1a: {  	s8 =	sadd.s32 $0xFFFFE003, lr  }
0x1b: {  	s9 =	sadd.s32 $0xFFFFFEF7, lr;
	s5 =	simm.s32 $0xFFFFFFFF;
	p2 =	slt.u32 s8, $0xFFFFF086  }
0x1c: {  	p1 =	slt.u32 s9, $0xF7A;
	s5 =	simm.s32 @!p2 $0x0  }
0x1d: {  	s5 =	simm.s32 @p1 $0x1;
	p0 =	seq.s32 s7, s2  }
0x1e: {  	s7 =	smul.u32 @!p0 $0xF7A, s2;
	p2 =	seq.s32 @!p0 s5, $0x0  }
0x1f: {  	s9 =	smul.u32 $0xF7A, s1;
	s8 =	simm.s32 @!p0 $0x1BF5;
	p2 =	por !p2, p0  }
0x20: {  	[sflag:s8] =	ssyncset.s32 @!p0 $0xFFFFF086;
	s6 =	sadd.s32 @!p0 s3, s7;
	s7 =	simm.s32 @!p0 $0x108  }
0x21: {  	s3 =	sadd.s32 s3, s9;
	s6 =	sadd.s32 @!p0 $0x88, s6;
	s7 =	simm.s32 @p2 $0x1082  }
0x22: {  	[simem:s7], [sflag:s8] =	dma.local @!p0 [hbm:s6], $0xF7A  }
0x23: {  	s9 =	sor.u32 $0xD0000000, s2;
	s6 =	simm.s32 $0x108;
	_ =	swait.ge @!p0 [sflag:s8], $0x0  }
0x24: {  	s3 =	sadd.s32 $0x88, s3;
	s6 =	simm.s32 @!p1 $0x1082;
	[sflag:s4] =	ssyncset.s32 $0xFFFFF086  }
0x25: {  	[simem:s6], [sflag:s4] =	dma.local [hbm:s3], $0xF7A  }
0x26: {  	[smem:$0x3FA0] =	sst s1;
	(tag) =	ssettag s2;
	_ =	strace s9  }
0x27: {  	s1 =	sld [smem:$0x3FB0]  }
0x28: {  	s2 =	sld [smem:$0x3FB1]  }
0x29: {  	s4 =	sld [smem:$0x3FB3]  }
0x2a: {  	p0 =	seq.s32 s5, $0x0;
	s5 =	sld [smem:$0x3FB4]  }
0x2b: {  	s6 =	sld [smem:$0x3FB5]  }
0x2c: {  	s7 =	sld [smem:$0x3FB6]  }
0x2d: {  	s3 =	simm.s32 $0x108;
	s8 =	sld [smem:$0x3FB7]  }
0x2e: {  	s3 =	simm.s32 @!p0 $0x1082;
	s9 =	sld [smem:$0x3FB8]  }
0x2f: {  	lr =	sadd.s32 s0, s3;
	s0 =	sld [smem:$0x3FAF]  }
0x30: {  	s3 =	sld [smem:$0x3FB2]  }
0x31: {  	[smem:$0x3FBB] =	sst s10  }
0x32: {  	s10 =	sld [smem:$0x3FB9];
	_ =	sdelay $0x3  }
0x33: {  	p0 =	seq.s32 s10, $0x1;
	s10 =	sld [smem:$0x3FBB];
	_ =	sdelay $0x3  }
0x34: {  	[smem:$0x3FBB] =	sst s10  }
0x35: {  	s10 =	sld [smem:$0x3FBA];
	_ =	sdelay $0x3  }
0x36: {  	p1 =	seq.s32 s10, $0x1;
	s10 =	sld [smem:$0x3FBB];
	_ =	sdelay $0x3  }
0x37: {  	[smem:$0x3FBB] =	sst s10  }
0x38: {  	s10 =	sld [smem:$0x3FBC]  }
0x39: {  	_ = 	snop;
	(pc) =	sbr.ind lr, $3  }
0x3a: {  	_ = 	snop  }
0x3b: {  	_ = 	snop  }
0x3c: {  	p2 =	seq.s32 s10, $0x1;
	s10 =	sld [smem:$0x3FBB]  }
0x3d: {  	_ =	shalt  }
0x3e: {  	_ =	shalt  }
0x3f: {  	_ =	shalt  }
0x40: {  	_ =	shalt  }
0x41: {  	_ =	shalt  }
0x42: {  	_ =	shalt  }
0x43: {  	_ =	shalt  }
0x44: {  	_ =	shalt  }
0x45: {  	_ =	shalt  }
0x46: {  	_ =	shalt  }
0x47: {  	_ =	shalt  }
0x48: {  	_ =	shalt  }
0x49: {  	_ =	shalt  }
0x4a: {  	_ =	shalt  }
0x4b: {  	_ =	shalt  }
0x4c: {  	_ =	shalt  }
0x4d: {  	_ =	shalt  }
0x4e: {  	_ =	shalt  }
0x4f: {  	_ =	shalt  }
0x50: {  	_ =	shalt  }
0x51: {  	_ =	shalt  }
0x52: {  	_ =	shalt  }
0x53: {  	_ =	shalt  }
0x54: {  	_ =	shalt  }
0x55: {  	_ =	shalt  }
0x56: {  	_ =	shalt  }
0x57: {  	_ =	shalt  }
0x58: {  	_ =	shalt  }
0x59: {  	_ =	shalt  }
0x5a: {  	_ =	shalt  }
0x5b: {  	_ =	shalt  }
0x5c: {  	_ =	shalt  }
0x5d: {  	_ =	shalt  }
0x5e: {  	_ =	shalt  }
0x5f: {  	_ =	shalt  }
0x60: {  	_ =	shalt  }
0x61: {  	_ =	shalt  }
0x62: {  	_ =	shalt  }
0x63: {  	_ =	shalt  }
0x64: {  	_ =	shalt  }
0x65: {  	_ =	shalt  }
0x66: {  	_ =	shalt  }
0x67: {  	_ =	shalt  }
0x68: {  	_ =	shalt  }
0x69: {  	_ =	shalt  }
0x6a: {  	_ =	shalt  }
0x6b: {  	_ =	shalt  }
0x6c: {  	_ =	shalt  }
0x6d: {  	_ =	shalt  }
0x6e: {  	_ =	shalt  }
0x6f: {  	_ =	shalt  }
0x70: {  	_ =	shalt  }
0x71: {  	_ =	shalt  }
0x72: {  	_ =	shalt  }
0x73: {  	_ =	shalt  }
0x74: {  	_ =	shalt  }
0x75: {  	_ =	shalt  }
0x76: {  	_ =	shalt  }
0x77: {  	_ =	shalt  }
0x78: {  	_ =	shalt  }
0x79: {  	_ =	shalt  }
0x7a: {  	_ =	shalt  }
0x7b: {  	_ =	shalt  }
0x7c: {  	_ =	shalt  }
0x7d: {  	_ =	shalt  }
0x7e: {  	_ =	shalt  }
0x7f: {  	_ =	shalt  }
0x80: {  	_ =	shalt  }
0x81: {  	_ =	shalt  }
0x82: {  	_ =	shalt  }
0x83: {  	_ =	shalt  }
0x84: {  	_ =	shalt  }
0x85: {  	_ =	shalt  }
0x86: {  	_ =	shalt  }
0x87: {  	_ =	shalt  }
.Lfunc_end0:
.L_simem_size_0:
called_computation.2_lowered:
.L_overlay_start_0:
0x88: {  	s2 =	sld [smem:$0x3FD9]  }
0x89: {  	s3 =	sld [smem:$0x3FFE];
	_ =	sdelay $0x1  }
0x8a: {  	s1 =	srdreg.scid  }
0x8b: {  	s0 =	sand.u32 $0x1, s1  }
0x8c: {  	s17 =	sshll.u32 s0, $0xA;
	s2 =	sadd.s32 s3, s2  }
0x8d: {  	s2 =	sadd.s32 s2, s17  }
0x8e: {  	[smem:$0x3FC7] =	sst s2  }
0x8f: {  	_ = 	snop  }
0x90: {  	(tm) =	ssettm $0x1  }
0x91: {  	s18 =	sld [smem:$0x3FFB];
	_ =	sdelay $0x3  }
0x92: {  	_ =	strace s18  }
0x93: {  	s2 =	sld [smem:$0x3FFC];
	_ =	sdelay $0x3  }
0x94: {  	_ =	strace s2  }
0x95: {  	s2 =	sld [smem:$0x3FFD];
	_ =	sdelay $0x3  }
0x96: {  	_ =	strace s2  }
0x97: {  	_ =	strace $0x8FFFFFFF  }
0x98: {  	s19 =	sld [smem:$0x3FDB];
	_ =	sdelay $0x1  }
0x99: {  	s20 =	simm.s32 $_scs_section_size  }
0x9a: {  	s4 =	simm.s32 $_size__tile_overlayer_lowered;
	s5 =	simm.s32 $_tile_overlayer_lowered  }
0x9b: {  	s6 =	simm.s32 $0x1BFF;
	s21 =	sshll.u32 s5, $0x1;
	s3 =	sadd.s32 s20, s19  }
0x9c: {  	s22 =	simm.s32 $0x0;
	s4 =	sshll.u32 s4, $0x1;
	s5 =	sadd.s32 s21, s3  }
0x9d: {  	[timem:s22], [sflag:s6] =	dma.local [hbm:s5], s4  }
0x9e: {  	_ =	swait.ge [sflag:s6], s4  }
0x9f: {  	s4 =	ssub.s32 $0x0, s4;
	[sflag:s6] =	ssyncset.done $0x0  }
0xa0: {  	[sflag:s6] =	ssyncadd.s32 s4;
	_ =	sdelay $0x1  }
0xa1: {  	s23 =	simm.s32 $0x1B8B  }
0xa2: {  	_ =	swait.ge [sflag:s23], $0x1  }
0xa3: {  	[sflag:s23] =	ssyncset.done $0x0  }
0xa4: {  	[sflag:s23] =	ssyncadd.s32 $0xFFFFFFFF  }
0xa5: {  	s4 =	sld [smem:$0x0]  }
0xa6: {  	s5 =	sand.u32 $0xFFFFFFFE, s1  }
0xa7: {  	p0 =	sne.s32 s1, s5  }
0xa8: {  	s5 =	sshll.u32 @p0 s5, $0xE  }
0xa9: {  	s5 =	sadd.s32 @p0 $0x11B8D, s5;
	s6 =	sshll.u32 @p0 s4, $0x11  }
0xaa: {  	s5 =	sor.u32 @p0 s6, s5  }
0xab: {  	[sflag:s5] =	ssyncadd.remote.s32 @p0 $0x1;
	_ =	sdelay $0x1  }
0xac: {  	s5 =	simm.s32 @p0 $0x1B8D  }
0xad: {  	_ =	swait.eq @p0 [sflag:s5], $0x1  }
0xae: {  	[sflag:s5] =	ssyncadd.s32 @p0 $0xFFFFFFFF  }
0xaf: {  	s6 =	sshll.u32 @!p0 s1, $0xE  }
0xb0: {  	s6 =	sor.u32 @!p0 $0x4000, s6;
	s5 =	simm.s32 @!p0 $0x1B8D  }
0xb1: {  	s4 =	sshll.u32 @!p0 s4, $0x11;
	s6 =	sadd.s32 @!p0 $0x11B8D, s6;
	_ =	swait.eq @!p0 [sflag:s5], $0x1  }
0xb2: {  	s4 =	sor.u32 @!p0 s4, s6;
	[sflag:s5] =	ssyncadd.s32 @!p0 $0xFFFFFFFF  }
0xb3: {  	s25 =	simm.s32 $0x1B8E;
	s24 =	sld [smem:$0x3FFE];
	[sflag:s4] =	ssyncadd.remote.s32 @!p0 $0x1  }
0xb4: {  	s26 =	simm.s32 $execute0_lowered;
	[smem:$0x3FD2] =	sst s25  }
0xb5: {  	s5 =	sshll.u32 s26, $0x1;
	_ =	strace $0x8000004C;
	[dreg:$0x1] =	wrdreg $0xFFFFFFFF  }
0xb6: {  	s28 =	simm.s32 $_size_execute0_lowered;
	s3 =	sadd.s32 s3, s5;
	[dreg:$0x0] =	wrdreg $0x0  }
0xb7: {  	s5 =	sshll.u32 s28, $0x1;
	[dreg:$0x2] =	wrdreg s3  }
0xb8: {  	[dreg:$0x3] =	wrdreg s5  }
0xb9: {  	[dreg:$0x4] =	wrdreg $0xC0  }
0xba: {  	_ =	task [dreg:s22], $0x5FFFF  }
0xbb: {  	[dreg:$0x1] =	wrdreg $0xFFFFFFFF  }
0xbc: {  	[dreg:$0x0] =	wrdreg $0x60  }
0xbd: {  	[dreg:$0x2] =	wrdreg s24  }
0xbe: {  	[dreg:$0x3] =	wrdreg $0xA  }
0xbf: {  	_ =	task.clear_ibuf [dreg:s22], $0x4FFFF;
	_ =	strace $0x9000004C  }
0xc0: {  	s29 =	simm.s32 $0xA;
	_ =	strace $0x8000004E  }
0xc1: {  	_ =	swait.ge [sflag:s29], $0x1  }
0xc2: {  	[sflag:s29] =	ssyncadd.s32 $0xFFFFFFFF  }
0xc3: {  	_ =	strace $0x9000004E  }
0xc4: {  	_ =	sfence  }
0xc5: {  	s30 =	sld [smem:$0x0];
	_ =	sdelay $0x2  }
0xc6: {  	s31 =	sshll.u32 s1, $0xD;
	s1 =	sshrl.u32 s1, $0x2  }
0xc7: {  	s4 =	sand.u32 $0x4000, s31;
	s1 =	sadd.s32 s1, s30  }
0xc8: {  	s0 =	sor.u32 s4, s0;
	s1 =	sshll.u32 s1, $0x11  }
0xc9: {  	s0 =	sor.u32 s1, s0  }
0xca: {  	s0 =	sadd.s32 $0x8F2B, s0  }
0xcb: {  	[sflag:s0] =	ssyncadd.remote.s32 $0x1  }
0xcc: {  	_ =	sfence.sel $0xFFFF  }
0xcd: {  	[dreg:$0x0] =	wrdreg $0xFFFFFFFF;
	(pc) =	sbr.abs _section_cstart, $3  }
0xce: {  	[dreg:$0x1] =	wrdreg $0xFFFFFFFF  }
0xcf: {  	_ =	task.clear_ibuf [dreg:s22], $0x2FFFF;
	_ =	strace $0x9FFFFFFF  }
0xd0: {  	(tm) =	ssettm $0x7FFFFFFF  }
0xd1: {  	_ =	shalt  }
tec
execute0_lowered:
.L_overlay_start_1:
0x0: {  	(tag) =	ssettag $0x1  }
0x1: {  	s1 =	simm.s32 $0x0  }
0x2: {  	[smem:$0x7FF] =	sst s1  }
0x3: {  	s0 =	rddreg [dreg:$0x0];
	v0 =	vimm.f32 $5.000000000e+01;
	_ =	strace $0x8000004D  }
0x4: {  	(erf) = vrcp.f32 v0  }
0x5: {  	s2 =	srdreg.scid;
	s30 =	stileid.u32  }
0x6: {  	s2 =	sand.u32 $0x1, s2;
	s3 =	sshll.u32 s30, $0x1  }
0x7: {  	s4 =	sor.u32 s2, s3  }
0x8: {  	s7 =	simm.s32 $0x80;
	s2 =	ssub.s32 $0x2, s2;
	s5 =	smul.u32 $0x16, s4  }
.Ltmp0:
0x9: {  	s8 =	simm.s32 $0x400;
	s6 =	sshrl.u32 s2, $0x1;
	(pc) =	sbr.rel .LBB2_1-.Ltmp0, $4  }
0xa: {  	s9 =	simm.s32 $0x1;
	s10 =	simm.s32 $0x400000;
	s2 =	ssub.s32 s2, s6  }
0xb: {  	s3 =	sadd.s32 $0x200, s0;
	s0 =	sadd.s32 s5, s0;
	s31 =	smax.u32 s2, $0x1  }
0xc: {  	s12 =	simm.s32 $0x80000000;
	s0 =	sadd.s32 $0x21B200, s0;
	[dreg:$0x3] =	wrdreg s31  }
0xd: {  	v1 =	vimm.s32 $0xF;
	v2 =	vimm.f32 $-Inf;
	s1 =	simm.s32 $0x0;
	s4 =	smul.u32 $0xB, s4;
	[dreg:$0x2] =	wrdreg s0;
	v0 =	vpop (erf)  }
.LBB2_43:
0xe: {  	s0 =	simm.s32 $0x0;
	s1 =	rddreg [dreg:$0x2];
	s2 =	simm.s32 $0x14500  }
0xf: {  	[hbm4b:s1+s0] =	stream.linear.scatter [tilespmem:s2], [sflag:$0x1], $0xB0, $0x38;
	[tilespmem:$0x14600] =	vst v63  }
0x10: {  	_ =	swait.ge [sflag:s9], $0xB0  }
0x11: {  	s30 =	rddreg [dreg:$0x4]  }
0x12: {  	s31 =	rddreg [dreg:$0x3];
	s1 =	sadd.s32 $0x1, s30  }
0x13: {  	p0 =	sne.s32 s1, s31  }
.Ltmp1:
0x14: {  	_ = 	snop;
	(pc) =	sbr.rel @!p0 .LBB2_44-.Ltmp1, $3  }
0x15: {  	_ =	sdelay $0x1  }
0x16: {  	[sflag:s9] =	ssyncset.done $0x0  }
0x17: {  	[sflag:s9] =	ssyncadd.s32 $0xFFFFFF50  }
.LBB2_1:
.Ltmp2:
0x18: {  	(pc) =	sbr.rel .LBB2_2-.Ltmp2, $2  }
0x19: {  	_ =	sdelay $0x2  }
0x1a: {  	[dreg:$0x4] =	wrdreg s1;
	s14 =	simm.s32 $0x0  }
.LBB2_30:
0x1b: {  	v9 =	vimm.s32 $0x0  }
.LBB2_34:
0x1c: {  	v12 =	vadd.f32 @p0 v13, v12;
	vm2 =	vgt.f32 @p0 v8, v3  }
0x1d: {  	v8 =	vnsel @p0 vm2, $0x0, v8  }
0x1e: {  	v60 =	vld [tilespmem:s0+$0xFFFFFFF0];
	v8 =	vadd.f32 @p0 v8, v12  }
0x1f: {  	v11 =	vnsel @p0 vm0, $0x0, v11  }
0x20: {  	v61 =	vld [tilespmem:s0+$0x0];
	v8 =	vadd.f32 @p0 v11, v8  }
0x21: {  	vm3 =	vgt.f32 v7, v3  }
0x22: {  	v62 =	vld [tilespmem:s0+$0x10];
	v7 =	vnsel vm3, $0x0, v7;
	v6 =	vpsel p0, v8, v6  }
0x23: {  	vm4 =	vgt.f32 v60, v3;
	v6 =	vadd.f32 v7, v6  }
0x24: {  	v7 =	vnsel vm4, $0x0, v60  }
0x25: {  	vm5 =	vgt.f32 v61, v3;
	v6 =	vadd.f32 v7, v6  }
0x26: {  	v7 =	vnsel vm5, $0x0, v61  }
0x27: {  	vm6 =	vgt.f32 v62, v3;
	v6 =	vadd.f32 v7, v6  }
0x28: {  	v7 =	vnsel vm6, $0x0, v62  }
0x29: {  	v8 =	vmpcnt.ones.xlane @p0 vm1;
	v6 =	vadd.f32 v7, v6  }
0x2a: {  	v9 =	vadd.s32 @p0 v9, v10;
	v7 =	vmpcnt.ones.xlane @p0 vm2  }
0x2b: {  	v10 =	vmpcnt.ones.xlane @p0 vm0;
	v8 =	vadd.s32 @p0 v8, v9;
	(xrf2) =	vadd.scan.msk.f32 $0xffff, v6  }
0x2c: {  	v6 =	vadd.s32 @p0 v7, v8  }
0x2d: {  	v7 =	vmpcnt.ones.xlane vm3;
	v6 =	vadd.s32 @p0 v10, v6  }
0x2e: {  	v63 =	vmpcnt.ones.xlane vm4;
	v4 =	vpsel p0, v6, v4  }
0x2f: {  	v6 =	vmpcnt.ones.xlane vm5;
	v4 =	vadd.s32 v4, v7  }
0x30: {  	v7 =	vmpcnt.ones.xlane vm6;
	v4 =	vadd.s32 v63, v4  }
0x31: {  	v4 =	vadd.s32 v6, v4  }
0x32: {  	v4 =	vadd.s32 v7, v4  }
0x33: {  	v4 =	vsub.s32 $0x32, v4  }
0x34: {  	v4 =	vcvt.s32.f32 v4  }
0x35: {  	v6, _, _ =	vpop (xrf2)  }
0x36: {  	v3 =	vmul.f32 v3, v4;
	v6 =	vperm.xlane v6, v1;
	_ =	sdelay $0x1  }
0x37: {  	v3 =	vadd.f32 v6, v3  }
.LBB2_42:
0x38: {  	s0 =	sshll.u32 s14, $0x4;
	s14 =	sadd.s32 $0x1, s14  }
0x39: {  	p0 =	sne.s32 s14, $0xB  }
.Ltmp3:
0x3a: {  	v4 =	vmul.f32 v5, v0;
	v3 =	vmul.f32 v3, v0;
	(pc) =	sbr.rel @!p0 .LBB2_43-.Ltmp3, $4  }
0x3b: {  	_ = 	snop  }
0x3c: {  	v3 =	vsub.f32 v4, v3  }
0x3d: {  	s0 =	sand.u32 $0x3FFFFFF0, s0  }
0x3e: {  	[tilespmem:s0+$0x14500] =	vst v3  }
.LBB2_2:
0x3f: {  	s0 =	sadd.s32 s4, s14  }
0x40: {  	s2 =	sshrl.u32 s0, $0x3  }
0x41: {  	s0 =	sshll.u32 s0, $0x7;
	s2 =	smul.u32 $0x62000, s2  }
0x42: {  	s0 =	sand.u32 $0x380, s0  }
0x43: {  	s0 =	sor.u32 s0, s2  }
0x44: {  	s0 =	sshrl.u32 s0, $0x3  }
0x45: {  	s31 =	simm.s32 $0x0;
	s0 =	sadd.s32 s3, s0  }
0x46: {  	[tilespmem:s31], [sflag:$0x1] =	stream.strided.gather [hbm4b:s0+s7], $0xC400, s8, s7, $0x38;
	[tilespmem:$0x14600] =	vst v63  }
0x47: {  	_ =	swait.ge [sflag:s9], $0xC400  }
0x48: {  	[sflag:s9] =	ssyncset.done $0x0  }
0x49: {  	s11 =	simm.s32 $0x0;
	[sflag:s9] =	ssyncadd.s32 $0xFFFF3C00  }
0x4a: {  	v5 =	vld [tilespmem:s11+$0x0]  }
0x4b: {  	v6 =	vld [tilespmem:s11+$0x10]  }
0x4c: {  	v7 =	vld [tilespmem:s11+$0x20]  }
0x4d: {  	v3 =	vld [tilespmem:s11+$0x30]  }
0x4e: {  	v8 =	vimm.f32 $-Inf;
	v9 =	vimm.f32 $+Inf;
	v4 =	vld [tilespmem:s11+$0x40]  }
0x4f: {  	v8 =	vmax.f32 v8, v5;
	v9 =	vmin.f32 v9, v5;
	v5 =	vld [tilespmem:s11+$0x50]  }
0x50: {  	v8 =	vmax.f32 v8, v6;
	v9 =	vmin.f32 v9, v6;
	v6 =	vld [tilespmem:s11+$0x60]  }
0x51: {  	s2 =	simm.s32 $0x400;
	s0 =	simm.s32 $0x80;
	v8 =	vmax.f32 v8, v7;
	v9 =	vmin.f32 v9, v7;
	v7 =	vld [tilespmem:s11+$0x70]  }
.LBB2_3:
0x52: {  	p0 =	sne.s32 s2, $0x30E00;
	v10 =	vld [tilespmem:s0+$0x0];
	v8 =	vmax.f32 v8, v3;
	v3 =	vmin.f32 v9, v3  }
0x53: {  	v9 =	vld [tilespmem:s0+$0x10];
	v8 =	vmax.f32 v8, v4;
	v3 =	vmin.f32 v3, v4  }
0x54: {  	v11 =	vld [tilespmem:s0+$0x20];
	v4 =	vmax.f32 v8, v5;
	v5 =	vmin.f32 v3, v5  }
.Ltmp4:
0x55: {  	v3 =	vld [tilespmem:s0+$0x30];
	v8 =	vmax.f32 v4, v6;
	v5 =	vmin.f32 v5, v6;
	(pc) =	sbr.rel @p0 .LBB2_3-.Ltmp4, $4  }
0x56: {  	v4 =	vld [tilespmem:s0+$0x40];
	v6 =	vmax.f32 v8, v7;
	v5 =	vmin.f32 v5, v7  }
0x57: {  	v6 =	vmax.f32 v6, v10;
	v7 =	vmin.f32 v5, v10;
	v5 =	vld [tilespmem:s0+$0x50]  }
0x58: {  	v8 =	vmax.f32 v6, v9;
	v7 =	vmin.f32 v7, v9;
	v6 =	vld [tilespmem:s0+$0x60]  }
0x59: {  	v8 =	vmax.f32 v8, v11;
	v9 =	vmin.f32 v7, v11;
	v7 =	vld [tilespmem:s0+$0x70];
	s0 =	sshra.s32 s2, $0x2;
	s2 =	sadd.s32 $0x200, s2  }
0x5a: {  	v10 =	vld [tilespmem:s0+$0x0];
	v9 =	vmin.f32 v9, v3  }
0x5b: {  	v3 =	vmax.f32 v8, v3;
	v8 =	vld [tilespmem:s0+$0x10];
	v9 =	vmin.f32 v9, v4  }
0x5c: {  	v3 =	vmax.f32 v3, v4;
	v4 =	vld [tilespmem:s0+$0x20];
	v9 =	vmin.f32 v9, v5  }
0x5d: {  	v3 =	vmax.f32 v3, v5;
	v5 =	vld [tilespmem:s0+$0x30];
	v9 =	vmin.f32 v9, v6  }
0x5e: {  	v3 =	vmax.f32 v3, v6;
	v6 =	vld [tilespmem:s0+$0x40];
	v9 =	vmin.f32 v9, v7  }
0x5f: {  	v3 =	vmax.f32 v3, v7;
	v7 =	vmin.f32 v9, v10;
	v9 =	vld [tilespmem:s0+$0x50]  }
0x60: {  	v3 =	vmax.f32 v3, v10;
	v10 =	vld [tilespmem:s0+$0x60];
	v7 =	vmin.f32 v7, v8  }
0x61: {  	v3 =	vmax.f32 v3, v8;
	v8 =	vld [tilespmem:s0+$0x70];
	v7 =	vmin.f32 v7, v4  }
0x62: {  	v3 =	vmax.f32 v3, v4;
	v4 =	vmin.f32 v7, v5  }
0x63: {  	v3 =	vmax.f32 v3, v5;
	v4 =	vmin.f32 v4, v6  }
0x64: {  	v3 =	vmax.f32 v3, v6;
	v4 =	vmin.f32 v4, v9  }
0x65: {  	v3 =	vmax.f32 v3, v9;
	v4 =	vmin.f32 v4, v10  }
0x66: {  	v3 =	vmax.f32 v3, v10;
	v4 =	vmin.f32 v4, v8  }
0x67: {  	v3 =	vmax.f32 v3, v8;
	v4 =	vsub.f32 $0.0e+00, v4  }
0x68: {  	(xrf0) =	vmax.scan.msk.f32 $0xffff, v3  }
0x69: {  	(xrf0) =	vmax.scan.msk.f32 $0xffff, v4;
	_ =	sdelay $0x4  }
0x6a: {  	v3, _, _ =	vpop (xrf0)  }
0x6b: {  	v4, _, _ =	vpop (xrf0)  }
0x6c: {  	v5 =	vperm.xlane v4, v1  }
0x6d: {  	s15 =	simm.s32 $0x0  }
0x6e: {  	v9 =	vld [tilespmem:s15+$0x0];
	v4 =	vperm.xlane v3, v1;
	v6 =	vsub.f32 $0.0e+00, v5;
	_ =	sdelay $0x1  }
0x6f: {  	v3 =	vxor.u32 $0x7FFFFFFF, v4;
	vm0 =	vlt.s32 v4, $0x0;
	v7 =	vsub.f32 $0.0e+00, v6  }
0x70: {  	v3 =	vsel vm0, v3, v4  }
0x71: {  	v5 =	vadd.s32 $0xFF800001, v3;
	v3 =	vxor.u32 $0x7FFFFFFF, v7;
	vm10 =	vlt.s32 v7, $0x0  }
0x72: {  	v10 =	vsub.f32 $0.0e+00, v9;
	v3 =	vsel vm10, v3, v7  }
0x73: {  	vm11 =	vlt.s32 v5, $0x0;
	v7 =	vxor.u32 $0x7FFFFFFF, v5;
	v3 =	vadd.s32 $0xFF800001, v3  }
0x74: {  	p0 =	por $0x1, $0x1;
	s0 =	simm.s32 $0x0;
	v7 =	vsel vm11, v7, v5;
	v8 =	vxor.u32 $0x7FFFFFFF, v3;
	vm12 =	vlt.s32 v3, $0x0  }
0x75: {  	s0 =	simm.s32 @!p0 $0x4000;
	vm13 =	vge.f32 v9, v7;
	v8 =	vsel vm12, v8, v3  }
0x76: {  	[tilespmem:s0+$0xC400] =	vst.msk vm13, v9;
	v9 =	vmpcnt.ones.xlane vm13;
	vm1 =	vge.f32 v10, v8  }
0x77: {  	[tilespmem:s0+$0x10480] =	vst.msk vm1, v10;
	v10 =	vmpcnt.ones.xlane vm1  }
0x78: {  	(v2sf) =	vpush v9, $0x0;
	v11 =	vld [tilespmem:s15+$0x10]  }
0x79: {  	(v2sf) =	vpush v10, $0x0;
	_ =	sdelay $0x3  }
0x7a: {  	v9 =	vsub.f32 $0.0e+00, v11  }
0x7b: {  	vm14 =	vge.f32 v11, v7  }
0x7c: {  	v10 =	vmpcnt.ones.xlane vm14;
	vm15 =	vge.f32 v9, v8  }
0x7d: {  	v12 =	vmpcnt.ones.xlane vm15  }
0x7e: {  	(v2sf) =	vpush v10, $0x0  }
0x7f: {  	(v2sf) =	vpush v12, $0x0;
	_ =	sdelay $0x4  }
0x80: {  	s17 =	spop (v2sf)  }
0x81: {  	s0 =	sadd.s32 $0x0, s17;
	s2 =	spop (v2sf)  }
0x82: {  	p0 =	slt.s32 s0, $0x4000;
	s11 =	smov.u32 s0;
	s2 =	sadd.s32 $0x0, s2  }
0x83: {  	s11 =	simm.s32 @!p0 $0x4000;
	p0 =	slt.s32 s2, $0x4000;
	s16 =	smov.u32 s2  }
0x84: {  	[tilespmem:s11+$0xC400] =	vst.msk vm14, v11;
	s16 =	simm.s32 @!p0 $0x4000  }
0x85: {  	[tilespmem:s16+$0x10480] =	vst.msk vm15, v9  }
0x86: {  	v9 =	vld [tilespmem:s15+$0x20];
	_ =	sdelay $0x2  }
0x87: {  	s18 =	spop (v2sf)  }
0x88: {  	s0 =	sadd.s32 s0, s18;
	s19 =	spop (v2sf)  }
0x89: {  	p0 =	slt.s32 s0, $0x4000;
	s11 =	smov.u32 s0;
	s2 =	sadd.s32 s2, s19;
	v10 =	vsub.f32 $0.0e+00, v9  }
0x8a: {  	vm4 =	vge.f32 v9, v7;
	s11 =	simm.s32 @!p0 $0x4000;
	p0 =	slt.s32 s2, $0x4000;
	s16 =	smov.u32 s2  }
0x8b: {  	v11 =	vmpcnt.ones.xlane vm4;
	[tilespmem:s11+$0xC400] =	vst.msk vm4, v9;
	vm5 =	vge.f32 v10, v8;
	s16 =	simm.s32 @!p0 $0x4000  }
0x8c: {  	[tilespmem:s16+$0x10480] =	vst.msk vm5, v10;
	v9 =	vmpcnt.ones.xlane vm5  }
0x8d: {  	(v2sf) =	vpush v11, $0x0;
	v10 =	vld [tilespmem:s15+$0x30]  }
0x8e: {  	(v2sf) =	vpush v9, $0x0;
	_ =	sdelay $0x3  }
0x8f: {  	v9 =	vsub.f32 $0.0e+00, v10  }
0x90: {  	vm6 =	vge.f32 v10, v7  }
0x91: {  	v11 =	vmpcnt.ones.xlane vm6;
	vm7 =	vge.f32 v9, v8  }
0x92: {  	v61 =	vmpcnt.ones.xlane vm7  }
0x93: {  	(v2sf) =	vpush v11, $0x0  }
0x94: {  	(v2sf) =	vpush v61, $0x0;
	_ =	sdelay $0x4  }
0x95: {  	s20 =	spop (v2sf)  }
0x96: {  	s0 =	sadd.s32 s0, s20;
	s21 =	spop (v2sf)  }
0x97: {  	p0 =	slt.s32 s0, $0x4000;
	s11 =	smov.u32 s0;
	s2 =	sadd.s32 s2, s21  }
0x98: {  	s11 =	simm.s32 @!p0 $0x4000;
	p0 =	slt.s32 s2, $0x4000;
	s16 =	smov.u32 s2  }
0x99: {  	[tilespmem:s11+$0xC400] =	vst.msk vm6, v10;
	s16 =	simm.s32 @!p0 $0x4000  }
0x9a: {  	[tilespmem:s16+$0x10480] =	vst.msk vm7, v9  }
0x9b: {  	v9 =	vld [tilespmem:s15+$0x40];
	_ =	sdelay $0x2  }
0x9c: {  	s22 =	spop (v2sf)  }
0x9d: {  	s0 =	sadd.s32 s0, s22;
	s23 =	spop (v2sf)  }
0x9e: {  	p0 =	slt.s32 s0, $0x4000;
	s11 =	smov.u32 s0;
	s2 =	sadd.s32 s2, s23;
	v10 =	vsub.f32 $0.0e+00, v9  }
0x9f: {  	vm8 =	vge.f32 v9, v7;
	s11 =	simm.s32 @!p0 $0x4000;
	p0 =	slt.s32 s2, $0x4000;
	s16 =	smov.u32 s2  }
0xa0: {  	[tilespmem:s11+$0xC400] =	vst.msk vm8, v9;
	v9 =	vmpcnt.ones.xlane vm8;
	vm9 =	vge.f32 v10, v8;
	s16 =	simm.s32 @!p0 $0x4000  }
0xa1: {  	[tilespmem:s16+$0x10480] =	vst.msk vm9, v10;
	v10 =	vmpcnt.ones.xlane vm9  }
0xa2: {  	(v2sf) =	vpush v9, $0x0;
	v9 =	vld [tilespmem:s15+$0x50]  }
0xa3: {  	(v2sf) =	vpush v10, $0x0;
	_ =	sdelay $0x3  }
0xa4: {  	v10 =	vsub.f32 $0.0e+00, v9  }
0xa5: {  	vm10 =	vge.f32 v9, v7  }
0xa6: {  	v11 =	vmpcnt.ones.xlane vm10;
	vm11 =	vge.f32 v10, v8  }
0xa7: {  	v62 =	vmpcnt.ones.xlane vm11  }
0xa8: {  	(v2sf) =	vpush v11, $0x0  }
0xa9: {  	(v2sf) =	vpush v62, $0x0;
	_ =	sdelay $0x4  }
0xaa: {  	s24 =	spop (v2sf)  }
0xab: {  	s0 =	sadd.s32 s0, s24;
	s25 =	spop (v2sf)  }
0xac: {  	p0 =	slt.s32 s0, $0x4000;
	s11 =	smov.u32 s0;
	s2 =	sadd.s32 s2, s25  }
0xad: {  	s11 =	simm.s32 @!p0 $0x4000;
	p0 =	slt.s32 s2, $0x4000;
	s16 =	smov.u32 s2  }
0xae: {  	[tilespmem:s11+$0xC400] =	vst.msk vm10, v9;
	s16 =	simm.s32 @!p0 $0x4000  }
0xaf: {  	[tilespmem:s16+$0x10480] =	vst.msk vm11, v10  }
0xb0: {  	v9 =	vld [tilespmem:s15+$0x60];
	_ =	sdelay $0x2  }
0xb1: {  	s26 =	spop (v2sf)  }
0xb2: {  	s0 =	sadd.s32 s0, s26;
	s28 =	spop (v2sf)  }
0xb3: {  	p0 =	slt.s32 s0, $0x4000;
	s11 =	smov.u32 s0;
	s2 =	sadd.s32 s2, s28;
	v10 =	vsub.f32 $0.0e+00, v9  }
0xb4: {  	vm12 =	vge.f32 v9, v7;
	s11 =	simm.s32 @!p0 $0x4000;
	p0 =	slt.s32 s2, $0x4000;
	s16 =	smov.u32 s2  }
0xb5: {  	[tilespmem:s11+$0xC400] =	vst.msk vm12, v9;
	vm13 =	vge.f32 v10, v8;
	s16 =	simm.s32 @!p0 $0x4000  }
0xb6: {  	[tilespmem:s16+$0x10480] =	vst.msk vm13, v10;
	v10 =	vmpcnt.ones.xlane vm12  }
0xb7: {  	v11 =	vmpcnt.ones.xlane vm13;
	v9 =	vld [tilespmem:s15+$0x70]  }
0xb8: {  	(v2sf) =	vpush v10, $0x0  }
0xb9: {  	(v2sf) =	vpush v11, $0x0;
	_ =	sdelay $0x2  }
0xba: {  	v10 =	vsub.f32 $0.0e+00, v9;
	vm14 =	vge.f32 v9, v7  }
0xbb: {  	v11 =	vmpcnt.ones.xlane vm14  }
0xbc: {  	vm15 =	vge.f32 v10, v8  }
0xbd: {  	v63 =	vmpcnt.ones.xlane vm15;
	(v2sf) =	vpush v11, $0x0;
	_ =	sdelay $0x1  }
0xbe: {  	(v2sf) =	vpush v63, $0x0;
	_ =	sdelay $0x5  }
0xbf: {  	s29 =	spop (v2sf)  }
0xc0: {  	s11 =	sadd.s32 s0, s29;
	s30 =	spop (v2sf)  }
0xc1: {  	p0 =	slt.s32 s11, $0x4000;
	s0 =	sadd.s32 s2, s30;
	s2 =	smov.u32 s11  }
0xc2: {  	s2 =	simm.s32 @!p0 $0x4000;
	p0 =	slt.s32 s0, $0x4000;
	s15 =	smov.u32 s0  }
0xc3: {  	[tilespmem:s2+$0xC400] =	vst.msk vm14, v9;
	s15 =	simm.s32 @!p0 $0x4000  }
0xc4: {  	s22 =	simm.s32 $0x80;
	[tilespmem:s15+$0x10480] =	vst.msk vm15, v10  }
0xc5: {  	v9 =	vld [tilespmem:s22+$0x0]  }
0xc6: {  	s31 =	spop (v2sf)  }
0xc7: {  	s25 =	sadd.s32 s11, s31  }
0xc8: {  	s15 =	simm.s32 $0x400;
	p1 =	slt.s32 s25, $0x4000;
	s2 =	spop (v2sf)  }
.LBB2_5:
0xc9: {  	p0 =	sne.s32 s15, $0x30E00;
	s0 =	sadd.s32 s0, s2  }
0xca: {  	v10 =	vsub.f32 $0.0e+00, v9;
	s16 =	smov.u32 s15;
	s15 =	sadd.s32 $0x200, s15;
	s2 =	smov.u32 s25  }
0xcb: {  	vm0 =	vge.f32 v9, v7;
	s2 =	simm.s32 @!p1 $0x4000;
	p1 =	slt.s32 s0, $0x4000  }
0xcc: {  	[tilespmem:s2+$0xC400] =	vst.msk vm0, v9;
	s2 =	smov.u32 s0  }
0xcd: {  	vm1 =	vge.f32 v10, v8;
	v9 =	vmpcnt.ones.xlane vm0;
	s2 =	simm.s32 @!p1 $0x4000  }
0xce: {  	[tilespmem:s2+$0x10480] =	vst.msk vm1, v10;
	v10 =	vmpcnt.ones.xlane vm1  }
0xcf: {  	v11 =	vld [tilespmem:s22+$0x10];
	(v2sf) =	vpush v9, $0x0  }
0xd0: {  	(v2sf) =	vpush v10, $0x0;
	_ =	sdelay $0x3  }
0xd1: {  	v9 =	vsub.f32 $0.0e+00, v11;
	vm0 =	vge.f32 v11, v7  }
0xd2: {  	v10 =	vmpcnt.ones.xlane vm0  }
0xd3: {  	vm1 =	vge.f32 v9, v8  }
0xd4: {  	v12 =	vmpcnt.ones.xlane vm1;
	(v2sf) =	vpush v10, $0x0;
	_ =	sdelay $0x1  }
0xd5: {  	(v2sf) =	vpush v12, $0x0;
	_ =	sdelay $0x4  }
0xd6: {  	s2 =	spop (v2sf)  }
0xd7: {  	s2 =	sadd.s32 s25, s2;
	s11 =	spop (v2sf)  }
0xd8: {  	s0 =	sadd.s32 s0, s11;
	p1 =	slt.s32 s2, $0x4000;
	s11 =	smov.u32 s2  }
0xd9: {  	s11 =	simm.s32 @!p1 $0x4000;
	p1 =	slt.s32 s0, $0x4000  }
0xda: {  	[tilespmem:s11+$0xC400] =	vst.msk vm0, v11;
	s11 =	smov.u32 s0  }
0xdb: {  	s11 =	simm.s32 @!p1 $0x4000  }
0xdc: {  	[tilespmem:s11+$0x10480] =	vst.msk vm1, v9  }
0xdd: {  	v9 =	vld [tilespmem:s22+$0x20];
	_ =	sdelay $0x1  }
0xde: {  	s11 =	spop (v2sf)  }
0xdf: {  	s2 =	sadd.s32 s2, s11  }
0xe0: {  	s11 =	spop (v2sf)  }
0xe1: {  	p1 =	slt.s32 s2, $0x4000;
	s0 =	sadd.s32 s0, s11;
	s11 =	smov.u32 s2  }
0xe2: {  	v10 =	vsub.f32 $0.0e+00, v9;
	vm0 =	vge.f32 v9, v7;
	s11 =	simm.s32 @!p1 $0x4000  }
0xe3: {  	v11 =	vmpcnt.ones.xlane vm0;
	p1 =	slt.s32 s0, $0x4000  }
0xe4: {  	[tilespmem:s11+$0xC400] =	vst.msk vm0, v9;
	s11 =	smov.u32 s0  }
0xe5: {  	vm1 =	vge.f32 v10, v8;
	s11 =	simm.s32 @!p1 $0x4000  }
0xe6: {  	v9 =	vmpcnt.ones.xlane vm1;
	[tilespmem:s11+$0x10480] =	vst.msk vm1, v10;
	(v2sf) =	vpush v11, $0x0  }
0xe7: {  	v10 =	vld [tilespmem:s22+$0x30]  }
0xe8: {  	(v2sf) =	vpush v9, $0x0;
	_ =	sdelay $0x3  }
0xe9: {  	v9 =	vsub.f32 $0.0e+00, v10;
	vm0 =	vge.f32 v10, v7  }
0xea: {  	v11 =	vmpcnt.ones.xlane vm0  }
0xeb: {  	vm1 =	vge.f32 v9, v8  }
0xec: {  	v12 =	vmpcnt.ones.xlane vm1;
	(v2sf) =	vpush v11, $0x0;
	_ =	sdelay $0x1  }
0xed: {  	(v2sf) =	vpush v12, $0x0;
	_ =	sdelay $0x3  }
0xee: {  	s11 =	spop (v2sf)  }
0xef: {  	s2 =	sadd.s32 s2, s11  }
0xf0: {  	s11 =	spop (v2sf)  }
0xf1: {  	p1 =	slt.s32 s2, $0x4000;
	s0 =	sadd.s32 s0, s11;
	s11 =	smov.u32 s2  }
0xf2: {  	s11 =	simm.s32 @!p1 $0x4000  }
0xf3: {  	p1 =	slt.s32 s0, $0x4000;
	[tilespmem:s11+$0xC400] =	vst.msk vm0, v10;
	s11 =	smov.u32 s0  }
0xf4: {  	s11 =	simm.s32 @!p1 $0x4000  }
0xf5: {  	[tilespmem:s11+$0x10480] =	vst.msk vm1, v9  }
0xf6: {  	v9 =	vld [tilespmem:s22+$0x40];
	_ =	sdelay $0x1  }
0xf7: {  	s11 =	spop (v2sf)  }
0xf8: {  	s2 =	sadd.s32 s2, s11  }
0xf9: {  	s11 =	spop (v2sf)  }
0xfa: {  	p1 =	slt.s32 s2, $0x4000;
	s0 =	sadd.s32 s0, s11;
	s11 =	smov.u32 s2  }
0xfb: {  	v10 =	vsub.f32 $0.0e+00, v9;
	vm0 =	vge.f32 v9, v7;
	s11 =	simm.s32 @!p1 $0x4000  }
0xfc: {  	p1 =	slt.s32 s0, $0x4000;
	[tilespmem:s11+$0xC400] =	vst.msk vm0, v9;
	v9 =	vmpcnt.ones.xlane vm0;
	s11 =	smov.u32 s0  }
0xfd: {  	vm0 =	vge.f32 v10, v8;
	s11 =	simm.s32 @!p1 $0x4000  }
0xfe: {  	[tilespmem:s11+$0x10480] =	vst.msk vm0, v10;
	v10 =	vmpcnt.ones.xlane vm0;
	(v2sf) =	vpush v9, $0x0  }
0xff: {  	v9 =	vld [tilespmem:s22+$0x50]  }
0x100: {  	(v2sf) =	vpush v10, $0x0;
	_ =	sdelay $0x3  }
0x101: {  	v10 =	vsub.f32 $0.0e+00, v9;
	vm0 =	vge.f32 v9, v7  }
0x102: {  	v11 =	vmpcnt.ones.xlane vm0  }
0x103: {  	vm1 =	vge.f32 v10, v8  }
0x104: {  	v12 =	vmpcnt.ones.xlane vm1;
	(v2sf) =	vpush v11, $0x0;
	_ =	sdelay $0x1  }
0x105: {  	(v2sf) =	vpush v12, $0x0;
	_ =	sdelay $0x3  }
0x106: {  	s11 =	spop (v2sf)  }
0x107: {  	s2 =	sadd.s32 s2, s11  }
0x108: {  	s11 =	spop (v2sf)  }
0x109: {  	p1 =	slt.s32 s2, $0x4000;
	s0 =	sadd.s32 s0, s11;
	s11 =	smov.u32 s2  }
0x10a: {  	s11 =	simm.s32 @!p1 $0x4000  }
0x10b: {  	p1 =	slt.s32 s0, $0x4000;
	[tilespmem:s11+$0xC400] =	vst.msk vm0, v9;
	s11 =	smov.u32 s0  }
0x10c: {  	s11 =	simm.s32 @!p1 $0x4000  }
0x10d: {  	[tilespmem:s11+$0x10480] =	vst.msk vm1, v10  }
0x10e: {  	v9 =	vld [tilespmem:s22+$0x60];
	_ =	sdelay $0x1  }
0x10f: {  	s11 =	spop (v2sf)  }
0x110: {  	s2 =	sadd.s32 s2, s11  }
0x111: {  	s11 =	spop (v2sf)  }
0x112: {  	p1 =	slt.s32 s2, $0x4000;
	s0 =	sadd.s32 s0, s11;
	s11 =	smov.u32 s2  }
0x113: {  	v10 =	vsub.f32 $0.0e+00, v9;
	vm0 =	vge.f32 v9, v7;
	s11 =	simm.s32 @!p1 $0x4000  }
0x114: {  	p1 =	slt.s32 s0, $0x4000;
	[tilespmem:s11+$0xC400] =	vst.msk vm0, v9;
	v9 =	vmpcnt.ones.xlane vm0;
	s11 =	smov.u32 s0  }
0x115: {  	vm0 =	vge.f32 v10, v8;
	s11 =	simm.s32 @!p1 $0x4000  }
0x116: {  	[tilespmem:s11+$0x10480] =	vst.msk vm0, v10;
	v10 =	vmpcnt.ones.xlane vm0;
	(v2sf) =	vpush v9, $0x0  }
0x117: {  	v9 =	vld [tilespmem:s22+$0x70]  }
0x118: {  	(v2sf) =	vpush v10, $0x0;
	_ =	sdelay $0x3  }
0x119: {  	v10 =	vsub.f32 $0.0e+00, v9;
	vm0 =	vge.f32 v9, v7  }
0x11a: {  	v11 =	vmpcnt.ones.xlane vm0  }
0x11b: {  	vm1 =	vge.f32 v10, v8  }
0x11c: {  	v12 =	vmpcnt.ones.xlane vm1;
	(v2sf) =	vpush v11, $0x0;
	_ =	sdelay $0x1  }
0x11d: {  	(v2sf) =	vpush v12, $0x0;
	_ =	sdelay $0x3  }
0x11e: {  	s11 =	spop (v2sf)  }
0x11f: {  	s2 =	sadd.s32 s2, s11  }
0x120: {  	s11 =	spop (v2sf)  }
0x121: {  	p1 =	slt.s32 s2, $0x4000;
	s0 =	sadd.s32 s0, s11;
	s11 =	smov.u32 s2  }
0x122: {  	s11 =	simm.s32 @!p1 $0x4000  }
0x123: {  	p1 =	slt.s32 s0, $0x4000;
	[tilespmem:s11+$0xC400] =	vst.msk vm0, v9;
	s11 =	smov.u32 s0  }
0x124: {  	s11 =	simm.s32 @!p1 $0x4000  }
0x125: {  	s22 =	sshra.s32 s16, $0x2;
	[tilespmem:s11+$0x10480] =	vst.msk vm1, v10  }
.Ltmp5:
0x126: {  	v9 =	vld [tilespmem:s22+$0x0];
	(pc) =	sbr.rel @p0 .LBB2_5-.Ltmp5, $4  }
0x127: {  	_ = 	snop  }
0x128: {  	s11 =	spop (v2sf)  }
0x129: {  	s25 =	sadd.s32 s2, s11  }
0x12a: {  	p1 =	slt.s32 s25, $0x4000;
	s2 =	spop (v2sf)  }
0x12b: {  	v10 =	vsub.f32 $0.0e+00, v9;
	s15 =	sadd.s32 s0, s2;
	s0 =	smov.u32 s25  }
0x12c: {  	vm0 =	vge.f32 v9, v7;
	s0 =	simm.s32 @!p1 $0x4000;
	p0 =	slt.s32 s15, $0x4000;
	s2 =	smov.u32 s15  }
0x12d: {  	v43 =	vmpcnt.ones.xlane vm0;
	vm1 =	vge.f32 v10, v8;
	[tilespmem:s0+$0xC400] =	vst.msk vm0, v9;
	s2 =	simm.s32 @!p0 $0x4000  }
0x12e: {  	[tilespmem:s2+$0x10480] =	vst.msk vm1, v10;
	v44 =	vmpcnt.ones.xlane vm1  }
0x12f: {  	(v2sf) =	vpush v43, $0x0;
	v11 =	vld [tilespmem:s22+$0x10]  }
0x130: {  	(v2sf) =	vpush v44, $0x0;
	_ =	sdelay $0x3  }
0x131: {  	v45 =	vsub.f32 $0.0e+00, v11  }
0x132: {  	vm14 =	vge.f32 v11, v7  }
0x133: {  	v46 =	vmpcnt.ones.xlane vm14;
	vm15 =	vge.f32 v45, v8  }
0x134: {  	v12 =	vmpcnt.ones.xlane vm15  }
0x135: {  	(v2sf) =	vpush v46, $0x0  }
0x136: {  	(v2sf) =	vpush v12, $0x0;
	_ =	sdelay $0x4  }
0x137: {  	s26 =	spop (v2sf)  }
0x138: {  	s21 =	sadd.s32 s25, s26;
	s16 =	spop (v2sf)  }
0x139: {  	p0 =	slt.s32 s21, $0x4000;
	s11 =	smov.u32 s21;
	s23 =	sadd.s32 s15, s16  }
0x13a: {  	s11 =	simm.s32 @!p0 $0x4000;
	p0 =	slt.s32 s23, $0x4000;
	s17 =	smov.u32 s23  }
0x13b: {  	[tilespmem:s11+$0xC400] =	vst.msk vm14, v11;
	s17 =	simm.s32 @!p0 $0x4000  }
0x13c: {  	[tilespmem:s17+$0x10480] =	vst.msk vm15, v45  }
0x13d: {  	v9 =	vld [tilespmem:s22+$0x20];
	_ =	sdelay $0x2  }
0x13e: {  	s28 =	spop (v2sf)  }
0x13f: {  	s0 =	sadd.s32 s21, s28;
	s17 =	spop (v2sf)  }
0x140: {  	p0 =	slt.s32 s0, $0x4000;
	s11 =	smov.u32 s0;
	s2 =	sadd.s32 s23, s17;
	v47 =	vsub.f32 $0.0e+00, v9  }
0x141: {  	vm4 =	vge.f32 v9, v7;
	s11 =	simm.s32 @!p0 $0x4000;
	p0 =	slt.s32 s2, $0x4000;
	s18 =	smov.u32 s2  }
0x142: {  	v48 =	vmpcnt.ones.xlane vm4;
	[tilespmem:s11+$0xC400] =	vst.msk vm4, v9;
	vm5 =	vge.f32 v47, v8;
	s18 =	simm.s32 @!p0 $0x4000  }
0x143: {  	[tilespmem:s18+$0x10480] =	vst.msk vm5, v47;
	v49 =	vmpcnt.ones.xlane vm5  }
0x144: {  	(v2sf) =	vpush v48, $0x0;
	v10 =	vld [tilespmem:s22+$0x30]  }
0x145: {  	(v2sf) =	vpush v49, $0x0;
	_ =	sdelay $0x3  }
0x146: {  	v50 =	vsub.f32 $0.0e+00, v10  }
0x147: {  	vm6 =	vge.f32 v10, v7  }
0x148: {  	v51 =	vmpcnt.ones.xlane vm6;
	vm7 =	vge.f32 v50, v8  }
0x149: {  	v52 =	vmpcnt.ones.xlane vm7  }
0x14a: {  	(v2sf) =	vpush v51, $0x0  }
0x14b: {  	(v2sf) =	vpush v52, $0x0;
	_ =	sdelay $0x4  }
0x14c: {  	s29 =	spop (v2sf)  }
0x14d: {  	s0 =	sadd.s32 s0, s29;
	s18 =	spop (v2sf)  }
0x14e: {  	p0 =	slt.s32 s0, $0x4000;
	s11 =	smov.u32 s0;
	s2 =	sadd.s32 s2, s18  }
0x14f: {  	s11 =	simm.s32 @!p0 $0x4000;
	p0 =	slt.s32 s2, $0x4000;
	s19 =	smov.u32 s2  }
0x150: {  	[tilespmem:s11+$0xC400] =	vst.msk vm6, v10;
	s19 =	simm.s32 @!p0 $0x4000  }
0x151: {  	[tilespmem:s19+$0x10480] =	vst.msk vm7, v50  }
0x152: {  	v9 =	vld [tilespmem:s22+$0x40];
	_ =	sdelay $0x2  }
0x153: {  	s30 =	spop (v2sf)  }
0x154: {  	s0 =	sadd.s32 s0, s30;
	s19 =	spop (v2sf)  }
0x155: {  	p0 =	slt.s32 s0, $0x4000;
	s11 =	smov.u32 s0;
	s2 =	sadd.s32 s2, s19;
	v53 =	vsub.f32 $0.0e+00, v9  }
0x156: {  	vm8 =	vge.f32 v9, v7;
	s11 =	simm.s32 @!p0 $0x4000;
	p0 =	slt.s32 s2, $0x4000;
	s20 =	smov.u32 s2  }
0x157: {  	[tilespmem:s11+$0xC400] =	vst.msk vm8, v9;
	v54 =	vmpcnt.ones.xlane vm8;
	vm9 =	vge.f32 v53, v8;
	s20 =	simm.s32 @!p0 $0x4000  }
0x158: {  	[tilespmem:s20+$0x10480] =	vst.msk vm9, v53;
	v55 =	vmpcnt.ones.xlane vm9  }
0x159: {  	(v2sf) =	vpush v54, $0x0;
	v56 =	vld [tilespmem:s22+$0x50]  }
0x15a: {  	(v2sf) =	vpush v55, $0x0;
	_ =	sdelay $0x3  }
0x15b: {  	v57 =	vsub.f32 $0.0e+00, v56  }
0x15c: {  	vm10 =	vge.f32 v56, v7  }
0x15d: {  	v58 =	vmpcnt.ones.xlane vm10;
	vm11 =	vge.f32 v57, v8  }
0x15e: {  	v59 =	vmpcnt.ones.xlane vm11  }
0x15f: {  	(v2sf) =	vpush v58, $0x0  }
0x160: {  	(v2sf) =	vpush v59, $0x0;
	_ =	sdelay $0x4  }
0x161: {  	s31 =	spop (v2sf)  }
0x162: {  	s24 =	sadd.s32 s0, s31;
	s20 =	spop (v2sf)  }
0x163: {  	p0 =	slt.s32 s24, $0x4000;
	s0 =	smov.u32 s24;
	s2 =	sadd.s32 s2, s20  }
0x164: {  	s0 =	simm.s32 @!p0 $0x4000;
	p0 =	slt.s32 s2, $0x4000;
	s21 =	smov.u32 s2  }
0x165: {  	[tilespmem:s0+$0xC400] =	vst.msk vm10, v56;
	s21 =	simm.s32 @!p0 $0x4000  }
0x166: {  	[tilespmem:s21+$0x10480] =	vst.msk vm11, v57  }
0x167: {  	v9 =	vld [tilespmem:s22+$0x60];
	_ =	sdelay $0x2  }
0x168: {  	s0 =	spop (v2sf)  }
0x169: {  	s11 =	sadd.s32 s24, s0;
	s21 =	spop (v2sf)  }
0x16a: {  	p0 =	slt.s32 s11, $0x4000;
	s23 =	sadd.s32 s2, s21;
	v60 =	vsub.f32 $0.0e+00, v9;
	s2 =	smov.u32 s11  }
0x16b: {  	vm12 =	vge.f32 v9, v7;
	s2 =	simm.s32 @!p0 $0x4000;
	p0 =	slt.s32 s23, $0x4000;
	s24 =	smov.u32 s23  }
0x16c: {  	[tilespmem:s2+$0xC400] =	vst.msk vm12, v9;
	vm13 =	vge.f32 v60, v8;
	s24 =	simm.s32 @!p0 $0x4000  }
0x16d: {  	[tilespmem:s24+$0x10480] =	vst.msk vm13, v60  }
0x16e: {  	v9 =	vld [tilespmem:s22+$0x70];
	_ =	sdelay $0x2  }
0x16f: {  	v61 =	vmpcnt.ones.xlane vm12  }
0x170: {  	v63 =	vmpcnt.ones.xlane vm13  }
0x171: {  	(v2sf) =	vpush v61, $0x0;
	v62 =	vsub.f32 $0.0e+00, v9;
	vm14 =	vge.f32 v9, v7  }
0x172: {  	v7 =	vmpcnt.ones.xlane vm14  }
0x173: {  	(v2sf) =	vpush v63, $0x0;
	vm15 =	vge.f32 v62, v8  }
0x174: {  	v8 =	vmpcnt.ones.xlane vm15;
	(v2sf) =	vpush v7, $0x0;
	_ =	sdelay $0x1  }
0x175: {  	(v2sf) =	vpush v8, $0x0;
	_ =	sdelay $0x9  }
0x176: {  	s2 =	spop (v2sf)  }
0x177: {  	s1 =	sadd.s32 s11, s2  }
0x178: {  	p0 =	slt.s32 s1, $0x4000;
	s22 =	spop (v2sf);
	s24 =	smov.u32 s1  }
0x179: {  	s6 =	sadd.s32 s23, s22;
	s24 =	simm.s32 @!p0 $0x4000;
	s11 =	spop (v2sf)  }
0x17a: {  	p0 =	slt.s32 s6, $0x4000;
	s5 =	smov.u32 s6;
	s1 =	sadd.s32 s1, s11  }
0x17b: {  	s5 =	simm.s32 @!p0 $0x4000;
	s23 =	spop (v2sf);
	p0 =	slt.s32 s1, $0x4040  }
0x17c: {  	[tilespmem:s24+$0xC400] =	vst.msk vm14, v9;
	s13 =	sadd.s32 $0x10, s1;
	s24 =	sadd.s32 s6, s23;
	s6 =	smov.u32 s1  }
0x17d: {  	[tilespmem:s5+$0x10480] =	vst.msk vm15, v62;
	s6 =	simm.s32 @!p0 $0x4040;
	p0 =	slt.s32 s24, $0x4040;
	s5 =	smov.u32 s24  }
0x17e: {  	[tilespmem:s6+$0xC400] =	vst v2;
	s5 =	simm.s32 @!p0 $0x4040;
	p0 =	slt.s32 s13, $0x4040;
	s6 =	sadd.s32 $0x10, s24  }
0x17f: {  	[tilespmem:s5+$0x10480] =	vst v2;
	s13 =	simm.s32 @!p0 $0x4040;
	p0 =	slt.s32 s6, $0x4040;
	s5 =	sadd.s32 $0x20, s1  }
0x180: {  	[tilespmem:s13+$0xC400] =	vst v2;
	s6 =	simm.s32 @!p0 $0x4040;
	p0 =	slt.s32 s5, $0x4040;
	s13 =	sadd.s32 $0x20, s24  }
0x181: {  	[tilespmem:s6+$0x10480] =	vst v2;
	s5 =	simm.s32 @!p0 $0x4040;
	p0 =	slt.s32 s13, $0x4040;
	s6 =	sadd.s32 $0x30, s1  }
0x182: {  	[tilespmem:s5+$0xC400] =	vst v2;
	s13 =	simm.s32 @!p0 $0x4040;
	p0 =	slt.s32 s6, $0x4040;
	s5 =	sadd.s32 $0x30, s24  }
0x183: {  	s1 =	sadd.s32 $0xFFFFFFCE, s1;
	s6 =	simm.s32 @!p0 $0x4040;
	p0 =	slt.s32 s5, $0x4040  }
0x184: {  	s5 =	simm.s32 @!p0 $0x4040;
	p0 =	sgt.u32 s1, $0x3FCE  }
.Ltmp6:
0x185: {  	_ = 	snop;
	(pc) =	sbr.rel @p0 .LBB2_17-.Ltmp6, $4  }
0x186: {  	_ = 	snop  }
0x187: {  	[tilespmem:s13+$0x10480] =	vst v2  }
0x188: {  	[tilespmem:s6+$0xC400] =	vst v2  }
0x189: {  	[tilespmem:s5+$0x10480] =	vst v2  }
0x18a: {  	s1 =	sadd.s32 s28, s26  }
0x18b: {  	s1 =	sadd.s32 s29, s1  }
0x18c: {  	s1 =	sadd.s32 s30, s1  }
0x18d: {  	s1 =	sadd.s32 s31, s1  }
0x18e: {  	s0 =	sadd.s32 s0, s1  }
0x18f: {  	s0 =	sadd.s32 s2, s0  }
0x190: {  	s0 =	sadd.s32 s11, s0  }
0x191: {  	s0 =	sadd.s32 s25, s0  }
0x192: {  	s0 =	sadd.s32 $0x3F, s0  }
0x193: {  	s25 =	sshrl.u32 s0, $0x6;
	s0 =	simm.s32 $0x0  }
.LBB2_8:
0x194: {  	s1 =	simm.s32 $0xC420  }
0x195: {  	p1 =	sne.s32 s25, $0x1;
	v12 =	vld [tilespmem:s1+$0xFFFFFFE0]  }
.Ltmp7:
0x196: {  	s2 =	sshrl.u32 s10, s0;
	v8 =	vld [tilespmem:s1+$0xFFFFFFF0];
	(pc) =	sbr.rel @!p1 .LBB2_10-.Ltmp7, $4  }
0x197: {  	v6 =	vadd.s32 s2, v5;
	v9 =	vld [tilespmem:s1+$0x0]  }
0x198: {  	v10 =	vld [tilespmem:s1+$0x10];
	v7 =	vxor.u32 $0x7FFFFFFF, v6;
	vm0 =	vlt.s32 v6, $0x0  }
0x199: {  	v7 =	vsel vm0, v7, v6  }
0x19a: {  	v11 =	vimm.s32 $0x0;
	s11 =	simm.s32 $0xC460;
	s2 =	sadd.s32 $0xFFFFFFFF, s25;
	vm0 =	vge.f32 v12, v7  }
.LBB2_9:
0x19b: {  	v12 =	vld [tilespmem:s11+$0xFFFFFFE0];
	p0 =	sne.s32 s2, $0x1;
	s2 =	sadd.s32 $0xFFFFFFFF, s2;
	v13 =	vmpcnt.ones.xlane vm0;
	vm0 =	vge.f32 v8, v7  }
.Ltmp8:
0x19c: {  	v8 =	vld [tilespmem:s11+$0xFFFFFFF0];
	v14 =	vmpcnt.ones.xlane vm0;
	vm0 =	vge.f32 v9, v7;
	(pc) =	sbr.rel @p0 .LBB2_9-.Ltmp8, $4  }
0x19d: {  	v9 =	vld [tilespmem:s11+$0x0];
	v11 =	vadd.s32 v11, v13;
	v13 =	vmpcnt.ones.xlane vm0;
	vm0 =	vge.f32 v10, v7  }
0x19e: {  	v10 =	vld [tilespmem:s11+$0x10];
	v11 =	vadd.s32 v14, v11;
	v14 =	vmpcnt.ones.xlane vm0  }
0x19f: {  	v11 =	vadd.s32 v13, v11  }
0x1a0: {  	s11 =	sadd.s32 $0x40, s11;
	vm0 =	vge.f32 v12, v7;
	v11 =	vadd.s32 v14, v11  }
.LBB2_10:
0x1a1: {  	v12 =	vmpcnt.ones.xlane vm0;
	vm12 =	vge.f32 v8, v7  }
0x1a2: {  	s0 =	sadd.s32 $0x1, s0;
	v8 =	vmpcnt.ones.xlane vm12;
	vm13 =	vge.f32 v9, v7  }
0x1a3: {  	p0 =	sne.s32 s0, $0x17;
	v61 =	vadd.s32 v11, v12;
	v62 =	vmpcnt.ones.xlane vm13;
	vm14 =	vge.f32 v10, v7  }
.Ltmp9:
0x1a4: {  	v7 =	vadd.s32 v8, v61;
	v63 =	vmpcnt.ones.xlane vm14;
	(pc) =	sbr.rel @p0 .LBB2_8-.Ltmp9, $4  }
0x1a5: {  	v7 =	vadd.s32 v62, v7  }
0x1a6: {  	vm15 =	vgt.s32 v6, v5;
	v7 =	vadd.s32 v63, v7  }
0x1a7: {  	v6 =	vsel vm15, v6, v5;
	vm1 =	vgt.s32 v7, $0x31  }
0x1a8: {  	v5 =	vsel vm1, v6, v5  }
.Ltmp10:
0x1a9: {  	(pc) =	sbr.rel @!p1 .LBB2_12-.Ltmp10, $3  }
0x1aa: {  	_ =	sdelay $0x1  }
0x1ab: {  	v7 =	vxor.u32 $0x7FFFFFFF, v5;
	vm0 =	vlt.s32 v5, $0x0;
	s0 =	simm.s32 $0xC420  }
0x1ac: {  	v6 =	vimm.s32 $0x0;
	s2 =	sadd.s32 $0xFFFFFFFF, s25;
	p0 =	por $0x0, $0x0;
	v5 =	vsel vm0, v7, v5;
	v7 =	vimm.f32 $0.0e+00;
	v8 =	vld [tilespmem:s0+$0xFFFFFFE0]  }
0x1ad: {  	_ = 	snop  }
0x1ae: {  	v10 =	vld [tilespmem:s0+$0xFFFFFFF0]  }
0x1af: {  	v12 =	vld [tilespmem:s0+$0x10];
	p1 =	sne.s32 s2, $0x1  }
.Ltmp11:
0x1b0: {  	v9 =	vld [tilespmem:s0+$0x0];
	(pc) =	sbr.rel @!p1 .LBB2_14-.Ltmp11, $4  }
0x1b1: {  	vm0 =	vgt.f32 v8, v5  }
0x1b2: {  	v8 =	vnsel vm0, $0x0, v8  }
0x1b3: {  	s0 =	simm.s32 $0xC460;
	vm1 =	vgt.f32 v10, v5;
	v11 =	vmpcnt.ones.xlane vm0;
	v13 =	vadd.f32 v8, v7  }
0x1b4: {  	s2 =	sadd.s32 $0xFFFFFFFF, s2;
	p0 =	por $0x1, $0x1;
	vm0 =	vgt.f32 v12, v5;
	v8 =	vld [tilespmem:s0+$0xFFFFFFE0];
	v14 =	vnsel vm1, $0x0, v10;
	v10 =	vimm.s32 $0x0  }
.LBB2_15:
0x1b5: {  	p1 =	sne.s32 s2, $0x1;
	v13 =	vadd.f32 v14, v13;
	v14 =	vmpcnt.ones.xlane vm1;
	vm1 =	vgt.f32 v9, v5  }
0x1b6: {  	v15 =	vld [tilespmem:s0+$0xFFFFFFF0];
	v10 =	vadd.s32 v10, v11;
	v9 =	vnsel vm1, $0x0, v9;
	v11 =	vmpcnt.ones.xlane vm1  }
0x1b7: {  	v16 =	vld [tilespmem:s0+$0x10];
	v10 =	vadd.s32 v14, v10;
	v13 =	vadd.f32 v9, v13;
	v14 =	vmpcnt.ones.xlane vm0  }
.Ltmp12:
0x1b8: {  	v9 =	vld [tilespmem:s0+$0x0];
	v10 =	vadd.s32 v11, v10;
	v11 =	vnsel vm0, $0x0, v12;
	(pc) =	sbr.rel @p1 .LBB2_15-.Ltmp12, $4  }
0x1b9: {  	vm0 =	vgt.f32 v8, v5;
	v11 =	vadd.f32 v11, v13;
	v10 =	vadd.s32 v14, v10  }
0x1ba: {  	v8 =	vnsel vm0, $0x0, v8  }
0x1bb: {  	s0 =	sadd.s32 $0x40, s0;
	v13 =	vadd.f32 v8, v11;
	vm1 =	vgt.f32 v15, v5  }
0x1bc: {  	s2 =	sadd.s32 $0xFFFFFFFF, s2;
	v11 =	vmpcnt.ones.xlane vm0;
	v8 =	vld [tilespmem:s0+$0xFFFFFFE0];
	v14 =	vnsel vm1, $0x0, v15;
	vm0 =	vgt.f32 v16, v5;
	v12 =	vmovc v16  }
.LBB2_16:
0x1bd: {  	v13 =	vadd.f32 @p0 v14, v13;
	vm2 =	vgt.f32 @p0 v9, v5  }
0x1be: {  	v9 =	vnsel @p0 vm2, $0x0, v9  }
0x1bf: {  	v55 =	vld [tilespmem:s0+$0xFFFFFFF0];
	v9 =	vadd.f32 @p0 v9, v13  }
0x1c0: {  	v12 =	vnsel @p0 vm0, $0x0, v12  }
0x1c1: {  	v56 =	vld [tilespmem:s0+$0x0];
	v9 =	vadd.f32 @p0 v12, v9  }
0x1c2: {  	vm3 =	vgt.f32 v8, v5  }
0x1c3: {  	v57 =	vld [tilespmem:s0+$0x10];
	v8 =	vnsel vm3, $0x0, v8;
	v7 =	vpsel p0, v9, v7  }
0x1c4: {  	vm4 =	vgt.f32 v55, v5;
	v7 =	vadd.f32 v8, v7  }
0x1c5: {  	v58 =	vnsel vm4, $0x0, v55  }
0x1c6: {  	vm5 =	vgt.f32 v56, v5;
	v7 =	vadd.f32 v58, v7  }
0x1c7: {  	v59 =	vnsel vm5, $0x0, v56  }
0x1c8: {  	vm6 =	vgt.f32 v57, v5;
	v7 =	vadd.f32 v59, v7  }
0x1c9: {  	v60 =	vnsel vm6, $0x0, v57  }
0x1ca: {  	v9 =	vmpcnt.ones.xlane @p0 vm1;
	v7 =	vadd.f32 v60, v7  }
0x1cb: {  	v10 =	vadd.s32 @p0 v10, v11;
	v8 =	vmpcnt.ones.xlane @p0 vm2  }
0x1cc: {  	v11 =	vmpcnt.ones.xlane @p0 vm0;
	v9 =	vadd.s32 @p0 v9, v10;
	(xrf2) =	vadd.scan.msk.f32 $0xffff, v7  }
0x1cd: {  	v7 =	vadd.s32 @p0 v8, v9  }
0x1ce: {  	v61 =	vmpcnt.ones.xlane vm3;
	v7 =	vadd.s32 @p0 v11, v7  }
0x1cf: {  	v62 =	vmpcnt.ones.xlane vm4;
	v6 =	vpsel p0, v7, v6  }
0x1d0: {  	v7 =	vmpcnt.ones.xlane vm5;
	v6 =	vadd.s32 v6, v61  }
0x1d1: {  	v63 =	vmpcnt.ones.xlane vm6;
	v6 =	vadd.s32 v62, v6  }
0x1d2: {  	v6 =	vadd.s32 v7, v6  }
0x1d3: {  	v6 =	vadd.s32 v63, v6  }
0x1d4: {  	v6 =	vsub.s32 $0x32, v6  }
.Ltmp13:
0x1d5: {  	v6 =	vcvt.s32.f32 v6;
	(pc) =	sbr.rel .LBB2_24-.Ltmp13, $3  }
0x1d6: {  	v7, _, _ =	vpop (xrf2)  }
0x1d7: {  	v5 =	vmul.f32 v5, v6;
	v7 =	vperm.xlane v7, v1;
	_ =	sdelay $0x1  }
0x1d8: {  	v5 =	vadd.f32 v7, v5  }
.LBB2_17:
0x1d9: {  	v5 =	vxor.u32 $0x7FFFFFFF, v6;
	vm0 =	vlt.s32 v6, $0x0  }
0x1da: {  	s25 =	simm.s32 $0x0;
	v5 =	vsel vm0, v5, v6  }
.LBB2_18:
0x1db: {  	s1 =	simm.s32 $0x0  }
0x1dc: {  	v8 =	vld [tilespmem:s1+$0x0]  }
0x1dd: {  	s0 =	sshrl.u32 s12, s25;
	v9 =	vld [tilespmem:s1+$0x10]  }
0x1de: {  	v6 =	vadd.s32 s0, v5;
	v11 =	vld [tilespmem:s1+$0x20]  }
0x1df: {  	v12 =	vld [tilespmem:s1+$0x30];
	v7 =	vxor.u32 $0x7FFFFFFF, v6;
	vm0 =	vlt.s32 v6, $0x0  }
0x1e0: {  	v10 =	vld [tilespmem:s1+$0x40];
	v7 =	vsel vm0, v7, v6  }
0x1e1: {  	vm0 =	vge.f32 v8, v7;
	v8 =	vld [tilespmem:s1+$0x50]  }
0x1e2: {  	v13 =	vmpcnt.ones.xlane vm0;
	vm0 =	vge.f32 v9, v7;
	v9 =	vld [tilespmem:s1+$0x60]  }
0x1e3: {  	v15 =	vimm.s32 $0x0;
	s2 =	simm.s32 $0x400;
	s0 =	simm.s32 $0x80;
	v14 =	vmpcnt.ones.xlane vm0;
	vm0 =	vge.f32 v11, v7;
	v11 =	vld [tilespmem:s1+$0x70]  }
.LBB2_19:
0x1e4: {  	p0 =	sne.s32 s2, $0x30E00;
	v16 =	vld [tilespmem:s0+$0x0];
	v13 =	vadd.s32 v15, v13;
	v15 =	vmpcnt.ones.xlane vm0;
	vm0 =	vge.f32 v12, v7  }
0x1e5: {  	v17 =	vld [tilespmem:s0+$0x10];
	v12 =	vadd.s32 v14, v13;
	v13 =	vmpcnt.ones.xlane vm0;
	vm0 =	vge.f32 v10, v7  }
0x1e6: {  	v18 =	vld [tilespmem:s0+$0x20];
	v10 =	vadd.s32 v15, v12;
	v14 =	vmpcnt.ones.xlane vm0;
	vm0 =	vge.f32 v8, v7  }
.Ltmp14:
0x1e7: {  	v12 =	vld [tilespmem:s0+$0x30];
	v8 =	vadd.s32 v13, v10;
	v13 =	vmpcnt.ones.xlane vm0;
	vm0 =	vge.f32 v9, v7;
	(pc) =	sbr.rel @p0 .LBB2_19-.Ltmp14, $4  }
0x1e8: {  	v10 =	vld [tilespmem:s0+$0x40];
	v9 =	vadd.s32 v14, v8;
	v14 =	vmpcnt.ones.xlane vm0;
	vm0 =	vge.f32 v11, v7  }
0x1e9: {  	vm1 =	vge.f32 v16, v7;
	v8 =	vld [tilespmem:s0+$0x50];
	v11 =	vadd.s32 v13, v9;
	v15 =	vmpcnt.ones.xlane vm0  }
0x1ea: {  	v13 =	vmpcnt.ones.xlane vm1;
	vm0 =	vge.f32 v17, v7;
	v9 =	vld [tilespmem:s0+$0x60];
	v16 =	vadd.s32 v14, v11  }
0x1eb: {  	v14 =	vmpcnt.ones.xlane vm0;
	vm0 =	vge.f32 v18, v7;
	v11 =	vld [tilespmem:s0+$0x70];
	s0 =	sshra.s32 s2, $0x2;
	s2 =	sadd.s32 $0x200, s2;
	v15 =	vadd.s32 v15, v16  }
0x1ec: {  	v16 =	vld [tilespmem:s0+$0x0];
	v13 =	vadd.s32 v15, v13;
	v45 =	vmpcnt.ones.xlane vm0;
	vm14 =	vge.f32 v12, v7  }
0x1ed: {  	v46 =	vld [tilespmem:s0+$0x10];
	v13 =	vadd.s32 v14, v13;
	v47 =	vmpcnt.ones.xlane vm14;
	vm15 =	vge.f32 v10, v7  }
0x1ee: {  	v48 =	vld [tilespmem:s0+$0x20];
	v13 =	vadd.s32 v45, v13;
	v49 =	vmpcnt.ones.xlane vm15;
	vm4 =	vge.f32 v8, v7  }
0x1ef: {  	v50 =	vld [tilespmem:s0+$0x30];
	v13 =	vadd.s32 v47, v13;
	v51 =	vmpcnt.ones.xlane vm4;
	vm5 =	vge.f32 v9, v7  }
0x1f0: {  	v52 =	vld [tilespmem:s0+$0x40];
	v13 =	vadd.s32 v49, v13;
	v53 =	vmpcnt.ones.xlane vm5;
	vm6 =	vge.f32 v11, v7  }
0x1f1: {  	v54 =	vld [tilespmem:s0+$0x50];
	vm1 =	vge.f32 v16, v7;
	v13 =	vadd.s32 v51, v13;
	v55 =	vmpcnt.ones.xlane vm6  }
0x1f2: {  	v56 =	vld [tilespmem:s0+$0x60];
	vm7 =	vge.f32 v46, v7;
	v16 =	vmpcnt.ones.xlane vm1;
	v13 =	vadd.s32 v53, v13  }
0x1f3: {  	v58 =	vld [tilespmem:s0+$0x70];
	vm8 =	vge.f32 v48, v7;
	v57 =	vmpcnt.ones.xlane vm7;
	v13 =	vadd.s32 v55, v13  }
0x1f4: {  	vm9 =	vge.f32 v50, v7;
	v59 =	vmpcnt.ones.xlane vm8;
	v13 =	vadd.s32 v13, v16  }
0x1f5: {  	vm10 =	vge.f32 v52, v7;
	v61 =	vmpcnt.ones.xlane vm9;
	v60 =	vadd.s32 v57, v13  }
0x1f6: {  	vm11 =	vge.f32 v54, v7;
	v9 =	vmpcnt.ones.xlane vm10;
	v8 =	vadd.s32 v59, v60  }
0x1f7: {  	s25 =	sadd.s32 $0x1, s25;
	vm12 =	vge.f32 v56, v7;
	v11 =	vmpcnt.ones.xlane vm11;
	v8 =	vadd.s32 v61, v8  }
0x1f8: {  	p0 =	sne.s32 s25, $0x20;
	vm13 =	vge.f32 v58, v7;
	v62 =	vmpcnt.ones.xlane vm12;
	v8 =	vadd.s32 v9, v8  }
.Ltmp15:
0x1f9: {  	v63 =	vmpcnt.ones.xlane vm13;
	v7 =	vadd.s32 v11, v8;
	(pc) =	sbr.rel @p0 .LBB2_18-.Ltmp15, $4  }
0x1fa: {  	v7 =	vadd.s32 v62, v7  }
0x1fb: {  	vm14 =	vgt.s32 v6, v5;
	v7 =	vadd.s32 v63, v7  }
0x1fc: {  	v6 =	vsel vm14, v6, v5;
	vm15 =	vgt.s32 v7, $0x31  }
0x1fd: {  	v5 =	vsel vm15, v6, v5  }
0x1fe: {  	s0 =	simm.s32 $0x0  }
0x1ff: {  	v8 =	vld [tilespmem:s0+$0x0];
	_ =	sdelay $0x1  }
0x200: {  	v9 =	vld [tilespmem:s0+$0x10]  }
0x201: {  	v7 =	vxor.u32 $0x7FFFFFFF, v5;
	vm0 =	vlt.s32 v5, $0x0;
	v6 =	vld [tilespmem:s0+$0x70]  }
0x202: {  	v5 =	vsel vm0, v7, v5;
	v10 =	vld [tilespmem:s0+$0x20]  }
0x203: {  	v12 =	vld [tilespmem:s0+$0x30];
	vm2 =	vgt.f32 v8, v5  }
0x204: {  	v11 =	vimm.f32 $0.0e+00;
	v7 =	vld [tilespmem:s0+$0x60];
	v8 =	vnsel vm2, $0x0, v8  }
0x205: {  	v13 =	vld [tilespmem:s0+$0x40];
	vm3 =	vgt.f32 v9, v5;
	v11 =	vadd.f32 v8, v11  }
0x206: {  	v9 =	vnsel vm3, $0x0, v9  }
0x207: {  	vm4 =	vgt.f32 v10, v5;
	v8 =	vld [tilespmem:s0+$0x50];
	v9 =	vadd.f32 v9, v11  }
0x208: {  	vm0 =	vgt.f32 v6, v5;
	vm5 =	vgt.f32 v12, v5;
	v10 =	vnsel vm4, $0x0, v10  }
0x209: {  	vm1 =	vgt.f32 v7, v5;
	v12 =	vnsel vm5, $0x0, v12;
	v9 =	vadd.f32 v10, v9  }
0x20a: {  	v14 =	vmpcnt.ones.xlane vm3;
	vm3 =	vgt.f32 v13, v5;
	v10 =	vmpcnt.ones.xlane vm2  }
0x20b: {  	v13 =	vnsel vm3, $0x0, v13;
	v11 =	vimm.s32 $0x0;
	v12 =	vadd.f32 v12, v9  }
0x20c: {  	vm2 =	vgt.f32 v8, v5;
	v10 =	vadd.s32 v11, v10;
	v9 =	vmpcnt.ones.xlane vm4  }
0x20d: {  	s25 =	simm.s32 $0x400;
	s0 =	simm.s32 $0x80;
	v11 =	vadd.s32 v14, v10;
	v10 =	vmpcnt.ones.xlane vm5;
	v12 =	vadd.f32 v13, v12  }
.LBB2_22:
0x20e: {  	p0 =	sne.s32 s25, $0x30E00;
	v13 =	vld [tilespmem:s0+$0x0];
	v9 =	vadd.s32 v9, v11;
	v11 =	vmpcnt.ones.xlane vm3;
	v8 =	vnsel vm2, $0x0, v8  }
0x20f: {  	v9 =	vadd.s32 v10, v9;
	v8 =	vadd.f32 v8, v12;
	v10 =	vmpcnt.ones.xlane vm2  }
0x210: {  	v7 =	vnsel vm1, $0x0, v7;
	v12 =	vld [tilespmem:s0+$0x10];
	v9 =	vadd.s32 v11, v9;
	v11 =	vmpcnt.ones.xlane vm1  }
0x211: {  	v14 =	vld [tilespmem:s0+$0x70];
	v9 =	vadd.s32 v10, v9;
	v8 =	vadd.f32 v7, v8;
	v10 =	vmpcnt.ones.xlane vm0  }
0x212: {  	v6 =	vnsel vm0, $0x0, v6;
	v15 =	vld [tilespmem:s0+$0x20];
	v9 =	vadd.s32 v11, v9  }
0x213: {  	vm2 =	vgt.f32 v13, v5;
	v7 =	vld [tilespmem:s0+$0x60];
	v16 =	vadd.f32 v6, v8;
	v9 =	vadd.s32 v10, v9  }
0x214: {  	v8 =	vnsel vm2, $0x0, v13;
	v10 =	vld [tilespmem:s0+$0x30]  }
0x215: {  	v11 =	vadd.f32 v8, v16;
	vm3 =	vgt.f32 v12, v5;
	v8 =	vld [tilespmem:s0+$0x50]  }
0x216: {  	v12 =	vnsel vm3, $0x0, v12;
	v13 =	vld [tilespmem:s0+$0x40];
	v6 =	vmov v14  }
0x217: {  	v11 =	vadd.f32 v12, v11;
	vm4 =	vgt.f32 v15, v5  }
0x218: {  	vm0 =	vgt.f32 v6, v5;
	v12 =	vnsel vm4, $0x0, v15  }
.Ltmp16:
0x219: {  	vm1 =	vgt.f32 v7, v5;
	v11 =	vadd.f32 v12, v11;
	vm5 =	vgt.f32 v10, v5;
	(pc) =	sbr.rel @p0 .LBB2_22-.Ltmp16, $4  }
0x21a: {  	v12 =	vmpcnt.ones.xlane vm2;
	v10 =	vnsel vm5, $0x0, v10;
	vm2 =	vgt.f32 v8, v5  }
0x21b: {  	v14 =	vmpcnt.ones.xlane vm3;
	v15 =	vadd.f32 v10, v11;
	vm3 =	vgt.f32 v13, v5  }
0x21c: {  	v10 =	vadd.s32 v9, v12;
	v9 =	vmpcnt.ones.xlane vm4;
	v12 =	vnsel vm3, $0x0, v13  }
0x21d: {  	s0 =	sshra.s32 s25, $0x2;
	s25 =	sadd.s32 $0x200, s25;
	v11 =	vadd.s32 v14, v10;
	v10 =	vmpcnt.ones.xlane vm5;
	v12 =	vadd.f32 v12, v15  }
0x21e: {  	v13 =	vld [tilespmem:s0+$0x0];
	v8 =	vnsel vm2, $0x0, v8  }
0x21f: {  	v8 =	vadd.f32 v8, v12  }
0x220: {  	v49 =	vld [tilespmem:s0+$0x10];
	v7 =	vnsel vm1, $0x0, v7  }
0x221: {  	v7 =	vadd.f32 v7, v8  }
0x222: {  	v50 =	vld [tilespmem:s0+$0x20];
	v6 =	vnsel vm0, $0x0, v6  }
0x223: {  	vm4 =	vgt.f32 v13, v5;
	v6 =	vadd.f32 v6, v7  }
0x224: {  	v51 =	vld [tilespmem:s0+$0x30];
	v7 =	vnsel vm4, $0x0, v13  }
0x225: {  	vm5 =	vgt.f32 v49, v5;
	v6 =	vadd.f32 v7, v6  }
0x226: {  	v52 =	vld [tilespmem:s0+$0x40];
	v7 =	vnsel vm5, $0x0, v49  }
0x227: {  	vm6 =	vgt.f32 v50, v5;
	v6 =	vadd.f32 v7, v6  }
0x228: {  	v8 =	vnsel vm6, $0x0, v50;
	v7 =	vld [tilespmem:s0+$0x50]  }
0x229: {  	vm7 =	vgt.f32 v51, v5;
	v6 =	vadd.f32 v8, v6  }
0x22a: {  	v53 =	vld [tilespmem:s0+$0x60];
	v13 =	vnsel vm7, $0x0, v51  }
0x22b: {  	vm8 =	vgt.f32 v52, v5;
	v6 =	vadd.f32 v13, v6  }
0x22c: {  	v54 =	vld [tilespmem:s0+$0x70];
	v12 =	vnsel vm8, $0x0, v52  }
0x22d: {  	vm9 =	vgt.f32 v7, v5;
	v6 =	vadd.f32 v12, v6  }
0x22e: {  	v9 =	vadd.s32 v9, v11;
	v55 =	vmpcnt.ones.xlane vm3;
	v7 =	vnsel vm9, $0x0, v7  }
0x22f: {  	v56 =	vmpcnt.ones.xlane vm1;
	vm14 =	vgt.f32 v53, v5;
	v6 =	vadd.f32 v7, v6  }
0x230: {  	v9 =	vadd.s32 v10, v9;
	v8 =	vnsel vm14, $0x0, v53;
	v7 =	vmpcnt.ones.xlane vm2  }
0x231: {  	v9 =	vadd.s32 v55, v9;
	vm15 =	vgt.f32 v54, v5;
	v6 =	vadd.f32 v8, v6  }
0x232: {  	v57 =	vmpcnt.ones.xlane vm0;
	v58 =	vnsel vm15, $0x0, v54;
	v7 =	vadd.s32 v7, v9  }
0x233: {  	v59 =	vmpcnt.ones.xlane vm4;
	v7 =	vadd.s32 v56, v7;
	v6 =	vadd.f32 v58, v6  }
0x234: {  	v60 =	vmpcnt.ones.xlane vm5;
	v7 =	vadd.s32 v57, v7  }
0x235: {  	v61 =	vmpcnt.ones.xlane vm6;
	v7 =	vadd.s32 v7, v59;
	(xrf2) =	vadd.scan.msk.f32 $0xffff, v6  }
0x236: {  	v6 =	vadd.s32 v60, v7;
	v7 =	vmpcnt.ones.xlane vm7  }
0x237: {  	v62 =	vmpcnt.ones.xlane vm8;
	v6 =	vadd.s32 v61, v6  }
0x238: {  	v6 =	vadd.s32 v7, v6;
	v7 =	vmpcnt.ones.xlane vm9  }
0x239: {  	v63 =	vmpcnt.ones.xlane vm14;
	v6 =	vadd.s32 v62, v6  }
0x23a: {  	v6 =	vadd.s32 v7, v6;
	v7 =	vmpcnt.ones.xlane vm15  }
0x23b: {  	v6 =	vadd.s32 v63, v6  }
0x23c: {  	v6 =	vadd.s32 v7, v6  }
0x23d: {  	v6 =	vsub.s32 $0x32, v6  }
0x23e: {  	v6 =	vcvt.s32.f32 v6  }
0x23f: {  	v7, _, _ =	vpop (xrf2)  }
0x240: {  	v5 =	vmul.f32 v6, v5;
	v7 =	vperm.xlane v7, v1;
	_ =	sdelay $0x1  }
0x241: {  	v5 =	vadd.f32 v7, v5  }
.LBB2_24:
0x242: {  	s0 =	sadd.s32 $0xFFFFFFCE, s24  }
0x243: {  	p0 =	sgt.u32 s0, $0x3FCE  }
.Ltmp17:
0x244: {  	_ = 	snop;
	(pc) =	sbr.rel @p0 .LBB2_35-.Ltmp17, $1  }
0x245: {  	_ =	sdelay $0x3  }
0x246: {  	s0 =	sadd.s32 s17, s16  }
0x247: {  	s0 =	sadd.s32 s18, s0  }
0x248: {  	s0 =	sadd.s32 s19, s0  }
0x249: {  	s0 =	sadd.s32 s20, s0  }
0x24a: {  	s0 =	sadd.s32 s21, s0  }
0x24b: {  	s0 =	sadd.s32 s22, s0  }
0x24c: {  	s0 =	sadd.s32 s23, s0  }
0x24d: {  	s0 =	sadd.s32 s15, s0  }
0x24e: {  	s0 =	sadd.s32 $0x3F, s0  }
0x24f: {  	s15 =	sshrl.u32 s0, $0x6;
	s0 =	simm.s32 $0x0  }
.LBB2_26:
0x250: {  	s1 =	simm.s32 $0x104A0  }
0x251: {  	p1 =	sne.s32 s15, $0x1;
	v11 =	vld [tilespmem:s1+$0xFFFFFFE0]  }
.Ltmp18:
0x252: {  	s2 =	sshrl.u32 s10, s0;
	v7 =	vld [tilespmem:s1+$0xFFFFFFF0];
	(pc) =	sbr.rel @!p1 .LBB2_28-.Ltmp18, $4  }
0x253: {  	v4 =	vadd.s32 s2, v3;
	v8 =	vld [tilespmem:s1+$0x0]  }
0x254: {  	v9 =	vld [tilespmem:s1+$0x10];
	v6 =	vxor.u32 $0x7FFFFFFF, v4;
	vm0 =	vlt.s32 v4, $0x0  }
0x255: {  	v6 =	vsel vm0, v6, v4  }
0x256: {  	v10 =	vimm.s32 $0x0;
	s11 =	simm.s32 $0x104E0;
	s2 =	sadd.s32 $0xFFFFFFFF, s15;
	vm0 =	vge.f32 v11, v6  }
.LBB2_27:
0x257: {  	v11 =	vld [tilespmem:s11+$0xFFFFFFE0];
	p0 =	sne.s32 s2, $0x1;
	s2 =	sadd.s32 $0xFFFFFFFF, s2;
	v12 =	vmpcnt.ones.xlane vm0;
	vm0 =	vge.f32 v7, v6  }
.Ltmp19:
0x258: {  	v7 =	vld [tilespmem:s11+$0xFFFFFFF0];
	v13 =	vmpcnt.ones.xlane vm0;
	vm0 =	vge.f32 v8, v6;
	(pc) =	sbr.rel @p0 .LBB2_27-.Ltmp19, $4  }
0x259: {  	v8 =	vld [tilespmem:s11+$0x0];
	v10 =	vadd.s32 v10, v12;
	v12 =	vmpcnt.ones.xlane vm0;
	vm0 =	vge.f32 v9, v6  }
0x25a: {  	v9 =	vld [tilespmem:s11+$0x10];
	v10 =	vadd.s32 v13, v10;
	v13 =	vmpcnt.ones.xlane vm0  }
0x25b: {  	v10 =	vadd.s32 v12, v10  }
0x25c: {  	s11 =	sadd.s32 $0x40, s11;
	vm0 =	vge.f32 v11, v6;
	v10 =	vadd.s32 v13, v10  }
.LBB2_28:
0x25d: {  	v11 =	vmpcnt.ones.xlane vm0;
	vm12 =	vge.f32 v7, v6  }
0x25e: {  	s0 =	sadd.s32 $0x1, s0;
	v7 =	vmpcnt.ones.xlane vm12;
	vm13 =	vge.f32 v8, v6  }
0x25f: {  	p0 =	sne.s32 s0, $0x17;
	v62 =	vadd.s32 v10, v11;
	v63 =	vmpcnt.ones.xlane vm13;
	vm14 =	vge.f32 v9, v6  }
.Ltmp20:
0x260: {  	v6 =	vadd.s32 v7, v62;
	v7 =	vmpcnt.ones.xlane vm14;
	(pc) =	sbr.rel @p0 .LBB2_26-.Ltmp20, $4  }
0x261: {  	v6 =	vadd.s32 v63, v6  }
0x262: {  	vm15 =	vgt.s32 v4, v3;
	v6 =	vadd.s32 v7, v6  }
0x263: {  	v4 =	vsel vm15, v4, v3;
	vm1 =	vgt.s32 v6, $0x31  }
0x264: {  	v3 =	vsel vm1, v4, v3  }
.Ltmp21:
0x265: {  	(pc) =	sbr.rel @!p1 .LBB2_30-.Ltmp21, $3  }
0x266: {  	_ =	sdelay $0x1  }
0x267: {  	v6 =	vxor.u32 $0x7FFFFFFF, v3;
	vm0 =	vlt.s32 v3, $0x0;
	s0 =	simm.s32 $0x104A0  }
0x268: {  	v4 =	vimm.s32 $0x0;
	s2 =	sadd.s32 $0xFFFFFFFF, s15;
	p0 =	por $0x0, $0x0;
	v3 =	vsel vm0, v6, v3;
	v6 =	vimm.f32 $0.0e+00;
	v7 =	vld [tilespmem:s0+$0xFFFFFFE0]  }
0x269: {  	_ = 	snop  }
0x26a: {  	v9 =	vld [tilespmem:s0+$0xFFFFFFF0]  }
0x26b: {  	v11 =	vld [tilespmem:s0+$0x10];
	p1 =	sne.s32 s2, $0x1  }
.Ltmp22:
0x26c: {  	v8 =	vld [tilespmem:s0+$0x0];
	(pc) =	sbr.rel @!p1 .LBB2_32-.Ltmp22, $4  }
0x26d: {  	vm0 =	vgt.f32 v7, v3  }
0x26e: {  	v7 =	vnsel vm0, $0x0, v7  }
0x26f: {  	s0 =	simm.s32 $0x104E0;
	vm1 =	vgt.f32 v9, v3;
	v10 =	vmpcnt.ones.xlane vm0;
	v12 =	vadd.f32 v7, v6  }
0x270: {  	s2 =	sadd.s32 $0xFFFFFFFF, s2;
	p0 =	por $0x1, $0x1;
	vm0 =	vgt.f32 v11, v3;
	v7 =	vld [tilespmem:s0+$0xFFFFFFE0];
	v13 =	vnsel vm1, $0x0, v9;
	v9 =	vimm.s32 $0x0  }
.LBB2_33:
0x271: {  	p1 =	sne.s32 s2, $0x1;
	v12 =	vadd.f32 v13, v12;
	v13 =	vmpcnt.ones.xlane vm1;
	vm1 =	vgt.f32 v8, v3  }
0x272: {  	v9 =	vadd.s32 v9, v10;
	v14 =	vld [tilespmem:s0+$0xFFFFFFF0];
	v8 =	vnsel vm1, $0x0, v8;
	v10 =	vmpcnt.ones.xlane vm1  }
0x273: {  	v15 =	vld [tilespmem:s0+$0x10];
	v9 =	vadd.s32 v13, v9;
	v12 =	vadd.f32 v8, v12;
	v13 =	vmpcnt.ones.xlane vm0  }
.Ltmp23:
0x274: {  	v8 =	vld [tilespmem:s0+$0x0];
	v9 =	vadd.s32 v10, v9;
	v10 =	vnsel vm0, $0x0, v11;
	(pc) =	sbr.rel @p1 .LBB2_33-.Ltmp23, $4  }
0x275: {  	vm0 =	vgt.f32 v7, v3;
	v10 =	vadd.f32 v10, v12;
	v9 =	vadd.s32 v13, v9  }
0x276: {  	v7 =	vnsel vm0, $0x0, v7  }
0x277: {  	s0 =	sadd.s32 $0x40, s0;
	v12 =	vadd.f32 v7, v10;
	vm1 =	vgt.f32 v14, v3  }
0x278: {  	s2 =	sadd.s32 $0xFFFFFFFF, s2;
	v10 =	vmpcnt.ones.xlane vm0;
	v7 =	vld [tilespmem:s0+$0xFFFFFFE0];
	v13 =	vnsel vm1, $0x0, v14;
	vm0 =	vgt.f32 v15, v3;
	v11 =	vmovc v15  }
.Ltmp24:
0x279: {  	_ = 	snop;
	(pc) =	sbr.rel .LBB2_34-.Ltmp24, $1  }
0x27a: {  	_ =	sdelay $0x3  }
.LBB2_35:
0x27b: {  	v3 =	vsub.f32 $0.0e+00, v4;
	_ =	sdelay $0x1  }
0x27c: {  	v4 =	vxor.u32 $0x7FFFFFFF, v3;
	vm0 =	vlt.s32 v3, $0x0  }
0x27d: {  	s15 =	simm.s32 $0x0;
	v3 =	vsel vm0, v4, v3  }
.LBB2_36:
0x27e: {  	s0 =	simm.s32 $0x0  }
0x27f: {  	v7 =	vld [tilespmem:s0+$0x70]  }
0x280: {  	v8 =	vld [tilespmem:s0+$0x60]  }
0x281: {  	v9 =	vld [tilespmem:s0+$0x50]  }
0x282: {  	v10 =	vld [tilespmem:s0+$0x40]  }
0x283: {  	v11 =	vld [tilespmem:s0+$0x0]  }
0x284: {  	s1 =	sshrl.u32 s12, s15;
	v12 =	vld [tilespmem:s0+$0x10]  }
0x285: {  	v4 =	vadd.s32 s1, v3;
	v14 =	vld [tilespmem:s0+$0x20]  }
0x286: {  	v15 =	vld [tilespmem:s0+$0x30];
	v6 =	vxor.u32 $0x7FFFFFFF, v4;
	vm0 =	vlt.s32 v4, $0x0  }
0x287: {  	v16 =	vimm.s32 $0x0;
	v6 =	vsel vm0, v6, v4;
	v8 =	vxor.u32 $0x80000000, v8  }
0x288: {  	v7 =	vxor.u32 $0x80000000, v7;
	v11 =	vxor.u32 $0x80000000, v11;
	v13 =	vxor.u32 $0x80000000, v9  }
0x289: {  	s0 =	simm.s32 $0x80;
	v17 =	vxor.u32 $0x80000000, v10;
	vm0 =	vge.f32 v11, v6;
	v11 =	vxor.u32 $0x80000000, v12  }
0x28a: {  	v9 =	vld [tilespmem:s0+$0x70];
	v12 =	vxor.u32 $0x80000000, v14;
	v10 =	vmpcnt.ones.xlane vm0;
	vm0 =	vge.f32 v11, v6  }
0x28b: {  	v15 =	vxor.u32 $0x80000000, v15;
	v11 =	vld [tilespmem:s0+$0x60];
	v18 =	vmpcnt.ones.xlane vm0;
	vm0 =	vge.f32 v12, v6  }
0x28c: {  	v12 =	vld [tilespmem:s0+$0x50];
	v16 =	vadd.s32 v16, v10;
	v14 =	vmpcnt.ones.xlane vm0;
	vm0 =	vge.f32 v15, v6  }
0x28d: {  	s16 =	simm.s32 $0x400;
	v10 =	vld [tilespmem:s0+$0x40];
	v16 =	vadd.s32 v18, v16;
	v15 =	vmpcnt.ones.xlane vm0;
	vm0 =	vge.f32 v17, v6  }
.LBB2_37:
0x28e: {  	p0 =	sne.s32 s16, $0x30E00;
	v17 =	vld [tilespmem:s0+$0x0];
	v14 =	vadd.s32 v14, v16;
	v16 =	vmpcnt.ones.xlane vm0;
	vm0 =	vge.f32 v13, v6  }
0x28f: {  	v18 =	vld [tilespmem:s0+$0x10];
	v13 =	vadd.s32 v15, v14;
	v14 =	vmpcnt.ones.xlane vm0;
	vm0 =	vge.f32 v8, v6  }
0x290: {  	v15 =	vld [tilespmem:s0+$0x20];
	v8 =	vadd.s32 v16, v13;
	v13 =	vmpcnt.ones.xlane vm0;
	vm0 =	vge.f32 v7, v6  }
0x291: {  	v16 =	vld [tilespmem:s0+$0x30];
	v14 =	vadd.s32 v14, v8;
	v19 =	vmpcnt.ones.xlane vm0  }
0x292: {  	v7 =	vxor.u32 $0x80000000, v9;
	v8 =	vxor.u32 $0x80000000, v11;
	v9 =	vadd.s32 v13, v14  }
0x293: {  	v13 =	vxor.u32 $0x80000000, v12;
	v11 =	vxor.u32 $0x80000000, v17;
	v14 =	vadd.s32 v19, v9  }
.Ltmp25:
0x294: {  	s0 =	sshra.s32 s16, $0x2;
	v17 =	vxor.u32 $0x80000000, v10;
	vm0 =	vge.f32 v11, v6;
	v11 =	vxor.u32 $0x80000000, v18;
	(pc) =	sbr.rel @p0 .LBB2_37-.Ltmp25, $4  }
0x295: {  	v9 =	vld [tilespmem:s0+$0x70];
	v10 =	vmpcnt.ones.xlane vm0;
	vm0 =	vge.f32 v11, v6;
	v12 =	vxor.u32 $0x80000000, v15  }
0x296: {  	v11 =	vld [tilespmem:s0+$0x60];
	v15 =	vmpcnt.ones.xlane vm0;
	vm0 =	vge.f32 v12, v6;
	v16 =	vxor.u32 $0x80000000, v16  }
0x297: {  	v12 =	vld [tilespmem:s0+$0x50];
	v18 =	vadd.s32 v14, v10;
	v14 =	vmpcnt.ones.xlane vm0;
	vm0 =	vge.f32 v16, v6  }
0x298: {  	s16 =	sadd.s32 $0x200, s16;
	v10 =	vld [tilespmem:s0+$0x40];
	v16 =	vadd.s32 v15, v18;
	v15 =	vmpcnt.ones.xlane vm0;
	vm0 =	vge.f32 v17, v6  }
0x299: {  	v17 =	vld [tilespmem:s0+$0x0];
	v14 =	vadd.s32 v14, v16;
	v51 =	vmpcnt.ones.xlane vm0  }
0x29a: {  	vm4 =	vge.f32 v13, v6;
	v52 =	vld [tilespmem:s0+$0x10];
	vm5 =	vge.f32 v8, v6;
	vm6 =	vge.f32 v7, v6  }
0x29b: {  	v54 =	vld [tilespmem:s0+$0x20];
	v14 =	vadd.s32 v15, v14;
	v53 =	vmpcnt.ones.xlane vm4;
	v55 =	vmpcnt.ones.xlane vm5  }
0x29c: {  	v7 =	vld [tilespmem:s0+$0x30];
	v56 =	vmpcnt.ones.xlane vm6;
	v9 =	vxor.u32 $0x80000000, v9;
	v14 =	vadd.s32 v51, v14  }
0x29d: {  	v11 =	vxor.u32 $0x80000000, v11;
	v14 =	vadd.s32 v53, v14;
	v12 =	vxor.u32 $0x80000000, v12  }
0x29e: {  	v14 =	vadd.s32 v55, v14;
	v10 =	vxor.u32 $0x80000000, v10;
	v57 =	vxor.u32 $0x80000000, v17  }
0x29f: {  	v14 =	vadd.s32 v56, v14;
	v13 =	vxor.u32 $0x80000000, v52;
	vm7 =	vge.f32 v57, v6  }
0x2a0: {  	v8 =	vxor.u32 $0x80000000, v54;
	vm8 =	vge.f32 v13, v6;
	v58 =	vmpcnt.ones.xlane vm7  }
0x2a1: {  	v7 =	vxor.u32 $0x80000000, v7;
	vm9 =	vge.f32 v8, v6;
	v13 =	vmpcnt.ones.xlane vm8  }
0x2a2: {  	vm10 =	vge.f32 v7, v6;
	v60 =	vmpcnt.ones.xlane vm9;
	v59 =	vadd.s32 v14, v58  }
0x2a3: {  	vm11 =	vge.f32 v10, v6;
	v61 =	vmpcnt.ones.xlane vm10;
	v7 =	vadd.s32 v13, v59  }
0x2a4: {  	vm12 =	vge.f32 v12, v6;
	v10 =	vmpcnt.ones.xlane vm11;
	v7 =	vadd.s32 v60, v7  }
0x2a5: {  	s15 =	sadd.s32 $0x1, s15;
	vm13 =	vge.f32 v11, v6;
	v62 =	vmpcnt.ones.xlane vm12;
	v7 =	vadd.s32 v61, v7  }
0x2a6: {  	p0 =	sne.s32 s15, $0x20;
	vm14 =	vge.f32 v9, v6;
	v63 =	vmpcnt.ones.xlane vm13;
	v7 =	vadd.s32 v10, v7  }
.Ltmp26:
0x2a7: {  	v6 =	vadd.s32 v62, v7;
	v7 =	vmpcnt.ones.xlane vm14;
	(pc) =	sbr.rel @p0 .LBB2_36-.Ltmp26, $4  }
0x2a8: {  	v6 =	vadd.s32 v63, v6  }
0x2a9: {  	vm15 =	vgt.s32 v4, v3;
	v6 =	vadd.s32 v7, v6  }
0x2aa: {  	v4 =	vsel vm15, v4, v3;
	vm1 =	vgt.s32 v6, $0x31  }
0x2ab: {  	v3 =	vsel vm1, v4, v3  }
0x2ac: {  	s0 =	simm.s32 $0x0  }
0x2ad: {  	v4 =	vld [tilespmem:s0+$0x0]  }
0x2ae: {  	v7 =	vld [tilespmem:s0+$0x70]  }
0x2af: {  	v8 =	vld [tilespmem:s0+$0x10]  }
0x2b0: {  	v9 =	vld [tilespmem:s0+$0x60]  }
0x2b1: {  	v11 =	vld [tilespmem:s0+$0x50]  }
0x2b2: {  	v10 =	vld [tilespmem:s0+$0x20]  }
0x2b3: {  	v12 =	vxor.u32 $0x7FFFFFFF, v3;
	vm0 =	vlt.s32 v3, $0x0;
	v13 =	vld [tilespmem:s0+$0x40];
	v4 =	vsub.f32 $0.0e+00, v4  }
0x2b4: {  	v6 =	vimm.s32 $0x0;
	v3 =	vsel vm0, v12, v3;
	v12 =	vld [tilespmem:s0+$0x30]  }
0x2b5: {  	s15 =	simm.s32 $0x80;
	v14 =	vimm.f32 $0.0e+00;
	v15 =	vsub.f32 $0.0e+00, v8;
	vm2 =	vgt.f32 v4, v3  }
0x2b6: {  	v16 =	vld [tilespmem:s15+$0x0];
	v8 =	vsub.f32 $0.0e+00, v9;
	v17 =	vnsel vm2, $0x0, v4;
	v4 =	vsub.f32 $0.0e+00, v7  }
0x2b7: {  	vm5 =	vgt.f32 v15, v3;
	v7 =	vadd.f32 v17, v14;
	v14 =	vsub.f32 $0.0e+00, v10  }
0x2b8: {  	v9 =	vsub.f32 $0.0e+00, v11;
	v15 =	vnsel vm5, $0x0, v15;
	v10 =	vsub.f32 $0.0e+00, v13  }
0x2b9: {  	v13 =	vsub.f32 $0.0e+00, v12;
	v11 =	vadd.f32 v15, v7;
	vm3 =	vgt.f32 v14, v3  }
0x2ba: {  	vm1 =	vgt.f32 v8, v3;
	vm0 =	vgt.f32 v4, v3;
	v12 =	vnsel vm3, $0x0, v14  }
0x2bb: {  	v7 =	vsub.f32 $0.0e+00, v16;
	vm4 =	vgt.f32 v13, v3;
	v14 =	vadd.f32 v12, v11  }
0x2bc: {  	v13 =	vnsel vm4, $0x0, v13;
	v12 =	vmpcnt.ones.xlane vm2;
	vm2 =	vgt.f32 v9, v3  }
0x2bd: {  	s0 =	simm.s32 $0x400;
	v11 =	vmpcnt.ones.xlane vm5;
	vm5 =	vgt.f32 v10, v3;
	v13 =	vadd.f32 v13, v14  }
.LBB2_40:
0x2be: {  	p0 =	sne.s32 s0, $0x30E00;
	v14 =	vld [tilespmem:s15+$0x70];
	v6 =	vadd.s32 v6, v12;
	v12 =	vmpcnt.ones.xlane vm3;
	v10 =	vnsel vm5, $0x0, v10  }
0x2bf: {  	v15 =	vld [tilespmem:s15+$0x10];
	v6 =	vadd.s32 v11, v6;
	v11 =	vmpcnt.ones.xlane vm4;
	v10 =	vadd.f32 v10, v13  }
0x2c0: {  	v9 =	vnsel vm2, $0x0, v9;
	v13 =	vld [tilespmem:s15+$0x60];
	v6 =	vadd.s32 v12, v6;
	v12 =	vmpcnt.ones.xlane vm5  }
0x2c1: {  	v16 =	vld [tilespmem:s15+$0x50];
	v6 =	vadd.s32 v11, v6;
	v9 =	vadd.f32 v9, v10;
	v10 =	vmpcnt.ones.xlane vm2  }
0x2c2: {  	v8 =	vnsel vm1, $0x0, v8;
	v11 =	vld [tilespmem:s15+$0x20];
	v6 =	vadd.s32 v12, v6;
	v12 =	vmpcnt.ones.xlane vm1  }
0x2c3: {  	v17 =	vld [tilespmem:s15+$0x40];
	v6 =	vadd.s32 v10, v6;
	v8 =	vadd.f32 v8, v9;
	v9 =	vmpcnt.ones.xlane vm0  }
0x2c4: {  	v4 =	vnsel vm0, $0x0, v4;
	v10 =	vsub.f32 $0.0e+00, v15;
	v15 =	vld [tilespmem:s15+$0x30];
	s15 =	sshra.s32 s0, $0x2;
	v6 =	vadd.s32 v12, v6  }
0x2c5: {  	vm2 =	vgt.f32 v7, v3;
	v12 =	vld [tilespmem:s15+$0x0];
	v18 =	vadd.f32 v4, v8;
	v6 =	vadd.s32 v9, v6  }
0x2c6: {  	v7 =	vnsel vm2, $0x0, v7;
	v8 =	vsub.f32 $0.0e+00, v13;
	v4 =	vsub.f32 $0.0e+00, v14  }
0x2c7: {  	vm5 =	vgt.f32 v10, v3;
	v7 =	vadd.f32 v7, v18;
	v11 =	vsub.f32 $0.0e+00, v11  }
0x2c8: {  	v9 =	vsub.f32 $0.0e+00, v16;
	v13 =	vnsel vm5, $0x0, v10;
	v10 =	vsub.f32 $0.0e+00, v17  }
.Ltmp27:
0x2c9: {  	v13 =	vadd.f32 v13, v7;
	vm3 =	vgt.f32 v11, v3;
	v14 =	vsub.f32 $0.0e+00, v15;
	(pc) =	sbr.rel @p0 .LBB2_40-.Ltmp27, $4  }
0x2ca: {  	vm0 =	vgt.f32 v4, v3;
	v7 =	vsub.f32 $0.0e+00, v12;
	v11 =	vnsel vm3, $0x0, v11  }
0x2cb: {  	vm1 =	vgt.f32 v8, v3;
	v13 =	vadd.f32 v11, v13;
	vm4 =	vgt.f32 v14, v3  }
0x2cc: {  	v12 =	vmpcnt.ones.xlane vm2;
	vm2 =	vgt.f32 v9, v3;
	v14 =	vnsel vm4, $0x0, v14  }
0x2cd: {  	s0 =	sadd.s32 $0x200, s0;
	v11 =	vmpcnt.ones.xlane vm5;
	vm5 =	vgt.f32 v10, v3;
	v13 =	vadd.f32 v14, v13  }
0x2ce: {  	v10 =	vnsel vm5, $0x0, v10  }
0x2cf: {  	v10 =	vadd.f32 v10, v13  }
0x2d0: {  	v47 =	vld [tilespmem:s15+$0x10];
	v9 =	vnsel vm2, $0x0, v9  }
0x2d1: {  	v9 =	vadd.f32 v9, v10  }
0x2d2: {  	v48 =	vld [tilespmem:s15+$0x20];
	v8 =	vnsel vm1, $0x0, v8  }
0x2d3: {  	v8 =	vadd.f32 v8, v9  }
0x2d4: {  	v49 =	vld [tilespmem:s15+$0x30];
	v4 =	vnsel vm0, $0x0, v4  }
0x2d5: {  	vm6 =	vgt.f32 v7, v3;
	v13 =	vsub.f32 $0.0e+00, v47;
	v4 =	vadd.f32 v4, v8  }
0x2d6: {  	v50 =	vld [tilespmem:s15+$0x40];
	v7 =	vnsel vm6, $0x0, v7  }
0x2d7: {  	vm7 =	vgt.f32 v13, v3;
	v4 =	vadd.f32 v7, v4;
	v7 =	vsub.f32 $0.0e+00, v48  }
0x2d8: {  	v51 =	vld [tilespmem:s15+$0x50];
	v13 =	vnsel vm7, $0x0, v13  }
0x2d9: {  	v9 =	vsub.f32 $0.0e+00, v49;
	v4 =	vadd.f32 v13, v4;
	vm8 =	vgt.f32 v7, v3  }
0x2da: {  	v6 =	vadd.s32 v6, v12;
	v52 =	vld [tilespmem:s15+$0x60];
	v7 =	vnsel vm8, $0x0, v7  }
0x2db: {  	v8 =	vsub.f32 $0.0e+00, v50;
	vm9 =	vgt.f32 v9, v3;
	v4 =	vadd.f32 v7, v4  }
0x2dc: {  	v53 =	vmpcnt.ones.xlane vm3;
	v54 =	vmpcnt.ones.xlane vm4;
	v9 =	vnsel vm9, $0x0, v9;
	v7 =	vld [tilespmem:s15+$0x70]  }
0x2dd: {  	v10 =	vsub.f32 $0.0e+00, v51;
	vm12 =	vgt.f32 v8, v3;
	v4 =	vadd.f32 v9, v4  }
0x2de: {  	v56 =	vmpcnt.ones.xlane vm5;
	v6 =	vadd.s32 v11, v6;
	v8 =	vnsel vm12, $0x0, v8  }
0x2df: {  	v55 =	vsub.f32 $0.0e+00, v52;
	vm13 =	vgt.f32 v10, v3;
	v4 =	vadd.f32 v8, v4  }
0x2e0: {  	v58 =	vmpcnt.ones.xlane vm2;
	v6 =	vadd.s32 v53, v6;
	v57 =	vnsel vm13, $0x0, v10  }
0x2e1: {  	vm14 =	vgt.f32 v55, v3;
	v7 =	vsub.f32 $0.0e+00, v7;
	v4 =	vadd.f32 v57, v4  }
0x2e2: {  	v60 =	vmpcnt.ones.xlane vm1;
	v6 =	vadd.s32 v54, v6;
	v59 =	vnsel vm14, $0x0, v55  }
0x2e3: {  	v6 =	vadd.s32 v56, v6;
	vm15 =	vgt.f32 v7, v3;
	v4 =	vadd.f32 v59, v4  }
0x2e4: {  	v61 =	vmpcnt.ones.xlane vm0;
	v6 =	vadd.s32 v58, v6;
	v7 =	vnsel vm15, $0x0, v7  }
0x2e5: {  	v62 =	vmpcnt.ones.xlane vm6;
	v6 =	vadd.s32 v60, v6;
	v4 =	vadd.f32 v7, v4  }
0x2e6: {  	v6 =	vadd.s32 v61, v6;
	v7 =	vmpcnt.ones.xlane vm7  }
0x2e7: {  	v6 =	vadd.s32 v6, v62;
	v63 =	vmpcnt.ones.xlane vm8;
	(xrf2) =	vadd.scan.msk.f32 $0xffff, v4  }
0x2e8: {  	v4 =	vadd.s32 v7, v6;
	v6 =	vmpcnt.ones.xlane vm9  }
0x2e9: {  	v7 =	vmpcnt.ones.xlane vm12;
	v4 =	vadd.s32 v63, v4  }
0x2ea: {  	v4 =	vadd.s32 v6, v4;
	v6 =	vmpcnt.ones.xlane vm13  }
0x2eb: {  	v4 =	vadd.s32 v7, v4;
	v7 =	vmpcnt.ones.xlane vm14  }
0x2ec: {  	v4 =	vadd.s32 v6, v4;
	v6 =	vmpcnt.ones.xlane vm15  }
0x2ed: {  	v4 =	vadd.s32 v7, v4  }
0x2ee: {  	v4 =	vadd.s32 v6, v4  }
0x2ef: {  	v4 =	vsub.s32 $0x32, v4  }
.Ltmp28:
0x2f0: {  	v4 =	vcvt.s32.f32 v4;
	(pc) =	sbr.rel .LBB2_42-.Ltmp28, $3  }
0x2f1: {  	v6, _, _ =	vpop (xrf2)  }
0x2f2: {  	v3 =	vmul.f32 v4, v3;
	v6 =	vperm.xlane v6, v1;
	_ =	sdelay $0x1  }
0x2f3: {  	v3 =	vadd.f32 v6, v3  }
.LBB2_12:
.Ltmp29:
0x2f4: {  	(pc) =	sbr.rel .LBB2_16-.Ltmp29, $2  }
0x2f5: {  	_ =	sdelay $0x2  }
0x2f6: {  	v10 =	vimm.s32 $0x0  }
.LBB2_14:
.Ltmp30:
0x2f7: {  	(pc) =	sbr.rel .LBB2_16-.Ltmp30, $2  }
0x2f8: {  	_ =	sdelay $0x2  }
0x2f9: {  	v10 =	vimm.s32 $0x0  }
.LBB2_32:
.Ltmp31:
0x2fa: {  	(pc) =	sbr.rel .LBB2_34-.Ltmp31, $2  }
0x2fb: {  	_ =	sdelay $0x2  }
0x2fc: {  	v9 =	vimm.s32 $0x0  }
.LBB2_44:
0x2fd: {  	_ =	sfence.sel $0x180000  }
0x2fe: {  	[bflag:$0x0] =	sbarrier.arrive $0xFFFF  }
0x2ff: {  	_ =	strace $0x9000004D  }
0x300: {  	s0 =	stileid.u32;
	[bflag:$0x2] =	sbarrier.arrive $0xFFFF  }
0x301: {  	p0 =	sne.s32 s0, $0x0;
	s0 =	rddreg [dreg:$0x1]  }
0x302: {  	s0 =	sadd.s32 @!p0 $0x100000, s0  }
0x303: {  	[sflag:s0] =	ssyncadd.tile.s32 @!p0 $0x1;
	_ =	shalt  }
.Lfunc_end2:
_tile_overlayer_lowered:
.L_overlay_start_2:
0x304: {  	(tag) =	ssettag $0x2  }
0x305: {  	s0 =	rddreg [dreg:$0x0];
	s2 =	stileid.u32  }
0x306: {  	s1 =	rddreg [dreg:$0x1];
	p0 =	sne.s32 s2, $0x0  }
0x307: {  	s3 =	rddreg [dreg:$0x2];
	[bflag:$0x3] =	sbarrier.arrive $0xFFFF;
	s2 =	simm.s32 @!p0 $0x1C01  }
0x308: {  	[timem:s3], [sflag:s2] =	dma.local @!p0 [hbm:s0], s1  }
0x309: {  	s0 =	simm.s32 @!p0 $0x1  }
0x30a: {  	_ =	swait.ge @!p0 [sflag:s0], s1  }
0x30b: {  	s1 =	ssub.s32 @!p0 $0x0, s1;
	[sflag:s0] =	ssyncset.done @!p0 $0x0  }
0x30c: {  	[sflag:s0] =	ssyncadd.s32 @!p0 s1  }
0x30d: {  	[bflag:$0x3] =	sbarrier.arrive $0xFFFF  }
0x30e: {  	_ =	shalt  }

// kernel: sparse-core-data-format-call.1.cloned.1.call-start
scs
called_computation.1_lowered:
.L_overlay_start_0:
0x0: {  	s1 =	sld [smem:$0x3FD9]  }
0x1: {  	s2 =	sld [smem:$0x3FFE];
	_ =	sdelay $0x1  }
0x2: {  	s3 =	srdreg.scid  }
0x3: {  	s0 =	sand.u32 $0x1, s3  }
0x4: {  	s17 =	sshll.u32 s0, $0xA;
	s1 =	sadd.s32 s2, s1  }
0x5: {  	s1 =	sadd.s32 s1, s17  }
0x6: {  	[smem:$0x3FC7] =	sst s1  }
0x7: {  	_ = 	snop  }
0x8: {  	(tm) =	ssettm $0x1  }
0x9: {  	s18 =	sld [smem:$0x3FFB];
	_ =	sdelay $0x3  }
0xa: {  	_ =	strace s18  }
0xb: {  	s1 =	sld [smem:$0x3FFC];
	_ =	sdelay $0x3  }
0xc: {  	_ =	strace s1  }
0xd: {  	s1 =	sld [smem:$0x3FFD];
	_ =	sdelay $0x3  }
0xe: {  	_ =	strace s1  }
0xf: {  	_ =	strace $0x8FFFFFFF  }
0x10: {  	s19 =	sld [smem:$0x3FDB];
	_ =	sdelay $0x1  }
0x11: {  	s20 =	simm.s32 $_scs_section_size  }
0x12: {  	s4 =	simm.s32 $_size__tile_overlayer_lowered;
	s5 =	simm.s32 $_tile_overlayer_lowered  }
0x13: {  	s23 =	simm.s32 $0x1BFF;
	s22 =	sshll.u32 s5, $0x1;
	s1 =	sadd.s32 s20, s19  }
0x14: {  	s6 =	simm.s32 $0x0;
	s21 =	sshll.u32 s4, $0x1;
	s4 =	sadd.s32 s22, s1  }
0x15: {  	[timem:s6], [sflag:s23] =	dma.local [hbm:s4], s21  }
0x16: {  	_ =	swait.ge [sflag:s23], s21  }
0x17: {  	s2 =	ssub.s32 $0x0, s21;
	[sflag:s23] =	ssyncset.done $0x0  }
0x18: {  	[sflag:s23] =	ssyncadd.s32 s2;
	_ =	sdelay $0x1  }
0x19: {  	s24 =	simm.s32 $0x1B8B  }
0x1a: {  	_ =	swait.ge [sflag:s24], $0x1  }
0x1b: {  	[sflag:s24] =	ssyncset.done $0x0  }
0x1c: {  	s26 =	simm.s32 $0x1B8E;
	s25 =	sld [smem:$0x3FFE];
	[sflag:s24] =	ssyncadd.s32 $0xFFFFFFFF  }
0x1d: {  	s27 =	simm.s32 $execute0_lowered;
	[smem:$0x3FD2] =	sst s26  }
0x1e: {  	s4 =	sshll.u32 s27, $0x1;
	_ =	strace $0x80000046;
	[dreg:$0x1] =	wrdreg $0xFFFFFFFF  }
0x1f: {  	s28 =	simm.s32 $_size_execute0_lowered;
	s1 =	sadd.s32 s1, s4;
	[dreg:$0x0] =	wrdreg $0x0  }
0x20: {  	s4 =	sshll.u32 s28, $0x1;
	[dreg:$0x2] =	wrdreg s1  }
0x21: {  	[dreg:$0x3] =	wrdreg s4  }
0x22: {  	[dreg:$0x4] =	wrdreg $0xC0  }
0x23: {  	_ =	task [dreg:s6], $0x5FFFF  }
0x24: {  	[dreg:$0x1] =	wrdreg $0xFFFFFFFF  }
0x25: {  	[dreg:$0x0] =	wrdreg $0x60  }
0x26: {  	[dreg:$0x2] =	wrdreg s25  }
0x27: {  	[dreg:$0x3] =	wrdreg $0xA  }
0x28: {  	_ =	task.clear_ibuf [dreg:s6], $0x4FFFF;
	_ =	strace $0x90000046  }
0x29: {  	s29 =	simm.s32 $0xA;
	_ =	strace $0x80000048  }
0x2a: {  	_ =	swait.ge [sflag:s29], $0x1  }
0x2b: {  	[sflag:s29] =	ssyncadd.s32 $0xFFFFFFFF  }
0x2c: {  	_ =	strace $0x90000048  }
0x2d: {  	_ =	sfence  }
0x2e: {  	s30 =	sld [smem:$0x0];
	_ =	sdelay $0x2  }
0x2f: {  	s31 =	sshll.u32 s3, $0xD;
	s3 =	sshrl.u32 s3, $0x2  }
0x30: {  	s2 =	sand.u32 $0x4000, s31;
	s1 =	sadd.s32 s3, s30  }
0x31: {  	s0 =	sor.u32 s2, s0;
	s1 =	sshll.u32 s1, $0x11  }
0x32: {  	s0 =	sor.u32 s1, s0  }
0x33: {  	s0 =	sadd.s32 $0x8F2B, s0  }
0x34: {  	[sflag:s0] =	ssyncadd.remote.s32 $0x1  }
0x35: {  	_ =	sfence.sel $0xFFFF  }
0x36: {  	[dreg:$0x0] =	wrdreg $0xFFFFFFFF;
	(pc) =	sbr.abs _section_cstart, $3  }
0x37: {  	[dreg:$0x1] =	wrdreg $0xFFFFFFFF  }
0x38: {  	_ =	task.clear_ibuf [dreg:s6], $0x2FFFF;
	_ =	strace $0x9FFFFFFF  }
0x39: {  	(tm) =	ssettm $0x7FFFFFFF  }
tec
execute0_lowered:
.L_overlay_start_1:
0x0: {  	(tag) =	ssettag $0x1  }
0x1: {  	s0 =	srdreg.scid  }
0x2: {  	s7 =	stileid.u32;
	s1 =	rddreg [dreg:$0x0]  }
0x3: {  	s5 =	simm.s32 $0x1;
	_ =	strace $0x80000047;
	s0 =	sshll.u32 s0, $0x4  }
0x4: {  	s4 =	simm.s32 $0x1;
	s8 =	simm.s32 $0x2;
	s0 =	sor.u32 s7, s0  }
0x5: {  	s20 =	simm.s32 $0x0;
	s11 =	simm.s32 $0x0;
	s2 =	sand.u32 $0x18, s0  }
0x6: {  	s19 =	simm.s32 $0x0;
	s21 =	simm.s32 $0x0;
	s0 =	ssub.s32 $0xE0, s2  }
0x7: {  	s12 =	simm.s32 $0x0;
	s13 =	simm.s32 $0x0;
	s3 =	sand.u32 $0x18, s0  }
0x8: {  	s14 =	simm.s32 $0x0;
	s15 =	simm.s32 $0x0;
	p0 =	sne.s32 s3, $0x0  }
.Ltmp0:
0x9: {  	s0 =	sshrl.u32 s0, $0x5;
	s5 =	simm.s32 @!p0 $0x0;
	(pc) =	sbr.rel .LBB1_1-.Ltmp0, $4  }
0xa: {  	s18 =	simm.s32 $0x0;
	s27 =	simm.s32 $0x0;
	s0 =	sadd.s32 s5, s0  }
0xb: {  	[sflag:s4] =	ssyncpa.u1 $0x0;
	s7 =	sand.u32 $0x7, s7;
	s5 =	smul.u32 $0x6, s0  }
0xc: {  	s6 =	sadd.s32 $0x2A0200, s1;
	[sflag:s8] =	ssyncpa.u1 $0x0;
	s17 =	smov.u32 s7  }
0xd: {  	s16 =	smov.u32 s2;
	s3 =	sadd.s32 $0x200, s1;
	s8 =	sor.u32 $0x1, s5  }
.LBB1_7:
0xe: {  	p0 =	slt.u32 s18, $0x2;
	s0 =	smov.u32 s21  }
0xf: {  	s9 =	smov.u32 s20;
	s10 =	smov.u32 s19;
	p1 =	sgt.s32 @!p0 s21, $0x7  }
0x10: {  	s1 =	sshra.s32 @!p0 s21, $0x1F;
	p2 =	sgt.s32 @!p0 s19, $0xD8;
	p1 =	por !p1, p0  }
0x11: {  	s1 =	sand.u32 @!p0 s1, s21;
	p2 =	por !p2, p0;
	s0 =	simm.s32 @p1 $0x7  }
0x12: {  	p1 =	sgt.s32 @!p0 s20, $0x24;
	s0 =	ssub.s32 @!p0 s0, s1;
	s1 =	sshra.s32 @!p0 s20, $0x1F  }
0x13: {  	p1 =	por !p1, p0;
	s1 =	sand.u32 @!p0 s1, s20;
	s20 =	sshra.s32 @!p0 s19, $0x1F  }
0x14: {  	s10 =	simm.s32 @p2 $0xD8;
	s9 =	simm.s32 @p1 $0x24;
	s19 =	sand.u32 @!p0 s20, s19  }
0x15: {  	s0 =	sadd.s32 @!p0 $0xFFFFFFF9, s0;
	s1 =	ssub.s32 @!p0 s9, s1;
	s9 =	ssub.s32 @!p0 s10, s19  }
0x16: {  	p1 =	sgt.s32 @!p0 s0, $0x0;
	s0 =	sshll.u32 @!p0 s0, $0x8;
	s19 =	sadd.s32 @!p0 $0xFFFFFF28, s9  }
0x17: {  	s10 =	sadd.s32 @!p0 $0xFFFFFFDC, s1;
	s0 =	ssub.s32 @!p0 $0x100, s0;
	p2 =	sgt.s32 @!p0 s19, $0x7  }
0x18: {  	p1 =	por !p1, p0;
	s9 =	ssub.s32 @!p0 $0xE0, s9;
	p2 =	por !p2, p0  }
0x19: {  	s0 =	simm.s32 @!p1 $0x0;
	s9 =	simm.s32 @!p2 $0x0;
	p2 =	sgt.s32 @!p0 s10, $0x7  }
0x1a: {  	s1 =	ssub.s32 @!p0 $0x2C, s1;
	p1 =	por !p2, p0;
	s0 =	smul.u32 @!p0 s9, s0  }
0x1b: {  	s1 =	simm.s32 @!p1 $0x0  }
0x1c: {  	s0 =	smul.u32 @!p0 s1, s0;
	s1 =	sadd.s32 $0x8, s15  }
0x1d: {  	s10 =	smov.u32 s16;
	s9 =	sadd.s32 $0x20, s16;
	p1 =	sgt.s32 s1, $0x2B  }
0x1e: {  	s10 =	smov.u32 @p1 s9  }
0x1f: {  	s23 =	smov.u32 s17;
	s9 =	sadd.s32 $0x8, s17;
	p2 =	sgt.s32 s10, $0xDF  }
0x20: {  	s11 =	sadd.s32 $0x4000, s11;
	s22 =	simm.s32 @!p0 $0x2;
	s23 =	smov.u32 @p2 s9  }
0x21: {  	s21 =	smov.u32 s14;
	s1 =	simm.s32 @p1 $0x0;
	p1 =	sgt.s32 s23, $0x7  }
0x22: {  	s14 =	smov.u32 s17;
	s23 =	smov.u32 @p1 s7;
	p1 =	sne.s32 s18, s8  }
.Ltmp1:
0x23: {  	s20 =	smov.u32 s12;
	s0 =	sand.u32 @!p0 $0x3FFFFF00, s0;
	(pc) =	sbr.rel @!p1 .LBB1_8-.Ltmp1, $4  }
0x24: {  	s12 =	smov.u32 s15;
	s19 =	smov.u32 s13;
	_ =	swait.ge @!p0 [sflag:s22], s0  }
0x25: {  	s13 =	smov.u32 s16;
	s0 =	ssub.s32 @!p0 $0x0, s0;
	[sflag:s22] =	ssyncset.done @!p0 $0x0  }
0x26: {  	s15 =	smov.u32 s1;
	s10 =	smov.u32 @p2 s2;
	[sflag:s22] =	ssyncadd.s32 @!p0 s0  }
0x27: {  	s16 =	smov.u32 s10;
	s18 =	sadd.s32 $0x1, s18;
	s17 =	smov.u32 s23  }
.LBB1_1:
0x28: {  	p0 =	sge.u32 s18, s5  }
0x29: {  	s0 =	sshll.u32 @!p0 s15, $0x8;
	s1 =	sshll.u32 @!p0 s15, $0x7  }
0x2a: {  	s0 =	sand.u32 @!p0 $0xFFFFF800, s0;
	s1 =	sand.u32 @!p0 $0x300, s1  }
0x2b: {  	s0 =	sor.u32 @!p0 s1, s0  }
0x2c: {  	s0 =	sshrl.u32 @!p0 s0, $0x8  }
0x2d: {  	s1 =	smulhi.u32 @!p0 $0x5555556, s0  }
0x2e: {  	s9 =	smul.u32 @!p0 $0x54000, s17  }
0x2f: {  	s1 =	smul.u32 @!p0 $0x30, s1  }
0x30: {  	s31 =	sadd.s32 $0xFFFFFFFF, s18;
	s10 =	sxor.u32 @!p0 $0xFFFFFFFF, s18;
	s22 =	smul.u32 @!p0 $0x600, s16  }
0x31: {  	s9 =	sadd.s32 @!p0 s3, s9;
	s0 =	ssub.s32 @!p0 s0, s1;
	s1 =	sshll.u32 @!p0 s15, $0x4  }
0x32: {  	s10 =	sshll.u32 @!p0 s10, $0xE;
	s9 =	sadd.s32 @!p0 s22, s9;
	s1 =	sand.u32 @!p0 $0x10, s1  }
0x33: {  	s10 =	sand.u32 @!p0 $0x4000, s10;
	s0 =	sshll.u32 @!p0 s0, $0x5;
	s1 =	sadd.s32 @!p0 s1, s9  }
0x34: {  	s9 =	simm.s32 @!p0 $0x3000;
	s0 =	sadd.s32 @!p0 s0, s1;
	s1 =	simm.s32 @!p0 $0x800  }
0x35: {  	[tilespmem:s10], [sflag:$0x1] =	stream.strided.gather @!p0 [hbm4b:s0+s1], $0x4000, s9, s1, $0x38;
	[tilespmem:$0x10000] =	vst v63  }
0x36: {  	p0 =	sge.u32 s31, s5  }
.Ltmp2:
0x37: {  	_ = 	snop;
	(pc) =	sbr.rel @p0 .LBB1_7-.Ltmp2, $1  }
0x38: {  	_ =	sdelay $0x3  }
0x39: {  	s0 =	sshll.u32 s11, $0x2;
	_ =	swait.ge [sflag:s4], $0x4000;
	s9 =	sshll.u32 s18, $0xE  }
0x3a: {  	p0 =	por $0x0, $0x0;
	s28 =	simm.s32 $0x0;
	s29 =	simm.s32 $0x0  }
0x3b: {  	s0 =	sand.u32 $0x10000, s0;
	[sflag:s4] =	ssyncset.done $0x0;
	s25 =	sand.u32 $0x4000, s9  }
0x3c: {  	s0 =	sshrl.u32 s0, $0x2;
	[sflag:s4] =	ssyncadd.s32 $0xFFFFC000;
	s22 =	sor.u32 $0x8000, s25  }
0x3d: {  	s23 =	sor.u32 $0x40, s0;
	s1 =	sor.u32 $0x8410, s0;
	s26 =	sadd.s32 $0x8400, s0  }
.LBB1_3:
0x3e: {  	v1 =	vld [tilespmem:s23+$0xFFFFFFD0]  }
0x3f: {  	v2 =	vld [tilespmem:s23+$0x430]  }
0x40: {  	s0 =	sshll.u32 s29, $0xB;
	v4 =	vld [tilespmem:s23+$0xFFFFFFE0]  }
0x41: {  	v7 =	vld [tilespmem:s23+$0xFFFFFFF0];
	v0 =	vmov s0  }
0x42: {  	v8 =	vld [tilespmem:s23+$0x0]  }
0x43: {  	s10 =	sand.u32 $0x300, s27;
	v9 =	vld [tilespmem:s23+$0x10]  }
0x44: {  	s9 =	sand.u32 $0x80, s27;
	v10 =	vld [tilespmem:s23+$0x20];
	s0 =	sadd.s32 s10, s25  }
0x45: {  	v11 =	vld [tilespmem:s23+$0x30];
	s0 =	sadd.s32 s9, s0;
	s9 =	simm.s32 $0x1;
	[tilespmem:s1+$0x60] =	vst v2  }
0x46: {  	s24 =	sshll.u32 s28, $0x2;
	s9 =	simm.s32 @!p0 $0x0;
	[tilespmem:s1+$0xFFFFFC00] =	vst v1;
	v3 =	vld.idx.msk [tilespmem:v0+s0+$0x400 ss:$0x1], $0xffff  }
0x47: {  	v6 =	vld [tilespmem:s23+$0x3D0];
	s9 =	sshll.u32 s9, $0x9;
	[tilespmem:s1+$0xFFFFFC10] =	vst v4;
	s0 =	sand.u32 $0xFFFFFC00, s24  }
0x48: {  	v5 =	vld [tilespmem:s23+$0x3E0];
	[tilespmem:s1+$0xFFFFFC20] =	vst v7;
	s0 =	sor.u32 s9, s0  }
0x49: {  	[tilespmem:s1+$0xFFFFFC30] =	vst v8;
	v4 =	vld [tilespmem:s23+$0x400];
	s0 =	sshrl.u32 s0, $0x2  }
0x4a: {  	[tilespmem:s1+$0xFFFFFC40] =	vst v9;
	v1 =	vld [tilespmem:s23+$0x410];
	s30 =	sadd.s32 s0, s26  }
0x4b: {  	[tilespmem:s30+$0x0] =	vst v3;
	v3 =	vld [tilespmem:s23+$0x3F0]  }
0x4c: {  	s31 =	sadd.s32 $0x80, s23;
	[tilespmem:s1+$0xFFFFFC50] =	vst v10;
	v2 =	vld [tilespmem:s23+$0x420];
	s9 =	simm.s32 $0x80  }
0x4d: {  	v7 =	vld [tilespmem:s23+$0xFFFFFFC0];
	[tilespmem:s1+$0xFFFFFC60] =	vst v11;
	s24 =	smov.u32 s1;
	s10 =	sand.u32 $0x300, s9;
	s0 =	simm.s32 $0x100  }
.LBB1_4:
0x4e: {  	p1 =	sne.s32 s0, $0x380;
	v8 =	vld [tilespmem:s31+$0xFFFFFFD0];
	s9 =	sand.u32 $0x80, s9;
	s10 =	sadd.s32 s10, s25;
	[tilespmem:s24+$0x0] =	vst v6  }
0x4f: {  	s10 =	sadd.s32 s9, s10;
	v6 =	vld [tilespmem:s31+$0x430];
	[tilespmem:s24+$0x10] =	vst v5;
	s9 =	smov.u32 s0  }
0x50: {  	v5 =	vld.idx.msk [tilespmem:v0+s10+$0x400 ss:$0x1], $0xffff;
	[tilespmem:s24+$0x20] =	vst v3  }
0x51: {  	v3 =	vld [tilespmem:s31+$0xFFFFFFE0];
	[tilespmem:s24+$0x30] =	vst v4  }
0x52: {  	v4 =	vld [tilespmem:s31+$0xFFFFFFF0];
	[tilespmem:s24+$0xFFFFFBF0] =	vst v7  }
0x53: {  	v7 =	vld [tilespmem:s31+$0x0];
	[tilespmem:s24+$0x40] =	vst v1  }
0x54: {  	v1 =	vld [tilespmem:s31+$0x10];
	[tilespmem:s24+$0x50] =	vst v2;
	s24 =	sadd.s32 $0x800, s24  }
0x55: {  	s30 =	sadd.s32 $0x800, s30;
	v2 =	vld [tilespmem:s31+$0x20];
	[tilespmem:s24+$0x60] =	vst v6  }
0x56: {  	v9 =	vld [tilespmem:s31+$0x30];
	[tilespmem:s30+$0x0] =	vst v5  }
0x57: {  	[tilespmem:s24+$0xFFFFFC00] =	vst v8;
	v6 =	vld [tilespmem:s31+$0x3D0]  }
0x58: {  	[tilespmem:s24+$0xFFFFFC10] =	vst v3;
	v5 =	vld [tilespmem:s31+$0x3E0]  }
.Ltmp3:
0x59: {  	[tilespmem:s24+$0xFFFFFC20] =	vst v4;
	v3 =	vld [tilespmem:s31+$0x3F0];
	(pc) =	sbr.rel @p1 .LBB1_4-.Ltmp3, $4  }
0x5a: {  	[tilespmem:s24+$0xFFFFFC30] =	vst v7;
	v4 =	vld [tilespmem:s31+$0x400]  }
0x5b: {  	[tilespmem:s24+$0xFFFFFC40] =	vst v1;
	v1 =	vld [tilespmem:s31+$0x410]  }
0x5c: {  	[tilespmem:s24+$0xFFFFFC50] =	vst v2;
	v2 =	vld [tilespmem:s31+$0x420]  }
0x5d: {  	s0 =	sadd.s32 $0x80, s0;
	s10 =	sand.u32 $0x300, s9;
	v7 =	vld [tilespmem:s31+$0xFFFFFFC0];
	[tilespmem:s24+$0xFFFFFC60] =	vst v9;
	s31 =	sadd.s32 $0x80, s31  }
0x5e: {  	[tilespmem:s24+$0x0] =	vst v6  }
0x5f: {  	[tilespmem:s24+$0x10] =	vst v5  }
0x60: {  	v49 =	vld [tilespmem:s31+$0x430];
	[tilespmem:s24+$0x20] =	vst v3  }
0x61: {  	v50 =	vld [tilespmem:s31+$0xFFFFFFD0];
	[tilespmem:s24+$0x30] =	vst v4  }
0x62: {  	v51 =	vld [tilespmem:s31+$0xFFFFFFE0];
	[tilespmem:s24+$0x40] =	vst v1  }
0x63: {  	v52 =	vld [tilespmem:s31+$0xFFFFFFF0];
	[tilespmem:s24+$0x50] =	vst v2  }
0x64: {  	v53 =	vld [tilespmem:s31+$0x0];
	[tilespmem:s24+$0xFFFFFBF0] =	vst v7;
	s24 =	sadd.s32 $0x800, s24  }
0x65: {  	v54 =	vld [tilespmem:s31+$0x10];
	[tilespmem:s24+$0x60] =	vst v49  }
0x66: {  	v55 =	vld [tilespmem:s31+$0x20];
	[tilespmem:s24+$0xFFFFFC00] =	vst v50  }
0x67: {  	v56 =	vld [tilespmem:s31+$0x30];
	[tilespmem:s24+$0xFFFFFC10] =	vst v51  }
0x68: {  	v57 =	vld [tilespmem:s31+$0x3D0];
	[tilespmem:s24+$0xFFFFFC20] =	vst v52  }
0x69: {  	v58 =	vld [tilespmem:s31+$0x3E0];
	[tilespmem:s24+$0xFFFFFC30] =	vst v53  }
0x6a: {  	v59 =	vld [tilespmem:s31+$0x3F0];
	[tilespmem:s24+$0xFFFFFC40] =	vst v54  }
0x6b: {  	v60 =	vld [tilespmem:s31+$0x400];
	[tilespmem:s24+$0xFFFFFC50] =	vst v55  }
0x6c: {  	v61 =	vld [tilespmem:s31+$0xFFFFFFC0];
	[tilespmem:s24+$0xFFFFFC60] =	vst v56  }
0x6d: {  	s0 =	sand.u32 $0x80, s9;
	s10 =	sadd.s32 s10, s25;
	v62 =	vld [tilespmem:s31+$0x410];
	[tilespmem:s24+$0x0] =	vst v57  }
0x6e: {  	v63 =	vld [tilespmem:s31+$0x420];
	s29 =	sadd.s32 $0x1, s29;
	s0 =	sadd.s32 s0, s10;
	[tilespmem:s24+$0x10] =	vst v58  }
0x6f: {  	p1 =	sne.s32 s29, $0x8;
	v0 =	vld.idx.msk [tilespmem:v0+s0+$0x400 ss:$0x1], $0xffff;
	[tilespmem:s24+$0x20] =	vst v59  }
.Ltmp4:
0x70: {  	[tilespmem:s24+$0x30] =	vst v60;
	(pc) =	sbr.rel @p1 .LBB1_3-.Ltmp4, $4  }
0x71: {  	[tilespmem:s24+$0xFFFFFBF0] =	vst v61  }
0x72: {  	[tilespmem:s24+$0x40] =	vst v62  }
0x73: {  	s30 =	sadd.s32 $0x800, s30;
	s23 =	sadd.s32 $0x800, s23;
	[tilespmem:s24+$0x50] =	vst v63  }
0x74: {  	s28 =	sadd.s32 $0x80, s28;
	p0 =	por !p0, !p0;
	s1 =	sadd.s32 $0x80, s1;
	[tilespmem:s30+$0x0] =	vst v0  }
0x75: {  	s0 =	sshll.u32 s13, $0x8  }
0x76: {  	s1 =	sshll.u32 s13, $0x7;
	p0 =	sgt.s32 s14, $0x7;
	s10 =	sshra.s32 s14, $0x1F  }
0x77: {  	s23 =	smov.u32 s13;
	s24 =	sshra.s32 s13, $0x1F;
	s25 =	smul.u32 $0x4D000, s14  }
0x78: {  	p1 =	sgt.s32 s12, $0x24;
	s31 =	sshra.s32 s12, $0x1F;
	s26 =	smul.u32 $0x1C00, s12  }
0x79: {  	s28 =	sshll.u32 s13, $0x4;
	s0 =	sand.u32 $0xFFFFF800, s0;
	s1 =	sand.u32 $0x300, s1  }
0x7a: {  	s10 =	sand.u32 s10, s14;
	s0 =	sor.u32 s1, s0;
	s1 =	smov.u32 s14  }
0x7b: {  	s29 =	sand.u32 s24, s13;
	s0 =	sshrl.u32 s0, $0x8;
	s1 =	simm.s32 @!p0 $0x7  }
0x7c: {  	p0 =	sgt.s32 s13, $0xD8;
	s9 =	smulhi.u32 $0x124924A, s0;
	s1 =	ssub.s32 s1, s10  }
0x7d: {  	s24 =	sand.u32 s31, s12;
	s23 =	simm.s32 @!p0 $0xD8;
	s1 =	sadd.s32 $0xFFFFFFF9, s1  }
0x7e: {  	s10 =	ssub.s32 s23, s29;
	s23 =	smov.u32 s12;
	s9 =	smul.u32 $0xE0, s9  }
0x7f: {  	p0 =	sgt.s32 s1, $0x0;
	s30 =	sadd.s32 $0xFFFFFF28, s10;
	s23 =	simm.s32 @!p1 $0x24  }
0x80: {  	s1 =	sshll.u32 s1, $0x8;
	s10 =	ssub.s32 $0xE0, s10;
	p1 =	sgt.s32 s30, $0x7  }
0x81: {  	s1 =	ssub.s32 $0x100, s1;
	s23 =	ssub.s32 s23, s24;
	s10 =	simm.s32 @p1 $0x0  }
0x82: {  	s1 =	simm.s32 @p0 $0x0;
	s0 =	ssub.s32 s0, s9;
	s24 =	sadd.s32 $0xFFFFFFDC, s23  }
0x83: {  	s9 =	ssub.s32 $0x2C, s23;
	s1 =	smul.u32 s10, s1;
	p0 =	sgt.s32 s24, $0x7  }
.Ltmp5:
0x84: {  	s10 =	sadd.s32 s6, s25;
	s9 =	simm.s32 @p0 $0x0;
	(pc) =	sbr.rel .LBB1_7-.Ltmp5, $4  }
0x85: {  	s29 =	sand.u32 $0x10, s28;
	s10 =	sadd.s32 s26, s10;
	s1 =	smul.u32 s9, s1  }
0x86: {  	s31 =	simm.s32 $0xE000;
	s0 =	sshll.u32 s0, $0x5;
	s9 =	sadd.s32 s29, s10  }
0x87: {  	s30 =	simm.s32 $0x800;
	s0 =	sadd.s32 s0, s9;
	s1 =	sand.u32 $0x3FFFFF00, s1  }
0x88: {  	[hbm4b:s0+s30] =	stream.strided.scatter [tilespmem:s22], [sflag:$0x2], s1, s31, s30, $0x38;
	[tilespmem:$0x10000] =	vst v63  }
.LBB1_8:
0x89: {  	_ =	sfence.sel $0x180000  }
0x8a: {  	s0 =	simm.s32 $0x1;
	[bflag:$0x0] =	sbarrier.arrive $0xFFFF  }
0x8b: {  	s30 =	simm.s32 $0x2;
	[sflag:s0] =	ssyncpa.u1 $0x1  }
0x8c: {  	[sflag:s30] =	ssyncpa.u1 $0x1  }
0x8d: {  	_ =	strace $0x90000047  }
0x8e: {  	s31 =	stileid.u32;
	[bflag:$0x2] =	sbarrier.arrive $0xFFFF  }
0x8f: {  	p0 =	sne.s32 s31, $0x0;
	s0 =	rddreg [dreg:$0x1]  }
0x90: {  	s0 =	sadd.s32 @!p0 $0x100000, s0  }
0x91: {  	[sflag:s0] =	ssyncadd.tile.s32 @!p0 $0x1;
	_ =	shalt  }
.Lfunc_end1:
_tile_overlayer_lowered:
.L_overlay_start_2:
0x92: {  	(tag) =	ssettag $0x2  }
0x93: {  	s0 =	rddreg [dreg:$0x0];
	s2 =	stileid.u32  }
0x94: {  	s1 =	rddreg [dreg:$0x1];
	p0 =	sne.s32 s2, $0x0  }
0x95: {  	s3 =	rddreg [dreg:$0x2];
	[bflag:$0x3] =	sbarrier.arrive $0xFFFF;
	s2 =	simm.s32 @!p0 $0x1C01  }
0x96: {  	[timem:s3], [sflag:s2] =	dma.local @!p0 [hbm:s0], s1  }
0x97: {  	s0 =	simm.s32 @!p0 $0x1  }
0x98: {  	_ =	swait.ge @!p0 [sflag:s0], s1  }
0x99: {  	s1 =	ssub.s32 @!p0 $0x0, s1;
	[sflag:s0] =	ssyncset.done @!p0 $0x0  }
0x9a: {  	[sflag:s0] =	ssyncadd.s32 @!p0 s1  }
0x9b: {  	[bflag:$0x3] =	sbarrier.arrive $0xFFFF  }
0x9c: {  	_ =	shalt  }

// kernel: sparse-core-data-format-call.cloned.1.call-start
scs
called_computation_lowered:
.L_overlay_start_0:
0x0: {  	s2 =	sld [smem:$0x3FD9]  }
0x1: {  	s3 =	sld [smem:$0x3FFE];
	_ =	sdelay $0x1  }
0x2: {  	s1 =	srdreg.scid  }
0x3: {  	s0 =	sand.u32 $0x1, s1  }
0x4: {  	s18 =	sshll.u32 s0, $0xA;
	s2 =	sadd.s32 s3, s2  }
0x5: {  	s2 =	sadd.s32 s2, s18  }
0x6: {  	[smem:$0x3FC7] =	sst s2  }
0x7: {  	_ = 	snop  }
0x8: {  	(tm) =	ssettm $0x1  }
0x9: {  	s19 =	sld [smem:$0x3FFB];
	_ =	sdelay $0x3  }
0xa: {  	_ =	strace s19  }
0xb: {  	s2 =	sld [smem:$0x3FFC];
	_ =	sdelay $0x3  }
0xc: {  	_ =	strace s2  }
0xd: {  	s2 =	sld [smem:$0x3FFD];
	_ =	sdelay $0x3  }
0xe: {  	_ =	strace s2  }
0xf: {  	_ =	strace $0x8FFFFFFF  }
0x10: {  	s20 =	sld [smem:$0x3FDB];
	_ =	sdelay $0x1  }
0x11: {  	s21 =	simm.s32 $_scs_section_size  }
0x12: {  	s4 =	simm.s32 $_size__tile_overlayer_lowered;
	s5 =	simm.s32 $_tile_overlayer_lowered  }
0x13: {  	s6 =	simm.s32 $0x1BFF;
	s22 =	sshll.u32 s5, $0x1;
	s3 =	sadd.s32 s21, s20  }
0x14: {  	s23 =	simm.s32 $0x0;
	s4 =	sshll.u32 s4, $0x1;
	s5 =	sadd.s32 s22, s3  }
0x15: {  	[timem:s23], [sflag:s6] =	dma.local [hbm:s5], s4  }
0x16: {  	_ =	swait.ge [sflag:s6], s4  }
0x17: {  	s4 =	ssub.s32 $0x0, s4;
	[sflag:s6] =	ssyncset.done $0x0  }
0x18: {  	[sflag:s6] =	ssyncadd.s32 s4;
	_ =	sdelay $0x1  }
0x19: {  	s24 =	simm.s32 $0x1B8B  }
0x1a: {  	_ =	swait.ge [sflag:s24], $0x1  }
0x1b: {  	[sflag:s24] =	ssyncset.done $0x0  }
0x1c: {  	[sflag:s24] =	ssyncadd.s32 $0xFFFFFFFF  }
0x1d: {  	s4 =	sld [smem:$0x0]  }
0x1e: {  	s5 =	sand.u32 $0xFFFFFFFE, s1  }
0x1f: {  	p0 =	sne.s32 s1, s5  }
0x20: {  	s5 =	sshll.u32 @p0 s5, $0xE  }
0x21: {  	s5 =	sadd.s32 @p0 $0x11B8D, s5;
	s6 =	sshll.u32 @p0 s4, $0x11  }
0x22: {  	s5 =	sor.u32 @p0 s6, s5  }
0x23: {  	[sflag:s5] =	ssyncadd.remote.s32 @p0 $0x1;
	_ =	sdelay $0x1  }
0x24: {  	s5 =	simm.s32 @p0 $0x1B8D  }
0x25: {  	_ =	swait.eq @p0 [sflag:s5], $0x1  }
0x26: {  	[sflag:s5] =	ssyncadd.s32 @p0 $0xFFFFFFFF  }
0x27: {  	s6 =	sshll.u32 @!p0 s1, $0xE  }
0x28: {  	s6 =	sor.u32 @!p0 $0x4000, s6;
	s5 =	simm.s32 @!p0 $0x1B8D  }
0x29: {  	s4 =	sshll.u32 @!p0 s4, $0x11;
	s6 =	sadd.s32 @!p0 $0x11B8D, s6;
	_ =	swait.eq @!p0 [sflag:s5], $0x1  }
0x2a: {  	s4 =	sor.u32 @!p0 s4, s6;
	[sflag:s5] =	ssyncadd.s32 @!p0 $0xFFFFFFFF  }
0x2b: {  	s26 =	simm.s32 $0x1B8E;
	s25 =	sld [smem:$0x3FFE];
	[sflag:s4] =	ssyncadd.remote.s32 @!p0 $0x1  }
0x2c: {  	s27 =	simm.s32 $execute0_lowered;
	[smem:$0x3FD2] =	sst s26  }
0x2d: {  	s5 =	sshll.u32 s27, $0x1;
	_ =	strace $0x80000049;
	[dreg:$0x1] =	wrdreg $0xFFFFFFFF  }
0x2e: {  	s28 =	simm.s32 $_size_execute0_lowered;
	s3 =	sadd.s32 s3, s5;
	[dreg:$0x0] =	wrdreg $0x0  }
0x2f: {  	s5 =	sshll.u32 s28, $0x1;
	[dreg:$0x2] =	wrdreg s3  }
0x30: {  	[dreg:$0x3] =	wrdreg s5  }
0x31: {  	[dreg:$0x4] =	wrdreg $0xC0  }
0x32: {  	_ =	task [dreg:s23], $0x5FFFF  }
0x33: {  	[dreg:$0x1] =	wrdreg $0xFFFFFFFF  }
0x34: {  	[dreg:$0x0] =	wrdreg $0x60  }
0x35: {  	[dreg:$0x2] =	wrdreg s25  }
0x36: {  	[dreg:$0x3] =	wrdreg $0x9  }
0x37: {  	_ =	task.clear_ibuf [dreg:s23], $0x4FFFF;
	_ =	strace $0x90000049  }
0x38: {  	s29 =	simm.s32 $0x9;
	_ =	strace $0x8000004B  }
0x39: {  	_ =	swait.ge [sflag:s29], $0x1  }
0x3a: {  	[sflag:s29] =	ssyncadd.s32 $0xFFFFFFFF  }
0x3b: {  	_ =	strace $0x9000004B  }
0x3c: {  	_ =	sfence  }
0x3d: {  	s30 =	sld [smem:$0x0];
	_ =	sdelay $0x2  }
0x3e: {  	s31 =	sshll.u32 s1, $0xD;
	s1 =	sshrl.u32 s1, $0x2  }
0x3f: {  	s4 =	sand.u32 $0x4000, s31;
	s1 =	sadd.s32 s1, s30  }
0x40: {  	s0 =	sor.u32 s4, s0;
	s1 =	sshll.u32 s1, $0x11  }
0x41: {  	s0 =	sor.u32 s1, s0  }
0x42: {  	s0 =	sadd.s32 $0x8F2B, s0  }
0x43: {  	[sflag:s0] =	ssyncadd.remote.s32 $0x1  }
0x44: {  	_ =	sfence.sel $0xFFFF  }
0x45: {  	[dreg:$0x0] =	wrdreg $0xFFFFFFFF;
	(pc) =	sbr.abs _section_cstart, $3  }
0x46: {  	[dreg:$0x1] =	wrdreg $0xFFFFFFFF  }
0x47: {  	_ =	task.clear_ibuf [dreg:s23], $0x2FFFF;
	_ =	strace $0x9FFFFFFF  }
0x48: {  	(tm) =	ssettm $0x7FFFFFFF  }
0x49: {  	_ =	shalt  }
tec
execute0_lowered:
.L_overlay_start_1:
0x0: {  	(tag) =	ssettag $0x1  }
0x1: {  	s0 =	srdreg.scid  }
0x2: {  	s7 =	stileid.u32;
	s1 =	rddreg [dreg:$0x0]  }
0x3: {  	s5 =	simm.s32 $0x1;
	_ =	strace $0x8000004A;
	s0 =	sshll.u32 s0, $0x4  }
0x4: {  	s4 =	simm.s32 $0x1;
	s8 =	simm.s32 $0x2;
	s0 =	sor.u32 s7, s0  }
0x5: {  	s20 =	simm.s32 $0x0;
	s11 =	simm.s32 $0x0;
	s2 =	sand.u32 $0x18, s0  }
0x6: {  	s19 =	simm.s32 $0x0;
	s21 =	simm.s32 $0x0;
	s0 =	ssub.s32 $0xE0, s2  }
0x7: {  	s12 =	simm.s32 $0x0;
	s13 =	simm.s32 $0x0;
	s3 =	sand.u32 $0x18, s0  }
0x8: {  	s14 =	simm.s32 $0x0;
	s15 =	simm.s32 $0x0;
	p0 =	sne.s32 s3, $0x0  }
.Ltmp0:
0x9: {  	s0 =	sshrl.u32 s0, $0x5;
	s5 =	simm.s32 @!p0 $0x0;
	(pc) =	sbr.rel .LBB1_1-.Ltmp0, $4  }
0xa: {  	s18 =	simm.s32 $0x0;
	s27 =	simm.s32 $0x0;
	s0 =	sadd.s32 s5, s0  }
0xb: {  	[sflag:s4] =	ssyncpa.u1 $0x0;
	s7 =	sand.u32 $0x7, s7;
	s5 =	smul.u32 $0x7, s0  }
0xc: {  	s6 =	sadd.s32 $0x818200, s1;
	[sflag:s8] =	ssyncpa.u1 $0x0;
	s17 =	smov.u32 s7  }
0xd: {  	s16 =	smov.u32 s2;
	s3 =	sadd.s32 $0x508200, s1;
	s8 =	sadd.s32 $0x1, s5  }
.LBB1_7:
0xe: {  	p0 =	slt.u32 s18, $0x2;
	s0 =	smov.u32 s21  }
0xf: {  	s9 =	smov.u32 s20;
	s10 =	smov.u32 s19;
	p1 =	sgt.s32 @!p0 s21, $0x7  }
0x10: {  	s1 =	sshra.s32 @!p0 s21, $0x1F;
	p2 =	sgt.s32 @!p0 s19, $0xD8;
	p1 =	por !p1, p0  }
0x11: {  	s1 =	sand.u32 @!p0 s1, s21;
	p2 =	por !p2, p0;
	s0 =	simm.s32 @p1 $0x7  }
0x12: {  	p1 =	sgt.s32 @!p0 s20, $0x2C;
	s0 =	ssub.s32 @!p0 s0, s1;
	s1 =	sshra.s32 @!p0 s20, $0x1F  }
0x13: {  	p1 =	por !p1, p0;
	s1 =	sand.u32 @!p0 s1, s20;
	s20 =	sshra.s32 @!p0 s19, $0x1F  }
0x14: {  	s10 =	simm.s32 @p2 $0xD8;
	s9 =	simm.s32 @p1 $0x2C;
	s19 =	sand.u32 @!p0 s20, s19  }
0x15: {  	s0 =	sadd.s32 @!p0 $0xFFFFFFF9, s0;
	s1 =	ssub.s32 @!p0 s9, s1;
	s9 =	ssub.s32 @!p0 s10, s19  }
0x16: {  	p1 =	sgt.s32 @!p0 s0, $0x0;
	s0 =	sshll.u32 @!p0 s0, $0x8;
	s19 =	sadd.s32 @!p0 $0xFFFFFF28, s9  }
0x17: {  	s10 =	sadd.s32 @!p0 $0xFFFFFFD4, s1;
	s0 =	ssub.s32 @!p0 $0x100, s0;
	p2 =	sgt.s32 @!p0 s19, $0x7  }
0x18: {  	p1 =	por !p1, p0;
	s9 =	ssub.s32 @!p0 $0xE0, s9;
	p2 =	por !p2, p0  }
0x19: {  	s0 =	simm.s32 @!p1 $0x0;
	s9 =	simm.s32 @!p2 $0x0;
	p2 =	sgt.s32 @!p0 s10, $0x7  }
0x1a: {  	s1 =	ssub.s32 @!p0 $0x34, s1;
	p1 =	por !p2, p0;
	s0 =	smul.u32 @!p0 s9, s0  }
0x1b: {  	s1 =	simm.s32 @!p1 $0x0  }
0x1c: {  	s0 =	smul.u32 @!p0 s1, s0;
	s1 =	sadd.s32 $0x8, s15  }
0x1d: {  	s10 =	smov.u32 s16;
	s9 =	sadd.s32 $0x20, s16;
	p1 =	sgt.s32 s1, $0x33  }
0x1e: {  	s10 =	smov.u32 @p1 s9  }
0x1f: {  	s23 =	smov.u32 s17;
	s9 =	sadd.s32 $0x8, s17;
	p2 =	sgt.s32 s10, $0xDF  }
0x20: {  	s11 =	sadd.s32 $0x4000, s11;
	s22 =	simm.s32 @!p0 $0x2;
	s23 =	smov.u32 @p2 s9  }
0x21: {  	s21 =	smov.u32 s14;
	s1 =	simm.s32 @p1 $0x0;
	p1 =	sgt.s32 s23, $0x7  }
0x22: {  	s14 =	smov.u32 s17;
	s23 =	smov.u32 @p1 s7;
	p1 =	sne.s32 s18, s8  }
.Ltmp1:
0x23: {  	s20 =	smov.u32 s12;
	s0 =	sand.u32 @!p0 $0x3FFFFF00, s0;
	(pc) =	sbr.rel @!p1 .LBB1_8-.Ltmp1, $4  }
0x24: {  	s12 =	smov.u32 s15;
	s19 =	smov.u32 s13;
	_ =	swait.ge @!p0 [sflag:s22], s0  }
0x25: {  	s13 =	smov.u32 s16;
	s0 =	ssub.s32 @!p0 $0x0, s0;
	[sflag:s22] =	ssyncset.done @!p0 $0x0  }
0x26: {  	s15 =	smov.u32 s1;
	s10 =	smov.u32 @p2 s2;
	[sflag:s22] =	ssyncadd.s32 @!p0 s0  }
0x27: {  	s16 =	smov.u32 s10;
	s18 =	sadd.s32 $0x1, s18;
	s17 =	smov.u32 s23  }
.LBB1_1:
0x28: {  	p0 =	sge.u32 s18, s5  }
0x29: {  	s0 =	sshll.u32 @!p0 s15, $0x8;
	s1 =	sshll.u32 @!p0 s15, $0x7  }
0x2a: {  	s0 =	sand.u32 @!p0 $0xFFFFF800, s0;
	s1 =	sand.u32 @!p0 $0x300, s1  }
0x2b: {  	s0 =	sor.u32 @!p0 s1, s0  }
0x2c: {  	s0 =	sshrl.u32 @!p0 s0, $0x8  }
0x2d: {  	s1 =	smulhi.u32 @!p0 $0x4924925, s0  }
0x2e: {  	s9 =	smul.u32 @!p0 $0x62000, s17  }
0x2f: {  	s1 =	smul.u32 @!p0 $0x38, s1  }
0x30: {  	s31 =	sadd.s32 $0xFFFFFFFF, s18;
	s10 =	sxor.u32 @!p0 $0xFFFFFFFF, s18;
	s22 =	smul.u32 @!p0 $0x700, s16  }
0x31: {  	s9 =	sadd.s32 @!p0 s3, s9;
	s0 =	ssub.s32 @!p0 s0, s1;
	s1 =	sshll.u32 @!p0 s15, $0x4  }
0x32: {  	s10 =	sshll.u32 @!p0 s10, $0xE;
	s9 =	sadd.s32 @!p0 s22, s9;
	s1 =	sand.u32 @!p0 $0x10, s1  }
0x33: {  	s10 =	sand.u32 @!p0 $0x4000, s10;
	s0 =	sshll.u32 @!p0 s0, $0x5;
	s1 =	sadd.s32 @!p0 s1, s9  }
0x34: {  	s9 =	simm.s32 @!p0 $0x3800;
	s0 =	sadd.s32 @!p0 s0, s1;
	s1 =	simm.s32 @!p0 $0x800  }
0x35: {  	[tilespmem:s10], [sflag:$0x1] =	stream.strided.gather @!p0 [hbm4b:s0+s1], $0x4000, s9, s1, $0x38;
	[tilespmem:$0x10000] =	vst v63  }
0x36: {  	p0 =	sge.u32 s31, s5  }
.Ltmp2:
0x37: {  	_ = 	snop;
	(pc) =	sbr.rel @p0 .LBB1_7-.Ltmp2, $1  }
0x38: {  	_ =	sdelay $0x3  }
0x39: {  	s0 =	sshll.u32 s11, $0x2;
	_ =	swait.ge [sflag:s4], $0x4000;
	s9 =	sshll.u32 s18, $0xE  }
0x3a: {  	p0 =	por $0x0, $0x0;
	s28 =	simm.s32 $0x0;
	s29 =	simm.s32 $0x0  }
0x3b: {  	s0 =	sand.u32 $0x10000, s0;
	[sflag:s4] =	ssyncset.done $0x0;
	s25 =	sand.u32 $0x4000, s9  }
0x3c: {  	s0 =	sshrl.u32 s0, $0x2;
	[sflag:s4] =	ssyncadd.s32 $0xFFFFC000;
	s22 =	sor.u32 $0x8000, s25  }
0x3d: {  	s23 =	sor.u32 $0x40, s0;
	s1 =	sor.u32 $0x8410, s0;
	s26 =	sadd.s32 $0x8400, s0  }
.LBB1_3:
0x3e: {  	v1 =	vld [tilespmem:s23+$0xFFFFFFD0]  }
0x3f: {  	v2 =	vld [tilespmem:s23+$0x430]  }
0x40: {  	s0 =	sshll.u32 s29, $0xB;
	v4 =	vld [tilespmem:s23+$0xFFFFFFE0]  }
0x41: {  	v7 =	vld [tilespmem:s23+$0xFFFFFFF0];
	v0 =	vmov s0  }
0x42: {  	v8 =	vld [tilespmem:s23+$0x0]  }
0x43: {  	s10 =	sand.u32 $0x300, s27;
	v9 =	vld [tilespmem:s23+$0x10]  }
0x44: {  	s9 =	sand.u32 $0x80, s27;
	v10 =	vld [tilespmem:s23+$0x20];
	s0 =	sadd.s32 s10, s25  }
0x45: {  	v11 =	vld [tilespmem:s23+$0x30];
	s0 =	sadd.s32 s9, s0;
	s9 =	simm.s32 $0x1;
	[tilespmem:s1+$0x60] =	vst v2  }
0x46: {  	s24 =	sshll.u32 s28, $0x2;
	s9 =	simm.s32 @!p0 $0x0;
	[tilespmem:s1+$0xFFFFFC00] =	vst v1;
	v3 =	vld.idx.msk [tilespmem:v0+s0+$0x400 ss:$0x1], $0xffff  }
0x47: {  	v6 =	vld [tilespmem:s23+$0x3D0];
	s9 =	sshll.u32 s9, $0x9;
	[tilespmem:s1+$0xFFFFFC10] =	vst v4;
	s0 =	sand.u32 $0xFFFFFC00, s24  }
0x48: {  	v5 =	vld [tilespmem:s23+$0x3E0];
	[tilespmem:s1+$0xFFFFFC20] =	vst v7;
	s0 =	sor.u32 s9, s0  }
0x49: {  	[tilespmem:s1+$0xFFFFFC30] =	vst v8;
	v4 =	vld [tilespmem:s23+$0x400];
	s0 =	sshrl.u32 s0, $0x2  }
0x4a: {  	[tilespmem:s1+$0xFFFFFC40] =	vst v9;
	v1 =	vld [tilespmem:s23+$0x410];
	s30 =	sadd.s32 s0, s26  }
0x4b: {  	[tilespmem:s30+$0x0] =	vst v3;
	v3 =	vld [tilespmem:s23+$0x3F0]  }
0x4c: {  	s31 =	sadd.s32 $0x80, s23;
	[tilespmem:s1+$0xFFFFFC50] =	vst v10;
	v2 =	vld [tilespmem:s23+$0x420];
	s9 =	simm.s32 $0x80  }
0x4d: {  	v7 =	vld [tilespmem:s23+$0xFFFFFFC0];
	[tilespmem:s1+$0xFFFFFC60] =	vst v11;
	s24 =	smov.u32 s1;
	s10 =	sand.u32 $0x300, s9;
	s0 =	simm.s32 $0x100  }
.LBB1_4:
0x4e: {  	p1 =	sne.s32 s0, $0x380;
	v8 =	vld [tilespmem:s31+$0xFFFFFFD0];
	s9 =	sand.u32 $0x80, s9;
	s10 =	sadd.s32 s10, s25;
	[tilespmem:s24+$0x0] =	vst v6  }
0x4f: {  	s10 =	sadd.s32 s9, s10;
	v6 =	vld [tilespmem:s31+$0x430];
	[tilespmem:s24+$0x10] =	vst v5;
	s9 =	smov.u32 s0  }
0x50: {  	v5 =	vld.idx.msk [tilespmem:v0+s10+$0x400 ss:$0x1], $0xffff;
	[tilespmem:s24+$0x20] =	vst v3  }
0x51: {  	v3 =	vld [tilespmem:s31+$0xFFFFFFE0];
	[tilespmem:s24+$0x30] =	vst v4  }
0x52: {  	v4 =	vld [tilespmem:s31+$0xFFFFFFF0];
	[tilespmem:s24+$0xFFFFFBF0] =	vst v7  }
0x53: {  	v7 =	vld [tilespmem:s31+$0x0];
	[tilespmem:s24+$0x40] =	vst v1  }
0x54: {  	v1 =	vld [tilespmem:s31+$0x10];
	[tilespmem:s24+$0x50] =	vst v2;
	s24 =	sadd.s32 $0x800, s24  }
0x55: {  	s30 =	sadd.s32 $0x800, s30;
	v2 =	vld [tilespmem:s31+$0x20];
	[tilespmem:s24+$0x60] =	vst v6  }
0x56: {  	v9 =	vld [tilespmem:s31+$0x30];
	[tilespmem:s30+$0x0] =	vst v5  }
0x57: {  	[tilespmem:s24+$0xFFFFFC00] =	vst v8;
	v6 =	vld [tilespmem:s31+$0x3D0]  }
0x58: {  	[tilespmem:s24+$0xFFFFFC10] =	vst v3;
	v5 =	vld [tilespmem:s31+$0x3E0]  }
.Ltmp3:
0x59: {  	[tilespmem:s24+$0xFFFFFC20] =	vst v4;
	v3 =	vld [tilespmem:s31+$0x3F0];
	(pc) =	sbr.rel @p1 .LBB1_4-.Ltmp3, $4  }
0x5a: {  	[tilespmem:s24+$0xFFFFFC30] =	vst v7;
	v4 =	vld [tilespmem:s31+$0x400]  }
0x5b: {  	[tilespmem:s24+$0xFFFFFC40] =	vst v1;
	v1 =	vld [tilespmem:s31+$0x410]  }
0x5c: {  	[tilespmem:s24+$0xFFFFFC50] =	vst v2;
	v2 =	vld [tilespmem:s31+$0x420]  }
0x5d: {  	s0 =	sadd.s32 $0x80, s0;
	s10 =	sand.u32 $0x300, s9;
	v7 =	vld [tilespmem:s31+$0xFFFFFFC0];
	[tilespmem:s24+$0xFFFFFC60] =	vst v9;
	s31 =	sadd.s32 $0x80, s31  }
0x5e: {  	[tilespmem:s24+$0x0] =	vst v6  }
0x5f: {  	[tilespmem:s24+$0x10] =	vst v5  }
0x60: {  	v49 =	vld [tilespmem:s31+$0x430];
	[tilespmem:s24+$0x20] =	vst v3  }
0x61: {  	v50 =	vld [tilespmem:s31+$0xFFFFFFD0];
	[tilespmem:s24+$0x30] =	vst v4  }
0x62: {  	v51 =	vld [tilespmem:s31+$0xFFFFFFE0];
	[tilespmem:s24+$0x40] =	vst v1  }
0x63: {  	v52 =	vld [tilespmem:s31+$0xFFFFFFF0];
	[tilespmem:s24+$0x50] =	vst v2  }
0x64: {  	v53 =	vld [tilespmem:s31+$0x0];
	[tilespmem:s24+$0xFFFFFBF0] =	vst v7;
	s24 =	sadd.s32 $0x800, s24  }
0x65: {  	v54 =	vld [tilespmem:s31+$0x10];
	[tilespmem:s24+$0x60] =	vst v49  }
0x66: {  	v55 =	vld [tilespmem:s31+$0x20];
	[tilespmem:s24+$0xFFFFFC00] =	vst v50  }
0x67: {  	v56 =	vld [tilespmem:s31+$0x30];
	[tilespmem:s24+$0xFFFFFC10] =	vst v51  }
0x68: {  	v57 =	vld [tilespmem:s31+$0x3D0];
	[tilespmem:s24+$0xFFFFFC20] =	vst v52  }
0x69: {  	v58 =	vld [tilespmem:s31+$0x3E0];
	[tilespmem:s24+$0xFFFFFC30] =	vst v53  }
0x6a: {  	v59 =	vld [tilespmem:s31+$0x3F0];
	[tilespmem:s24+$0xFFFFFC40] =	vst v54  }
0x6b: {  	v60 =	vld [tilespmem:s31+$0x400];
	[tilespmem:s24+$0xFFFFFC50] =	vst v55  }
0x6c: {  	v61 =	vld [tilespmem:s31+$0xFFFFFFC0];
	[tilespmem:s24+$0xFFFFFC60] =	vst v56  }
0x6d: {  	s0 =	sand.u32 $0x80, s9;
	s10 =	sadd.s32 s10, s25;
	v62 =	vld [tilespmem:s31+$0x410];
	[tilespmem:s24+$0x0] =	vst v57  }
0x6e: {  	v63 =	vld [tilespmem:s31+$0x420];
	s29 =	sadd.s32 $0x1, s29;
	s0 =	sadd.s32 s0, s10;
	[tilespmem:s24+$0x10] =	vst v58  }
0x6f: {  	p1 =	sne.s32 s29, $0x8;
	v0 =	vld.idx.msk [tilespmem:v0+s0+$0x400 ss:$0x1], $0xffff;
	[tilespmem:s24+$0x20] =	vst v59  }
.Ltmp4:
0x70: {  	[tilespmem:s24+$0x30] =	vst v60;
	(pc) =	sbr.rel @p1 .LBB1_3-.Ltmp4, $4  }
0x71: {  	[tilespmem:s24+$0xFFFFFBF0] =	vst v61  }
0x72: {  	[tilespmem:s24+$0x40] =	vst v62  }
0x73: {  	s30 =	sadd.s32 $0x800, s30;
	s23 =	sadd.s32 $0x800, s23;
	[tilespmem:s24+$0x50] =	vst v63  }
0x74: {  	s28 =	sadd.s32 $0x80, s28;
	p0 =	por !p0, !p0;
	s1 =	sadd.s32 $0x80, s1;
	[tilespmem:s30+$0x0] =	vst v0  }
0x75: {  	s0 =	sshll.u32 s13, $0x8  }
0x76: {  	s1 =	sshll.u32 s13, $0x7;
	p0 =	sgt.s32 s14, $0x7;
	s10 =	sshra.s32 s14, $0x1F  }
0x77: {  	s23 =	smov.u32 s13;
	s24 =	sshra.s32 s13, $0x1F;
	s25 =	smul.u32 $0x5B000, s14  }
0x78: {  	p1 =	sgt.s32 s12, $0x2C;
	s31 =	sshra.s32 s12, $0x1F;
	s26 =	smul.u32 $0x1C00, s12  }
0x79: {  	s28 =	sshll.u32 s13, $0x4;
	s0 =	sand.u32 $0xFFFFF800, s0;
	s1 =	sand.u32 $0x300, s1  }
0x7a: {  	s10 =	sand.u32 s10, s14;
	s0 =	sor.u32 s1, s0;
	s1 =	smov.u32 s14  }
0x7b: {  	s29 =	sand.u32 s24, s13;
	s0 =	sshrl.u32 s0, $0x8;
	s1 =	simm.s32 @!p0 $0x7  }
0x7c: {  	p0 =	sgt.s32 s13, $0xD8;
	s9 =	smulhi.u32 $0x124924A, s0;
	s1 =	ssub.s32 s1, s10  }
0x7d: {  	s24 =	sand.u32 s31, s12;
	s23 =	simm.s32 @!p0 $0xD8;
	s1 =	sadd.s32 $0xFFFFFFF9, s1  }
0x7e: {  	s10 =	ssub.s32 s23, s29;
	s23 =	smov.u32 s12;
	s9 =	smul.u32 $0xE0, s9  }
0x7f: {  	p0 =	sgt.s32 s1, $0x0;
	s30 =	sadd.s32 $0xFFFFFF28, s10;
	s23 =	simm.s32 @!p1 $0x2C  }
0x80: {  	s1 =	sshll.u32 s1, $0x8;
	s10 =	ssub.s32 $0xE0, s10;
	p1 =	sgt.s32 s30, $0x7  }
0x81: {  	s1 =	ssub.s32 $0x100, s1;
	s23 =	ssub.s32 s23, s24;
	s10 =	simm.s32 @p1 $0x0  }
0x82: {  	s1 =	simm.s32 @p0 $0x0;
	s0 =	ssub.s32 s0, s9;
	s24 =	sadd.s32 $0xFFFFFFD4, s23  }
0x83: {  	s9 =	ssub.s32 $0x34, s23;
	s1 =	smul.u32 s10, s1;
	p0 =	sgt.s32 s24, $0x7  }
.Ltmp5:
0x84: {  	s10 =	sadd.s32 s6, s25;
	s9 =	simm.s32 @p0 $0x0;
	(pc) =	sbr.rel .LBB1_7-.Ltmp5, $4  }
0x85: {  	s29 =	sand.u32 $0x10, s28;
	s10 =	sadd.s32 s26, s10;
	s1 =	smul.u32 s9, s1  }
0x86: {  	s31 =	simm.s32 $0xE000;
	s0 =	sshll.u32 s0, $0x5;
	s9 =	sadd.s32 s29, s10  }
0x87: {  	s30 =	simm.s32 $0x800;
	s0 =	sadd.s32 s0, s9;
	s1 =	sand.u32 $0x3FFFFF00, s1  }
0x88: {  	[hbm4b:s0+s30] =	stream.strided.scatter [tilespmem:s22], [sflag:$0x2], s1, s31, s30, $0x38;
	[tilespmem:$0x10000] =	vst v63  }
.LBB1_8:
0x89: {  	_ =	sfence.sel $0x180000  }
0x8a: {  	s0 =	simm.s32 $0x1;
	[bflag:$0x0] =	sbarrier.arrive $0xFFFF  }
0x8b: {  	s30 =	simm.s32 $0x2;
	[sflag:s0] =	ssyncpa.u1 $0x1  }
0x8c: {  	[sflag:s30] =	ssyncpa.u1 $0x1  }
0x8d: {  	_ =	strace $0x9000004A  }
0x8e: {  	s31 =	stileid.u32;
	[bflag:$0x2] =	sbarrier.arrive $0xFFFF  }
0x8f: {  	p0 =	sne.s32 s31, $0x0;
	s0 =	rddreg [dreg:$0x1]  }
0x90: {  	s0 =	sadd.s32 @!p0 $0x100000, s0  }
0x91: {  	[sflag:s0] =	ssyncadd.tile.s32 @!p0 $0x1;
	_ =	shalt  }
.Lfunc_end1:
_tile_overlayer_lowered:
.L_overlay_start_2:
0x92: {  	(tag) =	ssettag $0x2  }
0x93: {  	s0 =	rddreg [dreg:$0x0];
	s2 =	stileid.u32  }
0x94: {  	s1 =	rddreg [dreg:$0x1];
	p0 =	sne.s32 s2, $0x0  }
0x95: {  	s3 =	rddreg [dreg:$0x2];
	[bflag:$0x3] =	sbarrier.arrive $0xFFFF;
	s2 =	simm.s32 @!p0 $0x1C01  }
0x96: {  	[timem:s3], [sflag:s2] =	dma.local @!p0 [hbm:s0], s1  }
0x97: {  	s0 =	simm.s32 @!p0 $0x1  }
0x98: {  	_ =	swait.ge @!p0 [sflag:s0], s1  }
0x99: {  	s1 =	ssub.s32 @!p0 $0x0, s1;
	[sflag:s0] =	ssyncset.done @!p0 $0x0  }
0x9a: {  	[sflag:s0] =	ssyncadd.s32 @!p0 s1  }
0x9b: {  	[bflag:$0x3] =	sbarrier.arrive $0xFFFF  }
0x9c: {  	_ =	shalt  }

</sc_bundles>
